<compile_context>
chip_gen: v7x
topology: tpu7x:2x2x1
jax: 0.10.2.dev20260603
libtpu: 0.0.44.dev20260713+nightly
codegen_flags: <defaults>
</compile_context>

<pallas_src>
import functools

import jax
import jax.numpy as jnp
from jax import lax
from jax.experimental import pallas as pl
from jax.experimental.pallas import tpu as pltpu
from jax.experimental.pallas import tpu_sc as plsc

K_NN = 8
B, D, NQ, NK = 8, 256, 2048, 8192

NKB = 2048
NQB = 1024


def _proj_body(x_ref, w_ref, o_ref):
    o_ref[0] = lax.dot_general(x_ref[0], w_ref[...],
                               (((0,), (0,)), ((), ())),
                               preferred_element_type=jnp.float32)


def _proj_bias_body(x_ref, w_ref, b_ref, o_ref):
    acc = lax.dot_general(x_ref[0], w_ref[...],
                          (((0,), (0,)), ((), ())),
                          preferred_element_type=jnp.float32)
    o_ref[0] = acc + b_ref[...]


QB = 256


_NSTRAT = 8
_SLOTS = NK // _NSTRAT


def _topk_body(qc_ref, kc_ref, idx_ref):
    b = pl.program_id(0)
    q = qc_ref[0]
    kc = kc_ref[0]
    qq = jnp.sum(q * q, axis=0)[:, None]
    kk = jnp.sum(kc * kc, axis=0, keepdims=True)
    qk = lax.dot_general(q, kc, (((0,), (0,)), ((), ())),
                         preferred_element_type=jnp.float32)
    dist = jnp.maximum(qq - 2.0 * qk + kk, 0.0)
    bits = lax.bitcast_convert_type(dist, jnp.int32)
    big = jnp.int32(0x7FFFFFFF)
    f = g = None
    for m in range(_NSTRAT):
        p = jnp.bitwise_or(
            jnp.bitwise_and(bits[:, m * _SLOTS:(m + 1) * _SLOTS],
                            jnp.int32(-_NSTRAT)),
            jnp.int32(m))
        if f is None:
            f, g = p, jnp.full((QB, _SLOTS), big, jnp.int32)
        else:
            lo = jnp.minimum(f, p)
            g = jnp.minimum(g, jnp.maximum(f, p))
            f = lo
    iota = lax.broadcasted_iota(jnp.int32, (QB, _SLOTS), 1)
    cols = []
    for _ in range(K_NN):
        mv = jnp.min(f, axis=1, keepdims=True)
        hit = f == mv
        j = jnp.min(jnp.where(hit, iota, _SLOTS), axis=1, keepdims=True)
        cols.append(jnp.bitwise_and(mv, _NSTRAT - 1) * _SLOTS + j)
        hitj = hit & (iota == j)
        f = jnp.where(hitj, g, f)
        g = jnp.where(hitj, big, g)
    idx = jnp.concatenate(cols, axis=1)
    idx_ref[0] = idx + b * NK


_NW = 32
_NQT = B * NQ
_QPW = _NQT // _NW
_CH = 16
_NCH = _QPW // _CH


def _sc_body(z_hbm, gidx_hbm, c_hbm, out_hbm, idx_v, rows_v, c_v, o_v,
             sem0, sem1):
    wid = lax.axis_index("s") * 2 + lax.axis_index("c")
    base_q = wid * _QPW
    sems = (sem0, sem1)

    def start(buf, ci):
        qbase = base_q + ci * _CH
        pltpu.sync_copy(gidx_hbm.at[pl.ds(qbase * K_NN, _CH * K_NN)],
                        idx_v.at[buf])
        pltpu.async_copy(z_hbm.at[idx_v.at[buf]], rows_v.at[buf], sems[buf])
        pltpu.sync_copy(c_hbm.at[pl.ds(qbase, _CH)], c_v.at[buf])

    def finish(buf, ci):
        qbase = base_q + ci * _CH
        pltpu.make_async_copy(z_hbm.at[idx_v.at[buf]], rows_v.at[buf],
                              sems[buf]).wait()

        def qstep(qi, c2):
            r0 = qi * K_NN
            for col in range(D // 16):
                s = pl.ds(col * 16, 16)
                acc = rows_v[buf, r0, s]
                for j in range(1, K_NN):
                    acc = jnp.maximum(acc, rows_v[buf, r0 + j, s])
                acc = acc + c_v[buf, qi, s]
                o_v[buf, qi, s] = jnp.where(acc >= 0.0, acc, 0.2 * acc)
            return c2

        lax.fori_loop(0, _CH, qstep, 0)
        pltpu.sync_copy(o_v.at[buf], out_hbm.at[pl.ds(qbase, _CH)])

    start(0, 0)

    def pair(pi, carry):
        c0 = 2 * pi
        start(1, c0 + 1)
        finish(0, c0)

        @pl.when(c0 + 2 < _NCH)
        def _():
            start(0, c0 + 2)

        finish(1, c0 + 1)
        return carry

    lax.fori_loop(0, _NCH // 2, pair, 0)


@functools.cache
def _get_sc_stage():
    return pl.kernel(
        _sc_body,
        out_type=jax.ShapeDtypeStruct((_NQT, D), jnp.float32),
        mesh=plsc.VectorSubcoreMesh(core_axis_name="c", subcore_axis_name="s"),
        scratch_types=[
            pltpu.VMEM((2, _CH * K_NN), jnp.int32),
            pltpu.VMEM((2, _CH * K_NN, D), jnp.float32),
            pltpu.VMEM((2, _CH, D), jnp.float32),
            pltpu.VMEM((2, _CH, D), jnp.float32),
            pltpu.SemaphoreType.DMA,
            pltpu.SemaphoreType.DMA,
        ],
    )


def kernel(query_coords, query_features, key_coords, key_features, W, b):
    wt = W.T
    w1t = wt[:D]
    wdt = wt[D:] - wt[:D]

    z = pl.pallas_call(
        _proj_body,
        grid=(B, NK // NKB),
        in_specs=[
            pl.BlockSpec((1, D, NKB), lambda i, j: (i, 0, j)),
            pl.BlockSpec((D, D), lambda i, j: (0, 0)),
        ],
        out_specs=pl.BlockSpec((1, NKB, D), lambda i, j: (i, j, 0)),
        out_shape=jax.ShapeDtypeStruct((B, NK, D), jnp.float32),
    )(key_features, w1t)

    c = pl.pallas_call(
        _proj_bias_body,
        grid=(B, NQ // NQB),
        in_specs=[
            pl.BlockSpec((1, D, NQB), lambda i, j: (i, 0, j)),
            pl.BlockSpec((D, D), lambda i, j: (0, 0)),
            pl.BlockSpec((1, D), lambda i, j: (0, 0)),
        ],
        out_specs=pl.BlockSpec((1, NQB, D), lambda i, j: (i, j, 0)),
        out_shape=jax.ShapeDtypeStruct((B, NQ, D), jnp.float32),
    )(query_features, wdt, b.reshape(1, D))

    gidx = pl.pallas_call(
        _topk_body,
        grid=(B, NQ // QB),
        in_specs=[
            pl.BlockSpec((1, 3, QB), lambda i, j: (i, 0, j)),
            pl.BlockSpec((1, 3, NK), lambda i, j: (i, 0, 0)),
        ],
        out_specs=pl.BlockSpec((1, QB, K_NN), lambda i, j: (i, j, 0)),
        out_shape=jax.ShapeDtypeStruct((B, NQ, K_NN), jnp.int32),
    )(query_coords, key_coords)

    out = _get_sc_stage()(z.reshape(B * NK, D),
                    gidx.reshape(_NQT * K_NN),
                    c.reshape(_NQT, D))
    return out.reshape(B, NQ, D)

# --- scband reference (transcript-rebuilt; emitter-appended) ---
"""Pipeline reference for scband-graph-attention-48833778155963 (READ-ONLY COPY).

The authoritative reference and input builder live on the scoring server;
editing this copy changes nothing except your own understanding.
"""

import jax, jax.numpy as jnp
import numpy as np

K_NN = 8

def setup_inputs(seed: int = 0) -> dict:
    key = jax.random.key(seed)
    ks = jax.random.split(key, 6)
    B, d, Nq, Nk = 8, 256, 2048, 8192
    query_coords = jax.random.normal(ks[0], (B, 3, Nq), dtype=jnp.float32)
    query_features = jax.random.normal(ks[1], (B, d, Nq), dtype=jnp.float32)
    key_coords = jax.random.normal(ks[2], (B, 3, Nk), dtype=jnp.float32)
    key_features = jax.random.normal(ks[3], (B, d, Nk), dtype=jnp.float32)
    W = jax.random.normal(ks[4], (d, 2 * d), dtype=jnp.float32) * (1.0 / np.sqrt(2 * d))
    b = jax.random.normal(ks[5], (d,), dtype=jnp.float32) * 0.01
    return {"query_coords": query_coords, "query_features": query_features,
            "key_coords": key_coords, "key_features": key_features, "W": W, "b": b}


def reference(query_coords, query_features, key_coords, key_features, W, b):
    k = K_NN
    # kNN in coordinate space (no_grad in the original torch code)
    q = jnp.transpose(query_coords, (0, 2, 1))   # [B, Nq, 3]
    kc = jnp.transpose(key_coords, (0, 2, 1))    # [B, Nk, 3]
    dist = (jnp.sum(q * q, axis=-1, keepdims=True)
            - 2.0 * jnp.einsum('bqc,bkc->bqk', q, kc)
            + jnp.sum(kc * kc, axis=-1)[:, None, :])  # [B, Nq, Nk]
    _, idx = jax.lax.top_k(-dist, k)             # [B, Nq, k]
    idx = jax.lax.stop_gradient(idx)
    # gather neighbor key features
    kf = jnp.transpose(key_features, (0, 2, 1))  # [B, Nk, d]
    gathered = jax.vmap(lambda f, i: f[i])(kf, idx)  # [B, Nq, k, d]
    qf = jnp.transpose(query_features, (0, 2, 1))[:, :, None, :]  # [B, Nq, 1, d]
    qf = jnp.broadcast_to(qf, gathered.shape)
    # DGCNN edge feature: concat(neighbor - center, center) -> 2d channels
    feat = jnp.concatenate([gathered - qf, qf], axis=-1)  # [B, Nq, k, 2d]
    # kNN_proj: Linear(2d -> d) + LeakyReLU(0.2)
    y = feat @ W.T + b
    y = jnp.where(y >= 0, y, 0.2 * y)
    # max over the k neighbors
    out = jnp.max(y, axis=2)  # [B, Nq, d]
    return out

if __name__ == "__main__":
    import jax
    _d = setup_inputs()
    print(jax.jit(kernel)(*tuple(_d.values())))

</pallas_src>

<mosaic_0001>
#map = affine_map<(d0, d1) -> (0, 0)>
#map1 = affine_map<(d0, d1) -> (0)>
module attributes {stable_mosaic.version = 14 : i64} {
  func.func @_sc_body(%arg0: i32, %arg1: i32, %arg2: memref<65536x256xf32, #tpu.memory_space<hbm>>, %arg3: memref<131072xi32, #tpu.memory_space<hbm>>, %arg4: memref<16384x256xf32, #tpu.memory_space<hbm>>, %arg5: memref<16384x256xf32, #tpu.memory_space<hbm>>, %arg6: memref<2x128xi32, #tpu.memory_space<vmem>>, %arg7: memref<2x128x256xf32, #tpu.memory_space<vmem>>, %arg8: memref<2x16x256xf32, #tpu.memory_space<vmem>>, %arg9: memref<2x16x256xf32, #tpu.memory_space<vmem>>, %arg10: memref<!tpu.dma_semaphore, #tpu.memory_space<semaphore_mem>>, %arg11: memref<!tpu.dma_semaphore, #tpu.memory_space<semaphore_mem>>) attributes {dimension_semantics = [#tpu.dimension_semantics<core_parallel>, #tpu.dimension_semantics<subcore_parallel>], iteration_bounds = array<i64: 2, 16>, scalar_prefetch = 0 : i64, scratch_operands = 6 : i64, tpu.core_type = #tpu.core_type<sc_vector_subcore>, window_params = [{transform_indices = #map}, {transform_indices = #map1}, {transform_indices = #map}, {transform_indices = #map}]} {
    %mul3A = arith.constant 2 : i32
    %mul3A_0 = arith.muli %arg1, %mul3A : i32
    %add3A = arith.addi %mul3A_0, %arg0 : i32
    %mul3A_1 = arith.constant 512 : i32
    %mul3A_2 = arith.muli %add3A, %mul3A_1 : i32
    %add3A_3 = arith.constant 0 : i32
    %add3A_4 = arith.addi %mul3A_2, %add3A_3 : i32
    %mul3A_5 = arith.constant 8 : i32
    %mul3A_6 = arith.muli %add3A_4, %mul3A_5 : i32
    %run_scoped3A = arith.constant 0 : i32
    "tpu.region"() ({
      %run_scoped3A_24 = tpu.sem_alloc : memref<!tpu.dma_semaphore, #tpu.memory_space<semaphore_mem>>
      %dma_start3A_25 = arith.constant 0 : i32
      %dma_start3A_26 = tpu.memref_slice %arg6[%run_scoped3A, %dma_start3A_25] : memref<2x128xi32, #tpu.memory_space<vmem>> -> memref<1x128xi32, #tpu.memory_space<vmem>>
      %dma_start3A_27 = tpu.memref_squeeze %dma_start3A_26 : memref<1x128xi32, #tpu.memory_space<vmem>> -> memref<128xi32, #tpu.memory_space<vmem>>
      %dma_start3A_28 = tpu.memref_slice %arg3[%mul3A_6] : memref<131072xi32, #tpu.memory_space<hbm>> -> memref<128xi32, #tpu.memory_space<hbm>>
      %dma_start3A_29 = arith.constant 0 : i32
      %dma_start3A_30 = tpu.memref_slice %arg6[%run_scoped3A, %dma_start3A_29] : memref<2x128xi32, #tpu.memory_space<vmem>> -> memref<1x128xi32, #tpu.memory_space<vmem>>
      %dma_start3A_31 = tpu.memref_squeeze %dma_start3A_30 : memref<1x128xi32, #tpu.memory_space<vmem>> -> memref<128xi32, #tpu.memory_space<vmem>>
      %dma_start3A_32 = tpu.memref_slice %arg3[%mul3A_6] : memref<131072xi32, #tpu.memory_space<hbm>> -> memref<128xi32, #tpu.memory_space<hbm>>
      tpu.enqueue_dma source(%dma_start3A_32 : memref<128xi32, #tpu.memory_space<hbm>>) target(%dma_start3A_31 : memref<128xi32, #tpu.memory_space<vmem>>) target_semaphore(%run_scoped3A_24 : memref<!tpu.dma_semaphore, #tpu.memory_space<semaphore_mem>>)
      %dma_wait3A = arith.constant 0 : i32
      %dma_wait3A_33 = tpu.memref_slice %arg6[%run_scoped3A, %dma_wait3A] : memref<2x128xi32, #tpu.memory_space<vmem>> -> memref<1x128xi32, #tpu.memory_space<vmem>>
      %dma_wait3A_34 = tpu.memref_squeeze %dma_wait3A_33 : memref<1x128xi32, #tpu.memory_space<vmem>> -> memref<128xi32, #tpu.memory_space<vmem>>
      %dma_wait3A_35 = tpu.memref_slice %arg3[%mul3A_6] : memref<131072xi32, #tpu.memory_space<hbm>> -> memref<128xi32, #tpu.memory_space<hbm>>
      %dma_wait3A_36 = arith.constant 0 : i32
      %dma_wait3A_37 = tpu.memref_slice %arg6[%run_scoped3A, %dma_wait3A_36] : memref<2x128xi32, #tpu.memory_space<vmem>> -> memref<1x128xi32, #tpu.memory_space<vmem>>
      %dma_wait3A_38 = tpu.memref_squeeze %dma_wait3A_37 : memref<1x128xi32, #tpu.memory_space<vmem>> -> memref<128xi32, #tpu.memory_space<vmem>>
      %dma_wait3A_39 = tpu.memref_slice %arg3[%mul3A_6] : memref<131072xi32, #tpu.memory_space<hbm>> -> memref<128xi32, #tpu.memory_space<hbm>>
      tpu.wait_dma2 semaphore(%run_scoped3A_24 : memref<!tpu.dma_semaphore, #tpu.memory_space<semaphore_mem>>) src(%dma_wait3A_39 : memref<128xi32, #tpu.memory_space<hbm>>) dst(%dma_wait3A_38 : memref<128xi32, #tpu.memory_space<vmem>>)
      tpu.yield
    }) : () -> ()
    %dma_start3A = arith.constant 0 : i32
    %dma_start3A_7 = arith.constant 0 : i32
    %dma_start3A_8 = arith.constant 0 : i32
    %dma_start3A_9 = arith.constant 0 : i32
    %dma_start3A_10 = tpu.memref_slice %arg7[%dma_start3A_7, %dma_start3A_8, %dma_start3A_9] : memref<2x128x256xf32, #tpu.memory_space<vmem>> -> memref<1x128x256xf32, #tpu.memory_space<vmem>>
    %dma_start3A_11 = tpu.memref_squeeze %dma_start3A_10 : memref<1x128x256xf32, #tpu.memory_space<vmem>> -> memref<128x256xf32, #tpu.memory_space<vmem>>
    %dma_start3A_12 = arith.constant 0 : i32
    %dma_start3A_13 = tpu.memref_slice %arg6[%dma_start3A, %dma_start3A_12] : memref<2x128xi32, #tpu.memory_space<vmem>> -> memref<1x128xi32, #tpu.memory_space<vmem>>
    %dma_start3A_14 = tpu.memref_squeeze %dma_start3A_13 : memref<1x128xi32, #tpu.memory_space<vmem>> -> memref<128xi32, #tpu.memory_space<vmem>>
    %dma_start3A_15 = arith.constant 0 : i32
    %dma_start3A_16 = arith.constant 0 : i32
    %dma_start3A_17 = tpu.memref_slice %arg2[%dma_start3A_15, %dma_start3A_16] : memref<65536x256xf32, #tpu.memory_space<hbm>> -> memref<65536x256xf32, #tpu.memory_space<hbm>>
    tpu.enqueue_indirect_dma source(%dma_start3A_17 : memref<65536x256xf32, #tpu.memory_space<hbm>>) target(%dma_start3A_11 : memref<128x256xf32, #tpu.memory_space<vmem>>) offsets(%dma_start3A_14 : memref<128xi32, #tpu.memory_space<vmem>>) semaphore(%arg10 : memref<!tpu.dma_semaphore, #tpu.memory_space<semaphore_mem>>)
    %run_scoped3A_18 = arith.constant 0 : i32
    "tpu.region"() ({
      %run_scoped3A_24 = tpu.sem_alloc : memref<!tpu.dma_semaphore, #tpu.memory_space<semaphore_mem>>
      %dma_start3A_25 = arith.constant 0 : i32
      %dma_start3A_26 = arith.constant 0 : i32
      %dma_start3A_27 = tpu.memref_slice %arg8[%run_scoped3A_18, %dma_start3A_25, %dma_start3A_26] : memref<2x16x256xf32, #tpu.memory_space<vmem>> -> memref<1x16x256xf32, #tpu.memory_space<vmem>>
      %dma_start3A_28 = tpu.memref_squeeze %dma_start3A_27 : memref<1x16x256xf32, #tpu.memory_space<vmem>> -> memref<16x256xf32, #tpu.memory_space<vmem>>
      %dma_start3A_29 = arith.constant 0 : i32
      %dma_start3A_30 = tpu.memref_slice %arg4[%add3A_4, %dma_start3A_29] : memref<16384x256xf32, #tpu.memory_space<hbm>> -> memref<16x256xf32, #tpu.memory_space<hbm>>
      %dma_start3A_31 = arith.constant 0 : i32
      %dma_start3A_32 = arith.constant 0 : i32
      %dma_start3A_33 = tpu.memref_slice %arg8[%run_scoped3A_18, %dma_start3A_31, %dma_start3A_32] : memref<2x16x256xf32, #tpu.memory_space<vmem>> -> memref<1x16x256xf32, #tpu.memory_space<vmem>>
      %dma_start3A_34 = tpu.memref_squeeze %dma_start3A_33 : memref<1x16x256xf32, #tpu.memory_space<vmem>> -> memref<16x256xf32, #tpu.memory_space<vmem>>
      %dma_start3A_35 = arith.constant 0 : i32
      %dma_start3A_36 = tpu.memref_slice %arg4[%add3A_4, %dma_start3A_35] : memref<16384x256xf32, #tpu.memory_space<hbm>> -> memref<16x256xf32, #tpu.memory_space<hbm>>
      tpu.enqueue_dma source(%dma_start3A_36 : memref<16x256xf32, #tpu.memory_space<hbm>>) target(%dma_start3A_34 : memref<16x256xf32, #tpu.memory_space<vmem>>) target_semaphore(%run_scoped3A_24 : memref<!tpu.dma_semaphore, #tpu.memory_space<semaphore_mem>>)
      %dma_wait3A = arith.constant 0 : i32
      %dma_wait3A_37 = arith.constant 0 : i32
      %dma_wait3A_38 = tpu.memref_slice %arg8[%run_scoped3A_18, %dma_wait3A, %dma_wait3A_37] : memref<2x16x256xf32, #tpu.memory_space<vmem>> -> memref<1x16x256xf32, #tpu.memory_space<vmem>>
      %dma_wait3A_39 = tpu.memref_squeeze %dma_wait3A_38 : memref<1x16x256xf32, #tpu.memory_space<vmem>> -> memref<16x256xf32, #tpu.memory_space<vmem>>
      %dma_wait3A_40 = arith.constant 0 : i32
      %dma_wait3A_41 = tpu.memref_slice %arg4[%add3A_4, %dma_wait3A_40] : memref<16384x256xf32, #tpu.memory_space<hbm>> -> memref<16x256xf32, #tpu.memory_space<hbm>>
      %dma_wait3A_42 = arith.constant 0 : i32
      %dma_wait3A_43 = arith.constant 0 : i32
      %dma_wait3A_44 = tpu.memref_slice %arg8[%run_scoped3A_18, %dma_wait3A_42, %dma_wait3A_43] : memref<2x16x256xf32, #tpu.memory_space<vmem>> -> memref<1x16x256xf32, #tpu.memory_space<vmem>>
      %dma_wait3A_45 = tpu.memref_squeeze %dma_wait3A_44 : memref<1x16x256xf32, #tpu.memory_space<vmem>> -> memref<16x256xf32, #tpu.memory_space<vmem>>
      %dma_wait3A_46 = arith.constant 0 : i32
      %dma_wait3A_47 = tpu.memref_slice %arg4[%add3A_4, %dma_wait3A_46] : memref<16384x256xf32, #tpu.memory_space<hbm>> -> memref<16x256xf32, #tpu.memory_space<hbm>>
      tpu.wait_dma2 semaphore(%run_scoped3A_24 : memref<!tpu.dma_semaphore, #tpu.memory_space<semaphore_mem>>) src(%dma_wait3A_47 : memref<16x256xf32, #tpu.memory_space<hbm>>) dst(%dma_wait3A_45 : memref<16x256xf32, #tpu.memory_space<vmem>>)
      tpu.yield
    }) : () -> ()
    %scan3A = arith.constant 0 : i32
    %scan3A_19 = arith.constant 0 : i32
    %scan3A_20 = arith.constant 16 : i32
    %scan3A_21 = arith.addi %scan3A_19, %scan3A_20 : i32
    %scan3A_22 = arith.constant 1 : i32
    scf.for %scan3A_24 = %scan3A_19 to %scan3A_21 step %scan3A_22  : i32 {
      %mul3A_25 = arith.constant 2 : i32
      %mul3A_26 = arith.muli %mul3A_25, %scan3A_24 : i32
      %add3A_27 = arith.constant 1 : i32
      %add3A_28 = arith.addi %mul3A_26, %add3A_27 : i32
      %mul3A_29 = arith.constant 16 : i32
      %mul3A_30 = arith.muli %add3A_28, %mul3A_29 : i32
      %add3A_31 = arith.addi %mul3A_2, %mul3A_30 : i32
      %mul3A_32 = arith.constant 8 : i32
      %mul3A_33 = arith.muli %add3A_31, %mul3A_32 : i32
      %run_scoped3A_34 = arith.constant 1 : i32
      "tpu.region"() ({
        %run_scoped3A_97 = tpu.sem_alloc : memref<!tpu.dma_semaphore, #tpu.memory_space<semaphore_mem>>
        %dma_start3A_98 = arith.constant 0 : i32
        %dma_start3A_99 = tpu.memref_slice %arg6[%run_scoped3A_34, %dma_start3A_98] : memref<2x128xi32, #tpu.memory_space<vmem>> -> memref<1x128xi32, #tpu.memory_space<vmem>>
        %dma_start3A_100 = tpu.memref_squeeze %dma_start3A_99 : memref<1x128xi32, #tpu.memory_space<vmem>> -> memref<128xi32, #tpu.memory_space<vmem>>
        %dma_start3A_101 = tpu.memref_slice %arg3[%mul3A_33] : memref<131072xi32, #tpu.memory_space<hbm>> -> memref<128xi32, #tpu.memory_space<hbm>>
        %dma_start3A_102 = arith.constant 0 : i32
        %dma_start3A_103 = tpu.memref_slice %arg6[%run_scoped3A_34, %dma_start3A_102] : memref<2x128xi32, #tpu.memory_space<vmem>> -> memref<1x128xi32, #tpu.memory_space<vmem>>
        %dma_start3A_104 = tpu.memref_squeeze %dma_start3A_103 : memref<1x128xi32, #tpu.memory_space<vmem>> -> memref<128xi32, #tpu.memory_space<vmem>>
        %dma_start3A_105 = tpu.memref_slice %arg3[%mul3A_33] : memref<131072xi32, #tpu.memory_space<hbm>> -> memref<128xi32, #tpu.memory_space<hbm>>
        tpu.enqueue_dma source(%dma_start3A_105 : memref<128xi32, #tpu.memory_space<hbm>>) target(%dma_start3A_104 : memref<128xi32, #tpu.memory_space<vmem>>) target_semaphore(%run_scoped3A_97 : memref<!tpu.dma_semaphore, #tpu.memory_space<semaphore_mem>>)
        %dma_wait3A_106 = arith.constant 0 : i32
        %dma_wait3A_107 = tpu.memref_slice %arg6[%run_scoped3A_34, %dma_wait3A_106] : memref<2x128xi32, #tpu.memory_space<vmem>> -> memref<1x128xi32, #tpu.memory_space<vmem>>
        %dma_wait3A_108 = tpu.memref_squeeze %dma_wait3A_107 : memref<1x128xi32, #tpu.memory_space<vmem>> -> memref<128xi32, #tpu.memory_space<vmem>>
        %dma_wait3A_109 = tpu.memref_slice %arg3[%mul3A_33] : memref<131072xi32, #tpu.memory_space<hbm>> -> memref<128xi32, #tpu.memory_space<hbm>>
        %dma_wait3A_110 = arith.constant 0 : i32
        %dma_wait3A_111 = tpu.memref_slice %arg6[%run_scoped3A_34, %dma_wait3A_110] : memref<2x128xi32, #tpu.memory_space<vmem>> -> memref<1x128xi32, #tpu.memory_space<vmem>>
        %dma_wait3A_112 = tpu.memref_squeeze %dma_wait3A_111 : memref<1x128xi32, #tpu.memory_space<vmem>> -> memref<128xi32, #tpu.memory_space<vmem>>
        %dma_wait3A_113 = tpu.memref_slice %arg3[%mul3A_33] : memref<131072xi32, #tpu.memory_space<hbm>> -> memref<128xi32, #tpu.memory_space<hbm>>
        tpu.wait_dma2 semaphore(%run_scoped3A_97 : memref<!tpu.dma_semaphore, #tpu.memory_space<semaphore_mem>>) src(%dma_wait3A_113 : memref<128xi32, #tpu.memory_space<hbm>>) dst(%dma_wait3A_112 : memref<128xi32, #tpu.memory_space<vmem>>)
        tpu.yield
      }) : () -> ()
      %dma_start3A_35 = arith.constant 1 : i32
      %dma_start3A_36 = arith.constant 1 : i32
      %dma_start3A_37 = arith.constant 0 : i32
      %dma_start3A_38 = arith.constant 0 : i32
      %dma_start3A_39 = tpu.memref_slice %arg7[%dma_start3A_36, %dma_start3A_37, %dma_start3A_38] : memref<2x128x256xf32, #tpu.memory_space<vmem>> -> memref<1x128x256xf32, #tpu.memory_space<vmem>>
      %dma_start3A_40 = tpu.memref_squeeze %dma_start3A_39 : memref<1x128x256xf32, #tpu.memory_space<vmem>> -> memref<128x256xf32, #tpu.memory_space<vmem>>
      %dma_start3A_41 = arith.constant 0 : i32
      %dma_start3A_42 = tpu.memref_slice %arg6[%dma_start3A_35, %dma_start3A_41] : memref<2x128xi32, #tpu.memory_space<vmem>> -> memref<1x128xi32, #tpu.memory_space<vmem>>
      %dma_start3A_43 = tpu.memref_squeeze %dma_start3A_42 : memref<1x128xi32, #tpu.memory_space<vmem>> -> memref<128xi32, #tpu.memory_space<vmem>>
      %dma_start3A_44 = arith.constant 0 : i32
      %dma_start3A_45 = arith.constant 0 : i32
      %dma_start3A_46 = tpu.memref_slice %arg2[%dma_start3A_44, %dma_start3A_45] : memref<65536x256xf32, #tpu.memory_space<hbm>> -> memref<65536x256xf32, #tpu.memory_space<hbm>>
      tpu.enqueue_indirect_dma source(%dma_start3A_46 : memref<65536x256xf32, #tpu.memory_space<hbm>>) target(%dma_start3A_40 : memref<128x256xf32, #tpu.memory_space<vmem>>) offsets(%dma_start3A_43 : memref<128xi32, #tpu.memory_space<vmem>>) semaphore(%arg11 : memref<!tpu.dma_semaphore, #tpu.memory_space<semaphore_mem>>)
      %run_scoped3A_47 = arith.constant 1 : i32
      "tpu.region"() ({
        %run_scoped3A_97 = tpu.sem_alloc : memref<!tpu.dma_semaphore, #tpu.memory_space<semaphore_mem>>
        %dma_start3A_98 = arith.constant 0 : i32
        %dma_start3A_99 = arith.constant 0 : i32
        %dma_start3A_100 = tpu.memref_slice %arg8[%run_scoped3A_47, %dma_start3A_98, %dma_start3A_99] : memref<2x16x256xf32, #tpu.memory_space<vmem>> -> memref<1x16x256xf32, #tpu.memory_space<vmem>>
        %dma_start3A_101 = tpu.memref_squeeze %dma_start3A_100 : memref<1x16x256xf32, #tpu.memory_space<vmem>> -> memref<16x256xf32, #tpu.memory_space<vmem>>
        %dma_start3A_102 = arith.constant 0 : i32
        %dma_start3A_103 = tpu.memref_slice %arg4[%add3A_31, %dma_start3A_102] : memref<16384x256xf32, #tpu.memory_space<hbm>> -> memref<16x256xf32, #tpu.memory_space<hbm>>
        %dma_start3A_104 = arith.constant 0 : i32
        %dma_start3A_105 = arith.constant 0 : i32
        %dma_start3A_106 = tpu.memref_slice %arg8[%run_scoped3A_47, %dma_start3A_104, %dma_start3A_105] : memref<2x16x256xf32, #tpu.memory_space<vmem>> -> memref<1x16x256xf32, #tpu.memory_space<vmem>>
        %dma_start3A_107 = tpu.memref_squeeze %dma_start3A_106 : memref<1x16x256xf32, #tpu.memory_space<vmem>> -> memref<16x256xf32, #tpu.memory_space<vmem>>
        %dma_start3A_108 = arith.constant 0 : i32
        %dma_start3A_109 = tpu.memref_slice %arg4[%add3A_31, %dma_start3A_108] : memref<16384x256xf32, #tpu.memory_space<hbm>> -> memref<16x256xf32, #tpu.memory_space<hbm>>
        tpu.enqueue_dma source(%dma_start3A_109 : memref<16x256xf32, #tpu.memory_space<hbm>>) target(%dma_start3A_107 : memref<16x256xf32, #tpu.memory_space<vmem>>) target_semaphore(%run_scoped3A_97 : memref<!tpu.dma_semaphore, #tpu.memory_space<semaphore_mem>>)
        %dma_wait3A_110 = arith.constant 0 : i32
        %dma_wait3A_111 = arith.constant 0 : i32
        %dma_wait3A_112 = tpu.memref_slice %arg8[%run_scoped3A_47, %dma_wait3A_110, %dma_wait3A_111] : memref<2x16x256xf32, #tpu.memory_space<vmem>> -> memref<1x16x256xf32, #tpu.memory_space<vmem>>
        %dma_wait3A_113 = tpu.memref_squeeze %dma_wait3A_112 : memref<1x16x256xf32, #tpu.memory_space<vmem>> -> memref<16x256xf32, #tpu.memory_space<vmem>>
        %dma_wait3A_114 = arith.constant 0 : i32
        %dma_wait3A_115 = tpu.memref_slice %arg4[%add3A_31, %dma_wait3A_114] : memref<16384x256xf32, #tpu.memory_space<hbm>> -> memref<16x256xf32, #tpu.memory_space<hbm>>
        %dma_wait3A_116 = arith.constant 0 : i32
        %dma_wait3A_117 = arith.constant 0 : i32
        %dma_wait3A_118 = tpu.memref_slice %arg8[%run_scoped3A_47, %dma_wait3A_116, %dma_wait3A_117] : memref<2x16x256xf32, #tpu.memory_space<vmem>> -> memref<1x16x256xf32, #tpu.memory_space<vmem>>
        %dma_wait3A_119 = tpu.memref_squeeze %dma_wait3A_118 : memref<1x16x256xf32, #tpu.memory_space<vmem>> -> memref<16x256xf32, #tpu.memory_space<vmem>>
        %dma_wait3A_120 = arith.constant 0 : i32
        %dma_wait3A_121 = tpu.memref_slice %arg4[%add3A_31, %dma_wait3A_120] : memref<16384x256xf32, #tpu.memory_space<hbm>> -> memref<16x256xf32, #tpu.memory_space<hbm>>
        tpu.wait_dma2 semaphore(%run_scoped3A_97 : memref<!tpu.dma_semaphore, #tpu.memory_space<semaphore_mem>>) src(%dma_wait3A_121 : memref<16x256xf32, #tpu.memory_space<hbm>>) dst(%dma_wait3A_119 : memref<16x256xf32, #tpu.memory_space<vmem>>)
        tpu.yield
      }) : () -> ()
      %mul3A_48 = arith.constant 16 : i32
      %mul3A_49 = arith.muli %mul3A_26, %mul3A_48 : i32
      %add3A_50 = arith.addi %mul3A_2, %mul3A_49 : i32
      %dma_wait3A = arith.constant 0 : i32
      %dma_wait3A_51 = arith.constant 0 : i32
      %dma_wait3A_52 = arith.constant 0 : i32
      %dma_wait3A_53 = arith.constant 0 : i32
      %dma_wait3A_54 = tpu.memref_slice %arg7[%dma_wait3A_51, %dma_wait3A_52, %dma_wait3A_53] : memref<2x128x256xf32, #tpu.memory_space<vmem>> -> memref<1x128x256xf32, #tpu.memory_space<vmem>>
      %dma_wait3A_55 = tpu.memref_squeeze %dma_wait3A_54 : memref<1x128x256xf32, #tpu.memory_space<vmem>> -> memref<128x256xf32, #tpu.memory_space<vmem>>
      %dma_wait3A_56 = arith.constant 0 : i32
      %dma_wait3A_57 = tpu.memref_slice %arg6[%dma_wait3A, %dma_wait3A_56] : memref<2x128xi32, #tpu.memory_space<vmem>> -> memref<1x128xi32, #tpu.memory_space<vmem>>
      %dma_wait3A_58 = tpu.memref_squeeze %dma_wait3A_57 : memref<1x128xi32, #tpu.memory_space<vmem>> -> memref<128xi32, #tpu.memory_space<vmem>>
      %dma_wait3A_59 = arith.constant 0 : i32
      %dma_wait3A_60 = arith.constant 0 : i32
      %dma_wait3A_61 = tpu.memref_slice %arg2[%dma_wait3A_59, %dma_wait3A_60] : memref<65536x256xf32, #tpu.memory_space<hbm>> -> memref<65536x256xf32, #tpu.memory_space<hbm>>
      tpu.wait_indirect_dma semaphore(%arg10 : memref<!tpu.dma_semaphore, #tpu.memory_space<semaphore_mem>>) src(%dma_wait3A_61 : memref<65536x256xf32, #tpu.memory_space<hbm>>) dst(%dma_wait3A_55 : memref<128x256xf32, #tpu.memory_space<vmem>>)
      %scan3A_62 = arith.constant 0 : i32
      %scan3A_63 = arith.constant 0 : i32
      %scan3A_64 = arith.constant 16 : i32
      %scan3A_65 = arith.addi %scan3A_63, %scan3A_64 : i32
      %scan3A_66 = arith.constant 1 : i32
      scf.for %scan3A_97 = %scan3A_63 to %scan3A_65 step %scan3A_66  : i32 {
        %mul3A_98 = arith.constant 8 : i32
        %mul3A_99 = arith.muli %scan3A_97, %mul3A_98 : i32
        %get3A = arith.constant 0 : i32
        %get3A_100 = arith.index_cast %get3A : i32 to index
        %get3A_101 = arith.index_cast %mul3A_99 : i32 to index
        %get3A_102 = arith.constant 0 : index
        %get3A_103 = tpu.vector_load %arg7[%get3A_100, %get3A_101, %get3A_102] {strides = array<i32>} : memref<2x128x256xf32, #tpu.memory_space<vmem>>, vector<1x1x16xf32>,
        %get3A_104 = vector.shape_cast %get3A_103 : vector<1x1x16xf32> to vector<16xf32>
        %add3A_105 = arith.constant 1 : i32
        %add3A_106 = arith.addi %mul3A_99, %add3A_105 : i32
        %get3A_107 = arith.constant 0 : i32
        %get3A_108 = arith.index_cast %get3A_107 : i32 to index
        %get3A_109 = arith.index_cast %add3A_106 : i32 to index
        %get3A_110 = arith.constant 0 : index
        %get3A_111 = tpu.vector_load %arg7[%get3A_108, %get3A_109, %get3A_110] {strides = array<i32>} : memref<2x128x256xf32, #tpu.memory_space<vmem>>, vector<1x1x16xf32>,
        %get3A_112 = vector.shape_cast %get3A_111 : vector<1x1x16xf32> to vector<16xf32>
        %max3A = arith.maximumf %get3A_104, %get3A_112 : vector<16xf32>
        %add3A_113 = arith.constant 2 : i32
        %add3A_114 = arith.addi %mul3A_99, %add3A_113 : i32
        %get3A_115 = arith.constant 0 : i32
        %get3A_116 = arith.index_cast %get3A_115 : i32 to index
        %get3A_117 = arith.index_cast %add3A_114 : i32 to index
        %get3A_118 = arith.constant 0 : index
        %get3A_119 = tpu.vector_load %arg7[%get3A_116, %get3A_117, %get3A_118] {strides = array<i32>} : memref<2x128x256xf32, #tpu.memory_space<vmem>>, vector<1x1x16xf32>,
        %get3A_120 = vector.shape_cast %get3A_119 : vector<1x1x16xf32> to vector<16xf32>
        %max3A_121 = arith.maximumf %max3A, %get3A_120 : vector<16xf32>
        %add3A_122 = arith.constant 3 : i32
        %add3A_123 = arith.addi %mul3A_99, %add3A_122 : i32
        %get3A_124 = arith.constant 0 : i32
        %get3A_125 = arith.index_cast %get3A_124 : i32 to index
        %get3A_126 = arith.index_cast %add3A_123 : i32 to index
        %get3A_127 = arith.constant 0 : index
        %get3A_128 = tpu.vector_load %arg7[%get3A_125, %get3A_126, %get3A_127] {strides = array<i32>} : memref<2x128x256xf32, #tpu.memory_space<vmem>>, vector<1x1x16xf32>,
        %get3A_129 = vector.shape_cast %get3A_128 : vector<1x1x16xf32> to vector<16xf32>
        %max3A_130 = arith.maximumf %max3A_121, %get3A_129 : vector<16xf32>
        %add3A_131 = arith.constant 4 : i32
        %add3A_132 = arith.addi %mul3A_99, %add3A_131 : i32
        %get3A_133 = arith.constant 0 : i32
        %get3A_134 = arith.index_cast %get3A_133 : i32 to index
        %get3A_135 = arith.index_cast %add3A_132 : i32 to index
        %get3A_136 = arith.constant 0 : index
        %get3A_137 = tpu.vector_load %arg7[%get3A_134, %get3A_135, %get3A_136] {strides = array<i32>} : memref<2x128x256xf32, #tpu.memory_space<vmem>>, vector<1x1x16xf32>,
        %get3A_138 = vector.shape_cast %get3A_137 : vector<1x1x16xf32> to vector<16xf32>
        %max3A_139 = arith.maximumf %max3A_130, %get3A_138 : vector<16xf32>
        %add3A_140 = arith.constant 5 : i32
        %add3A_141 = arith.addi %mul3A_99, %add3A_140 : i32
        %get3A_142 = arith.constant 0 : i32
        %get3A_143 = arith.index_cast %get3A_142 : i32 to index
        %get3A_144 = arith.index_cast %add3A_141 : i32 to index
        %get3A_145 = arith.constant 0 : index
        %get3A_146 = tpu.vector_load %arg7[%get3A_143, %get3A_144, %get3A_145] {strides = array<i32>} : memref<2x128x256xf32, #tpu.memory_space<vmem>>, vector<1x1x16xf32>,
        %get3A_147 = vector.shape_cast %get3A_146 : vector<1x1x16xf32> to vector<16xf32>
        %max3A_148 = arith.maximumf %max3A_139, %get3A_147 : vector<16xf32>
        %add3A_149 = arith.constant 6 : i32
        %add3A_150 = arith.addi %mul3A_99, %add3A_149 : i32
        %get3A_151 = arith.constant 0 : i32
        %get3A_152 = arith.index_cast %get3A_151 : i32 to index
        %get3A_153 = arith.index_cast %add3A_150 : i32 to index
        %get3A_154 = arith.constant 0 : index
        %get3A_155 = tpu.vector_load %arg7[%get3A_152, %get3A_153, %get3A_154] {strides = array<i32>} : memref<2x128x256xf32, #tpu.memory_space<vmem>>, vector<1x1x16xf32>,
        %get3A_156 = vector.shape_cast %get3A_155 : vector<1x1x16xf32> to vector<16xf32>
        %max3A_157 = arith.maximumf %max3A_148, %get3A_156 : vector<16xf32>
        %add3A_158 = arith.constant 7 : i32
        %add3A_159 = arith.addi %mul3A_99, %add3A_158 : i32
        %get3A_160 = arith.constant 0 : i32
        %get3A_161 = arith.index_cast %get3A_160 : i32 to index
        %get3A_162 = arith.index_cast %add3A_159 : i32 to index
        %get3A_163 = arith.constant 0 : index
        %get3A_164 = tpu.vector_load %arg7[%get3A_161, %get3A_162, %get3A_163] {strides = array<i32>} : memref<2x128x256xf32, #tpu.memory_space<vmem>>, vector<1x1x16xf32>,
        %get3A_165 = vector.shape_cast %get3A_164 : vector<1x1x16xf32> to vector<16xf32>
        %max3A_166 = arith.maximumf %max3A_157, %get3A_165 : vector<16xf32>
        %get3A_167 = arith.constant 0 : i32
        %get3A_168 = arith.index_cast %get3A_167 : i32 to index
        %get3A_169 = arith.index_cast %scan3A_97 : i32 to index
        %get3A_170 = arith.constant 0 : index
        %get3A_171 = tpu.vector_load %arg8[%get3A_168, %get3A_169, %get3A_170] {strides = array<i32>} : memref<2x16x256xf32, #tpu.memory_space<vmem>>, vector<1x1x16xf32>,
        %get3A_172 = vector.shape_cast %get3A_171 : vector<1x1x16xf32> to vector<16xf32>
        %add3A_173 = arith.addf %max3A_166, %get3A_172 : vector<16xf32>
        %ge3A = arith.constant 0.000000e+00 : f32
        %ge3A_174 = vector.broadcast %ge3A : f32 to vector<16xf32>
        %ge3A_175 = arith.cmpf oge, %add3A_173, %ge3A_174 : vector<16xf32>
        %mul3A_176 = arith.constant 2.000000e-01 : f32
        %mul3A_177 = vector.broadcast %mul3A_176 : f32 to vector<16xf32>
        %mul3A_178 = arith.mulf %mul3A_177, %add3A_173 : vector<16xf32>
        %select_n3A = arith.select %ge3A_175, %add3A_173, %mul3A_178 : vector<16xi1>, vector<16xf32>
        %swap3A = arith.constant 0 : i32
        %swap3A_179 = arith.index_cast %swap3A : i32 to index
        %swap3A_180 = arith.index_cast %scan3A_97 : i32 to index
        %swap3A_181 = arith.constant 0 : index
        %swap3A_182 = tpu.vector_load %arg9[%swap3A_179, %swap3A_180, %swap3A_181] {strides = array<i32>} : memref<2x16x256xf32, #tpu.memory_space<vmem>>, vector<1x1x16xf32>,
        %swap3A_183 = vector.shape_cast %swap3A_182 : vector<1x1x16xf32> to vector<16xf32>
        %swap3A_184 = vector.shape_cast %select_n3A : vector<16xf32> to vector<1x1x16xf32>
        tpu.vector_store %arg9[%swap3A_179, %swap3A_180, %swap3A_181], %swap3A_184 {strides = array<i32>} : memref<2x16x256xf32, #tpu.memory_space<vmem>>, vector<1x1x16xf32>,
        %get3A_185 = arith.constant 0 : i32
        %get3A_186 = arith.index_cast %get3A_185 : i32 to index
        %get3A_187 = arith.index_cast %mul3A_99 : i32 to index
        %get3A_188 = arith.constant 16 : index
        %get3A_189 = tpu.vector_load %arg7[%get3A_186, %get3A_187, %get3A_188] {strides = array<i32>} : memref<2x128x256xf32, #tpu.memory_space<vmem>>, vector<1x1x16xf32>,
        %get3A_190 = vector.shape_cast %get3A_189 : vector<1x1x16xf32> to vector<16xf32>
        %add3A_191 = arith.constant 1 : i32
        %add3A_192 = arith.addi %mul3A_99, %add3A_191 : i32
        %get3A_193 = arith.constant 0 : i32
        %get3A_194 = arith.index_cast %get3A_193 : i32 to index
        %get3A_195 = arith.index_cast %add3A_192 : i32 to index
        %get3A_196 = arith.constant 16 : index
        %get3A_197 = tpu.vector_load %arg7[%get3A_194, %get3A_195, %get3A_196] {strides = array<i32>} : memref<2x128x256xf32, #tpu.memory_space<vmem>>, vector<1x1x16xf32>,
        %get3A_198 = vector.shape_cast %get3A_197 : vector<1x1x16xf32> to vector<16xf32>
        %max3A_199 = arith.maximumf %get3A_190, %get3A_198 : vector<16xf32>
        %add3A_200 = arith.constant 2 : i32
        %add3A_201 = arith.addi %mul3A_99, %add3A_200 : i32
        %get3A_202 = arith.constant 0 : i32
        %get3A_203 = arith.index_cast %get3A_202 : i32 to index
        %get3A_204 = arith.index_cast %add3A_201 : i32 to index
        %get3A_205 = arith.constant 16 : index
        %get3A_206 = tpu.vector_load %arg7[%get3A_203, %get3A_204, %get3A_205] {strides = array<i32>} : memref<2x128x256xf32, #tpu.memory_space<vmem>>, vector<1x1x16xf32>,
        %get3A_207 = vector.shape_cast %get3A_206 : vector<1x1x16xf32> to vector<16xf32>
        %max3A_208 = arith.maximumf %max3A_199, %get3A_207 : vector<16xf32>
        %add3A_209 = arith.constant 3 : i32
        %add3A_210 = arith.addi %mul3A_99, %add3A_209 : i32
        %get3A_211 = arith.constant 0 : i32
        %get3A_212 = arith.index_cast %get3A_211 : i32 to index
        %get3A_213 = arith.index_cast %add3A_210 : i32 to index
        %get3A_214 = arith.constant 16 : index
        %get3A_215 = tpu.vector_load %arg7[%get3A_212, %get3A_213, %get3A_214] {strides = array<i32>} : memref<2x128x256xf32, #tpu.memory_space<vmem>>, vector<1x1x16xf32>,
        %get3A_216 = vector.shape_cast %get3A_215 : vector<1x1x16xf32> to vector<16xf32>
        %max3A_217 = arith.maximumf %max3A_208, %get3A_216 : vector<16xf32>
        %add3A_218 = arith.constant 4 : i32
        %add3A_219 = arith.addi %mul3A_99, %add3A_218 : i32
        %get3A_220 = arith.constant 0 : i32
        %get3A_221 = arith.index_cast %get3A_220 : i32 to index
        %get3A_222 = arith.index_cast %add3A_219 : i32 to index
        %get3A_223 = arith.constant 16 : index
        %get3A_224 = tpu.vector_load %arg7[%get3A_221, %get3A_222, %get3A_223] {strides = array<i32>} : memref<2x128x256xf32, #tpu.memory_space<vmem>>, vector<1x1x16xf32>,
        %get3A_225 = vector.shape_cast %get3A_224 : vector<1x1x16xf32> to vector<16xf32>
        %max3A_226 = arith.maximumf %max3A_217, %get3A_225 : vector<16xf32>
        %add3A_227 = arith.constant 5 : i32
        %add3A_228 = arith.addi %mul3A_99, %add3A_227 : i32
        %get3A_229 = arith.constant 0 : i32
        %get3A_230 = arith.index_cast %get3A_229 : i32 to index
        %get3A_231 = arith.index_cast %add3A_228 : i32 to index
        %get3A_232 = arith.constant 16 : index
        %get3A_233 = tpu.vector_load %arg7[%get3A_230, %get3A_231, %get3A_232] {strides = array<i32>} : memref<2x128x256xf32, #tpu.memory_space<vmem>>, vector<1x1x16xf32>,
        %get3A_234 = vector.shape_cast %get3A_233 : vector<1x1x16xf32> to vector<16xf32>
        %max3A_235 = arith.maximumf %max3A_226, %get3A_234 : vector<16xf32>
        %add3A_236 = arith.constant 6 : i32
        %add3A_237 = arith.addi %mul3A_99, %add3A_236 : i32
        %get3A_238 = arith.constant 0 : i32
        %get3A_239 = arith.index_cast %get3A_238 : i32 to index
        %get3A_240 = arith.index_cast %add3A_237 : i32 to index
        %get3A_241 = arith.constant 16 : index
        %get3A_242 = tpu.vector_load %arg7[%get3A_239, %get3A_240, %get3A_241] {strides = array<i32>} : memref<2x128x256xf32, #tpu.memory_space<vmem>>, vector<1x1x16xf32>,
        %get3A_243 = vector.shape_cast %get3A_242 : vector<1x1x16xf32> to vector<16xf32>
        %max3A_244 = arith.maximumf %max3A_235, %get3A_243 : vector<16xf32>
        %add3A_245 = arith.constant 7 : i32
        %add3A_246 = arith.addi %mul3A_99, %add3A_245 : i32
        %get3A_247 = arith.constant 0 : i32
        %get3A_248 = arith.index_cast %get3A_247 : i32 to index
        %get3A_249 = arith.index_cast %add3A_246 : i32 to index
        %get3A_250 = arith.constant 16 : index
        %get3A_251 = tpu.vector_load %arg7[%get3A_248, %get3A_249, %get3A_250] {strides = array<i32>} : memref<2x128x256xf32, #tpu.memory_space<vmem>>, vector<1x1x16xf32>,
        %get3A_252 = vector.shape_cast %get3A_251 : vector<1x1x16xf32> to vector<16xf32>
        %max3A_253 = arith.maximumf %max3A_244, %get3A_252 : vector<16xf32>
        %get3A_254 = arith.constant 0 : i32
        %get3A_255 = arith.index_cast %get3A_254 : i32 to index
        %get3A_256 = arith.index_cast %scan3A_97 : i32 to index
        %get3A_257 = arith.constant 16 : index
        %get3A_258 = tpu.vector_load %arg8[%get3A_255, %get3A_256, %get3A_257] {strides = array<i32>} : memref<2x16x256xf32, #tpu.memory_space<vmem>>, vector<1x1x16xf32>,
        %get3A_259 = vector.shape_cast %get3A_258 : vector<1x1x16xf32> to vector<16xf32>
        %add3A_260 = arith.addf %max3A_253, %get3A_259 : vector<16xf32>
        %ge3A_261 = arith.constant 0.000000e+00 : f32
        %ge3A_262 = vector.broadcast %ge3A_261 : f32 to vector<16xf32>
        %ge3A_263 = arith.cmpf oge, %add3A_260, %ge3A_262 : vector<16xf32>
        %mul3A_264 = arith.constant 2.000000e-01 : f32
        %mul3A_265 = vector.broadcast %mul3A_264 : f32 to vector<16xf32>
        %mul3A_266 = arith.mulf %mul3A_265, %add3A_260 : vector<16xf32>
        %select_n3A_267 = arith.select %ge3A_263, %add3A_260, %mul3A_266 : vector<16xi1>, vector<16xf32>
        %swap3A_268 = arith.constant 0 : i32
        %swap3A_269 = arith.index_cast %swap3A_268 : i32 to index
        %swap3A_270 = arith.index_cast %scan3A_97 : i32 to index
        %swap3A_271 = arith.constant 16 : index
        %swap3A_272 = tpu.vector_load %arg9[%swap3A_269, %swap3A_270, %swap3A_271] {strides = array<i32>} : memref<2x16x256xf32, #tpu.memory_space<vmem>>, vector<1x1x16xf32>,
        %swap3A_273 = vector.shape_cast %swap3A_272 : vector<1x1x16xf32> to vector<16xf32>
        %swap3A_274 = vector.shape_cast %select_n3A_267 : vector<16xf32> to vector<1x1x16xf32>
        tpu.vector_store %arg9[%swap3A_269, %swap3A_270, %swap3A_271], %swap3A_274 {strides = array<i32>} : memref<2x16x256xf32, #tpu.memory_space<vmem>>, vector<1x1x16xf32>,
        %get3A_275 = arith.constant 0 : i32
        %get3A_276 = arith.index_cast %get3A_275 : i32 to index
        %get3A_277 = arith.index_cast %mul3A_99 : i32 to index
        %get3A_278 = arith.constant 32 : index
        %get3A_279 = tpu.vector_load %arg7[%get3A_276, %get3A_277, %get3A_278] {strides = array<i32>} : memref<2x128x256xf32, #tpu.memory_space<vmem>>, vector<1x1x16xf32>,
        %get3A_280 = vector.shape_cast %get3A_279 : vector<1x1x16xf32> to vector<16xf32>
        %add3A_281 = arith.constant 1 : i32
        %add3A_282 = arith.addi %mul3A_99, %add3A_281 : i32
        %get3A_283 = arith.constant 0 : i32
        %get3A_284 = arith.index_cast %get3A_283 : i32 to index
        %get3A_285 = arith.index_cast %add3A_282 : i32 to index
        %get3A_286 = arith.constant 32 : index
        %get3A_287 = tpu.vector_load %arg7[%get3A_284, %get3A_285, %get3A_286] {strides = array<i32>} : memref<2x128x256xf32, #tpu.memory_space<vmem>>, vector<1x1x16xf32>,
        %get3A_288 = vector.shape_cast %get3A_287 : vector<1x1x16xf32> to vector<16xf32>
        %max3A_289 = arith.maximumf %get3A_280, %get3A_288 : vector<16xf32>
        %add3A_290 = arith.constant 2 : i32
        %add3A_291 = arith.addi %mul3A_99, %add3A_290 : i32
        %get3A_292 = arith.constant 0 : i32
        %get3A_293 = arith.index_cast %get3A_292 : i32 to index
        %get3A_294 = arith.index_cast %add3A_291 : i32 to index
        %get3A_295 = arith.constant 32 : index
        %get3A_296 = tpu.vector_load %arg7[%get3A_293, %get3A_294, %get3A_295] {strides = array<i32>} : memref<2x128x256xf32, #tpu.memory_space<vmem>>, vector<1x1x16xf32>,
        %get3A_297 = vector.shape_cast %get3A_296 : vector<1x1x16xf32> to vector<16xf32>
        %max3A_298 = arith.maximumf %max3A_289, %get3A_297 : vector<16xf32>
        %add3A_299 = arith.constant 3 : i32
        %add3A_300 = arith.addi %mul3A_99, %add3A_299 : i32
        %get3A_301 = arith.constant 0 : i32
        %get3A_302 = arith.index_cast %get3A_301 : i32 to index
        %get3A_303 = arith.index_cast %add3A_300 : i32 to index
        %get3A_304 = arith.constant 32 : index
        %get3A_305 = tpu.vector_load %arg7[%get3A_302, %get3A_303, %get3A_304] {strides = array<i32>} : memref<2x128x256xf32, #tpu.memory_space<vmem>>, vector<1x1x16xf32>,
        %get3A_306 = vector.shape_cast %get3A_305 : vector<1x1x16xf32> to vector<16xf32>
        %max3A_307 = arith.maximumf %max3A_298, %get3A_306 : vector<16xf32>
        %add3A_308 = arith.constant 4 : i32
        %add3A_309 = arith.addi %mul3A_99, %add3A_308 : i32
        %get3A_310 = arith.constant 0 : i32
        %get3A_311 = arith.index_cast %get3A_310 : i32 to index
        %get3A_312 = arith.index_cast %add3A_309 : i32 to index
        %get3A_313 = arith.constant 32 : index
        %get3A_314 = tpu.vector_load %arg7[%get3A_311, %get3A_312, %get3A_313] {strides = array<i32>} : memref<2x128x256xf32, #tpu.memory_space<vmem>>, vector<1x1x16xf32>,
        %get3A_315 = vector.shape_cast %get3A_314 : vector<1x1x16xf32> to vector<16xf32>
        %max3A_316 = arith.maximumf %max3A_307, %get3A_315 : vector<16xf32>
        %add3A_317 = arith.constant 5 : i32
        %add3A_318 = arith.addi %mul3A_99, %add3A_317 : i32
        %get3A_319 = arith.constant 0 : i32
        %get3A_320 = arith.index_cast %get3A_319 : i32 to index
        %get3A_321 = arith.index_cast %add3A_318 : i32 to index
        %get3A_322 = arith.constant 32 : index
        %get3A_323 = tpu.vector_load %arg7[%get3A_320, %get3A_321, %get3A_322] {strides = array<i32>} : memref<2x128x256xf32, #tpu.memory_space<vmem>>, vector<1x1x16xf32>,
        %get3A_324 = vector.shape_cast %get3A_323 : vector<1x1x16xf32> to vector<16xf32>
        %max3A_325 = arith.maximumf %max3A_316, %get3A_324 : vector<16xf32>
        %add3A_326 = arith.constant 6 : i32
        %add3A_327 = arith.addi %mul3A_99, %add3A_326 : i32
        %get3A_328 = arith.constant 0 : i32
        %get3A_329 = arith.index_cast %get3A_328 : i32 to index
        %get3A_330 = arith.index_cast %add3A_327 : i32 to index
        %get3A_331 = arith.constant 32 : index
        %get3A_332 = tpu.vector_load %arg7[%get3A_329, %get3A_330, %get3A_331] {strides = array<i32>} : memref<2x128x256xf32, #tpu.memory_space<vmem>>, vector<1x1x16xf32>,
        %get3A_333 = vector.shape_cast %get3A_332 : vector<1x1x16xf32> to vector<16xf32>
        %max3A_334 = arith.maximumf %max3A_325, %get3A_333 : vector<16xf32>
        %add3A_335 = arith.constant 7 : i32
        %add3A_336 = arith.addi %mul3A_99, %add3A_335 : i32
        %get3A_337 = arith.constant 0 : i32
        %get3A_338 = arith.index_cast %get3A_337 : i32 to index
        %get3A_339 = arith.index_cast %add3A_336 : i32 to index
        %get3A_340 = arith.constant 32 : index
        %get3A_341 = tpu.vector_load %arg7[%get3A_338, %get3A_339, %get3A_340] {strides = array<i32>} : memref<2x128x256xf32, #tpu.memory_space<vmem>>, vector<1x1x16xf32>,
        %get3A_342 = vector.shape_cast %get3A_341 : vector<1x1x16xf32> to vector<16xf32>
        %max3A_343 = arith.maximumf %max3A_334, %get3A_342 : vector<16xf32>
        %get3A_344 = arith.constant 0 : i32
        %get3A_345 = arith.index_cast %get3A_344 : i32 to index
        %get3A_346 = arith.index_cast %scan3A_97 : i32 to index
        %get3A_347 = arith.constant 32 : index
        %get3A_348 = tpu.vector_load %arg8[%get3A_345, %get3A_346, %get3A_347] {strides = array<i32>} : memref<2x16x256xf32, #tpu.memory_space<vmem>>, vector<1x1x16xf32>,
        %get3A_349 = vector.shape_cast %get3A_348 : vector<1x1x16xf32> to vector<16xf32>
        %add3A_350 = arith.addf %max3A_343, %get3A_349 : vector<16xf32>
        %ge3A_351 = arith.constant 0.000000e+00 : f32
        %ge3A_352 = vector.broadcast %ge3A_351 : f32 to vector<16xf32>
        %ge3A_353 = arith.cmpf oge, %add3A_350, %ge3A_352 : vector<16xf32>
        %mul3A_354 = arith.constant 2.000000e-01 : f32
        %mul3A_355 = vector.broadcast %mul3A_354 : f32 to vector<16xf32>
        %mul3A_356 = arith.mulf %mul3A_355, %add3A_350 : vector<16xf32>
        %select_n3A_357 = arith.select %ge3A_353, %add3A_350, %mul3A_356 : vector<16xi1>, vector<16xf32>
        %swap3A_358 = arith.constant 0 : i32
        %swap3A_359 = arith.index_cast %swap3A_358 : i32 to index
        %swap3A_360 = arith.index_cast %scan3A_97 : i32 to index
        %swap3A_361 = arith.constant 32 : index
        %swap3A_362 = tpu.vector_load %arg9[%swap3A_359, %swap3A_360, %swap3A_361] {strides = array<i32>} : memref<2x16x256xf32, #tpu.memory_space<vmem>>, vector<1x1x16xf32>,
        %swap3A_363 = vector.shape_cast %swap3A_362 : vector<1x1x16xf32> to vector<16xf32>
        %swap3A_364 = vector.shape_cast %select_n3A_357 : vector<16xf32> to vector<1x1x16xf32>
        tpu.vector_store %arg9[%swap3A_359, %swap3A_360, %swap3A_361], %swap3A_364 {strides = array<i32>} : memref<2x16x256xf32, #tpu.memory_space<vmem>>, vector<1x1x16xf32>,
        %get3A_365 = arith.constant 0 : i32
        %get3A_366 = arith.index_cast %get3A_365 : i32 to index
        %get3A_367 = arith.index_cast %mul3A_99 : i32 to index
        %get3A_368 = arith.constant 48 : index
        %get3A_369 = tpu.vector_load %arg7[%get3A_366, %get3A_367, %get3A_368] {strides = array<i32>} : memref<2x128x256xf32, #tpu.memory_space<vmem>>, vector<1x1x16xf32>,
        %get3A_370 = vector.shape_cast %get3A_369 : vector<1x1x16xf32> to vector<16xf32>
        %add3A_371 = arith.constant 1 : i32
        %add3A_372 = arith.addi %mul3A_99, %add3A_371 : i32
        %get3A_373 = arith.constant 0 : i32
        %get3A_374 = arith.index_cast %get3A_373 : i32 to index
        %get3A_375 = arith.index_cast %add3A_372 : i32 to index
        %get3A_376 = arith.constant 48 : index
        %get3A_377 = tpu.vector_load %arg7[%get3A_374, %get3A_375, %get3A_376] {strides = array<i32>} : memref<2x128x256xf32, #tpu.memory_space<vmem>>, vector<1x1x16xf32>,
        %get3A_378 = vector.shape_cast %get3A_377 : vector<1x1x16xf32> to vector<16xf32>
        %max3A_379 = arith.maximumf %get3A_370, %get3A_378 : vector<16xf32>
        %add3A_380 = arith.constant 2 : i32
        %add3A_381 = arith.addi %mul3A_99, %add3A_380 : i32
        %get3A_382 = arith.constant 0 : i32
        %get3A_383 = arith.index_cast %get3A_382 : i32 to index
        %get3A_384 = arith.index_cast %add3A_381 : i32 to index
        %get3A_385 = arith.constant 48 : index
        %get3A_386 = tpu.vector_load %arg7[%get3A_383, %get3A_384, %get3A_385] {strides = array<i32>} : memref<2x128x256xf32, #tpu.memory_space<vmem>>, vector<1x1x16xf32>,
        %get3A_387 = vector.shape_cast %get3A_386 : vector<1x1x16xf32> to vector<16xf32>
        %max3A_388 = arith.maximumf %max3A_379, %get3A_387 : vector<16xf32>
        %add3A_389 = arith.constant 3 : i32
        %add3A_390 = arith.addi %mul3A_99, %add3A_389 : i32
        %get3A_391 = arith.constant 0 : i32
        %get3A_392 = arith.index_cast %get3A_391 : i32 to index
        %get3A_393 = arith.index_cast %add3A_390 : i32 to index
        %get3A_394 = arith.constant 48 : index
        %get3A_395 = tpu.vector_load %arg7[%get3A_392, %get3A_393, %get3A_394] {strides = array<i32>} : memref<2x128x256xf32, #tpu.memory_space<vmem>>, vector<1x1x16xf32>,
        %get3A_396 = vector.shape_cast %get3A_395 : vector<1x1x16xf32> to vector<16xf32>
        %max3A_397 = arith.maximumf %max3A_388, %get3A_396 : vector<16xf32>
        %add3A_398 = arith.constant 4 : i32
        %add3A_399 = arith.addi %mul3A_99, %add3A_398 : i32
        %get3A_400 = arith.constant 0 : i32
        %get3A_401 = arith.index_cast %get3A_400 : i32 to index
        %get3A_402 = arith.index_cast %add3A_399 : i32 to index
        %get3A_403 = arith.constant 48 : index
        %get3A_404 = tpu.vector_load %arg7[%get3A_401, %get3A_402, %get3A_403] {strides = array<i32>} : memref<2x128x256xf32, #tpu.memory_space<vmem>>, vector<1x1x16xf32>,
        %get3A_405 = vector.shape_cast %get3A_404 : vector<1x1x16xf32> to vector<16xf32>
        %max3A_406 = arith.maximumf %max3A_397, %get3A_405 : vector<16xf32>
        %add3A_407 = arith.constant 5 : i32
        %add3A_408 = arith.addi %mul3A_99, %add3A_407 : i32
        %get3A_409 = arith.constant 0 : i32
        %get3A_410 = arith.index_cast %get3A_409 : i32 to index
        %get3A_411 = arith.index_cast %add3A_408 : i32 to index
        %get3A_412 = arith.constant 48 : index
        %get3A_413 = tpu.vector_load %arg7[%get3A_410, %get3A_411, %get3A_412] {strides = array<i32>} : memref<2x128x256xf32, #tpu.memory_space<vmem>>, vector<1x1x16xf32>,
        %get3A_414 = vector.shape_cast %get3A_413 : vector<1x1x16xf32> to vector<16xf32>
        %max3A_415 = arith.maximumf %max3A_406, %get3A_414 : vector<16xf32>
        %add3A_416 = arith.constant 6 : i32
        %add3A_417 = arith.addi %mul3A_99, %add3A_416 : i32
        %get3A_418 = arith.constant 0 : i32
        %get3A_419 = arith.index_cast %get3A_418 : i32 to index
        %get3A_420 = arith.index_cast %add3A_417 : i32 to index
        %get3A_421 = arith.constant 48 : index
        %get3A_422 = tpu.vector_load %arg7[%get3A_419, %get3A_420, %get3A_421] {strides = array<i32>} : memref<2x128x256xf32, #tpu.memory_space<vmem>>, vector<1x1x16xf32>,
        %get3A_423 = vector.shape_cast %get3A_422 : vector<1x1x16xf32> to vector<16xf32>
        %max3A_424 = arith.maximumf %max3A_415, %get3A_423 : vector<16xf32>
        %add3A_425 = arith.constant 7 : i32
        %add3A_426 = arith.addi %mul3A_99, %add3A_425 : i32
        %get3A_427 = arith.constant 0 : i32
        %get3A_428 = arith.index_cast %get3A_427 : i32 to index
        %get3A_429 = arith.index_cast %add3A_426 : i32 to index
        %get3A_430 = arith.constant 48 : index
        %get3A_431 = tpu.vector_load %arg7[%get3A_428, %get3A_429, %get3A_430] {strides = array<i32>} : memref<2x128x256xf32, #tpu.memory_space<vmem>>, vector<1x1x16xf32>,
        %get3A_432 = vector.shape_cast %get3A_431 : vector<1x1x16xf32> to vector<16xf32>
        %max3A_433 = arith.maximumf %max3A_424, %get3A_432 : vector<16xf32>
        %get3A_434 = arith.constant 0 : i32
        %get3A_435 = arith.index_cast %get3A_434 : i32 to index
        %get3A_436 = arith.index_cast %scan3A_97 : i32 to index
        %get3A_437 = arith.constant 48 : index
        %get3A_438 = tpu.vector_load %arg8[%get3A_435, %get3A_436, %get3A_437] {strides = array<i32>} : memref<2x16x256xf32, #tpu.memory_space<vmem>>, vector<1x1x16xf32>,
        %get3A_439 = vector.shape_cast %get3A_438 : vector<1x1x16xf32> to vector<16xf32>
        %add3A_440 = arith.addf %max3A_433, %get3A_439 : vector<16xf32>
        %ge3A_441 = arith.constant 0.000000e+00 : f32
        %ge3A_442 = vector.broadcast %ge3A_441 : f32 to vector<16xf32>
        %ge3A_443 = arith.cmpf oge, %add3A_440, %ge3A_442 : vector<16xf32>
        %mul3A_444 = arith.constant 2.000000e-01 : f32
        %mul3A_445 = vector.broadcast %mul3A_444 : f32 to vector<16xf32>
        %mul3A_446 = arith.mulf %mul3A_445, %add3A_440 : vector<16xf32>
        %select_n3A_447 = arith.select %ge3A_443, %add3A_440, %mul3A_446 : vector<16xi1>, vector<16xf32>
        %swap3A_448 = arith.constant 0 : i32
        %swap3A_449 = arith.index_cast %swap3A_448 : i32 to index
        %swap3A_450 = arith.index_cast %scan3A_97 : i32 to index
        %swap3A_451 = arith.constant 48 : index
        %swap3A_452 = tpu.vector_load %arg9[%swap3A_449, %swap3A_450, %swap3A_451] {strides = array<i32>} : memref<2x16x256xf32, #tpu.memory_space<vmem>>, vector<1x1x16xf32>,
        %swap3A_453 = vector.shape_cast %swap3A_452 : vector<1x1x16xf32> to vector<16xf32>
        %swap3A_454 = vector.shape_cast %select_n3A_447 : vector<16xf32> to vector<1x1x16xf32>
        tpu.vector_store %arg9[%swap3A_449, %swap3A_450, %swap3A_451], %swap3A_454 {strides = array<i32>} : memref<2x16x256xf32, #tpu.memory_space<vmem>>, vector<1x1x16xf32>,
        %get3A_455 = arith.constant 0 : i32
        %get3A_456 = arith.index_cast %get3A_455 : i32 to index
        %get3A_457 = arith.index_cast %mul3A_99 : i32 to index
        %get3A_458 = arith.constant 64 : index
        %get3A_459 = tpu.vector_load %arg7[%get3A_456, %get3A_457, %get3A_458] {strides = array<i32>} : memref<2x128x256xf32, #tpu.memory_space<vmem>>, vector<1x1x16xf32>,
        %get3A_460 = vector.shape_cast %get3A_459 : vector<1x1x16xf32> to vector<16xf32>
        %add3A_461 = arith.constant 1 : i32
        %add3A_462 = arith.addi %mul3A_99, %add3A_461 : i32
        %get3A_463 = arith.constant 0 : i32
        %get3A_464 = arith.index_cast %get3A_463 : i32 to index
        %get3A_465 = arith.index_cast %add3A_462 : i32 to index
        %get3A_466 = arith.constant 64 : index
        %get3A_467 = tpu.vector_load %arg7[%get3A_464, %get3A_465, %get3A_466] {strides = array<i32>} : memref<2x128x256xf32, #tpu.memory_space<vmem>>, vector<1x1x16xf32>,
        %get3A_468 = vector.shape_cast %get3A_467 : vector<1x1x16xf32> to vector<16xf32>
        %max3A_469 = arith.maximumf %get3A_460, %get3A_468 : vector<16xf32>
        %add3A_470 = arith.constant 2 : i32
        %add3A_471 = arith.addi %mul3A_99, %add3A_470 : i32
        %get3A_472 = arith.constant 0 : i32
        %get3A_473 = arith.index_cast %get3A_472 : i32 to index
        %get3A_474 = arith.index_cast %add3A_471 : i32 to index
        %get3A_475 = arith.constant 64 : index
        %get3A_476 = tpu.vector_load %arg7[%get3A_473, %get3A_474, %get3A_475] {strides = array<i32>} : memref<2x128x256xf32, #tpu.memory_space<vmem>>, vector<1x1x16xf32>,
        %get3A_477 = vector.shape_cast %get3A_476 : vector<1x1x16xf32> to vector<16xf32>
        %max3A_478 = arith.maximumf %max3A_469, %get3A_477 : vector<16xf32>
        %add3A_479 = arith.constant 3 : i32
        %add3A_480 = arith.addi %mul3A_99, %add3A_479 : i32
        %get3A_481 = arith.constant 0 : i32
        %get3A_482 = arith.index_cast %get3A_481 : i32 to index
        %get3A_483 = arith.index_cast %add3A_480 : i32 to index
        %get3A_484 = arith.constant 64 : index
        %get3A_485 = tpu.vector_load %arg7[%get3A_482, %get3A_483, %get3A_484] {strides = array<i32>} : memref<2x128x256xf32, #tpu.memory_space<vmem>>, vector<1x1x16xf32>,
        %get3A_486 = vector.shape_cast %get3A_485 : vector<1x1x16xf32> to vector<16xf32>
        %max3A_487 = arith.maximumf %max3A_478, %get3A_486 : vector<16xf32>
        %add3A_488 = arith.constant 4 : i32
        %add3A_489 = arith.addi %mul3A_99, %add3A_488 : i32
        %get3A_490 = arith.constant 0 : i32
        %get3A_491 = arith.index_cast %get3A_490 : i32 to index
        %get3A_492 = arith.index_cast %add3A_489 : i32 to index
        %get3A_493 = arith.constant 64 : index
        %get3A_494 = tpu.vector_load %arg7[%get3A_491, %get3A_492, %get3A_493] {strides = array<i32>} : memref<2x128x256xf32, #tpu.memory_space<vmem>>, vector<1x1x16xf32>,
        %get3A_495 = vector.shape_cast %get3A_494 : vector<1x1x16xf32> to vector<16xf32>
        %max3A_496 = arith.maximumf %max3A_487, %get3A_495 : vector<16xf32>
        %add3A_497 = arith.constant 5 : i32
        %add3A_498 = arith.addi %mul3A_99, %add3A_497 : i32
        %get3A_499 = arith.constant 0 : i32
        %get3A_500 = arith.index_cast %get3A_499 : i32 to index
        %get3A_501 = arith.index_cast %add3A_498 : i32 to index
        %get3A_502 = arith.constant 64 : index
        %get3A_503 = tpu.vector_load %arg7[%get3A_500, %get3A_501, %get3A_502] {strides = array<i32>} : memref<2x128x256xf32, #tpu.memory_space<vmem>>, vector<1x1x16xf32>,
        %get3A_504 = vector.shape_cast %get3A_503 : vector<1x1x16xf32> to vector<16xf32>
        %max3A_505 = arith.maximumf %max3A_496, %get3A_504 : vector<16xf32>
        %add3A_506 = arith.constant 6 : i32
        %add3A_507 = arith.addi %mul3A_99, %add3A_506 : i32
        %get3A_508 = arith.constant 0 : i32
        %get3A_509 = arith.index_cast %get3A_508 : i32 to index
        %get3A_510 = arith.index_cast %add3A_507 : i32 to index
        %get3A_511 = arith.constant 64 : index
        %get3A_512 = tpu.vector_load %arg7[%get3A_509, %get3A_510, %get3A_511] {strides = array<i32>} : memref<2x128x256xf32, #tpu.memory_space<vmem>>, vector<1x1x16xf32>,
        %get3A_513 = vector.shape_cast %get3A_512 : vector<1x1x16xf32> to vector<16xf32>
        %max3A_514 = arith.maximumf %max3A_505, %get3A_513 : vector<16xf32>
        %add3A_515 = arith.constant 7 : i32
        %add3A_516 = arith.addi %mul3A_99, %add3A_515 : i32
        %get3A_517 = arith.constant 0 : i32
        %get3A_518 = arith.index_cast %get3A_517 : i32 to index
        %get3A_519 = arith.index_cast %add3A_516 : i32 to index
        %get3A_520 = arith.constant 64 : index
        %get3A_521 = tpu.vector_load %arg7[%get3A_518, %get3A_519, %get3A_520] {strides = array<i32>} : memref<2x128x256xf32, #tpu.memory_space<vmem>>, vector<1x1x16xf32>,
        %get3A_522 = vector.shape_cast %get3A_521 : vector<1x1x16xf32> to vector<16xf32>
        %max3A_523 = arith.maximumf %max3A_514, %get3A_522 : vector<16xf32>
        %get3A_524 = arith.constant 0 : i32
        %get3A_525 = arith.index_cast %get3A_524 : i32 to index
        %get3A_526 = arith.index_cast %scan3A_97 : i32 to index
        %get3A_527 = arith.constant 64 : index
        %get3A_528 = tpu.vector_load %arg8[%get3A_525, %get3A_526, %get3A_527] {strides = array<i32>} : memref<2x16x256xf32, #tpu.memory_space<vmem>>, vector<1x1x16xf32>,
        %get3A_529 = vector.shape_cast %get3A_528 : vector<1x1x16xf32> to vector<16xf32>
        %add3A_530 = arith.addf %max3A_523, %get3A_529 : vector<16xf32>
        %ge3A_531 = arith.constant 0.000000e+00 : f32
        %ge3A_532 = vector.broadcast %ge3A_531 : f32 to vector<16xf32>
        %ge3A_533 = arith.cmpf oge, %add3A_530, %ge3A_532 : vector<16xf32>
        %mul3A_534 = arith.constant 2.000000e-01 : f32
        %mul3A_535 = vector.broadcast %mul3A_534 : f32 to vector<16xf32>
        %mul3A_536 = arith.mulf %mul3A_535, %add3A_530 : vector<16xf32>
        %select_n3A_537 = arith.select %ge3A_533, %add3A_530, %mul3A_536 : vector<16xi1>, vector<16xf32>
        %swap3A_538 = arith.constant 0 : i32
        %swap3A_539 = arith.index_cast %swap3A_538 : i32 to index
        %swap3A_540 = arith.index_cast %scan3A_97 : i32 to index
        %swap3A_541 = arith.constant 64 : index
        %swap3A_542 = tpu.vector_load %arg9[%swap3A_539, %swap3A_540, %swap3A_541] {strides = array<i32>} : memref<2x16x256xf32, #tpu.memory_space<vmem>>, vector<1x1x16xf32>,
        %swap3A_543 = vector.shape_cast %swap3A_542 : vector<1x1x16xf32> to vector<16xf32>
        %swap3A_544 = vector.shape_cast %select_n3A_537 : vector<16xf32> to vector<1x1x16xf32>
        tpu.vector_store %arg9[%swap3A_539, %swap3A_540, %swap3A_541], %swap3A_544 {strides = array<i32>} : memref<2x16x256xf32, #tpu.memory_space<vmem>>, vector<1x1x16xf32>,
        %get3A_545 = arith.constant 0 : i32
        %get3A_546 = arith.index_cast %get3A_545 : i32 to index
        %get3A_547 = arith.index_cast %mul3A_99 : i32 to index
        %get3A_548 = arith.constant 80 : index
        %get3A_549 = tpu.vector_load %arg7[%get3A_546, %get3A_547, %get3A_548] {strides = array<i32>} : memref<2x128x256xf32, #tpu.memory_space<vmem>>, vector<1x1x16xf32>,
        %get3A_550 = vector.shape_cast %get3A_549 : vector<1x1x16xf32> to vector<16xf32>
        %add3A_551 = arith.constant 1 : i32
        %add3A_552 = arith.addi %mul3A_99, %add3A_551 : i32
        %get3A_553 = arith.constant 0 : i32
        %get3A_554 = arith.index_cast %get3A_553 : i32 to index
        %get3A_555 = arith.index_cast %add3A_552 : i32 to index
        %get3A_556 = arith.constant 80 : index
        %get3A_557 = tpu.vector_load %arg7[%get3A_554, %get3A_555, %get3A_556] {strides = array<i32>} : memref<2x128x256xf32, #tpu.memory_space<vmem>>, vector<1x1x16xf32>,
        %get3A_558 = vector.shape_cast %get3A_557 : vector<1x1x16xf32> to vector<16xf32>
        %max3A_559 = arith.maximumf %get3A_550, %get3A_558 : vector<16xf32>
        %add3A_560 = arith.constant 2 : i32
        %add3A_561 = arith.addi %mul3A_99, %add3A_560 : i32
        %get3A_562 = arith.constant 0 : i32
        %get3A_563 = arith.index_cast %get3A_562 : i32 to index
        %get3A_564 = arith.index_cast %add3A_561 : i32 to index
        %get3A_565 = arith.constant 80 : index
        %get3A_566 = tpu.vector_load %arg7[%get3A_563, %get3A_564, %get3A_565] {strides = array<i32>} : memref<2x128x256xf32, #tpu.memory_space<vmem>>, vector<1x1x16xf32>,
        %get3A_567 = vector.shape_cast %get3A_566 : vector<1x1x16xf32> to vector<16xf32>
        %max3A_568 = arith.maximumf %max3A_559, %get3A_567 : vector<16xf32>
        %add3A_569 = arith.constant 3 : i32
        %add3A_570 = arith.addi %mul3A_99, %add3A_569 : i32
        %get3A_571 = arith.constant 0 : i32
        %get3A_572 = arith.index_cast %get3A_571 : i32 to index
        %get3A_573 = arith.index_cast %add3A_570 : i32 to index
        %get3A_574 = arith.constant 80 : index
        %get3A_575 = tpu.vector_load %arg7[%get3A_572, %get3A_573, %get3A_574] {strides = array<i32>} : memref<2x128x256xf32, #tpu.memory_space<vmem>>, vector<1x1x16xf32>,
        %get3A_576 = vector.shape_cast %get3A_575 : vector<1x1x16xf32> to vector<16xf32>
        %max3A_577 = arith.maximumf %max3A_568, %get3A_576 : vector<16xf32>
        %add3A_578 = arith.constant 4 : i32
        %add3A_579 = arith.addi %mul3A_99, %add3A_578 : i32
        %get3A_580 = arith.constant 0 : i32
        %get3A_581 = arith.index_cast %get3A_580 : i32 to index
        %get3A_582 = arith.index_cast %add3A_579 : i32 to index
        %get3A_583 = arith.constant 80 : index
        %get3A_584 = tpu.vector_load %arg7[%get3A_581, %get3A_582, %get3A_583] {strides = array<i32>} : memref<2x128x256xf32, #tpu.memory_space<vmem>>, vector<1x1x16xf32>,
        %get3A_585 = vector.shape_cast %get3A_584 : vector<1x1x16xf32> to vector<16xf32>
        %max3A_586 = arith.maximumf %max3A_577, %get3A_585 : vector<16xf32>
        %add3A_587 = arith.constant 5 : i32
        %add3A_588 = arith.addi %mul3A_99, %add3A_587 : i32
        %get3A_589 = arith.constant 0 : i32
        %get3A_590 = arith.index_cast %get3A_589 : i32 to index
        %get3A_591 = arith.index_cast %add3A_588 : i32 to index
        %get3A_592 = arith.constant 80 : index
        %get3A_593 = tpu.vector_load %arg7[%get3A_590, %get3A_591, %get3A_592] {strides = array<i32>} : memref<2x128x256xf32, #tpu.memory_space<vmem>>, vector<1x1x16xf32>,
        %get3A_594 = vector.shape_cast %get3A_593 : vector<1x1x16xf32> to vector<16xf32>
        %max3A_595 = arith.maximumf %max3A_586, %get3A_594 : vector<16xf32>
        %add3A_596 = arith.constant 6 : i32
        %add3A_597 = arith.addi %mul3A_99, %add3A_596 : i32
        %get3A_598 = arith.constant 0 : i32
        %get3A_599 = arith.index_cast %get3A_598 : i32 to index
        %get3A_600 = arith.index_cast %add3A_597 : i32 to index
        %get3A_601 = arith.constant 80 : index
        %get3A_602 = tpu.vector_load %arg7[%get3A_599, %get3A_600, %get3A_601] {strides = array<i32>} : memref<2x128x256xf32, #tpu.memory_space<vmem>>, vector<1x1x16xf32>,
        %get3A_603 = vector.shape_cast %get3A_602 : vector<1x1x16xf32> to vector<16xf32>
        %max3A_604 = arith.maximumf %max3A_595, %get3A_603 : vector<16xf32>
        %add3A_605 = arith.constant 7 : i32
        %add3A_606 = arith.addi %mul3A_99, %add3A_605 : i32
        %get3A_607 = arith.constant 0 : i32
        %get3A_608 = arith.index_cast %get3A_607 : i32 to index
        %get3A_609 = arith.index_cast %add3A_606 : i32 to index
        %get3A_610 = arith.constant 80 : index
        %get3A_611 = tpu.vector_load %arg7[%get3A_608, %get3A_609, %get3A_610] {strides = array<i32>} : memref<2x128x256xf32, #tpu.memory_space<vmem>>, vector<1x1x16xf32>,
        %get3A_612 = vector.shape_cast %get3A_611 : vector<1x1x16xf32> to vector<16xf32>
        %max3A_613 = arith.maximumf %max3A_604, %get3A_612 : vector<16xf32>
        %get3A_614 = arith.constant 0 : i32
        %get3A_615 = arith.index_cast %get3A_614 : i32 to index
        %get3A_616 = arith.index_cast %scan3A_97 : i32 to index
        %get3A_617 = arith.constant 80 : index
        %get3A_618 = tpu.vector_load %arg8[%get3A_615, %get3A_616, %get3A_617] {strides = array<i32>} : memref<2x16x256xf32, #tpu.memory_space<vmem>>, vector<1x1x16xf32>,
        %get3A_619 = vector.shape_cast %get3A_618 : vector<1x1x16xf32> to vector<16xf32>
        %add3A_620 = arith.addf %max3A_613, %get3A_619 : vector<16xf32>
        %ge3A_621 = arith.constant 0.000000e+00 : f32
        %ge3A_622 = vector.broadcast %ge3A_621 : f32 to vector<16xf32>
        %ge3A_623 = arith.cmpf oge, %add3A_620, %ge3A_622 : vector<16xf32>
        %mul3A_624 = arith.constant 2.000000e-01 : f32
        %mul3A_625 = vector.broadcast %mul3A_624 : f32 to vector<16xf32>
        %mul3A_626 = arith.mulf %mul3A_625, %add3A_620 : vector<16xf32>
        %select_n3A_627 = arith.select %ge3A_623, %add3A_620, %mul3A_626 : vector<16xi1>, vector<16xf32>
        %swap3A_628 = arith.constant 0 : i32
        %swap3A_629 = arith.index_cast %swap3A_628 : i32 to index
        %swap3A_630 = arith.index_cast %scan3A_97 : i32 to index
        %swap3A_631 = arith.constant 80 : index
        %swap3A_632 = tpu.vector_load %arg9[%swap3A_629, %swap3A_630, %swap3A_631] {strides = array<i32>} : memref<2x16x256xf32, #tpu.memory_space<vmem>>, vector<1x1x16xf32>,
        %swap3A_633 = vector.shape_cast %swap3A_632 : vector<1x1x16xf32> to vector<16xf32>
        %swap3A_634 = vector.shape_cast %select_n3A_627 : vector<16xf32> to vector<1x1x16xf32>
        tpu.vector_store %arg9[%swap3A_629, %swap3A_630, %swap3A_631], %swap3A_634 {strides = array<i32>} : memref<2x16x256xf32, #tpu.memory_space<vmem>>, vector<1x1x16xf32>,
        %get3A_635 = arith.constant 0 : i32
        %get3A_636 = arith.index_cast %get3A_635 : i32 to index
        %get3A_637 = arith.index_cast %mul3A_99 : i32 to index
        %get3A_638 = arith.constant 96 : index
        %get3A_639 = tpu.vector_load %arg7[%get3A_636, %get3A_637, %get3A_638] {strides = array<i32>} : memref<2x128x256xf32, #tpu.memory_space<vmem>>, vector<1x1x16xf32>,
        %get3A_640 = vector.shape_cast %get3A_639 : vector<1x1x16xf32> to vector<16xf32>
        %add3A_641 = arith.constant 1 : i32
        %add3A_642 = arith.addi %mul3A_99, %add3A_641 : i32
        %get3A_643 = arith.constant 0 : i32
        %get3A_644 = arith.index_cast %get3A_643 : i32 to index
        %get3A_645 = arith.index_cast %add3A_642 : i32 to index
        %get3A_646 = arith.constant 96 : index
        %get3A_647 = tpu.vector_load %arg7[%get3A_644, %get3A_645, %get3A_646] {strides = array<i32>} : memref<2x128x256xf32, #tpu.memory_space<vmem>>, vector<1x1x16xf32>,
        %get3A_648 = vector.shape_cast %get3A_647 : vector<1x1x16xf32> to vector<16xf32>
        %max3A_649 = arith.maximumf %get3A_640, %get3A_648 : vector<16xf32>
        %add3A_650 = arith.constant 2 : i32
        %add3A_651 = arith.addi %mul3A_99, %add3A_650 : i32
        %get3A_652 = arith.constant 0 : i32
        %get3A_653 = arith.index_cast %get3A_652 : i32 to index
        %get3A_654 = arith.index_cast %add3A_651 : i32 to index
        %get3A_655 = arith.constant 96 : index
        %get3A_656 = tpu.vector_load %arg7[%get3A_653, %get3A_654, %get3A_655] {strides = array<i32>} : memref<2x128x256xf32, #tpu.memory_space<vmem>>, vector<1x1x16xf32>,
        %get3A_657 = vector.shape_cast %get3A_656 : vector<1x1x16xf32> to vector<16xf32>
        %max3A_658 = arith.maximumf %max3A_649, %get3A_657 : vector<16xf32>
        %add3A_659 = arith.constant 3 : i32
        %add3A_660 = arith.addi %mul3A_99, %add3A_659 : i32
        %get3A_661 = arith.constant 0 : i32
        %get3A_662 = arith.index_cast %get3A_661 : i32 to index
        %get3A_663 = arith.index_cast %add3A_660 : i32 to index
        %get3A_664 = arith.constant 96 : index
        %get3A_665 = tpu.vector_load %arg7[%get3A_662, %get3A_663, %get3A_664] {strides = array<i32>} : memref<2x128x256xf32, #tpu.memory_space<vmem>>, vector<1x1x16xf32>,
        %get3A_666 = vector.shape_cast %get3A_665 : vector<1x1x16xf32> to vector<16xf32>
        %max3A_667 = arith.maximumf %max3A_658, %get3A_666 : vector<16xf32>
        %add3A_668 = arith.constant 4 : i32
        %add3A_669 = arith.addi %mul3A_99, %add3A_668 : i32
        %get3A_670 = arith.constant 0 : i32
        %get3A_671 = arith.index_cast %get3A_670 : i32 to index
        %get3A_672 = arith.index_cast %add3A_669 : i32 to index
        %get3A_673 = arith.constant 96 : index
        %get3A_674 = tpu.vector_load %arg7[%get3A_671, %get3A_672, %get3A_673] {strides = array<i32>} : memref<2x128x256xf32, #tpu.memory_space<vmem>>, vector<1x1x16xf32>,
        %get3A_675 = vector.shape_cast %get3A_674 : vector<1x1x16xf32> to vector<16xf32>
        %max3A_676 = arith.maximumf %max3A_667, %get3A_675 : vector<16xf32>
        %add3A_677 = arith.constant 5 : i32
        %add3A_678 = arith.addi %mul3A_99, %add3A_677 : i32
        %get3A_679 = arith.constant 0 : i32
        %get3A_680 = arith.index_cast %get3A_679 : i32 to index
        %get3A_681 = arith.index_cast %add3A_678 : i32 to index
        %get3A_682 = arith.constant 96 : index
        %get3A_683 = tpu.vector_load %arg7[%get3A_680, %get3A_681, %get3A_682] {strides = array<i32>} : memref<2x128x256xf32, #tpu.memory_space<vmem>>, vector<1x1x16xf32>,
        %get3A_684 = vector.shape_cast %get3A_683 : vector<1x1x16xf32> to vector<16xf32>
        %max3A_685 = arith.maximumf %max3A_676, %get3A_684 : vector<16xf32>
        %add3A_686 = arith.constant 6 : i32
        %add3A_687 = arith.addi %mul3A_99, %add3A_686 : i32
        %get3A_688 = arith.constant 0 : i32
        %get3A_689 = arith.index_cast %get3A_688 : i32 to index
        %get3A_690 = arith.index_cast %add3A_687 : i32 to index
        %get3A_691 = arith.constant 96 : index
        %get3A_692 = tpu.vector_load %arg7[%get3A_689, %get3A_690, %get3A_691] {strides = array<i32>} : memref<2x128x256xf32, #tpu.memory_space<vmem>>, vector<1x1x16xf32>,
        %get3A_693 = vector.shape_cast %get3A_692 : vector<1x1x16xf32> to vector<16xf32>
        %max3A_694 = arith.maximumf %max3A_685, %get3A_693 : vector<16xf32>
        %add3A_695 = arith.constant 7 : i32
        %add3A_696 = arith.addi %mul3A_99, %add3A_695 : i32
        %get3A_697 = arith.constant 0 : i32
        %get3A_698 = arith.index_cast %get3A_697 : i32 to index
        %get3A_699 = arith.index_cast %add3A_696 : i32 to index
        %get3A_700 = arith.constant 96 : index
        %get3A_701 = tpu.vector_load %arg7[%get3A_698, %get3A_699, %get3A_700] {strides = array<i32>} : memref<2x128x256xf32, #tpu.memory_space<vmem>>, vector<1x1x16xf32>,
        %get3A_702 = vector.shape_cast %get3A_701 : vector<1x1x16xf32> to vector<16xf32>
        %max3A_703 = arith.maximumf %max3A_694, %get3A_702 : vector<16xf32>
        %get3A_704 = arith.constant 0 : i32
        %get3A_705 = arith.index_cast %get3A_704 : i32 to index
        %get3A_706 = arith.index_cast %scan3A_97 : i32 to index
        %get3A_707 = arith.constant 96 : index
        %get3A_708 = tpu.vector_load %arg8[%get3A_705, %get3A_706, %get3A_707] {strides = array<i32>} : memref<2x16x256xf32, #tpu.memory_space<vmem>>, vector<1x1x16xf32>,
        %get3A_709 = vector.shape_cast %get3A_708 : vector<1x1x16xf32> to vector<16xf32>
        %add3A_710 = arith.addf %max3A_703, %get3A_709 : vector<16xf32>
        %ge3A_711 = arith.constant 0.000000e+00 : f32
        %ge3A_712 = vector.broadcast %ge3A_711 : f32 to vector<16xf32>
        %ge3A_713 = arith.cmpf oge, %add3A_710, %ge3A_712 : vector<16xf32>
        %mul3A_714 = arith.constant 2.000000e-01 : f32
        %mul3A_715 = vector.broadcast %mul3A_714 : f32 to vector<16xf32>
        %mul3A_716 = arith.mulf %mul3A_715, %add3A_710 : vector<16xf32>
        %select_n3A_717 = arith.select %ge3A_713, %add3A_710, %mul3A_716 : vector<16xi1>, vector<16xf32>
        %swap3A_718 = arith.constant 0 : i32
        %swap3A_719 = arith.index_cast %swap3A_718 : i32 to index
        %swap3A_720 = arith.index_cast %scan3A_97 : i32 to index
        %swap3A_721 = arith.constant 96 : index
        %swap3A_722 = tpu.vector_load %arg9[%swap3A_719, %swap3A_720, %swap3A_721] {strides = array<i32>} : memref<2x16x256xf32, #tpu.memory_space<vmem>>, vector<1x1x16xf32>,
        %swap3A_723 = vector.shape_cast %swap3A_722 : vector<1x1x16xf32> to vector<16xf32>
        %swap3A_724 = vector.shape_cast %select_n3A_717 : vector<16xf32> to vector<1x1x16xf32>
        tpu.vector_store %arg9[%swap3A_719, %swap3A_720, %swap3A_721], %swap3A_724 {strides = array<i32>} : memref<2x16x256xf32, #tpu.memory_space<vmem>>, vector<1x1x16xf32>,
        %get3A_725 = arith.constant 0 : i32
        %get3A_726 = arith.index_cast %get3A_725 : i32 to index
        %get3A_727 = arith.index_cast %mul3A_99 : i32 to index
        %get3A_728 = arith.constant 112 : index
        %get3A_729 = tpu.vector_load %arg7[%get3A_726, %get3A_727, %get3A_728] {strides = array<i32>} : memref<2x128x256xf32, #tpu.memory_space<vmem>>, vector<1x1x16xf32>,
        %get3A_730 = vector.shape_cast %get3A_729 : vector<1x1x16xf32> to vector<16xf32>
        %add3A_731 = arith.constant 1 : i32
        %add3A_732 = arith.addi %mul3A_99, %add3A_731 : i32
        %get3A_733 = arith.constant 0 : i32
        %get3A_734 = arith.index_cast %get3A_733 : i32 to index
        %get3A_735 = arith.index_cast %add3A_732 : i32 to index
        %get3A_736 = arith.constant 112 : index
        %get3A_737 = tpu.vector_load %arg7[%get3A_734, %get3A_735, %get3A_736] {strides = array<i32>} : memref<2x128x256xf32, #tpu.memory_space<vmem>>, vector<1x1x16xf32>,
        %get3A_738 = vector.shape_cast %get3A_737 : vector<1x1x16xf32> to vector<16xf32>
        %max3A_739 = arith.maximumf %get3A_730, %get3A_738 : vector<16xf32>
        %add3A_740 = arith.constant 2 : i32
        %add3A_741 = arith.addi %mul3A_99, %add3A_740 : i32
        %get3A_742 = arith.constant 0 : i32
        %get3A_743 = arith.index_cast %get3A_742 : i32 to index
        %get3A_744 = arith.index_cast %add3A_741 : i32 to index
        %get3A_745 = arith.constant 112 : index
        %get3A_746 = tpu.vector_load %arg7[%get3A_743, %get3A_744, %get3A_745] {strides = array<i32>} : memref<2x128x256xf32, #tpu.memory_space<vmem>>, vector<1x1x16xf32>,
        %get3A_747 = vector.shape_cast %get3A_746 : vector<1x1x16xf32> to vector<16xf32>
        %max3A_748 = arith.maximumf %max3A_739, %get3A_747 : vector<16xf32>
        %add3A_749 = arith.constant 3 : i32
        %add3A_750 = arith.addi %mul3A_99, %add3A_749 : i32
        %get3A_751 = arith.constant 0 : i32
        %get3A_752 = arith.index_cast %get3A_751 : i32 to index
        %get3A_753 = arith.index_cast %add3A_750 : i32 to index
        %get3A_754 = arith.constant 112 : index
        %get3A_755 = tpu.vector_load %arg7[%get3A_752, %get3A_753, %get3A_754] {strides = array<i32>} : memref<2x128x256xf32, #tpu.memory_space<vmem>>, vector<1x1x16xf32>,
        %get3A_756 = vector.shape_cast %get3A_755 : vector<1x1x16xf32> to vector<16xf32>
        %max3A_757 = arith.maximumf %max3A_748, %get3A_756 : vector<16xf32>
        %add3A_758 = arith.constant 4 : i32
        %add3A_759 = arith.addi %mul3A_99, %add3A_758 : i32
        %get3A_760 = arith.constant 0 : i32
        %get3A_761 = arith.index_cast %get3A_760 : i32 to index
        %get3A_762 = arith.index_cast %add3A_759 : i32 to index
        %get3A_763 = arith.constant 112 : index
        %get3A_764 = tpu.vector_load %arg7[%get3A_761, %get3A_762, %get3A_763] {strides = array<i32>} : memref<2x128x256xf32, #tpu.memory_space<vmem>>, vector<1x1x16xf32>,
        %get3A_765 = vector.shape_cast %get3A_764 : vector<1x1x16xf32> to vector<16xf32>
        %max3A_766 = arith.maximumf %max3A_757, %get3A_765 : vector<16xf32>
        %add3A_767 = arith.constant 5 : i32
        %add3A_768 = arith.addi %mul3A_99, %add3A_767 : i32
        %get3A_769 = arith.constant 0 : i32
        %get3A_770 = arith.index_cast %get3A_769 : i32 to index
        %get3A_771 = arith.index_cast %add3A_768 : i32 to index
        %get3A_772 = arith.constant 112 : index
        %get3A_773 = tpu.vector_load %arg7[%get3A_770, %get3A_771, %get3A_772] {strides = array<i32>} : memref<2x128x256xf32, #tpu.memory_space<vmem>>, vector<1x1x16xf32>,
        %get3A_774 = vector.shape_cast %get3A_773 : vector<1x1x16xf32> to vector<16xf32>
        %max3A_775 = arith.maximumf %max3A_766, %get3A_774 : vector<16xf32>
        %add3A_776 = arith.constant 6 : i32
        %add3A_777 = arith.addi %mul3A_99, %add3A_776 : i32
        %get3A_778 = arith.constant 0 : i32
        %get3A_779 = arith.index_cast %get3A_778 : i32 to index
        %get3A_780 = arith.index_cast %add3A_777 : i32 to index
        %get3A_781 = arith.constant 112 : index
        %get3A_782 = tpu.vector_load %arg7[%get3A_779, %get3A_780, %get3A_781] {strides = array<i32>} : memref<2x128x256xf32, #tpu.memory_space<vmem>>, vector<1x1x16xf32>,
        %get3A_783 = vector.shape_cast %get3A_782 : vector<1x1x16xf32> to vector<16xf32>
        %max3A_784 = arith.maximumf %max3A_775, %get3A_783 : vector<16xf32>
        %add3A_785 = arith.constant 7 : i32
        %add3A_786 = arith.addi %mul3A_99, %add3A_785 : i32
        %get3A_787 = arith.constant 0 : i32
        %get3A_788 = arith.index_cast %get3A_787 : i32 to index
        %get3A_789 = arith.index_cast %add3A_786 : i32 to index
        %get3A_790 = arith.constant 112 : index
        %get3A_791 = tpu.vector_load %arg7[%get3A_788, %get3A_789, %get3A_790] {strides = array<i32>} : memref<2x128x256xf32, #tpu.memory_space<vmem>>, vector<1x1x16xf32>,
        %get3A_792 = vector.shape_cast %get3A_791 : vector<1x1x16xf32> to vector<16xf32>
        %max3A_793 = arith.maximumf %max3A_784, %get3A_792 : vector<16xf32>
        %get3A_794 = arith.constant 0 : i32
        %get3A_795 = arith.index_cast %get3A_794 : i32 to index
        %get3A_796 = arith.index_cast %scan3A_97 : i32 to index
        %get3A_797 = arith.constant 112 : index
        %get3A_798 = tpu.vector_load %arg8[%get3A_795, %get3A_796, %get3A_797] {strides = array<i32>} : memref<2x16x256xf32, #tpu.memory_space<vmem>>, vector<1x1x16xf32>,
        %get3A_799 = vector.shape_cast %get3A_798 : vector<1x1x16xf32> to vector<16xf32>
        %add3A_800 = arith.addf %max3A_793, %get3A_799 : vector<16xf32>
        %ge3A_801 = arith.constant 0.000000e+00 : f32
        %ge3A_802 = vector.broadcast %ge3A_801 : f32 to vector<16xf32>
        %ge3A_803 = arith.cmpf oge, %add3A_800, %ge3A_802 : vector<16xf32>
        %mul3A_804 = arith.constant 2.000000e-01 : f32
        %mul3A_805 = vector.broadcast %mul3A_804 : f32 to vector<16xf32>
        %mul3A_806 = arith.mulf %mul3A_805, %add3A_800 : vector<16xf32>
        %select_n3A_807 = arith.select %ge3A_803, %add3A_800, %mul3A_806 : vector<16xi1>, vector<16xf32>
        %swap3A_808 = arith.constant 0 : i32
        %swap3A_809 = arith.index_cast %swap3A_808 : i32 to index
        %swap3A_810 = arith.index_cast %scan3A_97 : i32 to index
        %swap3A_811 = arith.constant 112 : index
        %swap3A_812 = tpu.vector_load %arg9[%swap3A_809, %swap3A_810, %swap3A_811] {strides = array<i32>} : memref<2x16x256xf32, #tpu.memory_space<vmem>>, vector<1x1x16xf32>,
        %swap3A_813 = vector.shape_cast %swap3A_812 : vector<1x1x16xf32> to vector<16xf32>
        %swap3A_814 = vector.shape_cast %select_n3A_807 : vector<16xf32> to vector<1x1x16xf32>
        tpu.vector_store %arg9[%swap3A_809, %swap3A_810, %swap3A_811], %swap3A_814 {strides = array<i32>} : memref<2x16x256xf32, #tpu.memory_space<vmem>>, vector<1x1x16xf32>,
        %get3A_815 = arith.constant 0 : i32
        %get3A_816 = arith.index_cast %get3A_815 : i32 to index
        %get3A_817 = arith.index_cast %mul3A_99 : i32 to index
        %get3A_818 = arith.constant 128 : index
        %get3A_819 = tpu.vector_load %arg7[%get3A_816, %get3A_817, %get3A_818] {strides = array<i32>} : memref<2x128x256xf32, #tpu.memory_space<vmem>>, vector<1x1x16xf32>,
        %get3A_820 = vector.shape_cast %get3A_819 : vector<1x1x16xf32> to vector<16xf32>
        %add3A_821 = arith.constant 1 : i32
        %add3A_822 = arith.addi %mul3A_99, %add3A_821 : i32
        %get3A_823 = arith.constant 0 : i32
        %get3A_824 = arith.index_cast %get3A_823 : i32 to index
        %get3A_825 = arith.index_cast %add3A_822 : i32 to index
        %get3A_826 = arith.constant 128 : index
        %get3A_827 = tpu.vector_load %arg7[%get3A_824, %get3A_825, %get3A_826] {strides = array<i32>} : memref<2x128x256xf32, #tpu.memory_space<vmem>>, vector<1x1x16xf32>,
        %get3A_828 = vector.shape_cast %get3A_827 : vector<1x1x16xf32> to vector<16xf32>
        %max3A_829 = arith.maximumf %get3A_820, %get3A_828 : vector<16xf32>
        %add3A_830 = arith.constant 2 : i32
        %add3A_831 = arith.addi %mul3A_99, %add3A_830 : i32
        %get3A_832 = arith.constant 0 : i32
        %get3A_833 = arith.index_cast %get3A_832 : i32 to index
        %get3A_834 = arith.index_cast %add3A_831 : i32 to index
        %get3A_835 = arith.constant 128 : index
        %get3A_836 = tpu.vector_load %arg7[%get3A_833, %get3A_834, %get3A_835] {strides = array<i32>} : memref<2x128x256xf32, #tpu.memory_space<vmem>>, vector<1x1x16xf32>,
        %get3A_837 = vector.shape_cast %get3A_836 : vector<1x1x16xf32> to vector<16xf32>
        %max3A_838 = arith.maximumf %max3A_829, %get3A_837 : vector<16xf32>
        %add3A_839 = arith.constant 3 : i32
        %add3A_840 = arith.addi %mul3A_99, %add3A_839 : i32
        %get3A_841 = arith.constant 0 : i32
        %get3A_842 = arith.index_cast %get3A_841 : i32 to index
        %get3A_843 = arith.index_cast %add3A_840 : i32 to index
        %get3A_844 = arith.constant 128 : index
        %get3A_845 = tpu.vector_load %arg7[%get3A_842, %get3A_843, %get3A_844] {strides = array<i32>} : memref<2x128x256xf32, #tpu.memory_space<vmem>>, vector<1x1x16xf32>,
        %get3A_846 = vector.shape_cast %get3A_845 : vector<1x1x16xf32> to vector<16xf32>
        %max3A_847 = arith.maximumf %max3A_838, %get3A_846 : vector<16xf32>
        %add3A_848 = arith.constant 4 : i32
        %add3A_849 = arith.addi %mul3A_99, %add3A_848 : i32
        %get3A_850 = arith.constant 0 : i32
        %get3A_851 = arith.index_cast %get3A_850 : i32 to index
        %get3A_852 = arith.index_cast %add3A_849 : i32 to index
        %get3A_853 = arith.constant 128 : index
        %get3A_854 = tpu.vector_load %arg7[%get3A_851, %get3A_852, %get3A_853] {strides = array<i32>} : memref<2x128x256xf32, #tpu.memory_space<vmem>>, vector<1x1x16xf32>,
        %get3A_855 = vector.shape_cast %get3A_854 : vector<1x1x16xf32> to vector<16xf32>
        %max3A_856 = arith.maximumf %max3A_847, %get3A_855 : vector<16xf32>
        %add3A_857 = arith.constant 5 : i32
        %add3A_858 = arith.addi %mul3A_99, %add3A_857 : i32
        %get3A_859 = arith.constant 0 : i32
        %get3A_860 = arith.index_cast %get3A_859 : i32 to index
        %get3A_861 = arith.index_cast %add3A_858 : i32 to index
        %get3A_862 = arith.constant 128 : index
        %get3A_863 = tpu.vector_load %arg7[%get3A_860, %get3A_861, %get3A_862] {strides = array<i32>} : memref<2x128x256xf32, #tpu.memory_space<vmem>>, vector<1x1x16xf32>,
        %get3A_864 = vector.shape_cast %get3A_863 : vector<1x1x16xf32> to vector<16xf32>
        %max3A_865 = arith.maximumf %max3A_856, %get3A_864 : vector<16xf32>
        %add3A_866 = arith.constant 6 : i32
        %add3A_867 = arith.addi %mul3A_99, %add3A_866 : i32
        %get3A_868 = arith.constant 0 : i32
        %get3A_869 = arith.index_cast %get3A_868 : i32 to index
        %get3A_870 = arith.index_cast %add3A_867 : i32 to index
        %get3A_871 = arith.constant 128 : index
        %get3A_872 = tpu.vector_load %arg7[%get3A_869, %get3A_870, %get3A_871] {strides = array<i32>} : memref<2x128x256xf32, #tpu.memory_space<vmem>>, vector<1x1x16xf32>,
        %get3A_873 = vector.shape_cast %get3A_872 : vector<1x1x16xf32> to vector<16xf32>
        %max3A_874 = arith.maximumf %max3A_865, %get3A_873 : vector<16xf32>
        %add3A_875 = arith.constant 7 : i32
        %add3A_876 = arith.addi %mul3A_99, %add3A_875 : i32
        %get3A_877 = arith.constant 0 : i32
        %get3A_878 = arith.index_cast %get3A_877 : i32 to index
        %get3A_879 = arith.index_cast %add3A_876 : i32 to index
        %get3A_880 = arith.constant 128 : index
        %get3A_881 = tpu.vector_load %arg7[%get3A_878, %get3A_879, %get3A_880] {strides = array<i32>} : memref<2x128x256xf32, #tpu.memory_space<vmem>>, vector<1x1x16xf32>,
        %get3A_882 = vector.shape_cast %get3A_881 : vector<1x1x16xf32> to vector<16xf32>
        %max3A_883 = arith.maximumf %max3A_874, %get3A_882 : vector<16xf32>
        %get3A_884 = arith.constant 0 : i32
        %get3A_885 = arith.index_cast %get3A_884 : i32 to index
        %get3A_886 = arith.index_cast %scan3A_97 : i32 to index
        %get3A_887 = arith.constant 128 : index
        %get3A_888 = tpu.vector_load %arg8[%get3A_885, %get3A_886, %get3A_887] {strides = array<i32>} : memref<2x16x256xf32, #tpu.memory_space<vmem>>, vector<1x1x16xf32>,
        %get3A_889 = vector.shape_cast %get3A_888 : vector<1x1x16xf32> to vector<16xf32>
        %add3A_890 = arith.addf %max3A_883, %get3A_889 : vector<16xf32>
        %ge3A_891 = arith.constant 0.000000e+00 : f32
        %ge3A_892 = vector.broadcast %ge3A_891 : f32 to vector<16xf32>
        %ge3A_893 = arith.cmpf oge, %add3A_890, %ge3A_892 : vector<16xf32>
        %mul3A_894 = arith.constant 2.000000e-01 : f32
        %mul3A_895 = vector.broadcast %mul3A_894 : f32 to vector<16xf32>
        %mul3A_896 = arith.mulf %mul3A_895, %add3A_890 : vector<16xf32>
        %select_n3A_897 = arith.select %ge3A_893, %add3A_890, %mul3A_896 : vector<16xi1>, vector<16xf32>
        %swap3A_898 = arith.constant 0 : i32
        %swap3A_899 = arith.index_cast %swap3A_898 : i32 to index
        %swap3A_900 = arith.index_cast %scan3A_97 : i32 to index
        %swap3A_901 = arith.constant 128 : index
        %swap3A_902 = tpu.vector_load %arg9[%swap3A_899, %swap3A_900, %swap3A_901] {strides = array<i32>} : memref<2x16x256xf32, #tpu.memory_space<vmem>>, vector<1x1x16xf32>,
        %swap3A_903 = vector.shape_cast %swap3A_902 : vector<1x1x16xf32> to vector<16xf32>
        %swap3A_904 = vector.shape_cast %select_n3A_897 : vector<16xf32> to vector<1x1x16xf32>
        tpu.vector_store %arg9[%swap3A_899, %swap3A_900, %swap3A_901], %swap3A_904 {strides = array<i32>} : memref<2x16x256xf32, #tpu.memory_space<vmem>>, vector<1x1x16xf32>,
        %get3A_905 = arith.constant 0 : i32
        %get3A_906 = arith.index_cast %get3A_905 : i32 to index
        %get3A_907 = arith.index_cast %mul3A_99 : i32 to index
        %get3A_908 = arith.constant 144 : index
        %get3A_909 = tpu.vector_load %arg7[%get3A_906, %get3A_907, %get3A_908] {strides = array<i32>} : memref<2x128x256xf32, #tpu.memory_space<vmem>>, vector<1x1x16xf32>,
        %get3A_910 = vector.shape_cast %get3A_909 : vector<1x1x16xf32> to vector<16xf32>
        %add3A_911 = arith.constant 1 : i32
        %add3A_912 = arith.addi %mul3A_99, %add3A_911 : i32
        %get3A_913 = arith.constant 0 : i32
        %get3A_914 = arith.index_cast %get3A_913 : i32 to index
        %get3A_915 = arith.index_cast %add3A_912 : i32 to index
        %get3A_916 = arith.constant 144 : index
        %get3A_917 = tpu.vector_load %arg7[%get3A_914, %get3A_915, %get3A_916] {strides = array<i32>} : memref<2x128x256xf32, #tpu.memory_space<vmem>>, vector<1x1x16xf32>,
        %get3A_918 = vector.shape_cast %get3A_917 : vector<1x1x16xf32> to vector<16xf32>
        %max3A_919 = arith.maximumf %get3A_910, %get3A_918 : vector<16xf32>
        %add3A_920 = arith.constant 2 : i32
        %add3A_921 = arith.addi %mul3A_99, %add3A_920 : i32
        %get3A_922 = arith.constant 0 : i32
        %get3A_923 = arith.index_cast %get3A_922 : i32 to index
        %get3A_924 = arith.index_cast %add3A_921 : i32 to index
        %get3A_925 = arith.constant 144 : index
        %get3A_926 = tpu.vector_load %arg7[%get3A_923, %get3A_924, %get3A_925] {strides = array<i32>} : memref<2x128x256xf32, #tpu.memory_space<vmem>>, vector<1x1x16xf32>,
        %get3A_927 = vector.shape_cast %get3A_926 : vector<1x1x16xf32> to vector<16xf32>
        %max3A_928 = arith.maximumf %max3A_919, %get3A_927 : vector<16xf32>
        %add3A_929 = arith.constant 3 : i32
        %add3A_930 = arith.addi %mul3A_99, %add3A_929 : i32
        %get3A_931 = arith.constant 0 : i32
        %get3A_932 = arith.index_cast %get3A_931 : i32 to index
        %get3A_933 = arith.index_cast %add3A_930 : i32 to index
        %get3A_934 = arith.constant 144 : index
        %get3A_935 = tpu.vector_load %arg7[%get3A_932, %get3A_933, %get3A_934] {strides = array<i32>} : memref<2x128x256xf32, #tpu.memory_space<vmem>>, vector<1x1x16xf32>,
        %get3A_936 = vector.shape_cast %get3A_935 : vector<1x1x16xf32> to vector<16xf32>
        %max3A_937 = arith.maximumf %max3A_928, %get3A_936 : vector<16xf32>
        %add3A_938 = arith.constant 4 : i32
        %add3A_939 = arith.addi %mul3A_99, %add3A_938 : i32
        %get3A_940 = arith.constant 0 : i32
        %get3A_941 = arith.index_cast %get3A_940 : i32 to index
        %get3A_942 = arith.index_cast %add3A_939 : i32 to index
        %get3A_943 = arith.constant 144 : index
        %get3A_944 = tpu.vector_load %arg7[%get3A_941, %get3A_942, %get3A_943] {strides = array<i32>} : memref<2x128x256xf32, #tpu.memory_space<vmem>>, vector<1x1x16xf32>,
        %get3A_945 = vector.shape_cast %get3A_944 : vector<1x1x16xf32> to vector<16xf32>
        %max3A_946 = arith.maximumf %max3A_937, %get3A_945 : vector<16xf32>
        %add3A_947 = arith.constant 5 : i32
        %add3A_948 = arith.addi %mul3A_99, %add3A_947 : i32
        %get3A_949 = arith.constant 0 : i32
        %get3A_950 = arith.index_cast %get3A_949 : i32 to index
        %get3A_951 = arith.index_cast %add3A_948 : i32 to index
        %get3A_952 = arith.constant 144 : index
        %get3A_953 = tpu.vector_load %arg7[%get3A_950, %get3A_951, %get3A_952] {strides = array<i32>} : memref<2x128x256xf32, #tpu.memory_space<vmem>>, vector<1x1x16xf32>,
        %get3A_954 = vector.shape_cast %get3A_953 : vector<1x1x16xf32> to vector<16xf32>
        %max3A_955 = arith.maximumf %max3A_946, %get3A_954 : vector<16xf32>
        %add3A_956 = arith.constant 6 : i32
        %add3A_957 = arith.addi %mul3A_99, %add3A_956 : i32
        %get3A_958 = arith.constant 0 : i32
        %get3A_959 = arith.index_cast %get3A_958 : i32 to index
        %get3A_960 = arith.index_cast %add3A_957 : i32 to index
        %get3A_961 = arith.constant 144 : index
        %get3A_962 = tpu.vector_load %arg7[%get3A_959, %get3A_960, %get3A_961] {strides = array<i32>} : memref<2x128x256xf32, #tpu.memory_space<vmem>>, vector<1x1x16xf32>,
        %get3A_963 = vector.shape_cast %get3A_962 : vector<1x1x16xf32> to vector<16xf32>
        %max3A_964 = arith.maximumf %max3A_955, %get3A_963 : vector<16xf32>
        %add3A_965 = arith.constant 7 : i32
        %add3A_966 = arith.addi %mul3A_99, %add3A_965 : i32
        %get3A_967 = arith.constant 0 : i32
        %get3A_968 = arith.index_cast %get3A_967 : i32 to index
        %get3A_969 = arith.index_cast %add3A_966 : i32 to index
        %get3A_970 = arith.constant 144 : index
        %get3A_971 = tpu.vector_load %arg7[%get3A_968, %get3A_969, %get3A_970] {strides = array<i32>} : memref<2x128x256xf32, #tpu.memory_space<vmem>>, vector<1x1x16xf32>,
        %get3A_972 = vector.shape_cast %get3A_971 : vector<1x1x16xf32> to vector<16xf32>
        %max3A_973 = arith.maximumf %max3A_964, %get3A_972 : vector<16xf32>
        %get3A_974 = arith.constant 0 : i32
        %get3A_975 = arith.index_cast %get3A_974 : i32 to index
        %get3A_976 = arith.index_cast %scan3A_97 : i32 to index
        %get3A_977 = arith.constant 144 : index
        %get3A_978 = tpu.vector_load %arg8[%get3A_975, %get3A_976, %get3A_977] {strides = array<i32>} : memref<2x16x256xf32, #tpu.memory_space<vmem>>, vector<1x1x16xf32>,
        %get3A_979 = vector.shape_cast %get3A_978 : vector<1x1x16xf32> to vector<16xf32>
        %add3A_980 = arith.addf %max3A_973, %get3A_979 : vector<16xf32>
        %ge3A_981 = arith.constant 0.000000e+00 : f32
        %ge3A_982 = vector.broadcast %ge3A_981 : f32 to vector<16xf32>
        %ge3A_983 = arith.cmpf oge, %add3A_980, %ge3A_982 : vector<16xf32>
        %mul3A_984 = arith.constant 2.000000e-01 : f32
        %mul3A_985 = vector.broadcast %mul3A_984 : f32 to vector<16xf32>
        %mul3A_986 = arith.mulf %mul3A_985, %add3A_980 : vector<16xf32>
        %select_n3A_987 = arith.select %ge3A_983, %add3A_980, %mul3A_986 : vector<16xi1>, vector<16xf32>
        %swap3A_988 = arith.constant 0 : i32
        %swap3A_989 = arith.index_cast %swap3A_988 : i32 to index
        %swap3A_990 = arith.index_cast %scan3A_97 : i32 to index
        %swap3A_991 = arith.constant 144 : index
        %swap3A_992 = tpu.vector_load %arg9[%swap3A_989, %swap3A_990, %swap3A_991] {strides = array<i32>} : memref<2x16x256xf32, #tpu.memory_space<vmem>>, vector<1x1x16xf32>,
        %swap3A_993 = vector.shape_cast %swap3A_992 : vector<1x1x16xf32> to vector<16xf32>
        %swap3A_994 = vector.shape_cast %select_n3A_987 : vector<16xf32> to vector<1x1x16xf32>
        tpu.vector_store %arg9[%swap3A_989, %swap3A_990, %swap3A_991], %swap3A_994 {strides = array<i32>} : memref<2x16x256xf32, #tpu.memory_space<vmem>>, vector<1x1x16xf32>,
        %get3A_995 = arith.constant 0 : i32
        %get3A_996 = arith.index_cast %get3A_995 : i32 to index
        %get3A_997 = arith.index_cast %mul3A_99 : i32 to index
        %get3A_998 = arith.constant 160 : index
        %get3A_999 = tpu.vector_load %arg7[%get3A_996, %get3A_997, %get3A_998] {strides = array<i32>} : memref<2x128x256xf32, #tpu.memory_space<vmem>>, vector<1x1x16xf32>,
        %get3A_1000 = vector.shape_cast %get3A_999 : vector<1x1x16xf32> to vector<16xf32>
        %add3A_1001 = arith.constant 1 : i32
        %add3A_1002 = arith.addi %mul3A_99, %add3A_1001 : i32
        %get3A_1003 = arith.constant 0 : i32
        %get3A_1004 = arith.index_cast %get3A_1003 : i32 to index
        %get3A_1005 = arith.index_cast %add3A_1002 : i32 to index
        %get3A_1006 = arith.constant 160 : index
        %get3A_1007 = tpu.vector_load %arg7[%get3A_1004, %get3A_1005, %get3A_1006] {strides = array<i32>} : memref<2x128x256xf32, #tpu.memory_space<vmem>>, vector<1x1x16xf32>,
        %get3A_1008 = vector.shape_cast %get3A_1007 : vector<1x1x16xf32> to vector<16xf32>
        %max3A_1009 = arith.maximumf %get3A_1000, %get3A_1008 : vector<16xf32>
        %add3A_1010 = arith.constant 2 : i32
        %add3A_1011 = arith.addi %mul3A_99, %add3A_1010 : i32
        %get3A_1012 = arith.constant 0 : i32
        %get3A_1013 = arith.index_cast %get3A_1012 : i32 to index
        %get3A_1014 = arith.index_cast %add3A_1011 : i32 to index
        %get3A_1015 = arith.constant 160 : index
        %get3A_1016 = tpu.vector_load %arg7[%get3A_1013, %get3A_1014, %get3A_1015] {strides = array<i32>} : memref<2x128x256xf32, #tpu.memory_space<vmem>>, vector<1x1x16xf32>,
        %get3A_1017 = vector.shape_cast %get3A_1016 : vector<1x1x16xf32> to vector<16xf32>
        %max3A_1018 = arith.maximumf %max3A_1009, %get3A_1017 : vector<16xf32>
        %add3A_1019 = arith.constant 3 : i32
        %add3A_1020 = arith.addi %mul3A_99, %add3A_1019 : i32
        %get3A_1021 = arith.constant 0 : i32
        %get3A_1022 = arith.index_cast %get3A_1021 : i32 to index
        %get3A_1023 = arith.index_cast %add3A_1020 : i32 to index
        %get3A_1024 = arith.constant 160 : index
        %get3A_1025 = tpu.vector_load %arg7[%get3A_1022, %get3A_1023, %get3A_1024] {strides = array<i32>} : memref<2x128x256xf32, #tpu.memory_space<vmem>>, vector<1x1x16xf32>,
        %get3A_1026 = vector.shape_cast %get3A_1025 : vector<1x1x16xf32> to vector<16xf32>
        %max3A_1027 = arith.maximumf %max3A_1018, %get3A_1026 : vector<16xf32>
        %add3A_1028 = arith.constant 4 : i32
        %add3A_1029 = arith.addi %mul3A_99, %add3A_1028 : i32
        %get3A_1030 = arith.constant 0 : i32
        %get3A_1031 = arith.index_cast %get3A_1030 : i32 to index
        %get3A_1032 = arith.index_cast %add3A_1029 : i32 to index
        %get3A_1033 = arith.constant 160 : index
        %get3A_1034 = tpu.vector_load %arg7[%get3A_1031, %get3A_1032, %get3A_1033] {strides = array<i32>} : memref<2x128x256xf32, #tpu.memory_space<vmem>>, vector<1x1x16xf32>,
        %get3A_1035 = vector.shape_cast %get3A_1034 : vector<1x1x16xf32> to vector<16xf32>
        %max3A_1036 = arith.maximumf %max3A_1027, %get3A_1035 : vector<16xf32>
        %add3A_1037 = arith.constant 5 : i32
        %add3A_1038 = arith.addi %mul3A_99, %add3A_1037 : i32
        %get3A_1039 = arith.constant 0 : i32
        %get3A_1040 = arith.index_cast %get3A_1039 : i32 to index
        %get3A_1041 = arith.index_cast %add3A_1038 : i32 to index
        %get3A_1042 = arith.constant 160 : index
        %get3A_1043 = tpu.vector_load %arg7[%get3A_1040, %get3A_1041, %get3A_1042] {strides = array<i32>} : memref<2x128x256xf32, #tpu.memory_space<vmem>>, vector<1x1x16xf32>,
        %get3A_1044 = vector.shape_cast %get3A_1043 : vector<1x1x16xf32> to vector<16xf32>
        %max3A_1045 = arith.maximumf %max3A_1036, %get3A_1044 : vector<16xf32>
        %add3A_1046 = arith.constant 6 : i32
        %add3A_1047 = arith.addi %mul3A_99, %add3A_1046 : i32
        %get3A_1048 = arith.constant 0 : i32
        %get3A_1049 = arith.index_cast %get3A_1048 : i32 to index
        %get3A_1050 = arith.index_cast %add3A_1047 : i32 to index
        %get3A_1051 = arith.constant 160 : index
        %get3A_1052 = tpu.vector_load %arg7[%get3A_1049, %get3A_1050, %get3A_1051] {strides = array<i32>} : memref<2x128x256xf32, #tpu.memory_space<vmem>>, vector<1x1x16xf32>,
        %get3A_1053 = vector.shape_cast %get3A_1052 : vector<1x1x16xf32> to vector<16xf32>
        %max3A_1054 = arith.maximumf %max3A_1045, %get3A_1053 : vector<16xf32>
        %add3A_1055 = arith.constant 7 : i32
        %add3A_1056 = arith.addi %mul3A_99, %add3A_1055 : i32
        %get3A_1057 = arith.constant 0 : i32
        %get3A_1058 = arith.index_cast %get3A_1057 : i32 to index
        %get3A_1059 = arith.index_cast %add3A_1056 : i32 to index
        %get3A_1060 = arith.constant 160 : index
        %get3A_1061 = tpu.vector_load %arg7[%get3A_1058, %get3A_1059, %get3A_1060] {strides = array<i32>} : memref<2x128x256xf32, #tpu.memory_space<vmem>>, vector<1x1x16xf32>,
        %get3A_1062 = vector.shape_cast %get3A_1061 : vector<1x1x16xf32> to vector<16xf32>
        %max3A_1063 = arith.maximumf %max3A_1054, %get3A_1062 : vector<16xf32>
        %get3A_1064 = arith.constant 0 : i32
        %get3A_1065 = arith.index_cast %get3A_1064 : i32 to index
        %get3A_1066 = arith.index_cast %scan3A_97 : i32 to index
        %get3A_1067 = arith.constant 160 : index
        %get3A_1068 = tpu.vector_load %arg8[%get3A_1065, %get3A_1066, %get3A_1067] {strides = array<i32>} : memref<2x16x256xf32, #tpu.memory_space<vmem>>, vector<1x1x16xf32>,
        %get3A_1069 = vector.shape_cast %get3A_1068 : vector<1x1x16xf32> to vector<16xf32>
        %add3A_1070 = arith.addf %max3A_1063, %get3A_1069 : vector<16xf32>
        %ge3A_1071 = arith.constant 0.000000e+00 : f32
        %ge3A_1072 = vector.broadcast %ge3A_1071 : f32 to vector<16xf32>
        %ge3A_1073 = arith.cmpf oge, %add3A_1070, %ge3A_1072 : vector<16xf32>
        %mul3A_1074 = arith.constant 2.000000e-01 : f32
        %mul3A_1075 = vector.broadcast %mul3A_1074 : f32 to vector<16xf32>
        %mul3A_1076 = arith.mulf %mul3A_1075, %add3A_1070 : vector<16xf32>
        %select_n3A_1077 = arith.select %ge3A_1073, %add3A_1070, %mul3A_1076 : vector<16xi1>, vector<16xf32>
        %swap3A_1078 = arith.constant 0 : i32
        %swap3A_1079 = arith.index_cast %swap3A_1078 : i32 to index
        %swap3A_1080 = arith.index_cast %scan3A_97 : i32 to index
        %swap3A_1081 = arith.constant 160 : index
        %swap3A_1082 = tpu.vector_load %arg9[%swap3A_1079, %swap3A_1080, %swap3A_1081] {strides = array<i32>} : memref<2x16x256xf32, #tpu.memory_space<vmem>>, vector<1x1x16xf32>,
        %swap3A_1083 = vector.shape_cast %swap3A_1082 : vector<1x1x16xf32> to vector<16xf32>
        %swap3A_1084 = vector.shape_cast %select_n3A_1077 : vector<16xf32> to vector<1x1x16xf32>
        tpu.vector_store %arg9[%swap3A_1079, %swap3A_1080, %swap3A_1081], %swap3A_1084 {strides = array<i32>} : memref<2x16x256xf32, #tpu.memory_space<vmem>>, vector<1x1x16xf32>,
        %get3A_1085 = arith.constant 0 : i32
        %get3A_1086 = arith.index_cast %get3A_1085 : i32 to index
        %get3A_1087 = arith.index_cast %mul3A_99 : i32 to index
        %get3A_1088 = arith.constant 176 : index
        %get3A_1089 = tpu.vector_load %arg7[%get3A_1086, %get3A_1087, %get3A_1088] {strides = array<i32>} : memref<2x128x256xf32, #tpu.memory_space<vmem>>, vector<1x1x16xf32>,
        %get3A_1090 = vector.shape_cast %get3A_1089 : vector<1x1x16xf32> to vector<16xf32>
        %add3A_1091 = arith.constant 1 : i32
        %add3A_1092 = arith.addi %mul3A_99, %add3A_1091 : i32
        %get3A_1093 = arith.constant 0 : i32
        %get3A_1094 = arith.index_cast %get3A_1093 : i32 to index
        %get3A_1095 = arith.index_cast %add3A_1092 : i32 to index
        %get3A_1096 = arith.constant 176 : index
        %get3A_1097 = tpu.vector_load %arg7[%get3A_1094, %get3A_1095, %get3A_1096] {strides = array<i32>} : memref<2x128x256xf32, #tpu.memory_space<vmem>>, vector<1x1x16xf32>,
        %get3A_1098 = vector.shape_cast %get3A_1097 : vector<1x1x16xf32> to vector<16xf32>
        %max3A_1099 = arith.maximumf %get3A_1090, %get3A_1098 : vector<16xf32>
        %add3A_1100 = arith.constant 2 : i32
        %add3A_1101 = arith.addi %mul3A_99, %add3A_1100 : i32
        %get3A_1102 = arith.constant 0 : i32
        %get3A_1103 = arith.index_cast %get3A_1102 : i32 to index
        %get3A_1104 = arith.index_cast %add3A_1101 : i32 to index
        %get3A_1105 = arith.constant 176 : index
        %get3A_1106 = tpu.vector_load %arg7[%get3A_1103, %get3A_1104, %get3A_1105] {strides = array<i32>} : memref<2x128x256xf32, #tpu.memory_space<vmem>>, vector<1x1x16xf32>,
        %get3A_1107 = vector.shape_cast %get3A_1106 : vector<1x1x16xf32> to vector<16xf32>
        %max3A_1108 = arith.maximumf %max3A_1099, %get3A_1107 : vector<16xf32>
        %add3A_1109 = arith.constant 3 : i32
        %add3A_1110 = arith.addi %mul3A_99, %add3A_1109 : i32
        %get3A_1111 = arith.constant 0 : i32
        %get3A_1112 = arith.index_cast %get3A_1111 : i32 to index
        %get3A_1113 = arith.index_cast %add3A_1110 : i32 to index
        %get3A_1114 = arith.constant 176 : index
        %get3A_1115 = tpu.vector_load %arg7[%get3A_1112, %get3A_1113, %get3A_1114] {strides = array<i32>} : memref<2x128x256xf32, #tpu.memory_space<vmem>>, vector<1x1x16xf32>,
        %get3A_1116 = vector.shape_cast %get3A_1115 : vector<1x1x16xf32> to vector<16xf32>
        %max3A_1117 = arith.maximumf %max3A_1108, %get3A_1116 : vector<16xf32>
        %add3A_1118 = arith.constant 4 : i32
        %add3A_1119 = arith.addi %mul3A_99, %add3A_1118 : i32
        %get3A_1120 = arith.constant 0 : i32
        %get3A_1121 = arith.index_cast %get3A_1120 : i32 to index
        %get3A_1122 = arith.index_cast %add3A_1119 : i32 to index
        %get3A_1123 = arith.constant 176 : index
        %get3A_1124 = tpu.vector_load %arg7[%get3A_1121, %get3A_1122, %get3A_1123] {strides = array<i32>} : memref<2x128x256xf32, #tpu.memory_space<vmem>>, vector<1x1x16xf32>,
        %get3A_1125 = vector.shape_cast %get3A_1124 : vector<1x1x16xf32> to vector<16xf32>
        %max3A_1126 = arith.maximumf %max3A_1117, %get3A_1125 : vector<16xf32>
        %add3A_1127 = arith.constant 5 : i32
        %add3A_1128 = arith.addi %mul3A_99, %add3A_1127 : i32
        %get3A_1129 = arith.constant 0 : i32
        %get3A_1130 = arith.index_cast %get3A_1129 : i32 to index
        %get3A_1131 = arith.index_cast %add3A_1128 : i32 to index
        %get3A_1132 = arith.constant 176 : index
        %get3A_1133 = tpu.vector_load %arg7[%get3A_1130, %get3A_1131, %get3A_1132] {strides = array<i32>} : memref<2x128x256xf32, #tpu.memory_space<vmem>>, vector<1x1x16xf32>,
        %get3A_1134 = vector.shape_cast %get3A_1133 : vector<1x1x16xf32> to vector<16xf32>
        %max3A_1135 = arith.maximumf %max3A_1126, %get3A_1134 : vector<16xf32>
        %add3A_1136 = arith.constant 6 : i32
        %add3A_1137 = arith.addi %mul3A_99, %add3A_1136 : i32
        %get3A_1138 = arith.constant 0 : i32
        %get3A_1139 = arith.index_cast %get3A_1138 : i32 to index
        %get3A_1140 = arith.index_cast %add3A_1137 : i32 to index
        %get3A_1141 = arith.constant 176 : index
        %get3A_1142 = tpu.vector_load %arg7[%get3A_1139, %get3A_1140, %get3A_1141] {strides = array<i32>} : memref<2x128x256xf32, #tpu.memory_space<vmem>>, vector<1x1x16xf32>,
        %get3A_1143 = vector.shape_cast %get3A_1142 : vector<1x1x16xf32> to vector<16xf32>
        %max3A_1144 = arith.maximumf %max3A_1135, %get3A_1143 : vector<16xf32>
        %add3A_1145 = arith.constant 7 : i32
        %add3A_1146 = arith.addi %mul3A_99, %add3A_1145 : i32
        %get3A_1147 = arith.constant 0 : i32
        %get3A_1148 = arith.index_cast %get3A_1147 : i32 to index
        %get3A_1149 = arith.index_cast %add3A_1146 : i32 to index
        %get3A_1150 = arith.constant 176 : index
        %get3A_1151 = tpu.vector_load %arg7[%get3A_1148, %get3A_1149, %get3A_1150] {strides = array<i32>} : memref<2x128x256xf32, #tpu.memory_space<vmem>>, vector<1x1x16xf32>,
        %get3A_1152 = vector.shape_cast %get3A_1151 : vector<1x1x16xf32> to vector<16xf32>
        %max3A_1153 = arith.maximumf %max3A_1144, %get3A_1152 : vector<16xf32>
        %get3A_1154 = arith.constant 0 : i32
        %get3A_1155 = arith.index_cast %get3A_1154 : i32 to index
        %get3A_1156 = arith.index_cast %scan3A_97 : i32 to index
        %get3A_1157 = arith.constant 176 : index
        %get3A_1158 = tpu.vector_load %arg8[%get3A_1155, %get3A_1156, %get3A_1157] {strides = array<i32>} : memref<2x16x256xf32, #tpu.memory_space<vmem>>, vector<1x1x16xf32>,
        %get3A_1159 = vector.shape_cast %get3A_1158 : vector<1x1x16xf32> to vector<16xf32>
        %add3A_1160 = arith.addf %max3A_1153, %get3A_1159 : vector<16xf32>
        %ge3A_1161 = arith.constant 0.000000e+00 : f32
        %ge3A_1162 = vector.broadcast %ge3A_1161 : f32 to vector<16xf32>
        %ge3A_1163 = arith.cmpf oge, %add3A_1160, %ge3A_1162 : vector<16xf32>
        %mul3A_1164 = arith.constant 2.000000e-01 : f32
        %mul3A_1165 = vector.broadcast %mul3A_1164 : f32 to vector<16xf32>
        %mul3A_1166 = arith.mulf %mul3A_1165, %add3A_1160 : vector<16xf32>
        %select_n3A_1167 = arith.select %ge3A_1163, %add3A_1160, %mul3A_1166 : vector<16xi1>, vector<16xf32>
        %swap3A_1168 = arith.constant 0 : i32
        %swap3A_1169 = arith.index_cast %swap3A_1168 : i32 to index
        %swap3A_1170 = arith.index_cast %scan3A_97 : i32 to index
        %swap3A_1171 = arith.constant 176 : index
        %swap3A_1172 = tpu.vector_load %arg9[%swap3A_1169, %swap3A_1170, %swap3A_1171] {strides = array<i32>} : memref<2x16x256xf32, #tpu.memory_space<vmem>>, vector<1x1x16xf32>,
        %swap3A_1173 = vector.shape_cast %swap3A_1172 : vector<1x1x16xf32> to vector<16xf32>
        %swap3A_1174 = vector.shape_cast %select_n3A_1167 : vector<16xf32> to vector<1x1x16xf32>
        tpu.vector_store %arg9[%swap3A_1169, %swap3A_1170, %swap3A_1171], %swap3A_1174 {strides = array<i32>} : memref<2x16x256xf32, #tpu.memory_space<vmem>>, vector<1x1x16xf32>,
        %get3A_1175 = arith.constant 0 : i32
        %get3A_1176 = arith.index_cast %get3A_1175 : i32 to index
        %get3A_1177 = arith.index_cast %mul3A_99 : i32 to index
        %get3A_1178 = arith.constant 192 : index
        %get3A_1179 = tpu.vector_load %arg7[%get3A_1176, %get3A_1177, %get3A_1178] {strides = array<i32>} : memref<2x128x256xf32, #tpu.memory_space<vmem>>, vector<1x1x16xf32>,
        %get3A_1180 = vector.shape_cast %get3A_1179 : vector<1x1x16xf32> to vector<16xf32>
        %add3A_1181 = arith.constant 1 : i32
        %add3A_1182 = arith.addi %mul3A_99, %add3A_1181 : i32
        %get3A_1183 = arith.constant 0 : i32
        %get3A_1184 = arith.index_cast %get3A_1183 : i32 to index
        %get3A_1185 = arith.index_cast %add3A_1182 : i32 to index
        %get3A_1186 = arith.constant 192 : index
        %get3A_1187 = tpu.vector_load %arg7[%get3A_1184, %get3A_1185, %get3A_1186] {strides = array<i32>} : memref<2x128x256xf32, #tpu.memory_space<vmem>>, vector<1x1x16xf32>,
        %get3A_1188 = vector.shape_cast %get3A_1187 : vector<1x1x16xf32> to vector<16xf32>
        %max3A_1189 = arith.maximumf %get3A_1180, %get3A_1188 : vector<16xf32>
        %add3A_1190 = arith.constant 2 : i32
        %add3A_1191 = arith.addi %mul3A_99, %add3A_1190 : i32
        %get3A_1192 = arith.constant 0 : i32
        %get3A_1193 = arith.index_cast %get3A_1192 : i32 to index
        %get3A_1194 = arith.index_cast %add3A_1191 : i32 to index
        %get3A_1195 = arith.constant 192 : index
        %get3A_1196 = tpu.vector_load %arg7[%get3A_1193, %get3A_1194, %get3A_1195] {strides = array<i32>} : memref<2x128x256xf32, #tpu.memory_space<vmem>>, vector<1x1x16xf32>,
        %get3A_1197 = vector.shape_cast %get3A_1196 : vector<1x1x16xf32> to vector<16xf32>
        %max3A_1198 = arith.maximumf %max3A_1189, %get3A_1197 : vector<16xf32>
        %add3A_1199 = arith.constant 3 : i32
        %add3A_1200 = arith.addi %mul3A_99, %add3A_1199 : i32
        %get3A_1201 = arith.constant 0 : i32
        %get3A_1202 = arith.index_cast %get3A_1201 : i32 to index
        %get3A_1203 = arith.index_cast %add3A_1200 : i32 to index
        %get3A_1204 = arith.constant 192 : index
        %get3A_1205 = tpu.vector_load %arg7[%get3A_1202, %get3A_1203, %get3A_1204] {strides = array<i32>} : memref<2x128x256xf32, #tpu.memory_space<vmem>>, vector<1x1x16xf32>,
        %get3A_1206 = vector.shape_cast %get3A_1205 : vector<1x1x16xf32> to vector<16xf32>
        %max3A_1207 = arith.maximumf %max3A_1198, %get3A_1206 : vector<16xf32>
        %add3A_1208 = arith.constant 4 : i32
        %add3A_1209 = arith.addi %mul3A_99, %add3A_1208 : i32
        %get3A_1210 = arith.constant 0 : i32
        %get3A_1211 = arith.index_cast %get3A_1210 : i32 to index
        %get3A_1212 = arith.index_cast %add3A_1209 : i32 to index
        %get3A_1213 = arith.constant 192 : index
        %get3A_1214 = tpu.vector_load %arg7[%get3A_1211, %get3A_1212, %get3A_1213] {strides = array<i32>} : memref<2x128x256xf32, #tpu.memory_space<vmem>>, vector<1x1x16xf32>,
        %get3A_1215 = vector.shape_cast %get3A_1214 : vector<1x1x16xf32> to vector<16xf32>
        %max3A_1216 = arith.maximumf %max3A_1207, %get3A_1215 : vector<16xf32>
        %add3A_1217 = arith.constant 5 : i32
        %add3A_1218 = arith.addi %mul3A_99, %add3A_1217 : i32
        %get3A_1219 = arith.constant 0 : i32
        %get3A_1220 = arith.index_cast %get3A_1219 : i32 to index
        %get3A_1221 = arith.index_cast %add3A_1218 : i32 to index
        %get3A_1222 = arith.constant 192 : index
        %get3A_1223 = tpu.vector_load %arg7[%get3A_1220, %get3A_1221, %get3A_1222] {strides = array<i32>} : memref<2x128x256xf32, #tpu.memory_space<vmem>>, vector<1x1x16xf32>,
        %get3A_1224 = vector.shape_cast %get3A_1223 : vector<1x1x16xf32> to vector<16xf32>
        %max3A_1225 = arith.maximumf %max3A_1216, %get3A_1224 : vector<16xf32>
        %add3A_1226 = arith.constant 6 : i32
        %add3A_1227 = arith.addi %mul3A_99, %add3A_1226 : i32
        %get3A_1228 = arith.constant 0 : i32
        %get3A_1229 = arith.index_cast %get3A_1228 : i32 to index
        %get3A_1230 = arith.index_cast %add3A_1227 : i32 to index
        %get3A_1231 = arith.constant 192 : index
        %get3A_1232 = tpu.vector_load %arg7[%get3A_1229, %get3A_1230, %get3A_1231] {strides = array<i32>} : memref<2x128x256xf32, #tpu.memory_space<vmem>>, vector<1x1x16xf32>,
        %get3A_1233 = vector.shape_cast %get3A_1232 : vector<1x1x16xf32> to vector<16xf32>
        %max3A_1234 = arith.maximumf %max3A_1225, %get3A_1233 : vector<16xf32>
        %add3A_1235 = arith.constant 7 : i32
        %add3A_1236 = arith.addi %mul3A_99, %add3A_1235 : i32
        %get3A_1237 = arith.constant 0 : i32
        %get3A_1238 = arith.index_cast %get3A_1237 : i32 to index
        %get3A_1239 = arith.index_cast %add3A_1236 : i32 to index
        %get3A_1240 = arith.constant 192 : index
        %get3A_1241 = tpu.vector_load %arg7[%get3A_1238, %get3A_1239, %get3A_1240] {strides = array<i32>} : memref<2x128x256xf32, #tpu.memory_space<vmem>>, vector<1x1x16xf32>,
        %get3A_1242 = vector.shape_cast %get3A_1241 : vector<1x1x16xf32> to vector<16xf32>
        %max3A_1243 = arith.maximumf %max3A_1234, %get3A_1242 : vector<16xf32>
        %get3A_1244 = arith.constant 0 : i32
        %get3A_1245 = arith.index_cast %get3A_1244 : i32 to index
        %get3A_1246 = arith.index_cast %scan3A_97 : i32 to index
        %get3A_1247 = arith.constant 192 : index
        %get3A_1248 = tpu.vector_load %arg8[%get3A_1245, %get3A_1246, %get3A_1247] {strides = array<i32>} : memref<2x16x256xf32, #tpu.memory_space<vmem>>, vector<1x1x16xf32>,
        %get3A_1249 = vector.shape_cast %get3A_1248 : vector<1x1x16xf32> to vector<16xf32>
        %add3A_1250 = arith.addf %max3A_1243, %get3A_1249 : vector<16xf32>
        %ge3A_1251 = arith.constant 0.000000e+00 : f32
        %ge3A_1252 = vector.broadcast %ge3A_1251 : f32 to vector<16xf32>
        %ge3A_1253 = arith.cmpf oge, %add3A_1250, %ge3A_1252 : vector<16xf32>
        %mul3A_1254 = arith.constant 2.000000e-01 : f32
        %mul3A_1255 = vector.broadcast %mul3A_1254 : f32 to vector<16xf32>
        %mul3A_1256 = arith.mulf %mul3A_1255, %add3A_1250 : vector<16xf32>
        %select_n3A_1257 = arith.select %ge3A_1253, %add3A_1250, %mul3A_1256 : vector<16xi1>, vector<16xf32>
        %swap3A_1258 = arith.constant 0 : i32
        %swap3A_1259 = arith.index_cast %swap3A_1258 : i32 to index
        %swap3A_1260 = arith.index_cast %scan3A_97 : i32 to index
        %swap3A_1261 = arith.constant 192 : index
        %swap3A_1262 = tpu.vector_load %arg9[%swap3A_1259, %swap3A_1260, %swap3A_1261] {strides = array<i32>} : memref<2x16x256xf32, #tpu.memory_space<vmem>>, vector<1x1x16xf32>,
        %swap3A_1263 = vector.shape_cast %swap3A_1262 : vector<1x1x16xf32> to vector<16xf32>
        %swap3A_1264 = vector.shape_cast %select_n3A_1257 : vector<16xf32> to vector<1x1x16xf32>
        tpu.vector_store %arg9[%swap3A_1259, %swap3A_1260, %swap3A_1261], %swap3A_1264 {strides = array<i32>} : memref<2x16x256xf32, #tpu.memory_space<vmem>>, vector<1x1x16xf32>,
        %get3A_1265 = arith.constant 0 : i32
        %get3A_1266 = arith.index_cast %get3A_1265 : i32 to index
        %get3A_1267 = arith.index_cast %mul3A_99 : i32 to index
        %get3A_1268 = arith.constant 208 : index
        %get3A_1269 = tpu.vector_load %arg7[%get3A_1266, %get3A_1267, %get3A_1268] {strides = array<i32>} : memref<2x128x256xf32, #tpu.memory_space<vmem>>, vector<1x1x16xf32>,
        %get3A_1270 = vector.shape_cast %get3A_1269 : vector<1x1x16xf32> to vector<16xf32>
        %add3A_1271 = arith.constant 1 : i32
        %add3A_1272 = arith.addi %mul3A_99, %add3A_1271 : i32
        %get3A_1273 = arith.constant 0 : i32
        %get3A_1274 = arith.index_cast %get3A_1273 : i32 to index
        %get3A_1275 = arith.index_cast %add3A_1272 : i32 to index
        %get3A_1276 = arith.constant 208 : index
        %get3A_1277 = tpu.vector_load %arg7[%get3A_1274, %get3A_1275, %get3A_1276] {strides = array<i32>} : memref<2x128x256xf32, #tpu.memory_space<vmem>>, vector<1x1x16xf32>,
        %get3A_1278 = vector.shape_cast %get3A_1277 : vector<1x1x16xf32> to vector<16xf32>
        %max3A_1279 = arith.maximumf %get3A_1270, %get3A_1278 : vector<16xf32>
        %add3A_1280 = arith.constant 2 : i32
        %add3A_1281 = arith.addi %mul3A_99, %add3A_1280 : i32
        %get3A_1282 = arith.constant 0 : i32
        %get3A_1283 = arith.index_cast %get3A_1282 : i32 to index
        %get3A_1284 = arith.index_cast %add3A_1281 : i32 to index
        %get3A_1285 = arith.constant 208 : index
        %get3A_1286 = tpu.vector_load %arg7[%get3A_1283, %get3A_1284, %get3A_1285] {strides = array<i32>} : memref<2x128x256xf32, #tpu.memory_space<vmem>>, vector<1x1x16xf32>,
        %get3A_1287 = vector.shape_cast %get3A_1286 : vector<1x1x16xf32> to vector<16xf32>
        %max3A_1288 = arith.maximumf %max3A_1279, %get3A_1287 : vector<16xf32>
        %add3A_1289 = arith.constant 3 : i32
        %add3A_1290 = arith.addi %mul3A_99, %add3A_1289 : i32
        %get3A_1291 = arith.constant 0 : i32
        %get3A_1292 = arith.index_cast %get3A_1291 : i32 to index
        %get3A_1293 = arith.index_cast %add3A_1290 : i32 to index
        %get3A_1294 = arith.constant 208 : index
        %get3A_1295 = tpu.vector_load %arg7[%get3A_1292, %get3A_1293, %get3A_1294] {strides = array<i32>} : memref<2x128x256xf32, #tpu.memory_space<vmem>>, vector<1x1x16xf32>,
        %get3A_1296 = vector.shape_cast %get3A_1295 : vector<1x1x16xf32> to vector<16xf32>
        %max3A_1297 = arith.maximumf %max3A_1288, %get3A_1296 : vector<16xf32>
        %add3A_1298 = arith.constant 4 : i32
        %add3A_1299 = arith.addi %mul3A_99, %add3A_1298 : i32
        %get3A_1300 = arith.constant 0 : i32
        %get3A_1301 = arith.index_cast %get3A_1300 : i32 to index
        %get3A_1302 = arith.index_cast %add3A_1299 : i32 to index
        %get3A_1303 = arith.constant 208 : index
        %get3A_1304 = tpu.vector_load %arg7[%get3A_1301, %get3A_1302, %get3A_1303] {strides = array<i32>} : memref<2x128x256xf32, #tpu.memory_space<vmem>>, vector<1x1x16xf32>,
        %get3A_1305 = vector.shape_cast %get3A_1304 : vector<1x1x16xf32> to vector<16xf32>
        %max3A_1306 = arith.maximumf %max3A_1297, %get3A_1305 : vector<16xf32>
        %add3A_1307 = arith.constant 5 : i32
        %add3A_1308 = arith.addi %mul3A_99, %add3A_1307 : i32
        %get3A_1309 = arith.constant 0 : i32
        %get3A_1310 = arith.index_cast %get3A_1309 : i32 to index
        %get3A_1311 = arith.index_cast %add3A_1308 : i32 to index
        %get3A_1312 = arith.constant 208 : index
        %get3A_1313 = tpu.vector_load %arg7[%get3A_1310, %get3A_1311, %get3A_1312] {strides = array<i32>} : memref<2x128x256xf32, #tpu.memory_space<vmem>>, vector<1x1x16xf32>,
        %get3A_1314 = vector.shape_cast %get3A_1313 : vector<1x1x16xf32> to vector<16xf32>
        %max3A_1315 = arith.maximumf %max3A_1306, %get3A_1314 : vector<16xf32>
        %add3A_1316 = arith.constant 6 : i32
        %add3A_1317 = arith.addi %mul3A_99, %add3A_1316 : i32
        %get3A_1318 = arith.constant 0 : i32
        %get3A_1319 = arith.index_cast %get3A_1318 : i32 to index
        %get3A_1320 = arith.index_cast %add3A_1317 : i32 to index
        %get3A_1321 = arith.constant 208 : index
        %get3A_1322 = tpu.vector_load %arg7[%get3A_1319, %get3A_1320, %get3A_1321] {strides = array<i32>} : memref<2x128x256xf32, #tpu.memory_space<vmem>>, vector<1x1x16xf32>,
        %get3A_1323 = vector.shape_cast %get3A_1322 : vector<1x1x16xf32> to vector<16xf32>
        %max3A_1324 = arith.maximumf %max3A_1315, %get3A_1323 : vector<16xf32>
        %add3A_1325 = arith.constant 7 : i32
        %add3A_1326 = arith.addi %mul3A_99, %add3A_1325 : i32
        %get3A_1327 = arith.constant 0 : i32
        %get3A_1328 = arith.index_cast %get3A_1327 : i32 to index
        %get3A_1329 = arith.index_cast %add3A_1326 : i32 to index
        %get3A_1330 = arith.constant 208 : index
        %get3A_1331 = tpu.vector_load %arg7[%get3A_1328, %get3A_1329, %get3A_1330] {strides = array<i32>} : memref<2x128x256xf32, #tpu.memory_space<vmem>>, vector<1x1x16xf32>,
        %get3A_1332 = vector.shape_cast %get3A_1331 : vector<1x1x16xf32> to vector<16xf32>
        %max3A_1333 = arith.maximumf %max3A_1324, %get3A_1332 : vector<16xf32>
        %get3A_1334 = arith.constant 0 : i32
        %get3A_1335 = arith.index_cast %get3A_1334 : i32 to index
        %get3A_1336 = arith.index_cast %scan3A_97 : i32 to index
        %get3A_1337 = arith.constant 208 : index
        %get3A_1338 = tpu.vector_load %arg8[%get3A_1335, %get3A_1336, %get3A_1337] {strides = array<i32>} : memref<2x16x256xf32, #tpu.memory_space<vmem>>, vector<1x1x16xf32>,
        %get3A_1339 = vector.shape_cast %get3A_1338 : vector<1x1x16xf32> to vector<16xf32>
        %add3A_1340 = arith.addf %max3A_1333, %get3A_1339 : vector<16xf32>
        %ge3A_1341 = arith.constant 0.000000e+00 : f32
        %ge3A_1342 = vector.broadcast %ge3A_1341 : f32 to vector<16xf32>
        %ge3A_1343 = arith.cmpf oge, %add3A_1340, %ge3A_1342 : vector<16xf32>
        %mul3A_1344 = arith.constant 2.000000e-01 : f32
        %mul3A_1345 = vector.broadcast %mul3A_1344 : f32 to vector<16xf32>
        %mul3A_1346 = arith.mulf %mul3A_1345, %add3A_1340 : vector<16xf32>
        %select_n3A_1347 = arith.select %ge3A_1343, %add3A_1340, %mul3A_1346 : vector<16xi1>, vector<16xf32>
        %swap3A_1348 = arith.constant 0 : i32
        %swap3A_1349 = arith.index_cast %swap3A_1348 : i32 to index
        %swap3A_1350 = arith.index_cast %scan3A_97 : i32 to index
        %swap3A_1351 = arith.constant 208 : index
        %swap3A_1352 = tpu.vector_load %arg9[%swap3A_1349, %swap3A_1350, %swap3A_1351] {strides = array<i32>} : memref<2x16x256xf32, #tpu.memory_space<vmem>>, vector<1x1x16xf32>,
        %swap3A_1353 = vector.shape_cast %swap3A_1352 : vector<1x1x16xf32> to vector<16xf32>
        %swap3A_1354 = vector.shape_cast %select_n3A_1347 : vector<16xf32> to vector<1x1x16xf32>
        tpu.vector_store %arg9[%swap3A_1349, %swap3A_1350, %swap3A_1351], %swap3A_1354 {strides = array<i32>} : memref<2x16x256xf32, #tpu.memory_space<vmem>>, vector<1x1x16xf32>,
        %get3A_1355 = arith.constant 0 : i32
        %get3A_1356 = arith.index_cast %get3A_1355 : i32 to index
        %get3A_1357 = arith.index_cast %mul3A_99 : i32 to index
        %get3A_1358 = arith.constant 224 : index
        %get3A_1359 = tpu.vector_load %arg7[%get3A_1356, %get3A_1357, %get3A_1358] {strides = array<i32>} : memref<2x128x256xf32, #tpu.memory_space<vmem>>, vector<1x1x16xf32>,
        %get3A_1360 = vector.shape_cast %get3A_1359 : vector<1x1x16xf32> to vector<16xf32>
        %add3A_1361 = arith.constant 1 : i32
        %add3A_1362 = arith.addi %mul3A_99, %add3A_1361 : i32
        %get3A_1363 = arith.constant 0 : i32
        %get3A_1364 = arith.index_cast %get3A_1363 : i32 to index
        %get3A_1365 = arith.index_cast %add3A_1362 : i32 to index
        %get3A_1366 = arith.constant 224 : index
        %get3A_1367 = tpu.vector_load %arg7[%get3A_1364, %get3A_1365, %get3A_1366] {strides = array<i32>} : memref<2x128x256xf32, #tpu.memory_space<vmem>>, vector<1x1x16xf32>,
        %get3A_1368 = vector.shape_cast %get3A_1367 : vector<1x1x16xf32> to vector<16xf32>
        %max3A_1369 = arith.maximumf %get3A_1360, %get3A_1368 : vector<16xf32>
        %add3A_1370 = arith.constant 2 : i32
        %add3A_1371 = arith.addi %mul3A_99, %add3A_1370 : i32
        %get3A_1372 = arith.constant 0 : i32
        %get3A_1373 = arith.index_cast %get3A_1372 : i32 to index
        %get3A_1374 = arith.index_cast %add3A_1371 : i32 to index
        %get3A_1375 = arith.constant 224 : index
        %get3A_1376 = tpu.vector_load %arg7[%get3A_1373, %get3A_1374, %get3A_1375] {strides = array<i32>} : memref<2x128x256xf32, #tpu.memory_space<vmem>>, vector<1x1x16xf32>,
        %get3A_1377 = vector.shape_cast %get3A_1376 : vector<1x1x16xf32> to vector<16xf32>
        %max3A_1378 = arith.maximumf %max3A_1369, %get3A_1377 : vector<16xf32>
        %add3A_1379 = arith.constant 3 : i32
        %add3A_1380 = arith.addi %mul3A_99, %add3A_1379 : i32
        %get3A_1381 = arith.constant 0 : i32
        %get3A_1382 = arith.index_cast %get3A_1381 : i32 to index
        %get3A_1383 = arith.index_cast %add3A_1380 : i32 to index
        %get3A_1384 = arith.constant 224 : index
        %get3A_1385 = tpu.vector_load %arg7[%get3A_1382, %get3A_1383, %get3A_1384] {strides = array<i32>} : memref<2x128x256xf32, #tpu.memory_space<vmem>>, vector<1x1x16xf32>,
        %get3A_1386 = vector.shape_cast %get3A_1385 : vector<1x1x16xf32> to vector<16xf32>
        %max3A_1387 = arith.maximumf %max3A_1378, %get3A_1386 : vector<16xf32>
        %add3A_1388 = arith.constant 4 : i32
        %add3A_1389 = arith.addi %mul3A_99, %add3A_1388 : i32
        %get3A_1390 = arith.constant 0 : i32
        %get3A_1391 = arith.index_cast %get3A_1390 : i32 to index
        %get3A_1392 = arith.index_cast %add3A_1389 : i32 to index
        %get3A_1393 = arith.constant 224 : index
        %get3A_1394 = tpu.vector_load %arg7[%get3A_1391, %get3A_1392, %get3A_1393] {strides = array<i32>} : memref<2x128x256xf32, #tpu.memory_space<vmem>>, vector<1x1x16xf32>,
        %get3A_1395 = vector.shape_cast %get3A_1394 : vector<1x1x16xf32> to vector<16xf32>
        %max3A_1396 = arith.maximumf %max3A_1387, %get3A_1395 : vector<16xf32>
        %add3A_1397 = arith.constant 5 : i32
        %add3A_1398 = arith.addi %mul3A_99, %add3A_1397 : i32
        %get3A_1399 = arith.constant 0 : i32
        %get3A_1400 = arith.index_cast %get3A_1399 : i32 to index
        %get3A_1401 = arith.index_cast %add3A_1398 : i32 to index
        %get3A_1402 = arith.constant 224 : index
        %get3A_1403 = tpu.vector_load %arg7[%get3A_1400, %get3A_1401, %get3A_1402] {strides = array<i32>} : memref<2x128x256xf32, #tpu.memory_space<vmem>>, vector<1x1x16xf32>,
        %get3A_1404 = vector.shape_cast %get3A_1403 : vector<1x1x16xf32> to vector<16xf32>
        %max3A_1405 = arith.maximumf %max3A_1396, %get3A_1404 : vector<16xf32>
        %add3A_1406 = arith.constant 6 : i32
        %add3A_1407 = arith.addi %mul3A_99, %add3A_1406 : i32
        %get3A_1408 = arith.constant 0 : i32
        %get3A_1409 = arith.index_cast %get3A_1408 : i32 to index
        %get3A_1410 = arith.index_cast %add3A_1407 : i32 to index
        %get3A_1411 = arith.constant 224 : index
        %get3A_1412 = tpu.vector_load %arg7[%get3A_1409, %get3A_1410, %get3A_1411] {strides = array<i32>} : memref<2x128x256xf32, #tpu.memory_space<vmem>>, vector<1x1x16xf32>,
        %get3A_1413 = vector.shape_cast %get3A_1412 : vector<1x1x16xf32> to vector<16xf32>
        %max3A_1414 = arith.maximumf %max3A_1405, %get3A_1413 : vector<16xf32>
        %add3A_1415 = arith.constant 7 : i32
        %add3A_1416 = arith.addi %mul3A_99, %add3A_1415 : i32
        %get3A_1417 = arith.constant 0 : i32
        %get3A_1418 = arith.index_cast %get3A_1417 : i32 to index
        %get3A_1419 = arith.index_cast %add3A_1416 : i32 to index
        %get3A_1420 = arith.constant 224 : index
        %get3A_1421 = tpu.vector_load %arg7[%get3A_1418, %get3A_1419, %get3A_1420] {strides = array<i32>} : memref<2x128x256xf32, #tpu.memory_space<vmem>>, vector<1x1x16xf32>,
        %get3A_1422 = vector.shape_cast %get3A_1421 : vector<1x1x16xf32> to vector<16xf32>
        %max3A_1423 = arith.maximumf %max3A_1414, %get3A_1422 : vector<16xf32>
        %get3A_1424 = arith.constant 0 : i32
        %get3A_1425 = arith.index_cast %get3A_1424 : i32 to index
        %get3A_1426 = arith.index_cast %scan3A_97 : i32 to index
        %get3A_1427 = arith.constant 224 : index
        %get3A_1428 = tpu.vector_load %arg8[%get3A_1425, %get3A_1426, %get3A_1427] {strides = array<i32>} : memref<2x16x256xf32, #tpu.memory_space<vmem>>, vector<1x1x16xf32>,
        %get3A_1429 = vector.shape_cast %get3A_1428 : vector<1x1x16xf32> to vector<16xf32>
        %add3A_1430 = arith.addf %max3A_1423, %get3A_1429 : vector<16xf32>
        %ge3A_1431 = arith.constant 0.000000e+00 : f32
        %ge3A_1432 = vector.broadcast %ge3A_1431 : f32 to vector<16xf32>
        %ge3A_1433 = arith.cmpf oge, %add3A_1430, %ge3A_1432 : vector<16xf32>
        %mul3A_1434 = arith.constant 2.000000e-01 : f32
        %mul3A_1435 = vector.broadcast %mul3A_1434 : f32 to vector<16xf32>
        %mul3A_1436 = arith.mulf %mul3A_1435, %add3A_1430 : vector<16xf32>
        %select_n3A_1437 = arith.select %ge3A_1433, %add3A_1430, %mul3A_1436 : vector<16xi1>, vector<16xf32>
        %swap3A_1438 = arith.constant 0 : i32
        %swap3A_1439 = arith.index_cast %swap3A_1438 : i32 to index
        %swap3A_1440 = arith.index_cast %scan3A_97 : i32 to index
        %swap3A_1441 = arith.constant 224 : index
        %swap3A_1442 = tpu.vector_load %arg9[%swap3A_1439, %swap3A_1440, %swap3A_1441] {strides = array<i32>} : memref<2x16x256xf32, #tpu.memory_space<vmem>>, vector<1x1x16xf32>,
        %swap3A_1443 = vector.shape_cast %swap3A_1442 : vector<1x1x16xf32> to vector<16xf32>
        %swap3A_1444 = vector.shape_cast %select_n3A_1437 : vector<16xf32> to vector<1x1x16xf32>
        tpu.vector_store %arg9[%swap3A_1439, %swap3A_1440, %swap3A_1441], %swap3A_1444 {strides = array<i32>} : memref<2x16x256xf32, #tpu.memory_space<vmem>>, vector<1x1x16xf32>,
        %get3A_1445 = arith.constant 0 : i32
        %get3A_1446 = arith.index_cast %get3A_1445 : i32 to index
        %get3A_1447 = arith.index_cast %mul3A_99 : i32 to index
        %get3A_1448 = arith.constant 240 : index
        %get3A_1449 = tpu.vector_load %arg7[%get3A_1446, %get3A_1447, %get3A_1448] {strides = array<i32>} : memref<2x128x256xf32, #tpu.memory_space<vmem>>, vector<1x1x16xf32>,
        %get3A_1450 = vector.shape_cast %get3A_1449 : vector<1x1x16xf32> to vector<16xf32>
        %add3A_1451 = arith.constant 1 : i32
        %add3A_1452 = arith.addi %mul3A_99, %add3A_1451 : i32
        %get3A_1453 = arith.constant 0 : i32
        %get3A_1454 = arith.index_cast %get3A_1453 : i32 to index
        %get3A_1455 = arith.index_cast %add3A_1452 : i32 to index
        %get3A_1456 = arith.constant 240 : index
        %get3A_1457 = tpu.vector_load %arg7[%get3A_1454, %get3A_1455, %get3A_1456] {strides = array<i32>} : memref<2x128x256xf32, #tpu.memory_space<vmem>>, vector<1x1x16xf32>,
        %get3A_1458 = vector.shape_cast %get3A_1457 : vector<1x1x16xf32> to vector<16xf32>
        %max3A_1459 = arith.maximumf %get3A_1450, %get3A_1458 : vector<16xf32>
        %add3A_1460 = arith.constant 2 : i32
        %add3A_1461 = arith.addi %mul3A_99, %add3A_1460 : i32
        %get3A_1462 = arith.constant 0 : i32
        %get3A_1463 = arith.index_cast %get3A_1462 : i32 to index
        %get3A_1464 = arith.index_cast %add3A_1461 : i32 to index
        %get3A_1465 = arith.constant 240 : index
        %get3A_1466 = tpu.vector_load %arg7[%get3A_1463, %get3A_1464, %get3A_1465] {strides = array<i32>} : memref<2x128x256xf32, #tpu.memory_space<vmem>>, vector<1x1x16xf32>,
        %get3A_1467 = vector.shape_cast %get3A_1466 : vector<1x1x16xf32> to vector<16xf32>
        %max3A_1468 = arith.maximumf %max3A_1459, %get3A_1467 : vector<16xf32>
        %add3A_1469 = arith.constant 3 : i32
        %add3A_1470 = arith.addi %mul3A_99, %add3A_1469 : i32
        %get3A_1471 = arith.constant 0 : i32
        %get3A_1472 = arith.index_cast %get3A_1471 : i32 to index
        %get3A_1473 = arith.index_cast %add3A_1470 : i32 to index
        %get3A_1474 = arith.constant 240 : index
        %get3A_1475 = tpu.vector_load %arg7[%get3A_1472, %get3A_1473, %get3A_1474] {strides = array<i32>} : memref<2x128x256xf32, #tpu.memory_space<vmem>>, vector<1x1x16xf32>,
        %get3A_1476 = vector.shape_cast %get3A_1475 : vector<1x1x16xf32> to vector<16xf32>
        %max3A_1477 = arith.maximumf %max3A_1468, %get3A_1476 : vector<16xf32>
        %add3A_1478 = arith.constant 4 : i32
        %add3A_1479 = arith.addi %mul3A_99, %add3A_1478 : i32
        %get3A_1480 = arith.constant 0 : i32
        %get3A_1481 = arith.index_cast %get3A_1480 : i32 to index
        %get3A_1482 = arith.index_cast %add3A_1479 : i32 to index
        %get3A_1483 = arith.constant 240 : index
        %get3A_1484 = tpu.vector_load %arg7[%get3A_1481, %get3A_1482, %get3A_1483] {strides = array<i32>} : memref<2x128x256xf32, #tpu.memory_space<vmem>>, vector<1x1x16xf32>,
        %get3A_1485 = vector.shape_cast %get3A_1484 : vector<1x1x16xf32> to vector<16xf32>
        %max3A_1486 = arith.maximumf %max3A_1477, %get3A_1485 : vector<16xf32>
        %add3A_1487 = arith.constant 5 : i32
        %add3A_1488 = arith.addi %mul3A_99, %add3A_1487 : i32
        %get3A_1489 = arith.constant 0 : i32
        %get3A_1490 = arith.index_cast %get3A_1489 : i32 to index
        %get3A_1491 = arith.index_cast %add3A_1488 : i32 to index
        %get3A_1492 = arith.constant 240 : index
        %get3A_1493 = tpu.vector_load %arg7[%get3A_1490, %get3A_1491, %get3A_1492] {strides = array<i32>} : memref<2x128x256xf32, #tpu.memory_space<vmem>>, vector<1x1x16xf32>,
        %get3A_1494 = vector.shape_cast %get3A_1493 : vector<1x1x16xf32> to vector<16xf32>
        %max3A_1495 = arith.maximumf %max3A_1486, %get3A_1494 : vector<16xf32>
        %add3A_1496 = arith.constant 6 : i32
        %add3A_1497 = arith.addi %mul3A_99, %add3A_1496 : i32
        %get3A_1498 = arith.constant 0 : i32
        %get3A_1499 = arith.index_cast %get3A_1498 : i32 to index
        %get3A_1500 = arith.index_cast %add3A_1497 : i32 to index
        %get3A_1501 = arith.constant 240 : index
        %get3A_1502 = tpu.vector_load %arg7[%get3A_1499, %get3A_1500, %get3A_1501] {strides = array<i32>} : memref<2x128x256xf32, #tpu.memory_space<vmem>>, vector<1x1x16xf32>,
        %get3A_1503 = vector.shape_cast %get3A_1502 : vector<1x1x16xf32> to vector<16xf32>
        %max3A_1504 = arith.maximumf %max3A_1495, %get3A_1503 : vector<16xf32>
        %add3A_1505 = arith.constant 7 : i32
        %add3A_1506 = arith.addi %mul3A_99, %add3A_1505 : i32
        %get3A_1507 = arith.constant 0 : i32
        %get3A_1508 = arith.index_cast %get3A_1507 : i32 to index
        %get3A_1509 = arith.index_cast %add3A_1506 : i32 to index
        %get3A_1510 = arith.constant 240 : index
        %get3A_1511 = tpu.vector_load %arg7[%get3A_1508, %get3A_1509, %get3A_1510] {strides = array<i32>} : memref<2x128x256xf32, #tpu.memory_space<vmem>>, vector<1x1x16xf32>,
        %get3A_1512 = vector.shape_cast %get3A_1511 : vector<1x1x16xf32> to vector<16xf32>
        %max3A_1513 = arith.maximumf %max3A_1504, %get3A_1512 : vector<16xf32>
        %get3A_1514 = arith.constant 0 : i32
        %get3A_1515 = arith.index_cast %get3A_1514 : i32 to index
        %get3A_1516 = arith.index_cast %scan3A_97 : i32 to index
        %get3A_1517 = arith.constant 240 : index
        %get3A_1518 = tpu.vector_load %arg8[%get3A_1515, %get3A_1516, %get3A_1517] {strides = array<i32>} : memref<2x16x256xf32, #tpu.memory_space<vmem>>, vector<1x1x16xf32>,
        %get3A_1519 = vector.shape_cast %get3A_1518 : vector<1x1x16xf32> to vector<16xf32>
        %add3A_1520 = arith.addf %max3A_1513, %get3A_1519 : vector<16xf32>
        %ge3A_1521 = arith.constant 0.000000e+00 : f32
        %ge3A_1522 = vector.broadcast %ge3A_1521 : f32 to vector<16xf32>
        %ge3A_1523 = arith.cmpf oge, %add3A_1520, %ge3A_1522 : vector<16xf32>
        %mul3A_1524 = arith.constant 2.000000e-01 : f32
        %mul3A_1525 = vector.broadcast %mul3A_1524 : f32 to vector<16xf32>
        %mul3A_1526 = arith.mulf %mul3A_1525, %add3A_1520 : vector<16xf32>
        %select_n3A_1527 = arith.select %ge3A_1523, %add3A_1520, %mul3A_1526 : vector<16xi1>, vector<16xf32>
        %swap3A_1528 = arith.constant 0 : i32
        %swap3A_1529 = arith.index_cast %swap3A_1528 : i32 to index
        %swap3A_1530 = arith.index_cast %scan3A_97 : i32 to index
        %swap3A_1531 = arith.constant 240 : index
        %swap3A_1532 = tpu.vector_load %arg9[%swap3A_1529, %swap3A_1530, %swap3A_1531] {strides = array<i32>} : memref<2x16x256xf32, #tpu.memory_space<vmem>>, vector<1x1x16xf32>,
        %swap3A_1533 = vector.shape_cast %swap3A_1532 : vector<1x1x16xf32> to vector<16xf32>
        %swap3A_1534 = vector.shape_cast %select_n3A_1527 : vector<16xf32> to vector<1x1x16xf32>
        tpu.vector_store %arg9[%swap3A_1529, %swap3A_1530, %swap3A_1531], %swap3A_1534 {strides = array<i32>} : memref<2x16x256xf32, #tpu.memory_space<vmem>>, vector<1x1x16xf32>,
      }
      %scan3A_67 = arith.constant 16 : i32
      %run_scoped3A_68 = arith.constant 0 : i32
      "tpu.region"() ({
        %run_scoped3A_97 = tpu.sem_alloc : memref<!tpu.dma_semaphore, #tpu.memory_space<semaphore_mem>>
        %dma_start3A_98 = arith.constant 0 : i32
        %dma_start3A_99 = arith.constant 0 : i32
        %dma_start3A_100 = tpu.memref_slice %arg9[%run_scoped3A_68, %dma_start3A_98, %dma_start3A_99] : memref<2x16x256xf32, #tpu.memory_space<vmem>> -> memref<1x16x256xf32, #tpu.memory_space<vmem>>
        %dma_start3A_101 = tpu.memref_squeeze %dma_start3A_100 : memref<1x16x256xf32, #tpu.memory_space<vmem>> -> memref<16x256xf32, #tpu.memory_space<vmem>>
        %dma_start3A_102 = arith.constant 0 : i32
        %dma_start3A_103 = tpu.memref_slice %arg5[%add3A_50, %dma_start3A_102] : memref<16384x256xf32, #tpu.memory_space<hbm>> -> memref<16x256xf32, #tpu.memory_space<hbm>>
        %dma_start3A_104 = arith.constant 0 : i32
        %dma_start3A_105 = tpu.memref_slice %arg5[%add3A_50, %dma_start3A_104] : memref<16384x256xf32, #tpu.memory_space<hbm>> -> memref<16x256xf32, #tpu.memory_space<hbm>>
        %dma_start3A_106 = arith.constant 0 : i32
        %dma_start3A_107 = arith.constant 0 : i32
        %dma_start3A_108 = tpu.memref_slice %arg9[%run_scoped3A_68, %dma_start3A_106, %dma_start3A_107] : memref<2x16x256xf32, #tpu.memory_space<vmem>> -> memref<1x16x256xf32, #tpu.memory_space<vmem>>
        %dma_start3A_109 = tpu.memref_squeeze %dma_start3A_108 : memref<1x16x256xf32, #tpu.memory_space<vmem>> -> memref<16x256xf32, #tpu.memory_space<vmem>>
        tpu.enqueue_dma source(%dma_start3A_109 : memref<16x256xf32, #tpu.memory_space<vmem>>) target(%dma_start3A_105 : memref<16x256xf32, #tpu.memory_space<hbm>>) target_semaphore(%run_scoped3A_97 : memref<!tpu.dma_semaphore, #tpu.memory_space<semaphore_mem>>)
        %dma_wait3A_110 = arith.constant 0 : i32
        %dma_wait3A_111 = arith.constant 0 : i32
        %dma_wait3A_112 = tpu.memref_slice %arg9[%run_scoped3A_68, %dma_wait3A_110, %dma_wait3A_111] : memref<2x16x256xf32, #tpu.memory_space<vmem>> -> memref<1x16x256xf32, #tpu.memory_space<vmem>>
        %dma_wait3A_113 = tpu.memref_squeeze %dma_wait3A_112 : memref<1x16x256xf32, #tpu.memory_space<vmem>> -> memref<16x256xf32, #tpu.memory_space<vmem>>
        %dma_wait3A_114 = arith.constant 0 : i32
        %dma_wait3A_115 = tpu.memref_slice %arg5[%add3A_50, %dma_wait3A_114] : memref<16384x256xf32, #tpu.memory_space<hbm>> -> memref<16x256xf32, #tpu.memory_space<hbm>>
        %dma_wait3A_116 = arith.constant 0 : i32
        %dma_wait3A_117 = tpu.memref_slice %arg5[%add3A_50, %dma_wait3A_116] : memref<16384x256xf32, #tpu.memory_space<hbm>> -> memref<16x256xf32, #tpu.memory_space<hbm>>
        %dma_wait3A_118 = arith.constant 0 : i32
        %dma_wait3A_119 = arith.constant 0 : i32
        %dma_wait3A_120 = tpu.memref_slice %arg9[%run_scoped3A_68, %dma_wait3A_118, %dma_wait3A_119] : memref<2x16x256xf32, #tpu.memory_space<vmem>> -> memref<1x16x256xf32, #tpu.memory_space<vmem>>
        %dma_wait3A_121 = tpu.memref_squeeze %dma_wait3A_120 : memref<1x16x256xf32, #tpu.memory_space<vmem>> -> memref<16x256xf32, #tpu.memory_space<vmem>>
        tpu.wait_dma2 semaphore(%run_scoped3A_97 : memref<!tpu.dma_semaphore, #tpu.memory_space<semaphore_mem>>) src(%dma_wait3A_121 : memref<16x256xf32, #tpu.memory_space<vmem>>) dst(%dma_wait3A_117 : memref<16x256xf32, #tpu.memory_space<hbm>>)
        tpu.yield
      }) : () -> ()
      %add3A_69 = arith.constant 2 : i32
      %add3A_70 = arith.addi %mul3A_26, %add3A_69 : i32
      %lt3A = arith.constant 32 : i32
      %lt3A_71 = arith.cmpi slt, %add3A_70, %lt3A : i32
      %convert_element_type3A = arith.extui %lt3A_71 : i1 to i32
      %cond3A = arith.constant 0 : i32
      %cond3A_72 = arith.cmpi ne, %convert_element_type3A, %cond3A : i32
      scf.if %cond3A_72 {
        %add3A_97 = arith.constant 2 : i32
        %add3A_98 = arith.addi %mul3A_26, %add3A_97 : i32
        %mul3A_99 = arith.constant 16 : i32
        %mul3A_100 = arith.muli %add3A_98, %mul3A_99 : i32
        %add3A_101 = arith.addi %mul3A_2, %mul3A_100 : i32
        %mul3A_102 = arith.constant 8 : i32
        %mul3A_103 = arith.muli %add3A_101, %mul3A_102 : i32
        %run_scoped3A_104 = arith.constant 0 : i32
        "tpu.region"() ({
          %run_scoped3A_118 = tpu.sem_alloc : memref<!tpu.dma_semaphore, #tpu.memory_space<semaphore_mem>>
          %dma_start3A_119 = arith.constant 0 : i32
          %dma_start3A_120 = tpu.memref_slice %arg6[%run_scoped3A_104, %dma_start3A_119] : memref<2x128xi32, #tpu.memory_space<vmem>> -> memref<1x128xi32, #tpu.memory_space<vmem>>
          %dma_start3A_121 = tpu.memref_squeeze %dma_start3A_120 : memref<1x128xi32, #tpu.memory_space<vmem>> -> memref<128xi32, #tpu.memory_space<vmem>>
          %dma_start3A_122 = tpu.memref_slice %arg3[%mul3A_103] : memref<131072xi32, #tpu.memory_space<hbm>> -> memref<128xi32, #tpu.memory_space<hbm>>
          %dma_start3A_123 = arith.constant 0 : i32
          %dma_start3A_124 = tpu.memref_slice %arg6[%run_scoped3A_104, %dma_start3A_123] : memref<2x128xi32, #tpu.memory_space<vmem>> -> memref<1x128xi32, #tpu.memory_space<vmem>>
          %dma_start3A_125 = tpu.memref_squeeze %dma_start3A_124 : memref<1x128xi32, #tpu.memory_space<vmem>> -> memref<128xi32, #tpu.memory_space<vmem>>
          %dma_start3A_126 = tpu.memref_slice %arg3[%mul3A_103] : memref<131072xi32, #tpu.memory_space<hbm>> -> memref<128xi32, #tpu.memory_space<hbm>>
          tpu.enqueue_dma source(%dma_start3A_126 : memref<128xi32, #tpu.memory_space<hbm>>) target(%dma_start3A_125 : memref<128xi32, #tpu.memory_space<vmem>>) target_semaphore(%run_scoped3A_118 : memref<!tpu.dma_semaphore, #tpu.memory_space<semaphore_mem>>)
          %dma_wait3A_127 = arith.constant 0 : i32
          %dma_wait3A_128 = tpu.memref_slice %arg6[%run_scoped3A_104, %dma_wait3A_127] : memref<2x128xi32, #tpu.memory_space<vmem>> -> memref<1x128xi32, #tpu.memory_space<vmem>>
          %dma_wait3A_129 = tpu.memref_squeeze %dma_wait3A_128 : memref<1x128xi32, #tpu.memory_space<vmem>> -> memref<128xi32, #tpu.memory_space<vmem>>
          %dma_wait3A_130 = tpu.memref_slice %arg3[%mul3A_103] : memref<131072xi32, #tpu.memory_space<hbm>> -> memref<128xi32, #tpu.memory_space<hbm>>
          %dma_wait3A_131 = arith.constant 0 : i32
          %dma_wait3A_132 = tpu.memref_slice %arg6[%run_scoped3A_104, %dma_wait3A_131] : memref<2x128xi32, #tpu.memory_space<vmem>> -> memref<1x128xi32, #tpu.memory_space<vmem>>
          %dma_wait3A_133 = tpu.memref_squeeze %dma_wait3A_132 : memref<1x128xi32, #tpu.memory_space<vmem>> -> memref<128xi32, #tpu.memory_space<vmem>>
          %dma_wait3A_134 = tpu.memref_slice %arg3[%mul3A_103] : memref<131072xi32, #tpu.memory_space<hbm>> -> memref<128xi32, #tpu.memory_space<hbm>>
          tpu.wait_dma2 semaphore(%run_scoped3A_118 : memref<!tpu.dma_semaphore, #tpu.memory_space<semaphore_mem>>) src(%dma_wait3A_134 : memref<128xi32, #tpu.memory_space<hbm>>) dst(%dma_wait3A_133 : memref<128xi32, #tpu.memory_space<vmem>>)
          tpu.yield
        }) : () -> ()
        %dma_start3A_105 = arith.constant 0 : i32
        %dma_start3A_106 = arith.constant 0 : i32
        %dma_start3A_107 = arith.constant 0 : i32
        %dma_start3A_108 = arith.constant 0 : i32
        %dma_start3A_109 = tpu.memref_slice %arg7[%dma_start3A_106, %dma_start3A_107, %dma_start3A_108] : memref<2x128x256xf32, #tpu.memory_space<vmem>> -> memref<1x128x256xf32, #tpu.memory_space<vmem>>
        %dma_start3A_110 = tpu.memref_squeeze %dma_start3A_109 : memref<1x128x256xf32, #tpu.memory_space<vmem>> -> memref<128x256xf32, #tpu.memory_space<vmem>>
        %dma_start3A_111 = arith.constant 0 : i32
        %dma_start3A_112 = tpu.memref_slice %arg6[%dma_start3A_105, %dma_start3A_111] : memref<2x128xi32, #tpu.memory_space<vmem>> -> memref<1x128xi32, #tpu.memory_space<vmem>>
        %dma_start3A_113 = tpu.memref_squeeze %dma_start3A_112 : memref<1x128xi32, #tpu.memory_space<vmem>> -> memref<128xi32, #tpu.memory_space<vmem>>
        %dma_start3A_114 = arith.constant 0 : i32
        %dma_start3A_115 = arith.constant 0 : i32
        %dma_start3A_116 = tpu.memref_slice %arg2[%dma_start3A_114, %dma_start3A_115] : memref<65536x256xf32, #tpu.memory_space<hbm>> -> memref<65536x256xf32, #tpu.memory_space<hbm>>
        tpu.enqueue_indirect_dma source(%dma_start3A_116 : memref<65536x256xf32, #tpu.memory_space<hbm>>) target(%dma_start3A_110 : memref<128x256xf32, #tpu.memory_space<vmem>>) offsets(%dma_start3A_113 : memref<128xi32, #tpu.memory_space<vmem>>) semaphore(%arg10 : memref<!tpu.dma_semaphore, #tpu.memory_space<semaphore_mem>>)
        %run_scoped3A_117 = arith.constant 0 : i32
        "tpu.region"() ({
          %run_scoped3A_118 = tpu.sem_alloc : memref<!tpu.dma_semaphore, #tpu.memory_space<semaphore_mem>>
          %dma_start3A_119 = arith.constant 0 : i32
          %dma_start3A_120 = arith.constant 0 : i32
          %dma_start3A_121 = tpu.memref_slice %arg8[%run_scoped3A_117, %dma_start3A_119, %dma_start3A_120] : memref<2x16x256xf32, #tpu.memory_space<vmem>> -> memref<1x16x256xf32, #tpu.memory_space<vmem>>
          %dma_start3A_122 = tpu.memref_squeeze %dma_start3A_121 : memref<1x16x256xf32, #tpu.memory_space<vmem>> -> memref<16x256xf32, #tpu.memory_space<vmem>>
          %dma_start3A_123 = arith.constant 0 : i32
          %dma_start3A_124 = tpu.memref_slice %arg4[%add3A_101, %dma_start3A_123] : memref<16384x256xf32, #tpu.memory_space<hbm>> -> memref<16x256xf32, #tpu.memory_space<hbm>>
          %dma_start3A_125 = arith.constant 0 : i32
          %dma_start3A_126 = arith.constant 0 : i32
          %dma_start3A_127 = tpu.memref_slice %arg8[%run_scoped3A_117, %dma_start3A_125, %dma_start3A_126] : memref<2x16x256xf32, #tpu.memory_space<vmem>> -> memref<1x16x256xf32, #tpu.memory_space<vmem>>
          %dma_start3A_128 = tpu.memref_squeeze %dma_start3A_127 : memref<1x16x256xf32, #tpu.memory_space<vmem>> -> memref<16x256xf32, #tpu.memory_space<vmem>>
          %dma_start3A_129 = arith.constant 0 : i32
          %dma_start3A_130 = tpu.memref_slice %arg4[%add3A_101, %dma_start3A_129] : memref<16384x256xf32, #tpu.memory_space<hbm>> -> memref<16x256xf32, #tpu.memory_space<hbm>>
          tpu.enqueue_dma source(%dma_start3A_130 : memref<16x256xf32, #tpu.memory_space<hbm>>) target(%dma_start3A_128 : memref<16x256xf32, #tpu.memory_space<vmem>>) target_semaphore(%run_scoped3A_118 : memref<!tpu.dma_semaphore, #tpu.memory_space<semaphore_mem>>)
          %dma_wait3A_131 = arith.constant 0 : i32
          %dma_wait3A_132 = arith.constant 0 : i32
          %dma_wait3A_133 = tpu.memref_slice %arg8[%run_scoped3A_117, %dma_wait3A_131, %dma_wait3A_132] : memref<2x16x256xf32, #tpu.memory_space<vmem>> -> memref<1x16x256xf32, #tpu.memory_space<vmem>>
          %dma_wait3A_134 = tpu.memref_squeeze %dma_wait3A_133 : memref<1x16x256xf32, #tpu.memory_space<vmem>> -> memref<16x256xf32, #tpu.memory_space<vmem>>
          %dma_wait3A_135 = arith.constant 0 : i32
          %dma_wait3A_136 = tpu.memref_slice %arg4[%add3A_101, %dma_wait3A_135] : memref<16384x256xf32, #tpu.memory_space<hbm>> -> memref<16x256xf32, #tpu.memory_space<hbm>>
          %dma_wait3A_137 = arith.constant 0 : i32
          %dma_wait3A_138 = arith.constant 0 : i32
          %dma_wait3A_139 = tpu.memref_slice %arg8[%run_scoped3A_117, %dma_wait3A_137, %dma_wait3A_138] : memref<2x16x256xf32, #tpu.memory_space<vmem>> -> memref<1x16x256xf32, #tpu.memory_space<vmem>>
          %dma_wait3A_140 = tpu.memref_squeeze %dma_wait3A_139 : memref<1x16x256xf32, #tpu.memory_space<vmem>> -> memref<16x256xf32, #tpu.memory_space<vmem>>
          %dma_wait3A_141 = arith.constant 0 : i32
          %dma_wait3A_142 = tpu.memref_slice %arg4[%add3A_101, %dma_wait3A_141] : memref<16384x256xf32, #tpu.memory_space<hbm>> -> memref<16x256xf32, #tpu.memory_space<hbm>>
          tpu.wait_dma2 semaphore(%run_scoped3A_118 : memref<!tpu.dma_semaphore, #tpu.memory_space<semaphore_mem>>) src(%dma_wait3A_142 : memref<16x256xf32, #tpu.memory_space<hbm>>) dst(%dma_wait3A_140 : memref<16x256xf32, #tpu.memory_space<vmem>>)
          tpu.yield
        }) : () -> ()
      } else {
      }
      %add3A_73 = arith.constant 1 : i32
      %add3A_74 = arith.addi %mul3A_26, %add3A_73 : i32
      %mul3A_75 = arith.constant 16 : i32
      %mul3A_76 = arith.muli %add3A_74, %mul3A_75 : i32
      %add3A_77 = arith.addi %mul3A_2, %mul3A_76 : i32
      %dma_wait3A_78 = arith.constant 1 : i32
      %dma_wait3A_79 = arith.constant 1 : i32
      %dma_wait3A_80 = arith.constant 0 : i32
      %dma_wait3A_81 = arith.constant 0 : i32
      %dma_wait3A_82 = tpu.memref_slice %arg7[%dma_wait3A_79, %dma_wait3A_80, %dma_wait3A_81] : memref<2x128x256xf32, #tpu.memory_space<vmem>> -> memref<1x128x256xf32, #tpu.memory_space<vmem>>
      %dma_wait3A_83 = tpu.memref_squeeze %dma_wait3A_82 : memref<1x128x256xf32, #tpu.memory_space<vmem>> -> memref<128x256xf32, #tpu.memory_space<vmem>>
      %dma_wait3A_84 = arith.constant 0 : i32
      %dma_wait3A_85 = tpu.memref_slice %arg6[%dma_wait3A_78, %dma_wait3A_84] : memref<2x128xi32, #tpu.memory_space<vmem>> -> memref<1x128xi32, #tpu.memory_space<vmem>>
      %dma_wait3A_86 = tpu.memref_squeeze %dma_wait3A_85 : memref<1x128xi32, #tpu.memory_space<vmem>> -> memref<128xi32, #tpu.memory_space<vmem>>
      %dma_wait3A_87 = arith.constant 0 : i32
      %dma_wait3A_88 = arith.constant 0 : i32
      %dma_wait3A_89 = tpu.memref_slice %arg2[%dma_wait3A_87, %dma_wait3A_88] : memref<65536x256xf32, #tpu.memory_space<hbm>> -> memref<65536x256xf32, #tpu.memory_space<hbm>>
      tpu.wait_indirect_dma semaphore(%arg11 : memref<!tpu.dma_semaphore, #tpu.memory_space<semaphore_mem>>) src(%dma_wait3A_89 : memref<65536x256xf32, #tpu.memory_space<hbm>>) dst(%dma_wait3A_83 : memref<128x256xf32, #tpu.memory_space<vmem>>)
      %scan3A_90 = arith.constant 0 : i32
      %scan3A_91 = arith.constant 0 : i32
      %scan3A_92 = arith.constant 16 : i32
      %scan3A_93 = arith.addi %scan3A_91, %scan3A_92 : i32
      %scan3A_94 = arith.constant 1 : i32
      scf.for %scan3A_97 = %scan3A_91 to %scan3A_93 step %scan3A_94  : i32 {
        %mul3A_98 = arith.constant 8 : i32
        %mul3A_99 = arith.muli %scan3A_97, %mul3A_98 : i32
        %get3A = arith.constant 1 : i32
        %get3A_100 = arith.index_cast %get3A : i32 to index
        %get3A_101 = arith.index_cast %mul3A_99 : i32 to index
        %get3A_102 = arith.constant 0 : index
        %get3A_103 = tpu.vector_load %arg7[%get3A_100, %get3A_101, %get3A_102] {strides = array<i32>} : memref<2x128x256xf32, #tpu.memory_space<vmem>>, vector<1x1x16xf32>,
        %get3A_104 = vector.shape_cast %get3A_103 : vector<1x1x16xf32> to vector<16xf32>
        %add3A_105 = arith.constant 1 : i32
        %add3A_106 = arith.addi %mul3A_99, %add3A_105 : i32
        %get3A_107 = arith.constant 1 : i32
        %get3A_108 = arith.index_cast %get3A_107 : i32 to index
        %get3A_109 = arith.index_cast %add3A_106 : i32 to index
        %get3A_110 = arith.constant 0 : index
        %get3A_111 = tpu.vector_load %arg7[%get3A_108, %get3A_109, %get3A_110] {strides = array<i32>} : memref<2x128x256xf32, #tpu.memory_space<vmem>>, vector<1x1x16xf32>,
        %get3A_112 = vector.shape_cast %get3A_111 : vector<1x1x16xf32> to vector<16xf32>
        %max3A = arith.maximumf %get3A_104, %get3A_112 : vector<16xf32>
        %add3A_113 = arith.constant 2 : i32
        %add3A_114 = arith.addi %mul3A_99, %add3A_113 : i32
        %get3A_115 = arith.constant 1 : i32
        %get3A_116 = arith.index_cast %get3A_115 : i32 to index
        %get3A_117 = arith.index_cast %add3A_114 : i32 to index
        %get3A_118 = arith.constant 0 : index
        %get3A_119 = tpu.vector_load %arg7[%get3A_116, %get3A_117, %get3A_118] {strides = array<i32>} : memref<2x128x256xf32, #tpu.memory_space<vmem>>, vector<1x1x16xf32>,
        %get3A_120 = vector.shape_cast %get3A_119 : vector<1x1x16xf32> to vector<16xf32>
        %max3A_121 = arith.maximumf %max3A, %get3A_120 : vector<16xf32>
        %add3A_122 = arith.constant 3 : i32
        %add3A_123 = arith.addi %mul3A_99, %add3A_122 : i32
        %get3A_124 = arith.constant 1 : i32
        %get3A_125 = arith.index_cast %get3A_124 : i32 to index
        %get3A_126 = arith.index_cast %add3A_123 : i32 to index
        %get3A_127 = arith.constant 0 : index
        %get3A_128 = tpu.vector_load %arg7[%get3A_125, %get3A_126, %get3A_127] {strides = array<i32>} : memref<2x128x256xf32, #tpu.memory_space<vmem>>, vector<1x1x16xf32>,
        %get3A_129 = vector.shape_cast %get3A_128 : vector<1x1x16xf32> to vector<16xf32>
        %max3A_130 = arith.maximumf %max3A_121, %get3A_129 : vector<16xf32>
        %add3A_131 = arith.constant 4 : i32
        %add3A_132 = arith.addi %mul3A_99, %add3A_131 : i32
        %get3A_133 = arith.constant 1 : i32
        %get3A_134 = arith.index_cast %get3A_133 : i32 to index
        %get3A_135 = arith.index_cast %add3A_132 : i32 to index
        %get3A_136 = arith.constant 0 : index
        %get3A_137 = tpu.vector_load %arg7[%get3A_134, %get3A_135, %get3A_136] {strides = array<i32>} : memref<2x128x256xf32, #tpu.memory_space<vmem>>, vector<1x1x16xf32>,
        %get3A_138 = vector.shape_cast %get3A_137 : vector<1x1x16xf32> to vector<16xf32>
        %max3A_139 = arith.maximumf %max3A_130, %get3A_138 : vector<16xf32>
        %add3A_140 = arith.constant 5 : i32
        %add3A_141 = arith.addi %mul3A_99, %add3A_140 : i32
        %get3A_142 = arith.constant 1 : i32
        %get3A_143 = arith.index_cast %get3A_142 : i32 to index
        %get3A_144 = arith.index_cast %add3A_141 : i32 to index
        %get3A_145 = arith.constant 0 : index
        %get3A_146 = tpu.vector_load %arg7[%get3A_143, %get3A_144, %get3A_145] {strides = array<i32>} : memref<2x128x256xf32, #tpu.memory_space<vmem>>, vector<1x1x16xf32>,
        %get3A_147 = vector.shape_cast %get3A_146 : vector<1x1x16xf32> to vector<16xf32>
        %max3A_148 = arith.maximumf %max3A_139, %get3A_147 : vector<16xf32>
        %add3A_149 = arith.constant 6 : i32
        %add3A_150 = arith.addi %mul3A_99, %add3A_149 : i32
        %get3A_151 = arith.constant 1 : i32
        %get3A_152 = arith.index_cast %get3A_151 : i32 to index
        %get3A_153 = arith.index_cast %add3A_150 : i32 to index
        %get3A_154 = arith.constant 0 : index
        %get3A_155 = tpu.vector_load %arg7[%get3A_152, %get3A_153, %get3A_154] {strides = array<i32>} : memref<2x128x256xf32, #tpu.memory_space<vmem>>, vector<1x1x16xf32>,
        %get3A_156 = vector.shape_cast %get3A_155 : vector<1x1x16xf32> to vector<16xf32>
        %max3A_157 = arith.maximumf %max3A_148, %get3A_156 : vector<16xf32>
        %add3A_158 = arith.constant 7 : i32
        %add3A_159 = arith.addi %mul3A_99, %add3A_158 : i32
        %get3A_160 = arith.constant 1 : i32
        %get3A_161 = arith.index_cast %get3A_160 : i32 to index
        %get3A_162 = arith.index_cast %add3A_159 : i32 to index
        %get3A_163 = arith.constant 0 : index
        %get3A_164 = tpu.vector_load %arg7[%get3A_161, %get3A_162, %get3A_163] {strides = array<i32>} : memref<2x128x256xf32, #tpu.memory_space<vmem>>, vector<1x1x16xf32>,
        %get3A_165 = vector.shape_cast %get3A_164 : vector<1x1x16xf32> to vector<16xf32>
        %max3A_166 = arith.maximumf %max3A_157, %get3A_165 : vector<16xf32>
        %get3A_167 = arith.constant 1 : i32
        %get3A_168 = arith.index_cast %get3A_167 : i32 to index
        %get3A_169 = arith.index_cast %scan3A_97 : i32 to index
        %get3A_170 = arith.constant 0 : index
        %get3A_171 = tpu.vector_load %arg8[%get3A_168, %get3A_169, %get3A_170] {strides = array<i32>} : memref<2x16x256xf32, #tpu.memory_space<vmem>>, vector<1x1x16xf32>,
        %get3A_172 = vector.shape_cast %get3A_171 : vector<1x1x16xf32> to vector<16xf32>
        %add3A_173 = arith.addf %max3A_166, %get3A_172 : vector<16xf32>
        %ge3A = arith.constant 0.000000e+00 : f32
        %ge3A_174 = vector.broadcast %ge3A : f32 to vector<16xf32>
        %ge3A_175 = arith.cmpf oge, %add3A_173, %ge3A_174 : vector<16xf32>
        %mul3A_176 = arith.constant 2.000000e-01 : f32
        %mul3A_177 = vector.broadcast %mul3A_176 : f32 to vector<16xf32>
        %mul3A_178 = arith.mulf %mul3A_177, %add3A_173 : vector<16xf32>
        %select_n3A = arith.select %ge3A_175, %add3A_173, %mul3A_178 : vector<16xi1>, vector<16xf32>
        %swap3A = arith.constant 1 : i32
        %swap3A_179 = arith.index_cast %swap3A : i32 to index
        %swap3A_180 = arith.index_cast %scan3A_97 : i32 to index
        %swap3A_181 = arith.constant 0 : index
        %swap3A_182 = tpu.vector_load %arg9[%swap3A_179, %swap3A_180, %swap3A_181] {strides = array<i32>} : memref<2x16x256xf32, #tpu.memory_space<vmem>>, vector<1x1x16xf32>,
        %swap3A_183 = vector.shape_cast %swap3A_182 : vector<1x1x16xf32> to vector<16xf32>
        %swap3A_184 = vector.shape_cast %select_n3A : vector<16xf32> to vector<1x1x16xf32>
        tpu.vector_store %arg9[%swap3A_179, %swap3A_180, %swap3A_181], %swap3A_184 {strides = array<i32>} : memref<2x16x256xf32, #tpu.memory_space<vmem>>, vector<1x1x16xf32>,
        %get3A_185 = arith.constant 1 : i32
        %get3A_186 = arith.index_cast %get3A_185 : i32 to index
        %get3A_187 = arith.index_cast %mul3A_99 : i32 to index
        %get3A_188 = arith.constant 16 : index
        %get3A_189 = tpu.vector_load %arg7[%get3A_186, %get3A_187, %get3A_188] {strides = array<i32>} : memref<2x128x256xf32, #tpu.memory_space<vmem>>, vector<1x1x16xf32>,
        %get3A_190 = vector.shape_cast %get3A_189 : vector<1x1x16xf32> to vector<16xf32>
        %add3A_191 = arith.constant 1 : i32
        %add3A_192 = arith.addi %mul3A_99, %add3A_191 : i32
        %get3A_193 = arith.constant 1 : i32
        %get3A_194 = arith.index_cast %get3A_193 : i32 to index
        %get3A_195 = arith.index_cast %add3A_192 : i32 to index
        %get3A_196 = arith.constant 16 : index
        %get3A_197 = tpu.vector_load %arg7[%get3A_194, %get3A_195, %get3A_196] {strides = array<i32>} : memref<2x128x256xf32, #tpu.memory_space<vmem>>, vector<1x1x16xf32>,
        %get3A_198 = vector.shape_cast %get3A_197 : vector<1x1x16xf32> to vector<16xf32>
        %max3A_199 = arith.maximumf %get3A_190, %get3A_198 : vector<16xf32>
        %add3A_200 = arith.constant 2 : i32
        %add3A_201 = arith.addi %mul3A_99, %add3A_200 : i32
        %get3A_202 = arith.constant 1 : i32
        %get3A_203 = arith.index_cast %get3A_202 : i32 to index
        %get3A_204 = arith.index_cast %add3A_201 : i32 to index
        %get3A_205 = arith.constant 16 : index
        %get3A_206 = tpu.vector_load %arg7[%get3A_203, %get3A_204, %get3A_205] {strides = array<i32>} : memref<2x128x256xf32, #tpu.memory_space<vmem>>, vector<1x1x16xf32>,
        %get3A_207 = vector.shape_cast %get3A_206 : vector<1x1x16xf32> to vector<16xf32>
        %max3A_208 = arith.maximumf %max3A_199, %get3A_207 : vector<16xf32>
        %add3A_209 = arith.constant 3 : i32
        %add3A_210 = arith.addi %mul3A_99, %add3A_209 : i32
        %get3A_211 = arith.constant 1 : i32
        %get3A_212 = arith.index_cast %get3A_211 : i32 to index
        %get3A_213 = arith.index_cast %add3A_210 : i32 to index
        %get3A_214 = arith.constant 16 : index
        %get3A_215 = tpu.vector_load %arg7[%get3A_212, %get3A_213, %get3A_214] {strides = array<i32>} : memref<2x128x256xf32, #tpu.memory_space<vmem>>, vector<1x1x16xf32>,
        %get3A_216 = vector.shape_cast %get3A_215 : vector<1x1x16xf32> to vector<16xf32>
        %max3A_217 = arith.maximumf %max3A_208, %get3A_216 : vector<16xf32>
        %add3A_218 = arith.constant 4 : i32
        %add3A_219 = arith.addi %mul3A_99, %add3A_218 : i32
        %get3A_220 = arith.constant 1 : i32
        %get3A_221 = arith.index_cast %get3A_220 : i32 to index
        %get3A_222 = arith.index_cast %add3A_219 : i32 to index
        %get3A_223 = arith.constant 16 : index
        %get3A_224 = tpu.vector_load %arg7[%get3A_221, %get3A_222, %get3A_223] {strides = array<i32>} : memref<2x128x256xf32, #tpu.memory_space<vmem>>, vector<1x1x16xf32>,
        %get3A_225 = vector.shape_cast %get3A_224 : vector<1x1x16xf32> to vector<16xf32>
        %max3A_226 = arith.maximumf %max3A_217, %get3A_225 : vector<16xf32>
        %add3A_227 = arith.constant 5 : i32
        %add3A_228 = arith.addi %mul3A_99, %add3A_227 : i32
        %get3A_229 = arith.constant 1 : i32
        %get3A_230 = arith.index_cast %get3A_229 : i32 to index
        %get3A_231 = arith.index_cast %add3A_228 : i32 to index
        %get3A_232 = arith.constant 16 : index
        %get3A_233 = tpu.vector_load %arg7[%get3A_230, %get3A_231, %get3A_232] {strides = array<i32>} : memref<2x128x256xf32, #tpu.memory_space<vmem>>, vector<1x1x16xf32>,
        %get3A_234 = vector.shape_cast %get3A_233 : vector<1x1x16xf32> to vector<16xf32>
        %max3A_235 = arith.maximumf %max3A_226, %get3A_234 : vector<16xf32>
        %add3A_236 = arith.constant 6 : i32
        %add3A_237 = arith.addi %mul3A_99, %add3A_236 : i32
        %get3A_238 = arith.constant 1 : i32
        %get3A_239 = arith.index_cast %get3A_238 : i32 to index
        %get3A_240 = arith.index_cast %add3A_237 : i32 to index
        %get3A_241 = arith.constant 16 : index
        %get3A_242 = tpu.vector_load %arg7[%get3A_239, %get3A_240, %get3A_241] {strides = array<i32>} : memref<2x128x256xf32, #tpu.memory_space<vmem>>, vector<1x1x16xf32>,
        %get3A_243 = vector.shape_cast %get3A_242 : vector<1x1x16xf32> to vector<16xf32>
        %max3A_244 = arith.maximumf %max3A_235, %get3A_243 : vector<16xf32>
        %add3A_245 = arith.constant 7 : i32
        %add3A_246 = arith.addi %mul3A_99, %add3A_245 : i32
        %get3A_247 = arith.constant 1 : i32
        %get3A_248 = arith.index_cast %get3A_247 : i32 to index
        %get3A_249 = arith.index_cast %add3A_246 : i32 to index
        %get3A_250 = arith.constant 16 : index
        %get3A_251 = tpu.vector_load %arg7[%get3A_248, %get3A_249, %get3A_250] {strides = array<i32>} : memref<2x128x256xf32, #tpu.memory_space<vmem>>, vector<1x1x16xf32>,
        %get3A_252 = vector.shape_cast %get3A_251 : vector<1x1x16xf32> to vector<16xf32>
        %max3A_253 = arith.maximumf %max3A_244, %get3A_252 : vector<16xf32>
        %get3A_254 = arith.constant 1 : i32
        %get3A_255 = arith.index_cast %get3A_254 : i32 to index
        %get3A_256 = arith.index_cast %scan3A_97 : i32 to index
        %get3A_257 = arith.constant 16 : index
        %get3A_258 = tpu.vector_load %arg8[%get3A_255, %get3A_256, %get3A_257] {strides = array<i32>} : memref<2x16x256xf32, #tpu.memory_space<vmem>>, vector<1x1x16xf32>,
        %get3A_259 = vector.shape_cast %get3A_258 : vector<1x1x16xf32> to vector<16xf32>
        %add3A_260 = arith.addf %max3A_253, %get3A_259 : vector<16xf32>
        %ge3A_261 = arith.constant 0.000000e+00 : f32
        %ge3A_262 = vector.broadcast %ge3A_261 : f32 to vector<16xf32>
        %ge3A_263 = arith.cmpf oge, %add3A_260, %ge3A_262 : vector<16xf32>
        %mul3A_264 = arith.constant 2.000000e-01 : f32
        %mul3A_265 = vector.broadcast %mul3A_264 : f32 to vector<16xf32>
        %mul3A_266 = arith.mulf %mul3A_265, %add3A_260 : vector<16xf32>
        %select_n3A_267 = arith.select %ge3A_263, %add3A_260, %mul3A_266 : vector<16xi1>, vector<16xf32>
        %swap3A_268 = arith.constant 1 : i32
        %swap3A_269 = arith.index_cast %swap3A_268 : i32 to index
        %swap3A_270 = arith.index_cast %scan3A_97 : i32 to index
        %swap3A_271 = arith.constant 16 : index
        %swap3A_272 = tpu.vector_load %arg9[%swap3A_269, %swap3A_270, %swap3A_271] {strides = array<i32>} : memref<2x16x256xf32, #tpu.memory_space<vmem>>, vector<1x1x16xf32>,
        %swap3A_273 = vector.shape_cast %swap3A_272 : vector<1x1x16xf32> to vector<16xf32>
        %swap3A_274 = vector.shape_cast %select_n3A_267 : vector<16xf32> to vector<1x1x16xf32>
        tpu.vector_store %arg9[%swap3A_269, %swap3A_270, %swap3A_271], %swap3A_274 {strides = array<i32>} : memref<2x16x256xf32, #tpu.memory_space<vmem>>, vector<1x1x16xf32>,
        %get3A_275 = arith.constant 1 : i32
        %get3A_276 = arith.index_cast %get3A_275 : i32 to index
        %get3A_277 = arith.index_cast %mul3A_99 : i32 to index
        %get3A_278 = arith.constant 32 : index
        %get3A_279 = tpu.vector_load %arg7[%get3A_276, %get3A_277, %get3A_278] {strides = array<i32>} : memref<2x128x256xf32, #tpu.memory_space<vmem>>, vector<1x1x16xf32>,
        %get3A_280 = vector.shape_cast %get3A_279 : vector<1x1x16xf32> to vector<16xf32>
        %add3A_281 = arith.constant 1 : i32
        %add3A_282 = arith.addi %mul3A_99, %add3A_281 : i32
        %get3A_283 = arith.constant 1 : i32
        %get3A_284 = arith.index_cast %get3A_283 : i32 to index
        %get3A_285 = arith.index_cast %add3A_282 : i32 to index
        %get3A_286 = arith.constant 32 : index
        %get3A_287 = tpu.vector_load %arg7[%get3A_284, %get3A_285, %get3A_286] {strides = array<i32>} : memref<2x128x256xf32, #tpu.memory_space<vmem>>, vector<1x1x16xf32>,
        %get3A_288 = vector.shape_cast %get3A_287 : vector<1x1x16xf32> to vector<16xf32>
        %max3A_289 = arith.maximumf %get3A_280, %get3A_288 : vector<16xf32>
        %add3A_290 = arith.constant 2 : i32
        %add3A_291 = arith.addi %mul3A_99, %add3A_290 : i32
        %get3A_292 = arith.constant 1 : i32
        %get3A_293 = arith.index_cast %get3A_292 : i32 to index
        %get3A_294 = arith.index_cast %add3A_291 : i32 to index
        %get3A_295 = arith.constant 32 : index
        %get3A_296 = tpu.vector_load %arg7[%get3A_293, %get3A_294, %get3A_295] {strides = array<i32>} : memref<2x128x256xf32, #tpu.memory_space<vmem>>, vector<1x1x16xf32>,
        %get3A_297 = vector.shape_cast %get3A_296 : vector<1x1x16xf32> to vector<16xf32>
        %max3A_298 = arith.maximumf %max3A_289, %get3A_297 : vector<16xf32>
        %add3A_299 = arith.constant 3 : i32
        %add3A_300 = arith.addi %mul3A_99, %add3A_299 : i32
        %get3A_301 = arith.constant 1 : i32
        %get3A_302 = arith.index_cast %get3A_301 : i32 to index
        %get3A_303 = arith.index_cast %add3A_300 : i32 to index
        %get3A_304 = arith.constant 32 : index
        %get3A_305 = tpu.vector_load %arg7[%get3A_302, %get3A_303, %get3A_304] {strides = array<i32>} : memref<2x128x256xf32, #tpu.memory_space<vmem>>, vector<1x1x16xf32>,
        %get3A_306 = vector.shape_cast %get3A_305 : vector<1x1x16xf32> to vector<16xf32>
        %max3A_307 = arith.maximumf %max3A_298, %get3A_306 : vector<16xf32>
        %add3A_308 = arith.constant 4 : i32
        %add3A_309 = arith.addi %mul3A_99, %add3A_308 : i32
        %get3A_310 = arith.constant 1 : i32
        %get3A_311 = arith.index_cast %get3A_310 : i32 to index
        %get3A_312 = arith.index_cast %add3A_309 : i32 to index
        %get3A_313 = arith.constant 32 : index
        %get3A_314 = tpu.vector_load %arg7[%get3A_311, %get3A_312, %get3A_313] {strides = array<i32>} : memref<2x128x256xf32, #tpu.memory_space<vmem>>, vector<1x1x16xf32>,
        %get3A_315 = vector.shape_cast %get3A_314 : vector<1x1x16xf32> to vector<16xf32>
        %max3A_316 = arith.maximumf %max3A_307, %get3A_315 : vector<16xf32>
        %add3A_317 = arith.constant 5 : i32
        %add3A_318 = arith.addi %mul3A_99, %add3A_317 : i32
        %get3A_319 = arith.constant 1 : i32
        %get3A_320 = arith.index_cast %get3A_319 : i32 to index
        %get3A_321 = arith.index_cast %add3A_318 : i32 to index
        %get3A_322 = arith.constant 32 : index
        %get3A_323 = tpu.vector_load %arg7[%get3A_320, %get3A_321, %get3A_322] {strides = array<i32>} : memref<2x128x256xf32, #tpu.memory_space<vmem>>, vector<1x1x16xf32>,
        %get3A_324 = vector.shape_cast %get3A_323 : vector<1x1x16xf32> to vector<16xf32>
        %max3A_325 = arith.maximumf %max3A_316, %get3A_324 : vector<16xf32>
        %add3A_326 = arith.constant 6 : i32
        %add3A_327 = arith.addi %mul3A_99, %add3A_326 : i32
        %get3A_328 = arith.constant 1 : i32
        %get3A_329 = arith.index_cast %get3A_328 : i32 to index
        %get3A_330 = arith.index_cast %add3A_327 : i32 to index
        %get3A_331 = arith.constant 32 : index
        %get3A_332 = tpu.vector_load %arg7[%get3A_329, %get3A_330, %get3A_331] {strides = array<i32>} : memref<2x128x256xf32, #tpu.memory_space<vmem>>, vector<1x1x16xf32>,
        %get3A_333 = vector.shape_cast %get3A_332 : vector<1x1x16xf32> to vector<16xf32>
        %max3A_334 = arith.maximumf %max3A_325, %get3A_333 : vector<16xf32>
        %add3A_335 = arith.constant 7 : i32
        %add3A_336 = arith.addi %mul3A_99, %add3A_335 : i32
        %get3A_337 = arith.constant 1 : i32
        %get3A_338 = arith.index_cast %get3A_337 : i32 to index
        %get3A_339 = arith.index_cast %add3A_336 : i32 to index
        %get3A_340 = arith.constant 32 : index
        %get3A_341 = tpu.vector_load %arg7[%get3A_338, %get3A_339, %get3A_340] {strides = array<i32>} : memref<2x128x256xf32, #tpu.memory_space<vmem>>, vector<1x1x16xf32>,
        %get3A_342 = vector.shape_cast %get3A_341 : vector<1x1x16xf32> to vector<16xf32>
        %max3A_343 = arith.maximumf %max3A_334, %get3A_342 : vector<16xf32>
        %get3A_344 = arith.constant 1 : i32
        %get3A_345 = arith.index_cast %get3A_344 : i32 to index
        %get3A_346 = arith.index_cast %scan3A_97 : i32 to index
        %get3A_347 = arith.constant 32 : index
        %get3A_348 = tpu.vector_load %arg8[%get3A_345, %get3A_346, %get3A_347] {strides = array<i32>} : memref<2x16x256xf32, #tpu.memory_space<vmem>>, vector<1x1x16xf32>,
        %get3A_349 = vector.shape_cast %get3A_348 : vector<1x1x16xf32> to vector<16xf32>
        %add3A_350 = arith.addf %max3A_343, %get3A_349 : vector<16xf32>
        %ge3A_351 = arith.constant 0.000000e+00 : f32
        %ge3A_352 = vector.broadcast %ge3A_351 : f32 to vector<16xf32>
        %ge3A_353 = arith.cmpf oge, %add3A_350, %ge3A_352 : vector<16xf32>
        %mul3A_354 = arith.constant 2.000000e-01 : f32
        %mul3A_355 = vector.broadcast %mul3A_354 : f32 to vector<16xf32>
        %mul3A_356 = arith.mulf %mul3A_355, %add3A_350 : vector<16xf32>
        %select_n3A_357 = arith.select %ge3A_353, %add3A_350, %mul3A_356 : vector<16xi1>, vector<16xf32>
        %swap3A_358 = arith.constant 1 : i32
        %swap3A_359 = arith.index_cast %swap3A_358 : i32 to index
        %swap3A_360 = arith.index_cast %scan3A_97 : i32 to index
        %swap3A_361 = arith.constant 32 : index
        %swap3A_362 = tpu.vector_load %arg9[%swap3A_359, %swap3A_360, %swap3A_361] {strides = array<i32>} : memref<2x16x256xf32, #tpu.memory_space<vmem>>, vector<1x1x16xf32>,
        %swap3A_363 = vector.shape_cast %swap3A_362 : vector<1x1x16xf32> to vector<16xf32>
        %swap3A_364 = vector.shape_cast %select_n3A_357 : vector<16xf32> to vector<1x1x16xf32>
        tpu.vector_store %arg9[%swap3A_359, %swap3A_360, %swap3A_361], %swap3A_364 {strides = array<i32>} : memref<2x16x256xf32, #tpu.memory_space<vmem>>, vector<1x1x16xf32>,
        %get3A_365 = arith.constant 1 : i32
        %get3A_366 = arith.index_cast %get3A_365 : i32 to index
        %get3A_367 = arith.index_cast %mul3A_99 : i32 to index
        %get3A_368 = arith.constant 48 : index
        %get3A_369 = tpu.vector_load %arg7[%get3A_366, %get3A_367, %get3A_368] {strides = array<i32>} : memref<2x128x256xf32, #tpu.memory_space<vmem>>, vector<1x1x16xf32>,
        %get3A_370 = vector.shape_cast %get3A_369 : vector<1x1x16xf32> to vector<16xf32>
        %add3A_371 = arith.constant 1 : i32
        %add3A_372 = arith.addi %mul3A_99, %add3A_371 : i32
        %get3A_373 = arith.constant 1 : i32
        %get3A_374 = arith.index_cast %get3A_373 : i32 to index
        %get3A_375 = arith.index_cast %add3A_372 : i32 to index
        %get3A_376 = arith.constant 48 : index
        %get3A_377 = tpu.vector_load %arg7[%get3A_374, %get3A_375, %get3A_376] {strides = array<i32>} : memref<2x128x256xf32, #tpu.memory_space<vmem>>, vector<1x1x16xf32>,
        %get3A_378 = vector.shape_cast %get3A_377 : vector<1x1x16xf32> to vector<16xf32>
        %max3A_379 = arith.maximumf %get3A_370, %get3A_378 : vector<16xf32>
        %add3A_380 = arith.constant 2 : i32
        %add3A_381 = arith.addi %mul3A_99, %add3A_380 : i32
        %get3A_382 = arith.constant 1 : i32
        %get3A_383 = arith.index_cast %get3A_382 : i32 to index
        %get3A_384 = arith.index_cast %add3A_381 : i32 to index
        %get3A_385 = arith.constant 48 : index
        %get3A_386 = tpu.vector_load %arg7[%get3A_383, %get3A_384, %get3A_385] {strides = array<i32>} : memref<2x128x256xf32, #tpu.memory_space<vmem>>, vector<1x1x16xf32>,
        %get3A_387 = vector.shape_cast %get3A_386 : vector<1x1x16xf32> to vector<16xf32>
        %max3A_388 = arith.maximumf %max3A_379, %get3A_387 : vector<16xf32>
        %add3A_389 = arith.constant 3 : i32
        %add3A_390 = arith.addi %mul3A_99, %add3A_389 : i32
        %get3A_391 = arith.constant 1 : i32
        %get3A_392 = arith.index_cast %get3A_391 : i32 to index
        %get3A_393 = arith.index_cast %add3A_390 : i32 to index
        %get3A_394 = arith.constant 48 : index
        %get3A_395 = tpu.vector_load %arg7[%get3A_392, %get3A_393, %get3A_394] {strides = array<i32>} : memref<2x128x256xf32, #tpu.memory_space<vmem>>, vector<1x1x16xf32>,
        %get3A_396 = vector.shape_cast %get3A_395 : vector<1x1x16xf32> to vector<16xf32>
        %max3A_397 = arith.maximumf %max3A_388, %get3A_396 : vector<16xf32>
        %add3A_398 = arith.constant 4 : i32
        %add3A_399 = arith.addi %mul3A_99, %add3A_398 : i32
        %get3A_400 = arith.constant 1 : i32
        %get3A_401 = arith.index_cast %get3A_400 : i32 to index
        %get3A_402 = arith.index_cast %add3A_399 : i32 to index
        %get3A_403 = arith.constant 48 : index
        %get3A_404 = tpu.vector_load %arg7[%get3A_401, %get3A_402, %get3A_403] {strides = array<i32>} : memref<2x128x256xf32, #tpu.memory_space<vmem>>, vector<1x1x16xf32>,
        %get3A_405 = vector.shape_cast %get3A_404 : vector<1x1x16xf32> to vector<16xf32>
        %max3A_406 = arith.maximumf %max3A_397, %get3A_405 : vector<16xf32>
        %add3A_407 = arith.constant 5 : i32
        %add3A_408 = arith.addi %mul3A_99, %add3A_407 : i32
        %get3A_409 = arith.constant 1 : i32
        %get3A_410 = arith.index_cast %get3A_409 : i32 to index
        %get3A_411 = arith.index_cast %add3A_408 : i32 to index
        %get3A_412 = arith.constant 48 : index
        %get3A_413 = tpu.vector_load %arg7[%get3A_410, %get3A_411, %get3A_412] {strides = array<i32>} : memref<2x128x256xf32, #tpu.memory_space<vmem>>, vector<1x1x16xf32>,
        %get3A_414 = vector.shape_cast %get3A_413 : vector<1x1x16xf32> to vector<16xf32>
        %max3A_415 = arith.maximumf %max3A_406, %get3A_414 : vector<16xf32>
        %add3A_416 = arith.constant 6 : i32
        %add3A_417 = arith.addi %mul3A_99, %add3A_416 : i32
        %get3A_418 = arith.constant 1 : i32
        %get3A_419 = arith.index_cast %get3A_418 : i32 to index
        %get3A_420 = arith.index_cast %add3A_417 : i32 to index
        %get3A_421 = arith.constant 48 : index
        %get3A_422 = tpu.vector_load %arg7[%get3A_419, %get3A_420, %get3A_421] {strides = array<i32>} : memref<2x128x256xf32, #tpu.memory_space<vmem>>, vector<1x1x16xf32>,
        %get3A_423 = vector.shape_cast %get3A_422 : vector<1x1x16xf32> to vector<16xf32>
        %max3A_424 = arith.maximumf %max3A_415, %get3A_423 : vector<16xf32>
        %add3A_425 = arith.constant 7 : i32
        %add3A_426 = arith.addi %mul3A_99, %add3A_425 : i32
        %get3A_427 = arith.constant 1 : i32
        %get3A_428 = arith.index_cast %get3A_427 : i32 to index
        %get3A_429 = arith.index_cast %add3A_426 : i32 to index
        %get3A_430 = arith.constant 48 : index
        %get3A_431 = tpu.vector_load %arg7[%get3A_428, %get3A_429, %get3A_430] {strides = array<i32>} : memref<2x128x256xf32, #tpu.memory_space<vmem>>, vector<1x1x16xf32>,
        %get3A_432 = vector.shape_cast %get3A_431 : vector<1x1x16xf32> to vector<16xf32>
        %max3A_433 = arith.maximumf %max3A_424, %get3A_432 : vector<16xf32>
        %get3A_434 = arith.constant 1 : i32
        %get3A_435 = arith.index_cast %get3A_434 : i32 to index
        %get3A_436 = arith.index_cast %scan3A_97 : i32 to index
        %get3A_437 = arith.constant 48 : index
        %get3A_438 = tpu.vector_load %arg8[%get3A_435, %get3A_436, %get3A_437] {strides = array<i32>} : memref<2x16x256xf32, #tpu.memory_space<vmem>>, vector<1x1x16xf32>,
        %get3A_439 = vector.shape_cast %get3A_438 : vector<1x1x16xf32> to vector<16xf32>
        %add3A_440 = arith.addf %max3A_433, %get3A_439 : vector<16xf32>
        %ge3A_441 = arith.constant 0.000000e+00 : f32
        %ge3A_442 = vector.broadcast %ge3A_441 : f32 to vector<16xf32>
        %ge3A_443 = arith.cmpf oge, %add3A_440, %ge3A_442 : vector<16xf32>
        %mul3A_444 = arith.constant 2.000000e-01 : f32
        %mul3A_445 = vector.broadcast %mul3A_444 : f32 to vector<16xf32>
        %mul3A_446 = arith.mulf %mul3A_445, %add3A_440 : vector<16xf32>
        %select_n3A_447 = arith.select %ge3A_443, %add3A_440, %mul3A_446 : vector<16xi1>, vector<16xf32>
        %swap3A_448 = arith.constant 1 : i32
        %swap3A_449 = arith.index_cast %swap3A_448 : i32 to index
        %swap3A_450 = arith.index_cast %scan3A_97 : i32 to index
        %swap3A_451 = arith.constant 48 : index
        %swap3A_452 = tpu.vector_load %arg9[%swap3A_449, %swap3A_450, %swap3A_451] {strides = array<i32>} : memref<2x16x256xf32, #tpu.memory_space<vmem>>, vector<1x1x16xf32>,
        %swap3A_453 = vector.shape_cast %swap3A_452 : vector<1x1x16xf32> to vector<16xf32>
        %swap3A_454 = vector.shape_cast %select_n3A_447 : vector<16xf32> to vector<1x1x16xf32>
        tpu.vector_store %arg9[%swap3A_449, %swap3A_450, %swap3A_451], %swap3A_454 {strides = array<i32>} : memref<2x16x256xf32, #tpu.memory_space<vmem>>, vector<1x1x16xf32>,
        %get3A_455 = arith.constant 1 : i32
        %get3A_456 = arith.index_cast %get3A_455 : i32 to index
        %get3A_457 = arith.index_cast %mul3A_99 : i32 to index
        %get3A_458 = arith.constant 64 : index
        %get3A_459 = tpu.vector_load %arg7[%get3A_456, %get3A_457, %get3A_458] {strides = array<i32>} : memref<2x128x256xf32, #tpu.memory_space<vmem>>, vector<1x1x16xf32>,
        %get3A_460 = vector.shape_cast %get3A_459 : vector<1x1x16xf32> to vector<16xf32>
        %add3A_461 = arith.constant 1 : i32
        %add3A_462 = arith.addi %mul3A_99, %add3A_461 : i32
        %get3A_463 = arith.constant 1 : i32
        %get3A_464 = arith.index_cast %get3A_463 : i32 to index
        %get3A_465 = arith.index_cast %add3A_462 : i32 to index
        %get3A_466 = arith.constant 64 : index
        %get3A_467 = tpu.vector_load %arg7[%get3A_464, %get3A_465, %get3A_466] {strides = array<i32>} : memref<2x128x256xf32, #tpu.memory_space<vmem>>, vector<1x1x16xf32>,
        %get3A_468 = vector.shape_cast %get3A_467 : vector<1x1x16xf32> to vector<16xf32>
        %max3A_469 = arith.maximumf %get3A_460, %get3A_468 : vector<16xf32>
        %add3A_470 = arith.constant 2 : i32
        %add3A_471 = arith.addi %mul3A_99, %add3A_470 : i32
        %get3A_472 = arith.constant 1 : i32
        %get3A_473 = arith.index_cast %get3A_472 : i32 to index
        %get3A_474 = arith.index_cast %add3A_471 : i32 to index
        %get3A_475 = arith.constant 64 : index
        %get3A_476 = tpu.vector_load %arg7[%get3A_473, %get3A_474, %get3A_475] {strides = array<i32>} : memref<2x128x256xf32, #tpu.memory_space<vmem>>, vector<1x1x16xf32>,
        %get3A_477 = vector.shape_cast %get3A_476 : vector<1x1x16xf32> to vector<16xf32>
        %max3A_478 = arith.maximumf %max3A_469, %get3A_477 : vector<16xf32>
        %add3A_479 = arith.constant 3 : i32
        %add3A_480 = arith.addi %mul3A_99, %add3A_479 : i32
        %get3A_481 = arith.constant 1 : i32
        %get3A_482 = arith.index_cast %get3A_481 : i32 to index
        %get3A_483 = arith.index_cast %add3A_480 : i32 to index
        %get3A_484 = arith.constant 64 : index
        %get3A_485 = tpu.vector_load %arg7[%get3A_482, %get3A_483, %get3A_484] {strides = array<i32>} : memref<2x128x256xf32, #tpu.memory_space<vmem>>, vector<1x1x16xf32>,
        %get3A_486 = vector.shape_cast %get3A_485 : vector<1x1x16xf32> to vector<16xf32>
        %max3A_487 = arith.maximumf %max3A_478, %get3A_486 : vector<16xf32>
        %add3A_488 = arith.constant 4 : i32
        %add3A_489 = arith.addi %mul3A_99, %add3A_488 : i32
        %get3A_490 = arith.constant 1 : i32
        %get3A_491 = arith.index_cast %get3A_490 : i32 to index
        %get3A_492 = arith.index_cast %add3A_489 : i32 to index
        %get3A_493 = arith.constant 64 : index
        %get3A_494 = tpu.vector_load %arg7[%get3A_491, %get3A_492, %get3A_493] {strides = array<i32>} : memref<2x128x256xf32, #tpu.memory_space<vmem>>, vector<1x1x16xf32>,
        %get3A_495 = vector.shape_cast %get3A_494 : vector<1x1x16xf32> to vector<16xf32>
        %max3A_496 = arith.maximumf %max3A_487, %get3A_495 : vector<16xf32>
        %add3A_497 = arith.constant 5 : i32
        %add3A_498 = arith.addi %mul3A_99, %add3A_497 : i32
        %get3A_499 = arith.constant 1 : i32
        %get3A_500 = arith.index_cast %get3A_499 : i32 to index
        %get3A_501 = arith.index_cast %add3A_498 : i32 to index
        %get3A_502 = arith.constant 64 : index
        %get3A_503 = tpu.vector_load %arg7[%get3A_500, %get3A_501, %get3A_502] {strides = array<i32>} : memref<2x128x256xf32, #tpu.memory_space<vmem>>, vector<1x1x16xf32>,
        %get3A_504 = vector.shape_cast %get3A_503 : vector<1x1x16xf32> to vector<16xf32>
        %max3A_505 = arith.maximumf %max3A_496, %get3A_504 : vector<16xf32>
        %add3A_506 = arith.constant 6 : i32
        %add3A_507 = arith.addi %mul3A_99, %add3A_506 : i32
        %get3A_508 = arith.constant 1 : i32
        %get3A_509 = arith.index_cast %get3A_508 : i32 to index
        %get3A_510 = arith.index_cast %add3A_507 : i32 to index
        %get3A_511 = arith.constant 64 : index
        %get3A_512 = tpu.vector_load %arg7[%get3A_509, %get3A_510, %get3A_511] {strides = array<i32>} : memref<2x128x256xf32, #tpu.memory_space<vmem>>, vector<1x1x16xf32>,
        %get3A_513 = vector.shape_cast %get3A_512 : vector<1x1x16xf32> to vector<16xf32>
        %max3A_514 = arith.maximumf %max3A_505, %get3A_513 : vector<16xf32>
        %add3A_515 = arith.constant 7 : i32
        %add3A_516 = arith.addi %mul3A_99, %add3A_515 : i32
        %get3A_517 = arith.constant 1 : i32
        %get3A_518 = arith.index_cast %get3A_517 : i32 to index
        %get3A_519 = arith.index_cast %add3A_516 : i32 to index
        %get3A_520 = arith.constant 64 : index
        %get3A_521 = tpu.vector_load %arg7[%get3A_518, %get3A_519, %get3A_520] {strides = array<i32>} : memref<2x128x256xf32, #tpu.memory_space<vmem>>, vector<1x1x16xf32>,
        %get3A_522 = vector.shape_cast %get3A_521 : vector<1x1x16xf32> to vector<16xf32>
        %max3A_523 = arith.maximumf %max3A_514, %get3A_522 : vector<16xf32>
        %get3A_524 = arith.constant 1 : i32
        %get3A_525 = arith.index_cast %get3A_524 : i32 to index
        %get3A_526 = arith.index_cast %scan3A_97 : i32 to index
        %get3A_527 = arith.constant 64 : index
        %get3A_528 = tpu.vector_load %arg8[%get3A_525, %get3A_526, %get3A_527] {strides = array<i32>} : memref<2x16x256xf32, #tpu.memory_space<vmem>>, vector<1x1x16xf32>,
        %get3A_529 = vector.shape_cast %get3A_528 : vector<1x1x16xf32> to vector<16xf32>
        %add3A_530 = arith.addf %max3A_523, %get3A_529 : vector<16xf32>
        %ge3A_531 = arith.constant 0.000000e+00 : f32
        %ge3A_532 = vector.broadcast %ge3A_531 : f32 to vector<16xf32>
        %ge3A_533 = arith.cmpf oge, %add3A_530, %ge3A_532 : vector<16xf32>
        %mul3A_534 = arith.constant 2.000000e-01 : f32
        %mul3A_535 = vector.broadcast %mul3A_534 : f32 to vector<16xf32>
        %mul3A_536 = arith.mulf %mul3A_535, %add3A_530 : vector<16xf32>
        %select_n3A_537 = arith.select %ge3A_533, %add3A_530, %mul3A_536 : vector<16xi1>, vector<16xf32>
        %swap3A_538 = arith.constant 1 : i32
        %swap3A_539 = arith.index_cast %swap3A_538 : i32 to index
        %swap3A_540 = arith.index_cast %scan3A_97 : i32 to index
        %swap3A_541 = arith.constant 64 : index
        %swap3A_542 = tpu.vector_load %arg9[%swap3A_539, %swap3A_540, %swap3A_541] {strides = array<i32>} : memref<2x16x256xf32, #tpu.memory_space<vmem>>, vector<1x1x16xf32>,
        %swap3A_543 = vector.shape_cast %swap3A_542 : vector<1x1x16xf32> to vector<16xf32>
        %swap3A_544 = vector.shape_cast %select_n3A_537 : vector<16xf32> to vector<1x1x16xf32>
        tpu.vector_store %arg9[%swap3A_539, %swap3A_540, %swap3A_541], %swap3A_544 {strides = array<i32>} : memref<2x16x256xf32, #tpu.memory_space<vmem>>, vector<1x1x16xf32>,
        %get3A_545 = arith.constant 1 : i32
        %get3A_546 = arith.index_cast %get3A_545 : i32 to index
        %get3A_547 = arith.index_cast %mul3A_99 : i32 to index
        %get3A_548 = arith.constant 80 : index
        %get3A_549 = tpu.vector_load %arg7[%get3A_546, %get3A_547, %get3A_548] {strides = array<i32>} : memref<2x128x256xf32, #tpu.memory_space<vmem>>, vector<1x1x16xf32>,
        %get3A_550 = vector.shape_cast %get3A_549 : vector<1x1x16xf32> to vector<16xf32>
        %add3A_551 = arith.constant 1 : i32
        %add3A_552 = arith.addi %mul3A_99, %add3A_551 : i32
        %get3A_553 = arith.constant 1 : i32
        %get3A_554 = arith.index_cast %get3A_553 : i32 to index
        %get3A_555 = arith.index_cast %add3A_552 : i32 to index
        %get3A_556 = arith.constant 80 : index
        %get3A_557 = tpu.vector_load %arg7[%get3A_554, %get3A_555, %get3A_556] {strides = array<i32>} : memref<2x128x256xf32, #tpu.memory_space<vmem>>, vector<1x1x16xf32>,
        %get3A_558 = vector.shape_cast %get3A_557 : vector<1x1x16xf32> to vector<16xf32>
        %max3A_559 = arith.maximumf %get3A_550, %get3A_558 : vector<16xf32>
        %add3A_560 = arith.constant 2 : i32
        %add3A_561 = arith.addi %mul3A_99, %add3A_560 : i32
        %get3A_562 = arith.constant 1 : i32
        %get3A_563 = arith.index_cast %get3A_562 : i32 to index
        %get3A_564 = arith.index_cast %add3A_561 : i32 to index
        %get3A_565 = arith.constant 80 : index
        %get3A_566 = tpu.vector_load %arg7[%get3A_563, %get3A_564, %get3A_565] {strides = array<i32>} : memref<2x128x256xf32, #tpu.memory_space<vmem>>, vector<1x1x16xf32>,
        %get3A_567 = vector.shape_cast %get3A_566 : vector<1x1x16xf32> to vector<16xf32>
        %max3A_568 = arith.maximumf %max3A_559, %get3A_567 : vector<16xf32>
        %add3A_569 = arith.constant 3 : i32
        %add3A_570 = arith.addi %mul3A_99, %add3A_569 : i32
        %get3A_571 = arith.constant 1 : i32
        %get3A_572 = arith.index_cast %get3A_571 : i32 to index
        %get3A_573 = arith.index_cast %add3A_570 : i32 to index
        %get3A_574 = arith.constant 80 : index
        %get3A_575 = tpu.vector_load %arg7[%get3A_572, %get3A_573, %get3A_574] {strides = array<i32>} : memref<2x128x256xf32, #tpu.memory_space<vmem>>, vector<1x1x16xf32>,
        %get3A_576 = vector.shape_cast %get3A_575 : vector<1x1x16xf32> to vector<16xf32>
        %max3A_577 = arith.maximumf %max3A_568, %get3A_576 : vector<16xf32>
        %add3A_578 = arith.constant 4 : i32
        %add3A_579 = arith.addi %mul3A_99, %add3A_578 : i32
        %get3A_580 = arith.constant 1 : i32
        %get3A_581 = arith.index_cast %get3A_580 : i32 to index
        %get3A_582 = arith.index_cast %add3A_579 : i32 to index
        %get3A_583 = arith.constant 80 : index
        %get3A_584 = tpu.vector_load %arg7[%get3A_581, %get3A_582, %get3A_583] {strides = array<i32>} : memref<2x128x256xf32, #tpu.memory_space<vmem>>, vector<1x1x16xf32>,
        %get3A_585 = vector.shape_cast %get3A_584 : vector<1x1x16xf32> to vector<16xf32>
        %max3A_586 = arith.maximumf %max3A_577, %get3A_585 : vector<16xf32>
        %add3A_587 = arith.constant 5 : i32
        %add3A_588 = arith.addi %mul3A_99, %add3A_587 : i32
        %get3A_589 = arith.constant 1 : i32
        %get3A_590 = arith.index_cast %get3A_589 : i32 to index
        %get3A_591 = arith.index_cast %add3A_588 : i32 to index
        %get3A_592 = arith.constant 80 : index
        %get3A_593 = tpu.vector_load %arg7[%get3A_590, %get3A_591, %get3A_592] {strides = array<i32>} : memref<2x128x256xf32, #tpu.memory_space<vmem>>, vector<1x1x16xf32>,
        %get3A_594 = vector.shape_cast %get3A_593 : vector<1x1x16xf32> to vector<16xf32>
        %max3A_595 = arith.maximumf %max3A_586, %get3A_594 : vector<16xf32>
        %add3A_596 = arith.constant 6 : i32
        %add3A_597 = arith.addi %mul3A_99, %add3A_596 : i32
        %get3A_598 = arith.constant 1 : i32
        %get3A_599 = arith.index_cast %get3A_598 : i32 to index
        %get3A_600 = arith.index_cast %add3A_597 : i32 to index
        %get3A_601 = arith.constant 80 : index
        %get3A_602 = tpu.vector_load %arg7[%get3A_599, %get3A_600, %get3A_601] {strides = array<i32>} : memref<2x128x256xf32, #tpu.memory_space<vmem>>, vector<1x1x16xf32>,
        %get3A_603 = vector.shape_cast %get3A_602 : vector<1x1x16xf32> to vector<16xf32>
        %max3A_604 = arith.maximumf %max3A_595, %get3A_603 : vector<16xf32>
        %add3A_605 = arith.constant 7 : i32
        %add3A_606 = arith.addi %mul3A_99, %add3A_605 : i32
        %get3A_607 = arith.constant 1 : i32
        %get3A_608 = arith.index_cast %get3A_607 : i32 to index
        %get3A_609 = arith.index_cast %add3A_606 : i32 to index
        %get3A_610 = arith.constant 80 : index
        %get3A_611 = tpu.vector_load %arg7[%get3A_608, %get3A_609, %get3A_610] {strides = array<i32>} : memref<2x128x256xf32, #tpu.memory_space<vmem>>, vector<1x1x16xf32>,
        %get3A_612 = vector.shape_cast %get3A_611 : vector<1x1x16xf32> to vector<16xf32>
        %max3A_613 = arith.maximumf %max3A_604, %get3A_612 : vector<16xf32>
        %get3A_614 = arith.constant 1 : i32
        %get3A_615 = arith.index_cast %get3A_614 : i32 to index
        %get3A_616 = arith.index_cast %scan3A_97 : i32 to index
        %get3A_617 = arith.constant 80 : index
        %get3A_618 = tpu.vector_load %arg8[%get3A_615, %get3A_616, %get3A_617] {strides = array<i32>} : memref<2x16x256xf32, #tpu.memory_space<vmem>>, vector<1x1x16xf32>,
        %get3A_619 = vector.shape_cast %get3A_618 : vector<1x1x16xf32> to vector<16xf32>
        %add3A_620 = arith.addf %max3A_613, %get3A_619 : vector<16xf32>
        %ge3A_621 = arith.constant 0.000000e+00 : f32
        %ge3A_622 = vector.broadcast %ge3A_621 : f32 to vector<16xf32>
        %ge3A_623 = arith.cmpf oge, %add3A_620, %ge3A_622 : vector<16xf32>
        %mul3A_624 = arith.constant 2.000000e-01 : f32
        %mul3A_625 = vector.broadcast %mul3A_624 : f32 to vector<16xf32>
        %mul3A_626 = arith.mulf %mul3A_625, %add3A_620 : vector<16xf32>
        %select_n3A_627 = arith.select %ge3A_623, %add3A_620, %mul3A_626 : vector<16xi1>, vector<16xf32>
        %swap3A_628 = arith.constant 1 : i32
        %swap3A_629 = arith.index_cast %swap3A_628 : i32 to index
        %swap3A_630 = arith.index_cast %scan3A_97 : i32 to index
        %swap3A_631 = arith.constant 80 : index
        %swap3A_632 = tpu.vector_load %arg9[%swap3A_629, %swap3A_630, %swap3A_631] {strides = array<i32>} : memref<2x16x256xf32, #tpu.memory_space<vmem>>, vector<1x1x16xf32>,
        %swap3A_633 = vector.shape_cast %swap3A_632 : vector<1x1x16xf32> to vector<16xf32>
        %swap3A_634 = vector.shape_cast %select_n3A_627 : vector<16xf32> to vector<1x1x16xf32>
        tpu.vector_store %arg9[%swap3A_629, %swap3A_630, %swap3A_631], %swap3A_634 {strides = array<i32>} : memref<2x16x256xf32, #tpu.memory_space<vmem>>, vector<1x1x16xf32>,
        %get3A_635 = arith.constant 1 : i32
        %get3A_636 = arith.index_cast %get3A_635 : i32 to index
        %get3A_637 = arith.index_cast %mul3A_99 : i32 to index
        %get3A_638 = arith.constant 96 : index
        %get3A_639 = tpu.vector_load %arg7[%get3A_636, %get3A_637, %get3A_638] {strides = array<i32>} : memref<2x128x256xf32, #tpu.memory_space<vmem>>, vector<1x1x16xf32>,
        %get3A_640 = vector.shape_cast %get3A_639 : vector<1x1x16xf32> to vector<16xf32>
        %add3A_641 = arith.constant 1 : i32
        %add3A_642 = arith.addi %mul3A_99, %add3A_641 : i32
        %get3A_643 = arith.constant 1 : i32
        %get3A_644 = arith.index_cast %get3A_643 : i32 to index
        %get3A_645 = arith.index_cast %add3A_642 : i32 to index
        %get3A_646 = arith.constant 96 : index
        %get3A_647 = tpu.vector_load %arg7[%get3A_644, %get3A_645, %get3A_646] {strides = array<i32>} : memref<2x128x256xf32, #tpu.memory_space<vmem>>, vector<1x1x16xf32>,
        %get3A_648 = vector.shape_cast %get3A_647 : vector<1x1x16xf32> to vector<16xf32>
        %max3A_649 = arith.maximumf %get3A_640, %get3A_648 : vector<16xf32>
        %add3A_650 = arith.constant 2 : i32
        %add3A_651 = arith.addi %mul3A_99, %add3A_650 : i32
        %get3A_652 = arith.constant 1 : i32
        %get3A_653 = arith.index_cast %get3A_652 : i32 to index
        %get3A_654 = arith.index_cast %add3A_651 : i32 to index
        %get3A_655 = arith.constant 96 : index
        %get3A_656 = tpu.vector_load %arg7[%get3A_653, %get3A_654, %get3A_655] {strides = array<i32>} : memref<2x128x256xf32, #tpu.memory_space<vmem>>, vector<1x1x16xf32>,
        %get3A_657 = vector.shape_cast %get3A_656 : vector<1x1x16xf32> to vector<16xf32>
        %max3A_658 = arith.maximumf %max3A_649, %get3A_657 : vector<16xf32>
        %add3A_659 = arith.constant 3 : i32
        %add3A_660 = arith.addi %mul3A_99, %add3A_659 : i32
        %get3A_661 = arith.constant 1 : i32
        %get3A_662 = arith.index_cast %get3A_661 : i32 to index
        %get3A_663 = arith.index_cast %add3A_660 : i32 to index
        %get3A_664 = arith.constant 96 : index
        %get3A_665 = tpu.vector_load %arg7[%get3A_662, %get3A_663, %get3A_664] {strides = array<i32>} : memref<2x128x256xf32, #tpu.memory_space<vmem>>, vector<1x1x16xf32>,
        %get3A_666 = vector.shape_cast %get3A_665 : vector<1x1x16xf32> to vector<16xf32>
        %max3A_667 = arith.maximumf %max3A_658, %get3A_666 : vector<16xf32>
        %add3A_668 = arith.constant 4 : i32
        %add3A_669 = arith.addi %mul3A_99, %add3A_668 : i32
        %get3A_670 = arith.constant 1 : i32
        %get3A_671 = arith.index_cast %get3A_670 : i32 to index
        %get3A_672 = arith.index_cast %add3A_669 : i32 to index
        %get3A_673 = arith.constant 96 : index
        %get3A_674 = tpu.vector_load %arg7[%get3A_671, %get3A_672, %get3A_673] {strides = array<i32>} : memref<2x128x256xf32, #tpu.memory_space<vmem>>, vector<1x1x16xf32>,
        %get3A_675 = vector.shape_cast %get3A_674 : vector<1x1x16xf32> to vector<16xf32>
        %max3A_676 = arith.maximumf %max3A_667, %get3A_675 : vector<16xf32>
        %add3A_677 = arith.constant 5 : i32
        %add3A_678 = arith.addi %mul3A_99, %add3A_677 : i32
        %get3A_679 = arith.constant 1 : i32
        %get3A_680 = arith.index_cast %get3A_679 : i32 to index
        %get3A_681 = arith.index_cast %add3A_678 : i32 to index
        %get3A_682 = arith.constant 96 : index
        %get3A_683 = tpu.vector_load %arg7[%get3A_680, %get3A_681, %get3A_682] {strides = array<i32>} : memref<2x128x256xf32, #tpu.memory_space<vmem>>, vector<1x1x16xf32>,
        %get3A_684 = vector.shape_cast %get3A_683 : vector<1x1x16xf32> to vector<16xf32>
        %max3A_685 = arith.maximumf %max3A_676, %get3A_684 : vector<16xf32>
        %add3A_686 = arith.constant 6 : i32
        %add3A_687 = arith.addi %mul3A_99, %add3A_686 : i32
        %get3A_688 = arith.constant 1 : i32
        %get3A_689 = arith.index_cast %get3A_688 : i32 to index
        %get3A_690 = arith.index_cast %add3A_687 : i32 to index
        %get3A_691 = arith.constant 96 : index
        %get3A_692 = tpu.vector_load %arg7[%get3A_689, %get3A_690, %get3A_691] {strides = array<i32>} : memref<2x128x256xf32, #tpu.memory_space<vmem>>, vector<1x1x16xf32>,
        %get3A_693 = vector.shape_cast %get3A_692 : vector<1x1x16xf32> to vector<16xf32>
        %max3A_694 = arith.maximumf %max3A_685, %get3A_693 : vector<16xf32>
        %add3A_695 = arith.constant 7 : i32
        %add3A_696 = arith.addi %mul3A_99, %add3A_695 : i32
        %get3A_697 = arith.constant 1 : i32
        %get3A_698 = arith.index_cast %get3A_697 : i32 to index
        %get3A_699 = arith.index_cast %add3A_696 : i32 to index
        %get3A_700 = arith.constant 96 : index
        %get3A_701 = tpu.vector_load %arg7[%get3A_698, %get3A_699, %get3A_700] {strides = array<i32>} : memref<2x128x256xf32, #tpu.memory_space<vmem>>, vector<1x1x16xf32>,
        %get3A_702 = vector.shape_cast %get3A_701 : vector<1x1x16xf32> to vector<16xf32>
        %max3A_703 = arith.maximumf %max3A_694, %get3A_702 : vector<16xf32>
        %get3A_704 = arith.constant 1 : i32
        %get3A_705 = arith.index_cast %get3A_704 : i32 to index
        %get3A_706 = arith.index_cast %scan3A_97 : i32 to index
        %get3A_707 = arith.constant 96 : index
        %get3A_708 = tpu.vector_load %arg8[%get3A_705, %get3A_706, %get3A_707] {strides = array<i32>} : memref<2x16x256xf32, #tpu.memory_space<vmem>>, vector<1x1x16xf32>,
        %get3A_709 = vector.shape_cast %get3A_708 : vector<1x1x16xf32> to vector<16xf32>
        %add3A_710 = arith.addf %max3A_703, %get3A_709 : vector<16xf32>
        %ge3A_711 = arith.constant 0.000000e+00 : f32
        %ge3A_712 = vector.broadcast %ge3A_711 : f32 to vector<16xf32>
        %ge3A_713 = arith.cmpf oge, %add3A_710, %ge3A_712 : vector<16xf32>
        %mul3A_714 = arith.constant 2.000000e-01 : f32
        %mul3A_715 = vector.broadcast %mul3A_714 : f32 to vector<16xf32>
        %mul3A_716 = arith.mulf %mul3A_715, %add3A_710 : vector<16xf32>
        %select_n3A_717 = arith.select %ge3A_713, %add3A_710, %mul3A_716 : vector<16xi1>, vector<16xf32>
        %swap3A_718 = arith.constant 1 : i32
        %swap3A_719 = arith.index_cast %swap3A_718 : i32 to index
        %swap3A_720 = arith.index_cast %scan3A_97 : i32 to index
        %swap3A_721 = arith.constant 96 : index
        %swap3A_722 = tpu.vector_load %arg9[%swap3A_719, %swap3A_720, %swap3A_721] {strides = array<i32>} : memref<2x16x256xf32, #tpu.memory_space<vmem>>, vector<1x1x16xf32>,
        %swap3A_723 = vector.shape_cast %swap3A_722 : vector<1x1x16xf32> to vector<16xf32>
        %swap3A_724 = vector.shape_cast %select_n3A_717 : vector<16xf32> to vector<1x1x16xf32>
        tpu.vector_store %arg9[%swap3A_719, %swap3A_720, %swap3A_721], %swap3A_724 {strides = array<i32>} : memref<2x16x256xf32, #tpu.memory_space<vmem>>, vector<1x1x16xf32>,
        %get3A_725 = arith.constant 1 : i32
        %get3A_726 = arith.index_cast %get3A_725 : i32 to index
        %get3A_727 = arith.index_cast %mul3A_99 : i32 to index
        %get3A_728 = arith.constant 112 : index
        %get3A_729 = tpu.vector_load %arg7[%get3A_726, %get3A_727, %get3A_728] {strides = array<i32>} : memref<2x128x256xf32, #tpu.memory_space<vmem>>, vector<1x1x16xf32>,
        %get3A_730 = vector.shape_cast %get3A_729 : vector<1x1x16xf32> to vector<16xf32>
        %add3A_731 = arith.constant 1 : i32
        %add3A_732 = arith.addi %mul3A_99, %add3A_731 : i32
        %get3A_733 = arith.constant 1 : i32
        %get3A_734 = arith.index_cast %get3A_733 : i32 to index
        %get3A_735 = arith.index_cast %add3A_732 : i32 to index
        %get3A_736 = arith.constant 112 : index
        %get3A_737 = tpu.vector_load %arg7[%get3A_734, %get3A_735, %get3A_736] {strides = array<i32>} : memref<2x128x256xf32, #tpu.memory_space<vmem>>, vector<1x1x16xf32>,
        %get3A_738 = vector.shape_cast %get3A_737 : vector<1x1x16xf32> to vector<16xf32>
        %max3A_739 = arith.maximumf %get3A_730, %get3A_738 : vector<16xf32>
        %add3A_740 = arith.constant 2 : i32
        %add3A_741 = arith.addi %mul3A_99, %add3A_740 : i32
        %get3A_742 = arith.constant 1 : i32
        %get3A_743 = arith.index_cast %get3A_742 : i32 to index
        %get3A_744 = arith.index_cast %add3A_741 : i32 to index
        %get3A_745 = arith.constant 112 : index
        %get3A_746 = tpu.vector_load %arg7[%get3A_743, %get3A_744, %get3A_745] {strides = array<i32>} : memref<2x128x256xf32, #tpu.memory_space<vmem>>, vector<1x1x16xf32>,
        %get3A_747 = vector.shape_cast %get3A_746 : vector<1x1x16xf32> to vector<16xf32>
        %max3A_748 = arith.maximumf %max3A_739, %get3A_747 : vector<16xf32>
        %add3A_749 = arith.constant 3 : i32
        %add3A_750 = arith.addi %mul3A_99, %add3A_749 : i32
        %get3A_751 = arith.constant 1 : i32
        %get3A_752 = arith.index_cast %get3A_751 : i32 to index
        %get3A_753 = arith.index_cast %add3A_750 : i32 to index
        %get3A_754 = arith.constant 112 : index
        %get3A_755 = tpu.vector_load %arg7[%get3A_752, %get3A_753, %get3A_754] {strides = array<i32>} : memref<2x128x256xf32, #tpu.memory_space<vmem>>, vector<1x1x16xf32>,
        %get3A_756 = vector.shape_cast %get3A_755 : vector<1x1x16xf32> to vector<16xf32>
        %max3A_757 = arith.maximumf %max3A_748, %get3A_756 : vector<16xf32>
        %add3A_758 = arith.constant 4 : i32
        %add3A_759 = arith.addi %mul3A_99, %add3A_758 : i32
        %get3A_760 = arith.constant 1 : i32
        %get3A_761 = arith.index_cast %get3A_760 : i32 to index
        %get3A_762 = arith.index_cast %add3A_759 : i32 to index
        %get3A_763 = arith.constant 112 : index
        %get3A_764 = tpu.vector_load %arg7[%get3A_761, %get3A_762, %get3A_763] {strides = array<i32>} : memref<2x128x256xf32, #tpu.memory_space<vmem>>, vector<1x1x16xf32>,
        %get3A_765 = vector.shape_cast %get3A_764 : vector<1x1x16xf32> to vector<16xf32>
        %max3A_766 = arith.maximumf %max3A_757, %get3A_765 : vector<16xf32>
        %add3A_767 = arith.constant 5 : i32
        %add3A_768 = arith.addi %mul3A_99, %add3A_767 : i32
        %get3A_769 = arith.constant 1 : i32
        %get3A_770 = arith.index_cast %get3A_769 : i32 to index
        %get3A_771 = arith.index_cast %add3A_768 : i32 to index
        %get3A_772 = arith.constant 112 : index
        %get3A_773 = tpu.vector_load %arg7[%get3A_770, %get3A_771, %get3A_772] {strides = array<i32>} : memref<2x128x256xf32, #tpu.memory_space<vmem>>, vector<1x1x16xf32>,
        %get3A_774 = vector.shape_cast %get3A_773 : vector<1x1x16xf32> to vector<16xf32>
        %max3A_775 = arith.maximumf %max3A_766, %get3A_774 : vector<16xf32>
        %add3A_776 = arith.constant 6 : i32
        %add3A_777 = arith.addi %mul3A_99, %add3A_776 : i32
        %get3A_778 = arith.constant 1 : i32
        %get3A_779 = arith.index_cast %get3A_778 : i32 to index
        %get3A_780 = arith.index_cast %add3A_777 : i32 to index
        %get3A_781 = arith.constant 112 : index
        %get3A_782 = tpu.vector_load %arg7[%get3A_779, %get3A_780, %get3A_781] {strides = array<i32>} : memref<2x128x256xf32, #tpu.memory_space<vmem>>, vector<1x1x16xf32>,
        %get3A_783 = vector.shape_cast %get3A_782 : vector<1x1x16xf32> to vector<16xf32>
        %max3A_784 = arith.maximumf %max3A_775, %get3A_783 : vector<16xf32>
        %add3A_785 = arith.constant 7 : i32
        %add3A_786 = arith.addi %mul3A_99, %add3A_785 : i32
        %get3A_787 = arith.constant 1 : i32
        %get3A_788 = arith.index_cast %get3A_787 : i32 to index
        %get3A_789 = arith.index_cast %add3A_786 : i32 to index
        %get3A_790 = arith.constant 112 : index
        %get3A_791 = tpu.vector_load %arg7[%get3A_788, %get3A_789, %get3A_790] {strides = array<i32>} : memref<2x128x256xf32, #tpu.memory_space<vmem>>, vector<1x1x16xf32>,
        %get3A_792 = vector.shape_cast %get3A_791 : vector<1x1x16xf32> to vector<16xf32>
        %max3A_793 = arith.maximumf %max3A_784, %get3A_792 : vector<16xf32>
        %get3A_794 = arith.constant 1 : i32
        %get3A_795 = arith.index_cast %get3A_794 : i32 to index
        %get3A_796 = arith.index_cast %scan3A_97 : i32 to index
        %get3A_797 = arith.constant 112 : index
        %get3A_798 = tpu.vector_load %arg8[%get3A_795, %get3A_796, %get3A_797] {strides = array<i32>} : memref<2x16x256xf32, #tpu.memory_space<vmem>>, vector<1x1x16xf32>,
        %get3A_799 = vector.shape_cast %get3A_798 : vector<1x1x16xf32> to vector<16xf32>
        %add3A_800 = arith.addf %max3A_793, %get3A_799 : vector<16xf32>
        %ge3A_801 = arith.constant 0.000000e+00 : f32
        %ge3A_802 = vector.broadcast %ge3A_801 : f32 to vector<16xf32>
        %ge3A_803 = arith.cmpf oge, %add3A_800, %ge3A_802 : vector<16xf32>
        %mul3A_804 = arith.constant 2.000000e-01 : f32
        %mul3A_805 = vector.broadcast %mul3A_804 : f32 to vector<16xf32>
        %mul3A_806 = arith.mulf %mul3A_805, %add3A_800 : vector<16xf32>
        %select_n3A_807 = arith.select %ge3A_803, %add3A_800, %mul3A_806 : vector<16xi1>, vector<16xf32>
        %swap3A_808 = arith.constant 1 : i32
        %swap3A_809 = arith.index_cast %swap3A_808 : i32 to index
        %swap3A_810 = arith.index_cast %scan3A_97 : i32 to index
        %swap3A_811 = arith.constant 112 : index
        %swap3A_812 = tpu.vector_load %arg9[%swap3A_809, %swap3A_810, %swap3A_811] {strides = array<i32>} : memref<2x16x256xf32, #tpu.memory_space<vmem>>, vector<1x1x16xf32>,
        %swap3A_813 = vector.shape_cast %swap3A_812 : vector<1x1x16xf32> to vector<16xf32>
        %swap3A_814 = vector.shape_cast %select_n3A_807 : vector<16xf32> to vector<1x1x16xf32>
        tpu.vector_store %arg9[%swap3A_809, %swap3A_810, %swap3A_811], %swap3A_814 {strides = array<i32>} : memref<2x16x256xf32, #tpu.memory_space<vmem>>, vector<1x1x16xf32>,
        %get3A_815 = arith.constant 1 : i32
        %get3A_816 = arith.index_cast %get3A_815 : i32 to index
        %get3A_817 = arith.index_cast %mul3A_99 : i32 to index
        %get3A_818 = arith.constant 128 : index
        %get3A_819 = tpu.vector_load %arg7[%get3A_816, %get3A_817, %get3A_818] {strides = array<i32>} : memref<2x128x256xf32, #tpu.memory_space<vmem>>, vector<1x1x16xf32>,
        %get3A_820 = vector.shape_cast %get3A_819 : vector<1x1x16xf32> to vector<16xf32>
        %add3A_821 = arith.constant 1 : i32
        %add3A_822 = arith.addi %mul3A_99, %add3A_821 : i32
        %get3A_823 = arith.constant 1 : i32
        %get3A_824 = arith.index_cast %get3A_823 : i32 to index
        %get3A_825 = arith.index_cast %add3A_822 : i32 to index
        %get3A_826 = arith.constant 128 : index
        %get3A_827 = tpu.vector_load %arg7[%get3A_824, %get3A_825, %get3A_826] {strides = array<i32>} : memref<2x128x256xf32, #tpu.memory_space<vmem>>, vector<1x1x16xf32>,
        %get3A_828 = vector.shape_cast %get3A_827 : vector<1x1x16xf32> to vector<16xf32>
        %max3A_829 = arith.maximumf %get3A_820, %get3A_828 : vector<16xf32>
        %add3A_830 = arith.constant 2 : i32
        %add3A_831 = arith.addi %mul3A_99, %add3A_830 : i32
        %get3A_832 = arith.constant 1 : i32
        %get3A_833 = arith.index_cast %get3A_832 : i32 to index
        %get3A_834 = arith.index_cast %add3A_831 : i32 to index
        %get3A_835 = arith.constant 128 : index
        %get3A_836 = tpu.vector_load %arg7[%get3A_833, %get3A_834, %get3A_835] {strides = array<i32>} : memref<2x128x256xf32, #tpu.memory_space<vmem>>, vector<1x1x16xf32>,
        %get3A_837 = vector.shape_cast %get3A_836 : vector<1x1x16xf32> to vector<16xf32>
        %max3A_838 = arith.maximumf %max3A_829, %get3A_837 : vector<16xf32>
        %add3A_839 = arith.constant 3 : i32
        %add3A_840 = arith.addi %mul3A_99, %add3A_839 : i32
        %get3A_841 = arith.constant 1 : i32
        %get3A_842 = arith.index_cast %get3A_841 : i32 to index
        %get3A_843 = arith.index_cast %add3A_840 : i32 to index
        %get3A_844 = arith.constant 128 : index
        %get3A_845 = tpu.vector_load %arg7[%get3A_842, %get3A_843, %get3A_844] {strides = array<i32>} : memref<2x128x256xf32, #tpu.memory_space<vmem>>, vector<1x1x16xf32>,
        %get3A_846 = vector.shape_cast %get3A_845 : vector<1x1x16xf32> to vector<16xf32>
        %max3A_847 = arith.maximumf %max3A_838, %get3A_846 : vector<16xf32>
        %add3A_848 = arith.constant 4 : i32
        %add3A_849 = arith.addi %mul3A_99, %add3A_848 : i32
        %get3A_850 = arith.constant 1 : i32
        %get3A_851 = arith.index_cast %get3A_850 : i32 to index
        %get3A_852 = arith.index_cast %add3A_849 : i32 to index
        %get3A_853 = arith.constant 128 : index
        %get3A_854 = tpu.vector_load %arg7[%get3A_851, %get3A_852, %get3A_853] {strides = array<i32>} : memref<2x128x256xf32, #tpu.memory_space<vmem>>, vector<1x1x16xf32>,
        %get3A_855 = vector.shape_cast %get3A_854 : vector<1x1x16xf32> to vector<16xf32>
        %max3A_856 = arith.maximumf %max3A_847, %get3A_855 : vector<16xf32>
        %add3A_857 = arith.constant 5 : i32
        %add3A_858 = arith.addi %mul3A_99, %add3A_857 : i32
        %get3A_859 = arith.constant 1 : i32
        %get3A_860 = arith.index_cast %get3A_859 : i32 to index
        %get3A_861 = arith.index_cast %add3A_858 : i32 to index
        %get3A_862 = arith.constant 128 : index
        %get3A_863 = tpu.vector_load %arg7[%get3A_860, %get3A_861, %get3A_862] {strides = array<i32>} : memref<2x128x256xf32, #tpu.memory_space<vmem>>, vector<1x1x16xf32>,
        %get3A_864 = vector.shape_cast %get3A_863 : vector<1x1x16xf32> to vector<16xf32>
        %max3A_865 = arith.maximumf %max3A_856, %get3A_864 : vector<16xf32>
        %add3A_866 = arith.constant 6 : i32
        %add3A_867 = arith.addi %mul3A_99, %add3A_866 : i32
        %get3A_868 = arith.constant 1 : i32
        %get3A_869 = arith.index_cast %get3A_868 : i32 to index
        %get3A_870 = arith.index_cast %add3A_867 : i32 to index
        %get3A_871 = arith.constant 128 : index
        %get3A_872 = tpu.vector_load %arg7[%get3A_869, %get3A_870, %get3A_871] {strides = array<i32>} : memref<2x128x256xf32, #tpu.memory_space<vmem>>, vector<1x1x16xf32>,
        %get3A_873 = vector.shape_cast %get3A_872 : vector<1x1x16xf32> to vector<16xf32>
        %max3A_874 = arith.maximumf %max3A_865, %get3A_873 : vector<16xf32>
        %add3A_875 = arith.constant 7 : i32
        %add3A_876 = arith.addi %mul3A_99, %add3A_875 : i32
        %get3A_877 = arith.constant 1 : i32
        %get3A_878 = arith.index_cast %get3A_877 : i32 to index
        %get3A_879 = arith.index_cast %add3A_876 : i32 to index
        %get3A_880 = arith.constant 128 : index
        %get3A_881 = tpu.vector_load %arg7[%get3A_878, %get3A_879, %get3A_880] {strides = array<i32>} : memref<2x128x256xf32, #tpu.memory_space<vmem>>, vector<1x1x16xf32>,
        %get3A_882 = vector.shape_cast %get3A_881 : vector<1x1x16xf32> to vector<16xf32>
        %max3A_883 = arith.maximumf %max3A_874, %get3A_882 : vector<16xf32>
        %get3A_884 = arith.constant 1 : i32
        %get3A_885 = arith.index_cast %get3A_884 : i32 to index
        %get3A_886 = arith.index_cast %scan3A_97 : i32 to index
        %get3A_887 = arith.constant 128 : index
        %get3A_888 = tpu.vector_load %arg8[%get3A_885, %get3A_886, %get3A_887] {strides = array<i32>} : memref<2x16x256xf32, #tpu.memory_space<vmem>>, vector<1x1x16xf32>,
        %get3A_889 = vector.shape_cast %get3A_888 : vector<1x1x16xf32> to vector<16xf32>
        %add3A_890 = arith.addf %max3A_883, %get3A_889 : vector<16xf32>
        %ge3A_891 = arith.constant 0.000000e+00 : f32
        %ge3A_892 = vector.broadcast %ge3A_891 : f32 to vector<16xf32>
        %ge3A_893 = arith.cmpf oge, %add3A_890, %ge3A_892 : vector<16xf32>
        %mul3A_894 = arith.constant 2.000000e-01 : f32
        %mul3A_895 = vector.broadcast %mul3A_894 : f32 to vector<16xf32>
        %mul3A_896 = arith.mulf %mul3A_895, %add3A_890 : vector<16xf32>
        %select_n3A_897 = arith.select %ge3A_893, %add3A_890, %mul3A_896 : vector<16xi1>, vector<16xf32>
        %swap3A_898 = arith.constant 1 : i32
        %swap3A_899 = arith.index_cast %swap3A_898 : i32 to index
        %swap3A_900 = arith.index_cast %scan3A_97 : i32 to index
        %swap3A_901 = arith.constant 128 : index
        %swap3A_902 = tpu.vector_load %arg9[%swap3A_899, %swap3A_900, %swap3A_901] {strides = array<i32>} : memref<2x16x256xf32, #tpu.memory_space<vmem>>, vector<1x1x16xf32>,
        %swap3A_903 = vector.shape_cast %swap3A_902 : vector<1x1x16xf32> to vector<16xf32>
        %swap3A_904 = vector.shape_cast %select_n3A_897 : vector<16xf32> to vector<1x1x16xf32>
        tpu.vector_store %arg9[%swap3A_899, %swap3A_900, %swap3A_901], %swap3A_904 {strides = array<i32>} : memref<2x16x256xf32, #tpu.memory_space<vmem>>, vector<1x1x16xf32>,
        %get3A_905 = arith.constant 1 : i32
        %get3A_906 = arith.index_cast %get3A_905 : i32 to index
        %get3A_907 = arith.index_cast %mul3A_99 : i32 to index
        %get3A_908 = arith.constant 144 : index
        %get3A_909 = tpu.vector_load %arg7[%get3A_906, %get3A_907, %get3A_908] {strides = array<i32>} : memref<2x128x256xf32, #tpu.memory_space<vmem>>, vector<1x1x16xf32>,
        %get3A_910 = vector.shape_cast %get3A_909 : vector<1x1x16xf32> to vector<16xf32>
        %add3A_911 = arith.constant 1 : i32
        %add3A_912 = arith.addi %mul3A_99, %add3A_911 : i32
        %get3A_913 = arith.constant 1 : i32
        %get3A_914 = arith.index_cast %get3A_913 : i32 to index
        %get3A_915 = arith.index_cast %add3A_912 : i32 to index
        %get3A_916 = arith.constant 144 : index
        %get3A_917 = tpu.vector_load %arg7[%get3A_914, %get3A_915, %get3A_916] {strides = array<i32>} : memref<2x128x256xf32, #tpu.memory_space<vmem>>, vector<1x1x16xf32>,
        %get3A_918 = vector.shape_cast %get3A_917 : vector<1x1x16xf32> to vector<16xf32>
        %max3A_919 = arith.maximumf %get3A_910, %get3A_918 : vector<16xf32>
        %add3A_920 = arith.constant 2 : i32
        %add3A_921 = arith.addi %mul3A_99, %add3A_920 : i32
        %get3A_922 = arith.constant 1 : i32
        %get3A_923 = arith.index_cast %get3A_922 : i32 to index
        %get3A_924 = arith.index_cast %add3A_921 : i32 to index
        %get3A_925 = arith.constant 144 : index
        %get3A_926 = tpu.vector_load %arg7[%get3A_923, %get3A_924, %get3A_925] {strides = array<i32>} : memref<2x128x256xf32, #tpu.memory_space<vmem>>, vector<1x1x16xf32>,
        %get3A_927 = vector.shape_cast %get3A_926 : vector<1x1x16xf32> to vector<16xf32>
        %max3A_928 = arith.maximumf %max3A_919, %get3A_927 : vector<16xf32>
        %add3A_929 = arith.constant 3 : i32
        %add3A_930 = arith.addi %mul3A_99, %add3A_929 : i32
        %get3A_931 = arith.constant 1 : i32
        %get3A_932 = arith.index_cast %get3A_931 : i32 to index
        %get3A_933 = arith.index_cast %add3A_930 : i32 to index
        %get3A_934 = arith.constant 144 : index
        %get3A_935 = tpu.vector_load %arg7[%get3A_932, %get3A_933, %get3A_934] {strides = array<i32>} : memref<2x128x256xf32, #tpu.memory_space<vmem>>, vector<1x1x16xf32>,
        %get3A_936 = vector.shape_cast %get3A_935 : vector<1x1x16xf32> to vector<16xf32>
        %max3A_937 = arith.maximumf %max3A_928, %get3A_936 : vector<16xf32>
        %add3A_938 = arith.constant 4 : i32
        %add3A_939 = arith.addi %mul3A_99, %add3A_938 : i32
        %get3A_940 = arith.constant 1 : i32
        %get3A_941 = arith.index_cast %get3A_940 : i32 to index
        %get3A_942 = arith.index_cast %add3A_939 : i32 to index
        %get3A_943 = arith.constant 144 : index
        %get3A_944 = tpu.vector_load %arg7[%get3A_941, %get3A_942, %get3A_943] {strides = array<i32>} : memref<2x128x256xf32, #tpu.memory_space<vmem>>, vector<1x1x16xf32>,
        %get3A_945 = vector.shape_cast %get3A_944 : vector<1x1x16xf32> to vector<16xf32>
        %max3A_946 = arith.maximumf %max3A_937, %get3A_945 : vector<16xf32>
        %add3A_947 = arith.constant 5 : i32
        %add3A_948 = arith.addi %mul3A_99, %add3A_947 : i32
        %get3A_949 = arith.constant 1 : i32
        %get3A_950 = arith.index_cast %get3A_949 : i32 to index
        %get3A_951 = arith.index_cast %add3A_948 : i32 to index
        %get3A_952 = arith.constant 144 : index
        %get3A_953 = tpu.vector_load %arg7[%get3A_950, %get3A_951, %get3A_952] {strides = array<i32>} : memref<2x128x256xf32, #tpu.memory_space<vmem>>, vector<1x1x16xf32>,
        %get3A_954 = vector.shape_cast %get3A_953 : vector<1x1x16xf32> to vector<16xf32>
        %max3A_955 = arith.maximumf %max3A_946, %get3A_954 : vector<16xf32>
        %add3A_956 = arith.constant 6 : i32
        %add3A_957 = arith.addi %mul3A_99, %add3A_956 : i32
        %get3A_958 = arith.constant 1 : i32
        %get3A_959 = arith.index_cast %get3A_958 : i32 to index
        %get3A_960 = arith.index_cast %add3A_957 : i32 to index
        %get3A_961 = arith.constant 144 : index
        %get3A_962 = tpu.vector_load %arg7[%get3A_959, %get3A_960, %get3A_961] {strides = array<i32>} : memref<2x128x256xf32, #tpu.memory_space<vmem>>, vector<1x1x16xf32>,
        %get3A_963 = vector.shape_cast %get3A_962 : vector<1x1x16xf32> to vector<16xf32>
        %max3A_964 = arith.maximumf %max3A_955, %get3A_963 : vector<16xf32>
        %add3A_965 = arith.constant 7 : i32
        %add3A_966 = arith.addi %mul3A_99, %add3A_965 : i32
        %get3A_967 = arith.constant 1 : i32
        %get3A_968 = arith.index_cast %get3A_967 : i32 to index
        %get3A_969 = arith.index_cast %add3A_966 : i32 to index
        %get3A_970 = arith.constant 144 : index
        %get3A_971 = tpu.vector_load %arg7[%get3A_968, %get3A_969, %get3A_970] {strides = array<i32>} : memref<2x128x256xf32, #tpu.memory_space<vmem>>, vector<1x1x16xf32>,
        %get3A_972 = vector.shape_cast %get3A_971 : vector<1x1x16xf32> to vector<16xf32>
        %max3A_973 = arith.maximumf %max3A_964, %get3A_972 : vector<16xf32>
        %get3A_974 = arith.constant 1 : i32
        %get3A_975 = arith.index_cast %get3A_974 : i32 to index
        %get3A_976 = arith.index_cast %scan3A_97 : i32 to index
        %get3A_977 = arith.constant 144 : index
        %get3A_978 = tpu.vector_load %arg8[%get3A_975, %get3A_976, %get3A_977] {strides = array<i32>} : memref<2x16x256xf32, #tpu.memory_space<vmem>>, vector<1x1x16xf32>,
        %get3A_979 = vector.shape_cast %get3A_978 : vector<1x1x16xf32> to vector<16xf32>
        %add3A_980 = arith.addf %max3A_973, %get3A_979 : vector<16xf32>
        %ge3A_981 = arith.constant 0.000000e+00 : f32
        %ge3A_982 = vector.broadcast %ge3A_981 : f32 to vector<16xf32>
        %ge3A_983 = arith.cmpf oge, %add3A_980, %ge3A_982 : vector<16xf32>
        %mul3A_984 = arith.constant 2.000000e-01 : f32
        %mul3A_985 = vector.broadcast %mul3A_984 : f32 to vector<16xf32>
        %mul3A_986 = arith.mulf %mul3A_985, %add3A_980 : vector<16xf32>
        %select_n3A_987 = arith.select %ge3A_983, %add3A_980, %mul3A_986 : vector<16xi1>, vector<16xf32>
        %swap3A_988 = arith.constant 1 : i32
        %swap3A_989 = arith.index_cast %swap3A_988 : i32 to index
        %swap3A_990 = arith.index_cast %scan3A_97 : i32 to index
        %swap3A_991 = arith.constant 144 : index
        %swap3A_992 = tpu.vector_load %arg9[%swap3A_989, %swap3A_990, %swap3A_991] {strides = array<i32>} : memref<2x16x256xf32, #tpu.memory_space<vmem>>, vector<1x1x16xf32>,
        %swap3A_993 = vector.shape_cast %swap3A_992 : vector<1x1x16xf32> to vector<16xf32>
        %swap3A_994 = vector.shape_cast %select_n3A_987 : vector<16xf32> to vector<1x1x16xf32>
        tpu.vector_store %arg9[%swap3A_989, %swap3A_990, %swap3A_991], %swap3A_994 {strides = array<i32>} : memref<2x16x256xf32, #tpu.memory_space<vmem>>, vector<1x1x16xf32>,
        %get3A_995 = arith.constant 1 : i32
        %get3A_996 = arith.index_cast %get3A_995 : i32 to index
        %get3A_997 = arith.index_cast %mul3A_99 : i32 to index
        %get3A_998 = arith.constant 160 : index
        %get3A_999 = tpu.vector_load %arg7[%get3A_996, %get3A_997, %get3A_998] {strides = array<i32>} : memref<2x128x256xf32, #tpu.memory_space<vmem>>, vector<1x1x16xf32>,
        %get3A_1000 = vector.shape_cast %get3A_999 : vector<1x1x16xf32> to vector<16xf32>
        %add3A_1001 = arith.constant 1 : i32
        %add3A_1002 = arith.addi %mul3A_99, %add3A_1001 : i32
        %get3A_1003 = arith.constant 1 : i32
        %get3A_1004 = arith.index_cast %get3A_1003 : i32 to index
        %get3A_1005 = arith.index_cast %add3A_1002 : i32 to index
        %get3A_1006 = arith.constant 160 : index
        %get3A_1007 = tpu.vector_load %arg7[%get3A_1004, %get3A_1005, %get3A_1006] {strides = array<i32>} : memref<2x128x256xf32, #tpu.memory_space<vmem>>, vector<1x1x16xf32>,
        %get3A_1008 = vector.shape_cast %get3A_1007 : vector<1x1x16xf32> to vector<16xf32>
        %max3A_1009 = arith.maximumf %get3A_1000, %get3A_1008 : vector<16xf32>
        %add3A_1010 = arith.constant 2 : i32
        %add3A_1011 = arith.addi %mul3A_99, %add3A_1010 : i32
        %get3A_1012 = arith.constant 1 : i32
        %get3A_1013 = arith.index_cast %get3A_1012 : i32 to index
        %get3A_1014 = arith.index_cast %add3A_1011 : i32 to index
        %get3A_1015 = arith.constant 160 : index
        %get3A_1016 = tpu.vector_load %arg7[%get3A_1013, %get3A_1014, %get3A_1015] {strides = array<i32>} : memref<2x128x256xf32, #tpu.memory_space<vmem>>, vector<1x1x16xf32>,
        %get3A_1017 = vector.shape_cast %get3A_1016 : vector<1x1x16xf32> to vector<16xf32>
        %max3A_1018 = arith.maximumf %max3A_1009, %get3A_1017 : vector<16xf32>
        %add3A_1019 = arith.constant 3 : i32
        %add3A_1020 = arith.addi %mul3A_99, %add3A_1019 : i32
        %get3A_1021 = arith.constant 1 : i32
        %get3A_1022 = arith.index_cast %get3A_1021 : i32 to index
        %get3A_1023 = arith.index_cast %add3A_1020 : i32 to index
        %get3A_1024 = arith.constant 160 : index
        %get3A_1025 = tpu.vector_load %arg7[%get3A_1022, %get3A_1023, %get3A_1024] {strides = array<i32>} : memref<2x128x256xf32, #tpu.memory_space<vmem>>, vector<1x1x16xf32>,
        %get3A_1026 = vector.shape_cast %get3A_1025 : vector<1x1x16xf32> to vector<16xf32>
        %max3A_1027 = arith.maximumf %max3A_1018, %get3A_1026 : vector<16xf32>
        %add3A_1028 = arith.constant 4 : i32
        %add3A_1029 = arith.addi %mul3A_99, %add3A_1028 : i32
        %get3A_1030 = arith.constant 1 : i32
        %get3A_1031 = arith.index_cast %get3A_1030 : i32 to index
        %get3A_1032 = arith.index_cast %add3A_1029 : i32 to index
        %get3A_1033 = arith.constant 160 : index
        %get3A_1034 = tpu.vector_load %arg7[%get3A_1031, %get3A_1032, %get3A_1033] {strides = array<i32>} : memref<2x128x256xf32, #tpu.memory_space<vmem>>, vector<1x1x16xf32>,
        %get3A_1035 = vector.shape_cast %get3A_1034 : vector<1x1x16xf32> to vector<16xf32>
        %max3A_1036 = arith.maximumf %max3A_1027, %get3A_1035 : vector<16xf32>
        %add3A_1037 = arith.constant 5 : i32
        %add3A_1038 = arith.addi %mul3A_99, %add3A_1037 : i32
        %get3A_1039 = arith.constant 1 : i32
        %get3A_1040 = arith.index_cast %get3A_1039 : i32 to index
        %get3A_1041 = arith.index_cast %add3A_1038 : i32 to index
        %get3A_1042 = arith.constant 160 : index
        %get3A_1043 = tpu.vector_load %arg7[%get3A_1040, %get3A_1041, %get3A_1042] {strides = array<i32>} : memref<2x128x256xf32, #tpu.memory_space<vmem>>, vector<1x1x16xf32>,
        %get3A_1044 = vector.shape_cast %get3A_1043 : vector<1x1x16xf32> to vector<16xf32>
        %max3A_1045 = arith.maximumf %max3A_1036, %get3A_1044 : vector<16xf32>
        %add3A_1046 = arith.constant 6 : i32
        %add3A_1047 = arith.addi %mul3A_99, %add3A_1046 : i32
        %get3A_1048 = arith.constant 1 : i32
        %get3A_1049 = arith.index_cast %get3A_1048 : i32 to index
        %get3A_1050 = arith.index_cast %add3A_1047 : i32 to index
        %get3A_1051 = arith.constant 160 : index
        %get3A_1052 = tpu.vector_load %arg7[%get3A_1049, %get3A_1050, %get3A_1051] {strides = array<i32>} : memref<2x128x256xf32, #tpu.memory_space<vmem>>, vector<1x1x16xf32>,
        %get3A_1053 = vector.shape_cast %get3A_1052 : vector<1x1x16xf32> to vector<16xf32>
        %max3A_1054 = arith.maximumf %max3A_1045, %get3A_1053 : vector<16xf32>
        %add3A_1055 = arith.constant 7 : i32
        %add3A_1056 = arith.addi %mul3A_99, %add3A_1055 : i32
        %get3A_1057 = arith.constant 1 : i32
        %get3A_1058 = arith.index_cast %get3A_1057 : i32 to index
        %get3A_1059 = arith.index_cast %add3A_1056 : i32 to index
        %get3A_1060 = arith.constant 160 : index
        %get3A_1061 = tpu.vector_load %arg7[%get3A_1058, %get3A_1059, %get3A_1060] {strides = array<i32>} : memref<2x128x256xf32, #tpu.memory_space<vmem>>, vector<1x1x16xf32>,
        %get3A_1062 = vector.shape_cast %get3A_1061 : vector<1x1x16xf32> to vector<16xf32>
        %max3A_1063 = arith.maximumf %max3A_1054, %get3A_1062 : vector<16xf32>
        %get3A_1064 = arith.constant 1 : i32
        %get3A_1065 = arith.index_cast %get3A_1064 : i32 to index
        %get3A_1066 = arith.index_cast %scan3A_97 : i32 to index
        %get3A_1067 = arith.constant 160 : index
        %get3A_1068 = tpu.vector_load %arg8[%get3A_1065, %get3A_1066, %get3A_1067] {strides = array<i32>} : memref<2x16x256xf32, #tpu.memory_space<vmem>>, vector<1x1x16xf32>,
        %get3A_1069 = vector.shape_cast %get3A_1068 : vector<1x1x16xf32> to vector<16xf32>
        %add3A_1070 = arith.addf %max3A_1063, %get3A_1069 : vector<16xf32>
        %ge3A_1071 = arith.constant 0.000000e+00 : f32
        %ge3A_1072 = vector.broadcast %ge3A_1071 : f32 to vector<16xf32>
        %ge3A_1073 = arith.cmpf oge, %add3A_1070, %ge3A_1072 : vector<16xf32>
        %mul3A_1074 = arith.constant 2.000000e-01 : f32
        %mul3A_1075 = vector.broadcast %mul3A_1074 : f32 to vector<16xf32>
        %mul3A_1076 = arith.mulf %mul3A_1075, %add3A_1070 : vector<16xf32>
        %select_n3A_1077 = arith.select %ge3A_1073, %add3A_1070, %mul3A_1076 : vector<16xi1>, vector<16xf32>
        %swap3A_1078 = arith.constant 1 : i32
        %swap3A_1079 = arith.index_cast %swap3A_1078 : i32 to index
        %swap3A_1080 = arith.index_cast %scan3A_97 : i32 to index
        %swap3A_1081 = arith.constant 160 : index
        %swap3A_1082 = tpu.vector_load %arg9[%swap3A_1079, %swap3A_1080, %swap3A_1081] {strides = array<i32>} : memref<2x16x256xf32, #tpu.memory_space<vmem>>, vector<1x1x16xf32>,
        %swap3A_1083 = vector.shape_cast %swap3A_1082 : vector<1x1x16xf32> to vector<16xf32>
        %swap3A_1084 = vector.shape_cast %select_n3A_1077 : vector<16xf32> to vector<1x1x16xf32>
        tpu.vector_store %arg9[%swap3A_1079, %swap3A_1080, %swap3A_1081], %swap3A_1084 {strides = array<i32>} : memref<2x16x256xf32, #tpu.memory_space<vmem>>, vector<1x1x16xf32>,
        %get3A_1085 = arith.constant 1 : i32
        %get3A_1086 = arith.index_cast %get3A_1085 : i32 to index
        %get3A_1087 = arith.index_cast %mul3A_99 : i32 to index
        %get3A_1088 = arith.constant 176 : index
        %get3A_1089 = tpu.vector_load %arg7[%get3A_1086, %get3A_1087, %get3A_1088] {strides = array<i32>} : memref<2x128x256xf32, #tpu.memory_space<vmem>>, vector<1x1x16xf32>,
        %get3A_1090 = vector.shape_cast %get3A_1089 : vector<1x1x16xf32> to vector<16xf32>
        %add3A_1091 = arith.constant 1 : i32
        %add3A_1092 = arith.addi %mul3A_99, %add3A_1091 : i32
        %get3A_1093 = arith.constant 1 : i32
        %get3A_1094 = arith.index_cast %get3A_1093 : i32 to index
        %get3A_1095 = arith.index_cast %add3A_1092 : i32 to index
        %get3A_1096 = arith.constant 176 : index
        %get3A_1097 = tpu.vector_load %arg7[%get3A_1094, %get3A_1095, %get3A_1096] {strides = array<i32>} : memref<2x128x256xf32, #tpu.memory_space<vmem>>, vector<1x1x16xf32>,
        %get3A_1098 = vector.shape_cast %get3A_1097 : vector<1x1x16xf32> to vector<16xf32>
        %max3A_1099 = arith.maximumf %get3A_1090, %get3A_1098 : vector<16xf32>
        %add3A_1100 = arith.constant 2 : i32
        %add3A_1101 = arith.addi %mul3A_99, %add3A_1100 : i32
        %get3A_1102 = arith.constant 1 : i32
        %get3A_1103 = arith.index_cast %get3A_1102 : i32 to index
        %get3A_1104 = arith.index_cast %add3A_1101 : i32 to index
        %get3A_1105 = arith.constant 176 : index
        %get3A_1106 = tpu.vector_load %arg7[%get3A_1103, %get3A_1104, %get3A_1105] {strides = array<i32>} : memref<2x128x256xf32, #tpu.memory_space<vmem>>, vector<1x1x16xf32>,
        %get3A_1107 = vector.shape_cast %get3A_1106 : vector<1x1x16xf32> to vector<16xf32>
        %max3A_1108 = arith.maximumf %max3A_1099, %get3A_1107 : vector<16xf32>
        %add3A_1109 = arith.constant 3 : i32
        %add3A_1110 = arith.addi %mul3A_99, %add3A_1109 : i32
        %get3A_1111 = arith.constant 1 : i32
        %get3A_1112 = arith.index_cast %get3A_1111 : i32 to index
        %get3A_1113 = arith.index_cast %add3A_1110 : i32 to index
        %get3A_1114 = arith.constant 176 : index
        %get3A_1115 = tpu.vector_load %arg7[%get3A_1112, %get3A_1113, %get3A_1114] {strides = array<i32>} : memref<2x128x256xf32, #tpu.memory_space<vmem>>, vector<1x1x16xf32>,
        %get3A_1116 = vector.shape_cast %get3A_1115 : vector<1x1x16xf32> to vector<16xf32>
        %max3A_1117 = arith.maximumf %max3A_1108, %get3A_1116 : vector<16xf32>
        %add3A_1118 = arith.constant 4 : i32
        %add3A_1119 = arith.addi %mul3A_99, %add3A_1118 : i32
        %get3A_1120 = arith.constant 1 : i32
        %get3A_1121 = arith.index_cast %get3A_1120 : i32 to index
        %get3A_1122 = arith.index_cast %add3A_1119 : i32 to index
        %get3A_1123 = arith.constant 176 : index
        %get3A_1124 = tpu.vector_load %arg7[%get3A_1121, %get3A_1122, %get3A_1123] {strides = array<i32>} : memref<2x128x256xf32, #tpu.memory_space<vmem>>, vector<1x1x16xf32>,
        %get3A_1125 = vector.shape_cast %get3A_1124 : vector<1x1x16xf32> to vector<16xf32>
        %max3A_1126 = arith.maximumf %max3A_1117, %get3A_1125 : vector<16xf32>
        %add3A_1127 = arith.constant 5 : i32
        %add3A_1128 = arith.addi %mul3A_99, %add3A_1127 : i32
        %get3A_1129 = arith.constant 1 : i32
        %get3A_1130 = arith.index_cast %get3A_1129 : i32 to index
        %get3A_1131 = arith.index_cast %add3A_1128 : i32 to index
        %get3A_1132 = arith.constant 176 : index
        %get3A_1133 = tpu.vector_load %arg7[%get3A_1130, %get3A_1131, %get3A_1132] {strides = array<i32>} : memref<2x128x256xf32, #tpu.memory_space<vmem>>, vector<1x1x16xf32>,
        %get3A_1134 = vector.shape_cast %get3A_1133 : vector<1x1x16xf32> to vector<16xf32>
        %max3A_1135 = arith.maximumf %max3A_1126, %get3A_1134 : vector<16xf32>
        %add3A_1136 = arith.constant 6 : i32
        %add3A_1137 = arith.addi %mul3A_99, %add3A_1136 : i32
        %get3A_1138 = arith.constant 1 : i32
        %get3A_1139 = arith.index_cast %get3A_1138 : i32 to index
        %get3A_1140 = arith.index_cast %add3A_1137 : i32 to index
        %get3A_1141 = arith.constant 176 : index
        %get3A_1142 = tpu.vector_load %arg7[%get3A_1139, %get3A_1140, %get3A_1141] {strides = array<i32>} : memref<2x128x256xf32, #tpu.memory_space<vmem>>, vector<1x1x16xf32>,
        %get3A_1143 = vector.shape_cast %get3A_1142 : vector<1x1x16xf32> to vector<16xf32>
        %max3A_1144 = arith.maximumf %max3A_1135, %get3A_1143 : vector<16xf32>
        %add3A_1145 = arith.constant 7 : i32
        %add3A_1146 = arith.addi %mul3A_99, %add3A_1145 : i32
        %get3A_1147 = arith.constant 1 : i32
        %get3A_1148 = arith.index_cast %get3A_1147 : i32 to index
        %get3A_1149 = arith.index_cast %add3A_1146 : i32 to index
        %get3A_1150 = arith.constant 176 : index
        %get3A_1151 = tpu.vector_load %arg7[%get3A_1148, %get3A_1149, %get3A_1150] {strides = array<i32>} : memref<2x128x256xf32, #tpu.memory_space<vmem>>, vector<1x1x16xf32>,
        %get3A_1152 = vector.shape_cast %get3A_1151 : vector<1x1x16xf32> to vector<16xf32>
        %max3A_1153 = arith.maximumf %max3A_1144, %get3A_1152 : vector<16xf32>
        %get3A_1154 = arith.constant 1 : i32
        %get3A_1155 = arith.index_cast %get3A_1154 : i32 to index
        %get3A_1156 = arith.index_cast %scan3A_97 : i32 to index
        %get3A_1157 = arith.constant 176 : index
        %get3A_1158 = tpu.vector_load %arg8[%get3A_1155, %get3A_1156, %get3A_1157] {strides = array<i32>} : memref<2x16x256xf32, #tpu.memory_space<vmem>>, vector<1x1x16xf32>,
        %get3A_1159 = vector.shape_cast %get3A_1158 : vector<1x1x16xf32> to vector<16xf32>
        %add3A_1160 = arith.addf %max3A_1153, %get3A_1159 : vector<16xf32>
        %ge3A_1161 = arith.constant 0.000000e+00 : f32
        %ge3A_1162 = vector.broadcast %ge3A_1161 : f32 to vector<16xf32>
        %ge3A_1163 = arith.cmpf oge, %add3A_1160, %ge3A_1162 : vector<16xf32>
        %mul3A_1164 = arith.constant 2.000000e-01 : f32
        %mul3A_1165 = vector.broadcast %mul3A_1164 : f32 to vector<16xf32>
        %mul3A_1166 = arith.mulf %mul3A_1165, %add3A_1160 : vector<16xf32>
        %select_n3A_1167 = arith.select %ge3A_1163, %add3A_1160, %mul3A_1166 : vector<16xi1>, vector<16xf32>
        %swap3A_1168 = arith.constant 1 : i32
        %swap3A_1169 = arith.index_cast %swap3A_1168 : i32 to index
        %swap3A_1170 = arith.index_cast %scan3A_97 : i32 to index
        %swap3A_1171 = arith.constant 176 : index
        %swap3A_1172 = tpu.vector_load %arg9[%swap3A_1169, %swap3A_1170, %swap3A_1171] {strides = array<i32>} : memref<2x16x256xf32, #tpu.memory_space<vmem>>, vector<1x1x16xf32>,
        %swap3A_1173 = vector.shape_cast %swap3A_1172 : vector<1x1x16xf32> to vector<16xf32>
        %swap3A_1174 = vector.shape_cast %select_n3A_1167 : vector<16xf32> to vector<1x1x16xf32>
        tpu.vector_store %arg9[%swap3A_1169, %swap3A_1170, %swap3A_1171], %swap3A_1174 {strides = array<i32>} : memref<2x16x256xf32, #tpu.memory_space<vmem>>, vector<1x1x16xf32>,
        %get3A_1175 = arith.constant 1 : i32
        %get3A_1176 = arith.index_cast %get3A_1175 : i32 to index
        %get3A_1177 = arith.index_cast %mul3A_99 : i32 to index
        %get3A_1178 = arith.constant 192 : index
        %get3A_1179 = tpu.vector_load %arg7[%get3A_1176, %get3A_1177, %get3A_1178] {strides = array<i32>} : memref<2x128x256xf32, #tpu.memory_space<vmem>>, vector<1x1x16xf32>,
        %get3A_1180 = vector.shape_cast %get3A_1179 : vector<1x1x16xf32> to vector<16xf32>
        %add3A_1181 = arith.constant 1 : i32
        %add3A_1182 = arith.addi %mul3A_99, %add3A_1181 : i32
        %get3A_1183 = arith.constant 1 : i32
        %get3A_1184 = arith.index_cast %get3A_1183 : i32 to index
        %get3A_1185 = arith.index_cast %add3A_1182 : i32 to index
        %get3A_1186 = arith.constant 192 : index
        %get3A_1187 = tpu.vector_load %arg7[%get3A_1184, %get3A_1185, %get3A_1186] {strides = array<i32>} : memref<2x128x256xf32, #tpu.memory_space<vmem>>, vector<1x1x16xf32>,
        %get3A_1188 = vector.shape_cast %get3A_1187 : vector<1x1x16xf32> to vector<16xf32>
        %max3A_1189 = arith.maximumf %get3A_1180, %get3A_1188 : vector<16xf32>
        %add3A_1190 = arith.constant 2 : i32
        %add3A_1191 = arith.addi %mul3A_99, %add3A_1190 : i32
        %get3A_1192 = arith.constant 1 : i32
        %get3A_1193 = arith.index_cast %get3A_1192 : i32 to index
        %get3A_1194 = arith.index_cast %add3A_1191 : i32 to index
        %get3A_1195 = arith.constant 192 : index
        %get3A_1196 = tpu.vector_load %arg7[%get3A_1193, %get3A_1194, %get3A_1195] {strides = array<i32>} : memref<2x128x256xf32, #tpu.memory_space<vmem>>, vector<1x1x16xf32>,
        %get3A_1197 = vector.shape_cast %get3A_1196 : vector<1x1x16xf32> to vector<16xf32>
        %max3A_1198 = arith.maximumf %max3A_1189, %get3A_1197 : vector<16xf32>
        %add3A_1199 = arith.constant 3 : i32
        %add3A_1200 = arith.addi %mul3A_99, %add3A_1199 : i32
        %get3A_1201 = arith.constant 1 : i32
        %get3A_1202 = arith.index_cast %get3A_1201 : i32 to index
        %get3A_1203 = arith.index_cast %add3A_1200 : i32 to index
        %get3A_1204 = arith.constant 192 : index
        %get3A_1205 = tpu.vector_load %arg7[%get3A_1202, %get3A_1203, %get3A_1204] {strides = array<i32>} : memref<2x128x256xf32, #tpu.memory_space<vmem>>, vector<1x1x16xf32>,
        %get3A_1206 = vector.shape_cast %get3A_1205 : vector<1x1x16xf32> to vector<16xf32>
        %max3A_1207 = arith.maximumf %max3A_1198, %get3A_1206 : vector<16xf32>
        %add3A_1208 = arith.constant 4 : i32
        %add3A_1209 = arith.addi %mul3A_99, %add3A_1208 : i32
        %get3A_1210 = arith.constant 1 : i32
        %get3A_1211 = arith.index_cast %get3A_1210 : i32 to index
        %get3A_1212 = arith.index_cast %add3A_1209 : i32 to index
        %get3A_1213 = arith.constant 192 : index
        %get3A_1214 = tpu.vector_load %arg7[%get3A_1211, %get3A_1212, %get3A_1213] {strides = array<i32>} : memref<2x128x256xf32, #tpu.memory_space<vmem>>, vector<1x1x16xf32>,
        %get3A_1215 = vector.shape_cast %get3A_1214 : vector<1x1x16xf32> to vector<16xf32>
        %max3A_1216 = arith.maximumf %max3A_1207, %get3A_1215 : vector<16xf32>
        %add3A_1217 = arith.constant 5 : i32
        %add3A_1218 = arith.addi %mul3A_99, %add3A_1217 : i32
        %get3A_1219 = arith.constant 1 : i32
        %get3A_1220 = arith.index_cast %get3A_1219 : i32 to index
        %get3A_1221 = arith.index_cast %add3A_1218 : i32 to index
        %get3A_1222 = arith.constant 192 : index
        %get3A_1223 = tpu.vector_load %arg7[%get3A_1220, %get3A_1221, %get3A_1222] {strides = array<i32>} : memref<2x128x256xf32, #tpu.memory_space<vmem>>, vector<1x1x16xf32>,
        %get3A_1224 = vector.shape_cast %get3A_1223 : vector<1x1x16xf32> to vector<16xf32>
        %max3A_1225 = arith.maximumf %max3A_1216, %get3A_1224 : vector<16xf32>
        %add3A_1226 = arith.constant 6 : i32
        %add3A_1227 = arith.addi %mul3A_99, %add3A_1226 : i32
        %get3A_1228 = arith.constant 1 : i32
        %get3A_1229 = arith.index_cast %get3A_1228 : i32 to index
        %get3A_1230 = arith.index_cast %add3A_1227 : i32 to index
        %get3A_1231 = arith.constant 192 : index
        %get3A_1232 = tpu.vector_load %arg7[%get3A_1229, %get3A_1230, %get3A_1231] {strides = array<i32>} : memref<2x128x256xf32, #tpu.memory_space<vmem>>, vector<1x1x16xf32>,
        %get3A_1233 = vector.shape_cast %get3A_1232 : vector<1x1x16xf32> to vector<16xf32>
        %max3A_1234 = arith.maximumf %max3A_1225, %get3A_1233 : vector<16xf32>
        %add3A_1235 = arith.constant 7 : i32
        %add3A_1236 = arith.addi %mul3A_99, %add3A_1235 : i32
        %get3A_1237 = arith.constant 1 : i32
        %get3A_1238 = arith.index_cast %get3A_1237 : i32 to index
        %get3A_1239 = arith.index_cast %add3A_1236 : i32 to index
        %get3A_1240 = arith.constant 192 : index
        %get3A_1241 = tpu.vector_load %arg7[%get3A_1238, %get3A_1239, %get3A_1240] {strides = array<i32>} : memref<2x128x256xf32, #tpu.memory_space<vmem>>, vector<1x1x16xf32>,
        %get3A_1242 = vector.shape_cast %get3A_1241 : vector<1x1x16xf32> to vector<16xf32>
        %max3A_1243 = arith.maximumf %max3A_1234, %get3A_1242 : vector<16xf32>
        %get3A_1244 = arith.constant 1 : i32
        %get3A_1245 = arith.index_cast %get3A_1244 : i32 to index
        %get3A_1246 = arith.index_cast %scan3A_97 : i32 to index
        %get3A_1247 = arith.constant 192 : index
        %get3A_1248 = tpu.vector_load %arg8[%get3A_1245, %get3A_1246, %get3A_1247] {strides = array<i32>} : memref<2x16x256xf32, #tpu.memory_space<vmem>>, vector<1x1x16xf32>,
        %get3A_1249 = vector.shape_cast %get3A_1248 : vector<1x1x16xf32> to vector<16xf32>
        %add3A_1250 = arith.addf %max3A_1243, %get3A_1249 : vector<16xf32>
        %ge3A_1251 = arith.constant 0.000000e+00 : f32
        %ge3A_1252 = vector.broadcast %ge3A_1251 : f32 to vector<16xf32>
        %ge3A_1253 = arith.cmpf oge, %add3A_1250, %ge3A_1252 : vector<16xf32>
        %mul3A_1254 = arith.constant 2.000000e-01 : f32
        %mul3A_1255 = vector.broadcast %mul3A_1254 : f32 to vector<16xf32>
        %mul3A_1256 = arith.mulf %mul3A_1255, %add3A_1250 : vector<16xf32>
        %select_n3A_1257 = arith.select %ge3A_1253, %add3A_1250, %mul3A_1256 : vector<16xi1>, vector<16xf32>
        %swap3A_1258 = arith.constant 1 : i32
        %swap3A_1259 = arith.index_cast %swap3A_1258 : i32 to index
        %swap3A_1260 = arith.index_cast %scan3A_97 : i32 to index
        %swap3A_1261 = arith.constant 192 : index
        %swap3A_1262 = tpu.vector_load %arg9[%swap3A_1259, %swap3A_1260, %swap3A_1261] {strides = array<i32>} : memref<2x16x256xf32, #tpu.memory_space<vmem>>, vector<1x1x16xf32>,
        %swap3A_1263 = vector.shape_cast %swap3A_1262 : vector<1x1x16xf32> to vector<16xf32>
        %swap3A_1264 = vector.shape_cast %select_n3A_1257 : vector<16xf32> to vector<1x1x16xf32>
        tpu.vector_store %arg9[%swap3A_1259, %swap3A_1260, %swap3A_1261], %swap3A_1264 {strides = array<i32>} : memref<2x16x256xf32, #tpu.memory_space<vmem>>, vector<1x1x16xf32>,
        %get3A_1265 = arith.constant 1 : i32
        %get3A_1266 = arith.index_cast %get3A_1265 : i32 to index
        %get3A_1267 = arith.index_cast %mul3A_99 : i32 to index
        %get3A_1268 = arith.constant 208 : index
        %get3A_1269 = tpu.vector_load %arg7[%get3A_1266, %get3A_1267, %get3A_1268] {strides = array<i32>} : memref<2x128x256xf32, #tpu.memory_space<vmem>>, vector<1x1x16xf32>,
        %get3A_1270 = vector.shape_cast %get3A_1269 : vector<1x1x16xf32> to vector<16xf32>
        %add3A_1271 = arith.constant 1 : i32
        %add3A_1272 = arith.addi %mul3A_99, %add3A_1271 : i32
        %get3A_1273 = arith.constant 1 : i32
        %get3A_1274 = arith.index_cast %get3A_1273 : i32 to index
        %get3A_1275 = arith.index_cast %add3A_1272 : i32 to index
        %get3A_1276 = arith.constant 208 : index
        %get3A_1277 = tpu.vector_load %arg7[%get3A_1274, %get3A_1275, %get3A_1276] {strides = array<i32>} : memref<2x128x256xf32, #tpu.memory_space<vmem>>, vector<1x1x16xf32>,
        %get3A_1278 = vector.shape_cast %get3A_1277 : vector<1x1x16xf32> to vector<16xf32>
        %max3A_1279 = arith.maximumf %get3A_1270, %get3A_1278 : vector<16xf32>
        %add3A_1280 = arith.constant 2 : i32
        %add3A_1281 = arith.addi %mul3A_99, %add3A_1280 : i32
        %get3A_1282 = arith.constant 1 : i32
        %get3A_1283 = arith.index_cast %get3A_1282 : i32 to index
        %get3A_1284 = arith.index_cast %add3A_1281 : i32 to index
        %get3A_1285 = arith.constant 208 : index
        %get3A_1286 = tpu.vector_load %arg7[%get3A_1283, %get3A_1284, %get3A_1285] {strides = array<i32>} : memref<2x128x256xf32, #tpu.memory_space<vmem>>, vector<1x1x16xf32>,
        %get3A_1287 = vector.shape_cast %get3A_1286 : vector<1x1x16xf32> to vector<16xf32>
        %max3A_1288 = arith.maximumf %max3A_1279, %get3A_1287 : vector<16xf32>
        %add3A_1289 = arith.constant 3 : i32
        %add3A_1290 = arith.addi %mul3A_99, %add3A_1289 : i32
        %get3A_1291 = arith.constant 1 : i32
        %get3A_1292 = arith.index_cast %get3A_1291 : i32 to index
        %get3A_1293 = arith.index_cast %add3A_1290 : i32 to index
        %get3A_1294 = arith.constant 208 : index
        %get3A_1295 = tpu.vector_load %arg7[%get3A_1292, %get3A_1293, %get3A_1294] {strides = array<i32>} : memref<2x128x256xf32, #tpu.memory_space<vmem>>, vector<1x1x16xf32>,
        %get3A_1296 = vector.shape_cast %get3A_1295 : vector<1x1x16xf32> to vector<16xf32>
        %max3A_1297 = arith.maximumf %max3A_1288, %get3A_1296 : vector<16xf32>
        %add3A_1298 = arith.constant 4 : i32
        %add3A_1299 = arith.addi %mul3A_99, %add3A_1298 : i32
        %get3A_1300 = arith.constant 1 : i32
        %get3A_1301 = arith.index_cast %get3A_1300 : i32 to index
        %get3A_1302 = arith.index_cast %add3A_1299 : i32 to index
        %get3A_1303 = arith.constant 208 : index
        %get3A_1304 = tpu.vector_load %arg7[%get3A_1301, %get3A_1302, %get3A_1303] {strides = array<i32>} : memref<2x128x256xf32, #tpu.memory_space<vmem>>, vector<1x1x16xf32>,
        %get3A_1305 = vector.shape_cast %get3A_1304 : vector<1x1x16xf32> to vector<16xf32>
        %max3A_1306 = arith.maximumf %max3A_1297, %get3A_1305 : vector<16xf32>
        %add3A_1307 = arith.constant 5 : i32
        %add3A_1308 = arith.addi %mul3A_99, %add3A_1307 : i32
        %get3A_1309 = arith.constant 1 : i32
        %get3A_1310 = arith.index_cast %get3A_1309 : i32 to index
        %get3A_1311 = arith.index_cast %add3A_1308 : i32 to index
        %get3A_1312 = arith.constant 208 : index
        %get3A_1313 = tpu.vector_load %arg7[%get3A_1310, %get3A_1311, %get3A_1312] {strides = array<i32>} : memref<2x128x256xf32, #tpu.memory_space<vmem>>, vector<1x1x16xf32>,
        %get3A_1314 = vector.shape_cast %get3A_1313 : vector<1x1x16xf32> to vector<16xf32>
        %max3A_1315 = arith.maximumf %max3A_1306, %get3A_1314 : vector<16xf32>
        %add3A_1316 = arith.constant 6 : i32
        %add3A_1317 = arith.addi %mul3A_99, %add3A_1316 : i32
        %get3A_1318 = arith.constant 1 : i32
        %get3A_1319 = arith.index_cast %get3A_1318 : i32 to index
        %get3A_1320 = arith.index_cast %add3A_1317 : i32 to index
        %get3A_1321 = arith.constant 208 : index
        %get3A_1322 = tpu.vector_load %arg7[%get3A_1319, %get3A_1320, %get3A_1321] {strides = array<i32>} : memref<2x128x256xf32, #tpu.memory_space<vmem>>, vector<1x1x16xf32>,
        %get3A_1323 = vector.shape_cast %get3A_1322 : vector<1x1x16xf32> to vector<16xf32>
        %max3A_1324 = arith.maximumf %max3A_1315, %get3A_1323 : vector<16xf32>
        %add3A_1325 = arith.constant 7 : i32
        %add3A_1326 = arith.addi %mul3A_99, %add3A_1325 : i32
        %get3A_1327 = arith.constant 1 : i32
        %get3A_1328 = arith.index_cast %get3A_1327 : i32 to index
        %get3A_1329 = arith.index_cast %add3A_1326 : i32 to index
        %get3A_1330 = arith.constant 208 : index
        %get3A_1331 = tpu.vector_load %arg7[%get3A_1328, %get3A_1329, %get3A_1330] {strides = array<i32>} : memref<2x128x256xf32, #tpu.memory_space<vmem>>, vector<1x1x16xf32>,
        %get3A_1332 = vector.shape_cast %get3A_1331 : vector<1x1x16xf32> to vector<16xf32>
        %max3A_1333 = arith.maximumf %max3A_1324, %get3A_1332 : vector<16xf32>
        %get3A_1334 = arith.constant 1 : i32
        %get3A_1335 = arith.index_cast %get3A_1334 : i32 to index
        %get3A_1336 = arith.index_cast %scan3A_97 : i32 to index
        %get3A_1337 = arith.constant 208 : index
        %get3A_1338 = tpu.vector_load %arg8[%get3A_1335, %get3A_1336, %get3A_1337] {strides = array<i32>} : memref<2x16x256xf32, #tpu.memory_space<vmem>>, vector<1x1x16xf32>,
        %get3A_1339 = vector.shape_cast %get3A_1338 : vector<1x1x16xf32> to vector<16xf32>
        %add3A_1340 = arith.addf %max3A_1333, %get3A_1339 : vector<16xf32>
        %ge3A_1341 = arith.constant 0.000000e+00 : f32
        %ge3A_1342 = vector.broadcast %ge3A_1341 : f32 to vector<16xf32>
        %ge3A_1343 = arith.cmpf oge, %add3A_1340, %ge3A_1342 : vector<16xf32>
        %mul3A_1344 = arith.constant 2.000000e-01 : f32
        %mul3A_1345 = vector.broadcast %mul3A_1344 : f32 to vector<16xf32>
        %mul3A_1346 = arith.mulf %mul3A_1345, %add3A_1340 : vector<16xf32>
        %select_n3A_1347 = arith.select %ge3A_1343, %add3A_1340, %mul3A_1346 : vector<16xi1>, vector<16xf32>
        %swap3A_1348 = arith.constant 1 : i32
        %swap3A_1349 = arith.index_cast %swap3A_1348 : i32 to index
        %swap3A_1350 = arith.index_cast %scan3A_97 : i32 to index
        %swap3A_1351 = arith.constant 208 : index
        %swap3A_1352 = tpu.vector_load %arg9[%swap3A_1349, %swap3A_1350, %swap3A_1351] {strides = array<i32>} : memref<2x16x256xf32, #tpu.memory_space<vmem>>, vector<1x1x16xf32>,
        %swap3A_1353 = vector.shape_cast %swap3A_1352 : vector<1x1x16xf32> to vector<16xf32>
        %swap3A_1354 = vector.shape_cast %select_n3A_1347 : vector<16xf32> to vector<1x1x16xf32>
        tpu.vector_store %arg9[%swap3A_1349, %swap3A_1350, %swap3A_1351], %swap3A_1354 {strides = array<i32>} : memref<2x16x256xf32, #tpu.memory_space<vmem>>, vector<1x1x16xf32>,
        %get3A_1355 = arith.constant 1 : i32
        %get3A_1356 = arith.index_cast %get3A_1355 : i32 to index
        %get3A_1357 = arith.index_cast %mul3A_99 : i32 to index
        %get3A_1358 = arith.constant 224 : index
        %get3A_1359 = tpu.vector_load %arg7[%get3A_1356, %get3A_1357, %get3A_1358] {strides = array<i32>} : memref<2x128x256xf32, #tpu.memory_space<vmem>>, vector<1x1x16xf32>,
        %get3A_1360 = vector.shape_cast %get3A_1359 : vector<1x1x16xf32> to vector<16xf32>
        %add3A_1361 = arith.constant 1 : i32
        %add3A_1362 = arith.addi %mul3A_99, %add3A_1361 : i32
        %get3A_1363 = arith.constant 1 : i32
        %get3A_1364 = arith.index_cast %get3A_1363 : i32 to index
        %get3A_1365 = arith.index_cast %add3A_1362 : i32 to index
        %get3A_1366 = arith.constant 224 : index
        %get3A_1367 = tpu.vector_load %arg7[%get3A_1364, %get3A_1365, %get3A_1366] {strides = array<i32>} : memref<2x128x256xf32, #tpu.memory_space<vmem>>, vector<1x1x16xf32>,
        %get3A_1368 = vector.shape_cast %get3A_1367 : vector<1x1x16xf32> to vector<16xf32>
        %max3A_1369 = arith.maximumf %get3A_1360, %get3A_1368 : vector<16xf32>
        %add3A_1370 = arith.constant 2 : i32
        %add3A_1371 = arith.addi %mul3A_99, %add3A_1370 : i32
        %get3A_1372 = arith.constant 1 : i32
        %get3A_1373 = arith.index_cast %get3A_1372 : i32 to index
        %get3A_1374 = arith.index_cast %add3A_1371 : i32 to index
        %get3A_1375 = arith.constant 224 : index
        %get3A_1376 = tpu.vector_load %arg7[%get3A_1373, %get3A_1374, %get3A_1375] {strides = array<i32>} : memref<2x128x256xf32, #tpu.memory_space<vmem>>, vector<1x1x16xf32>,
        %get3A_1377 = vector.shape_cast %get3A_1376 : vector<1x1x16xf32> to vector<16xf32>
        %max3A_1378 = arith.maximumf %max3A_1369, %get3A_1377 : vector<16xf32>
        %add3A_1379 = arith.constant 3 : i32
        %add3A_1380 = arith.addi %mul3A_99, %add3A_1379 : i32
        %get3A_1381 = arith.constant 1 : i32
        %get3A_1382 = arith.index_cast %get3A_1381 : i32 to index
        %get3A_1383 = arith.index_cast %add3A_1380 : i32 to index
        %get3A_1384 = arith.constant 224 : index
        %get3A_1385 = tpu.vector_load %arg7[%get3A_1382, %get3A_1383, %get3A_1384] {strides = array<i32>} : memref<2x128x256xf32, #tpu.memory_space<vmem>>, vector<1x1x16xf32>,
        %get3A_1386 = vector.shape_cast %get3A_1385 : vector<1x1x16xf32> to vector<16xf32>
        %max3A_1387 = arith.maximumf %max3A_1378, %get3A_1386 : vector<16xf32>
        %add3A_1388 = arith.constant 4 : i32
        %add3A_1389 = arith.addi %mul3A_99, %add3A_1388 : i32
        %get3A_1390 = arith.constant 1 : i32
        %get3A_1391 = arith.index_cast %get3A_1390 : i32 to index
        %get3A_1392 = arith.index_cast %add3A_1389 : i32 to index
        %get3A_1393 = arith.constant 224 : index
        %get3A_1394 = tpu.vector_load %arg7[%get3A_1391, %get3A_1392, %get3A_1393] {strides = array<i32>} : memref<2x128x256xf32, #tpu.memory_space<vmem>>, vector<1x1x16xf32>,
        %get3A_1395 = vector.shape_cast %get3A_1394 : vector<1x1x16xf32> to vector<16xf32>
        %max3A_1396 = arith.maximumf %max3A_1387, %get3A_1395 : vector<16xf32>
        %add3A_1397 = arith.constant 5 : i32
        %add3A_1398 = arith.addi %mul3A_99, %add3A_1397 : i32
        %get3A_1399 = arith.constant 1 : i32
        %get3A_1400 = arith.index_cast %get3A_1399 : i32 to index
        %get3A_1401 = arith.index_cast %add3A_1398 : i32 to index
        %get3A_1402 = arith.constant 224 : index
        %get3A_1403 = tpu.vector_load %arg7[%get3A_1400, %get3A_1401, %get3A_1402] {strides = array<i32>} : memref<2x128x256xf32, #tpu.memory_space<vmem>>, vector<1x1x16xf32>,
        %get3A_1404 = vector.shape_cast %get3A_1403 : vector<1x1x16xf32> to vector<16xf32>
        %max3A_1405 = arith.maximumf %max3A_1396, %get3A_1404 : vector<16xf32>
        %add3A_1406 = arith.constant 6 : i32
        %add3A_1407 = arith.addi %mul3A_99, %add3A_1406 : i32
        %get3A_1408 = arith.constant 1 : i32
        %get3A_1409 = arith.index_cast %get3A_1408 : i32 to index
        %get3A_1410 = arith.index_cast %add3A_1407 : i32 to index
        %get3A_1411 = arith.constant 224 : index
        %get3A_1412 = tpu.vector_load %arg7[%get3A_1409, %get3A_1410, %get3A_1411] {strides = array<i32>} : memref<2x128x256xf32, #tpu.memory_space<vmem>>, vector<1x1x16xf32>,
        %get3A_1413 = vector.shape_cast %get3A_1412 : vector<1x1x16xf32> to vector<16xf32>
        %max3A_1414 = arith.maximumf %max3A_1405, %get3A_1413 : vector<16xf32>
        %add3A_1415 = arith.constant 7 : i32
        %add3A_1416 = arith.addi %mul3A_99, %add3A_1415 : i32
        %get3A_1417 = arith.constant 1 : i32
        %get3A_1418 = arith.index_cast %get3A_1417 : i32 to index
        %get3A_1419 = arith.index_cast %add3A_1416 : i32 to index
        %get3A_1420 = arith.constant 224 : index
        %get3A_1421 = tpu.vector_load %arg7[%get3A_1418, %get3A_1419, %get3A_1420] {strides = array<i32>} : memref<2x128x256xf32, #tpu.memory_space<vmem>>, vector<1x1x16xf32>,
        %get3A_1422 = vector.shape_cast %get3A_1421 : vector<1x1x16xf32> to vector<16xf32>
        %max3A_1423 = arith.maximumf %max3A_1414, %get3A_1422 : vector<16xf32>
        %get3A_1424 = arith.constant 1 : i32
        %get3A_1425 = arith.index_cast %get3A_1424 : i32 to index
        %get3A_1426 = arith.index_cast %scan3A_97 : i32 to index
        %get3A_1427 = arith.constant 224 : index
        %get3A_1428 = tpu.vector_load %arg8[%get3A_1425, %get3A_1426, %get3A_1427] {strides = array<i32>} : memref<2x16x256xf32, #tpu.memory_space<vmem>>, vector<1x1x16xf32>,
        %get3A_1429 = vector.shape_cast %get3A_1428 : vector<1x1x16xf32> to vector<16xf32>
        %add3A_1430 = arith.addf %max3A_1423, %get3A_1429 : vector<16xf32>
        %ge3A_1431 = arith.constant 0.000000e+00 : f32
        %ge3A_1432 = vector.broadcast %ge3A_1431 : f32 to vector<16xf32>
        %ge3A_1433 = arith.cmpf oge, %add3A_1430, %ge3A_1432 : vector<16xf32>
        %mul3A_1434 = arith.constant 2.000000e-01 : f32
        %mul3A_1435 = vector.broadcast %mul3A_1434 : f32 to vector<16xf32>
        %mul3A_1436 = arith.mulf %mul3A_1435, %add3A_1430 : vector<16xf32>
        %select_n3A_1437 = arith.select %ge3A_1433, %add3A_1430, %mul3A_1436 : vector<16xi1>, vector<16xf32>
        %swap3A_1438 = arith.constant 1 : i32
        %swap3A_1439 = arith.index_cast %swap3A_1438 : i32 to index
        %swap3A_1440 = arith.index_cast %scan3A_97 : i32 to index
        %swap3A_1441 = arith.constant 224 : index
        %swap3A_1442 = tpu.vector_load %arg9[%swap3A_1439, %swap3A_1440, %swap3A_1441] {strides = array<i32>} : memref<2x16x256xf32, #tpu.memory_space<vmem>>, vector<1x1x16xf32>,
        %swap3A_1443 = vector.shape_cast %swap3A_1442 : vector<1x1x16xf32> to vector<16xf32>
        %swap3A_1444 = vector.shape_cast %select_n3A_1437 : vector<16xf32> to vector<1x1x16xf32>
        tpu.vector_store %arg9[%swap3A_1439, %swap3A_1440, %swap3A_1441], %swap3A_1444 {strides = array<i32>} : memref<2x16x256xf32, #tpu.memory_space<vmem>>, vector<1x1x16xf32>,
        %get3A_1445 = arith.constant 1 : i32
        %get3A_1446 = arith.index_cast %get3A_1445 : i32 to index
        %get3A_1447 = arith.index_cast %mul3A_99 : i32 to index
        %get3A_1448 = arith.constant 240 : index
        %get3A_1449 = tpu.vector_load %arg7[%get3A_1446, %get3A_1447, %get3A_1448] {strides = array<i32>} : memref<2x128x256xf32, #tpu.memory_space<vmem>>, vector<1x1x16xf32>,
        %get3A_1450 = vector.shape_cast %get3A_1449 : vector<1x1x16xf32> to vector<16xf32>
        %add3A_1451 = arith.constant 1 : i32
        %add3A_1452 = arith.addi %mul3A_99, %add3A_1451 : i32
        %get3A_1453 = arith.constant 1 : i32
        %get3A_1454 = arith.index_cast %get3A_1453 : i32 to index
        %get3A_1455 = arith.index_cast %add3A_1452 : i32 to index
        %get3A_1456 = arith.constant 240 : index
        %get3A_1457 = tpu.vector_load %arg7[%get3A_1454, %get3A_1455, %get3A_1456] {strides = array<i32>} : memref<2x128x256xf32, #tpu.memory_space<vmem>>, vector<1x1x16xf32>,
        %get3A_1458 = vector.shape_cast %get3A_1457 : vector<1x1x16xf32> to vector<16xf32>
        %max3A_1459 = arith.maximumf %get3A_1450, %get3A_1458 : vector<16xf32>
        %add3A_1460 = arith.constant 2 : i32
        %add3A_1461 = arith.addi %mul3A_99, %add3A_1460 : i32
        %get3A_1462 = arith.constant 1 : i32
        %get3A_1463 = arith.index_cast %get3A_1462 : i32 to index
        %get3A_1464 = arith.index_cast %add3A_1461 : i32 to index
        %get3A_1465 = arith.constant 240 : index
        %get3A_1466 = tpu.vector_load %arg7[%get3A_1463, %get3A_1464, %get3A_1465] {strides = array<i32>} : memref<2x128x256xf32, #tpu.memory_space<vmem>>, vector<1x1x16xf32>,
        %get3A_1467 = vector.shape_cast %get3A_1466 : vector<1x1x16xf32> to vector<16xf32>
        %max3A_1468 = arith.maximumf %max3A_1459, %get3A_1467 : vector<16xf32>
        %add3A_1469 = arith.constant 3 : i32
        %add3A_1470 = arith.addi %mul3A_99, %add3A_1469 : i32
        %get3A_1471 = arith.constant 1 : i32
        %get3A_1472 = arith.index_cast %get3A_1471 : i32 to index
        %get3A_1473 = arith.index_cast %add3A_1470 : i32 to index
        %get3A_1474 = arith.constant 240 : index
        %get3A_1475 = tpu.vector_load %arg7[%get3A_1472, %get3A_1473, %get3A_1474] {strides = array<i32>} : memref<2x128x256xf32, #tpu.memory_space<vmem>>, vector<1x1x16xf32>,
        %get3A_1476 = vector.shape_cast %get3A_1475 : vector<1x1x16xf32> to vector<16xf32>
        %max3A_1477 = arith.maximumf %max3A_1468, %get3A_1476 : vector<16xf32>
        %add3A_1478 = arith.constant 4 : i32
        %add3A_1479 = arith.addi %mul3A_99, %add3A_1478 : i32
        %get3A_1480 = arith.constant 1 : i32
        %get3A_1481 = arith.index_cast %get3A_1480 : i32 to index
        %get3A_1482 = arith.index_cast %add3A_1479 : i32 to index
        %get3A_1483 = arith.constant 240 : index
        %get3A_1484 = tpu.vector_load %arg7[%get3A_1481, %get3A_1482, %get3A_1483] {strides = array<i32>} : memref<2x128x256xf32, #tpu.memory_space<vmem>>, vector<1x1x16xf32>,
        %get3A_1485 = vector.shape_cast %get3A_1484 : vector<1x1x16xf32> to vector<16xf32>
        %max3A_1486 = arith.maximumf %max3A_1477, %get3A_1485 : vector<16xf32>
        %add3A_1487 = arith.constant 5 : i32
        %add3A_1488 = arith.addi %mul3A_99, %add3A_1487 : i32
        %get3A_1489 = arith.constant 1 : i32
        %get3A_1490 = arith.index_cast %get3A_1489 : i32 to index
        %get3A_1491 = arith.index_cast %add3A_1488 : i32 to index
        %get3A_1492 = arith.constant 240 : index
        %get3A_1493 = tpu.vector_load %arg7[%get3A_1490, %get3A_1491, %get3A_1492] {strides = array<i32>} : memref<2x128x256xf32, #tpu.memory_space<vmem>>, vector<1x1x16xf32>,
        %get3A_1494 = vector.shape_cast %get3A_1493 : vector<1x1x16xf32> to vector<16xf32>
        %max3A_1495 = arith.maximumf %max3A_1486, %get3A_1494 : vector<16xf32>
        %add3A_1496 = arith.constant 6 : i32
        %add3A_1497 = arith.addi %mul3A_99, %add3A_1496 : i32
        %get3A_1498 = arith.constant 1 : i32
        %get3A_1499 = arith.index_cast %get3A_1498 : i32 to index
        %get3A_1500 = arith.index_cast %add3A_1497 : i32 to index
        %get3A_1501 = arith.constant 240 : index
        %get3A_1502 = tpu.vector_load %arg7[%get3A_1499, %get3A_1500, %get3A_1501] {strides = array<i32>} : memref<2x128x256xf32, #tpu.memory_space<vmem>>, vector<1x1x16xf32>,
        %get3A_1503 = vector.shape_cast %get3A_1502 : vector<1x1x16xf32> to vector<16xf32>
        %max3A_1504 = arith.maximumf %max3A_1495, %get3A_1503 : vector<16xf32>
        %add3A_1505 = arith.constant 7 : i32
        %add3A_1506 = arith.addi %mul3A_99, %add3A_1505 : i32
        %get3A_1507 = arith.constant 1 : i32
        %get3A_1508 = arith.index_cast %get3A_1507 : i32 to index
        %get3A_1509 = arith.index_cast %add3A_1506 : i32 to index
        %get3A_1510 = arith.constant 240 : index
        %get3A_1511 = tpu.vector_load %arg7[%get3A_1508, %get3A_1509, %get3A_1510] {strides = array<i32>} : memref<2x128x256xf32, #tpu.memory_space<vmem>>, vector<1x1x16xf32>,
        %get3A_1512 = vector.shape_cast %get3A_1511 : vector<1x1x16xf32> to vector<16xf32>
        %max3A_1513 = arith.maximumf %max3A_1504, %get3A_1512 : vector<16xf32>
        %get3A_1514 = arith.constant 1 : i32
        %get3A_1515 = arith.index_cast %get3A_1514 : i32 to index
        %get3A_1516 = arith.index_cast %scan3A_97 : i32 to index
        %get3A_1517 = arith.constant 240 : index
        %get3A_1518 = tpu.vector_load %arg8[%get3A_1515, %get3A_1516, %get3A_1517] {strides = array<i32>} : memref<2x16x256xf32, #tpu.memory_space<vmem>>, vector<1x1x16xf32>,
        %get3A_1519 = vector.shape_cast %get3A_1518 : vector<1x1x16xf32> to vector<16xf32>
        %add3A_1520 = arith.addf %max3A_1513, %get3A_1519 : vector<16xf32>
        %ge3A_1521 = arith.constant 0.000000e+00 : f32
        %ge3A_1522 = vector.broadcast %ge3A_1521 : f32 to vector<16xf32>
        %ge3A_1523 = arith.cmpf oge, %add3A_1520, %ge3A_1522 : vector<16xf32>
        %mul3A_1524 = arith.constant 2.000000e-01 : f32
        %mul3A_1525 = vector.broadcast %mul3A_1524 : f32 to vector<16xf32>
        %mul3A_1526 = arith.mulf %mul3A_1525, %add3A_1520 : vector<16xf32>
        %select_n3A_1527 = arith.select %ge3A_1523, %add3A_1520, %mul3A_1526 : vector<16xi1>, vector<16xf32>
        %swap3A_1528 = arith.constant 1 : i32
        %swap3A_1529 = arith.index_cast %swap3A_1528 : i32 to index
        %swap3A_1530 = arith.index_cast %scan3A_97 : i32 to index
        %swap3A_1531 = arith.constant 240 : index
        %swap3A_1532 = tpu.vector_load %arg9[%swap3A_1529, %swap3A_1530, %swap3A_1531] {strides = array<i32>} : memref<2x16x256xf32, #tpu.memory_space<vmem>>, vector<1x1x16xf32>,
        %swap3A_1533 = vector.shape_cast %swap3A_1532 : vector<1x1x16xf32> to vector<16xf32>
        %swap3A_1534 = vector.shape_cast %select_n3A_1527 : vector<16xf32> to vector<1x1x16xf32>
        tpu.vector_store %arg9[%swap3A_1529, %swap3A_1530, %swap3A_1531], %swap3A_1534 {strides = array<i32>} : memref<2x16x256xf32, #tpu.memory_space<vmem>>, vector<1x1x16xf32>,
      }
      %scan3A_95 = arith.constant 16 : i32
      %run_scoped3A_96 = arith.constant 1 : i32
      "tpu.region"() ({
        %run_scoped3A_97 = tpu.sem_alloc : memref<!tpu.dma_semaphore, #tpu.memory_space<semaphore_mem>>
        %dma_start3A_98 = arith.constant 0 : i32
        %dma_start3A_99 = arith.constant 0 : i32
        %dma_start3A_100 = tpu.memref_slice %arg9[%run_scoped3A_96, %dma_start3A_98, %dma_start3A_99] : memref<2x16x256xf32, #tpu.memory_space<vmem>> -> memref<1x16x256xf32, #tpu.memory_space<vmem>>
        %dma_start3A_101 = tpu.memref_squeeze %dma_start3A_100 : memref<1x16x256xf32, #tpu.memory_space<vmem>> -> memref<16x256xf32, #tpu.memory_space<vmem>>
        %dma_start3A_102 = arith.constant 0 : i32
        %dma_start3A_103 = tpu.memref_slice %arg5[%add3A_77, %dma_start3A_102] : memref<16384x256xf32, #tpu.memory_space<hbm>> -> memref<16x256xf32, #tpu.memory_space<hbm>>
        %dma_start3A_104 = arith.constant 0 : i32
        %dma_start3A_105 = tpu.memref_slice %arg5[%add3A_77, %dma_start3A_104] : memref<16384x256xf32, #tpu.memory_space<hbm>> -> memref<16x256xf32, #tpu.memory_space<hbm>>
        %dma_start3A_106 = arith.constant 0 : i32
        %dma_start3A_107 = arith.constant 0 : i32
        %dma_start3A_108 = tpu.memref_slice %arg9[%run_scoped3A_96, %dma_start3A_106, %dma_start3A_107] : memref<2x16x256xf32, #tpu.memory_space<vmem>> -> memref<1x16x256xf32, #tpu.memory_space<vmem>>
        %dma_start3A_109 = tpu.memref_squeeze %dma_start3A_108 : memref<1x16x256xf32, #tpu.memory_space<vmem>> -> memref<16x256xf32, #tpu.memory_space<vmem>>
        tpu.enqueue_dma source(%dma_start3A_109 : memref<16x256xf32, #tpu.memory_space<vmem>>) target(%dma_start3A_105 : memref<16x256xf32, #tpu.memory_space<hbm>>) target_semaphore(%run_scoped3A_97 : memref<!tpu.dma_semaphore, #tpu.memory_space<semaphore_mem>>)
        %dma_wait3A_110 = arith.constant 0 : i32
        %dma_wait3A_111 = arith.constant 0 : i32
        %dma_wait3A_112 = tpu.memref_slice %arg9[%run_scoped3A_96, %dma_wait3A_110, %dma_wait3A_111] : memref<2x16x256xf32, #tpu.memory_space<vmem>> -> memref<1x16x256xf32, #tpu.memory_space<vmem>>
        %dma_wait3A_113 = tpu.memref_squeeze %dma_wait3A_112 : memref<1x16x256xf32, #tpu.memory_space<vmem>> -> memref<16x256xf32, #tpu.memory_space<vmem>>
        %dma_wait3A_114 = arith.constant 0 : i32
        %dma_wait3A_115 = tpu.memref_slice %arg5[%add3A_77, %dma_wait3A_114] : memref<16384x256xf32, #tpu.memory_space<hbm>> -> memref<16x256xf32, #tpu.memory_space<hbm>>
        %dma_wait3A_116 = arith.constant 0 : i32
        %dma_wait3A_117 = tpu.memref_slice %arg5[%add3A_77, %dma_wait3A_116] : memref<16384x256xf32, #tpu.memory_space<hbm>> -> memref<16x256xf32, #tpu.memory_space<hbm>>
        %dma_wait3A_118 = arith.constant 0 : i32
        %dma_wait3A_119 = arith.constant 0 : i32
        %dma_wait3A_120 = tpu.memref_slice %arg9[%run_scoped3A_96, %dma_wait3A_118, %dma_wait3A_119] : memref<2x16x256xf32, #tpu.memory_space<vmem>> -> memref<1x16x256xf32, #tpu.memory_space<vmem>>
        %dma_wait3A_121 = tpu.memref_squeeze %dma_wait3A_120 : memref<1x16x256xf32, #tpu.memory_space<vmem>> -> memref<16x256xf32, #tpu.memory_space<vmem>>
        tpu.wait_dma2 semaphore(%run_scoped3A_97 : memref<!tpu.dma_semaphore, #tpu.memory_space<semaphore_mem>>) src(%dma_wait3A_121 : memref<16x256xf32, #tpu.memory_space<vmem>>) dst(%dma_wait3A_117 : memref<16x256xf32, #tpu.memory_space<hbm>>)
        tpu.yield
      }) : () -> ()
    }
    %scan3A_23 = arith.constant 16 : i32
    return
  }
}

module attributes {stable_mosaic.version = 14 : i64} {
  func.func @_proj_body(%arg0: i32, %arg1: i32, %arg2: memref<1x256x2048xf32, #tpu.memory_space<vmem>>, %arg3: memref<256x256xf32, #tpu.memory_space<vmem>>, %arg4: memref<1x2048x256xf32, #tpu.memory_space<vmem>>) attributes {dimension_semantics = [#tpu.dimension_semantics<arbitrary>, #tpu.dimension_semantics<arbitrary>], iteration_bounds = array<i64: 8, 4>, scalar_prefetch = 0 : i64, scratch_operands = 0 : i64, tpu.core_type = #tpu.core_type<tc>, window_params = [{transform_indices = @transform_0, window_bounds = array<i64: 1, 256, 2048>}, {pipeline_mode = #tpu.pipeline_mode<synchronous>, transform_indices = @transform_1, window_bounds = array<i64: 256, 256>}, {transform_indices = @transform_2, window_bounds = array<i64: 1, 2048, 256>}]} {
    %get3A = arith.constant 0 : index
    %get3A_0 = arith.constant 0 : index
    %get3A_1 = arith.constant 0 : index
    %get3A_2 = vector.load %arg2[%get3A, %get3A_0, %get3A_1] : memref<1x256x2048xf32, #tpu.memory_space<vmem>>, vector<1x256x2048xf32>
    %get3A_3 = vector.shape_cast %get3A_2 : vector<1x256x2048xf32> to vector<256x2048xf32>
    %get3A_4 = arith.constant 0 : index
    %get3A_5 = arith.constant 0 : index
    %get3A_6 = vector.load %arg3[%get3A_4, %get3A_5] : memref<256x256xf32, #tpu.memory_space<vmem>>, vector<256x256xf32>
    %dot_general3A = arith.constant dense<0.000000e+00> : vector<2048x256xf32>
    %dot_general3A_7 = tpu.matmul %get3A_3, %get3A_6, %dot_general3A {dimension_numbers = #tpu.dot_dimension_numbers<[0], [0], [1], [1], [0, 1, 1, 1], [], []>, transpose_lhs_hint = false} : vector<256x2048xf32>, vector<256x256xf32>, vector<2048x256xf32> -> vector<2048x256xf32>
    %swap3A = arith.constant 0 : index
    %swap3A_8 = arith.constant 0 : index
    %swap3A_9 = arith.constant 0 : index
    %swap3A_10 = vector.load %arg4[%swap3A, %swap3A_8, %swap3A_9] : memref<1x2048x256xf32, #tpu.memory_space<vmem>>, vector<1x2048x256xf32>
    %swap3A_11 = vector.shape_cast %swap3A_10 : vector<1x2048x256xf32> to vector<2048x256xf32>
    %swap3A_12 = vector.shape_cast %dot_general3A_7 : vector<2048x256xf32> to vector<1x2048x256xf32>
    tpu.vector_store %arg4[%swap3A, %swap3A_8, %swap3A_9], %swap3A_12 {strides = array<i32>} : memref<1x2048x256xf32, #tpu.memory_space<vmem>>, vector<1x2048x256xf32>,
    return
  }
  func.func @transform_0(%arg0: i32, %arg1: i32) -> (i32, i32, i32) {
    %c0_i32 = arith.constant 0 : i32
    %c0_i32_0 = arith.constant 0 : i32
    return %arg0, %c0_i32, %arg1 : i32, i32, i32
  }
  func.func @transform_1(%arg0: i32, %arg1: i32) -> (i32, i32) {
    %c0_i32 = arith.constant 0 : i32
    %c0_i32_0 = arith.constant 0 : i32
    %c0_i32_1 = arith.constant 0 : i32
    return %c0_i32, %c0_i32_0 : i32, i32
  }
  func.func @transform_2(%arg0: i32, %arg1: i32) -> (i32, i32, i32) {
    %c0_i32 = arith.constant 0 : i32
    %c0_i32_0 = arith.constant 0 : i32
    return %arg0, %arg1, %c0_i32 : i32, i32, i32
  }
}

module attributes {stable_mosaic.version = 14 : i64} {
  func.func @_topk_body(%arg0: i32, %arg1: i32, %arg2: memref<1x3x256xf32, #tpu.memory_space<vmem>>, %arg3: memref<1x3x8192xf32, #tpu.memory_space<vmem>>, %arg4: memref<1x256x8xi32, #tpu.memory_space<vmem>>) attributes {dimension_semantics = [#tpu.dimension_semantics<arbitrary>, #tpu.dimension_semantics<arbitrary>], iteration_bounds = array<i64: 8, 8>, scalar_prefetch = 0 : i64, scratch_operands = 0 : i64, tpu.core_type = #tpu.core_type<tc>, window_params = [{transform_indices = @transform_0, window_bounds = array<i64: 1, 3, 256>}, {transform_indices = @transform_1, window_bounds = array<i64: 1, 3, 8192>}, {transform_indices = @transform_2, window_bounds = array<i64: 1, 256, 8>}]} {
    %get3A = arith.constant 0 : index
    %get3A_0 = arith.constant 0 : index
    %get3A_1 = arith.constant 0 : index
    %get3A_2 = vector.load %arg2[%get3A, %get3A_0, %get3A_1] : memref<1x3x256xf32, #tpu.memory_space<vmem>>, vector<1x3x256xf32>
    %get3A_3 = vector.shape_cast %get3A_2 : vector<1x3x256xf32> to vector<3x256xf32>
    %get3A_4 = arith.constant 0 : index
    %get3A_5 = arith.constant 0 : index
    %get3A_6 = arith.constant 0 : index
    %get3A_7 = vector.load %arg3[%get3A_4, %get3A_5, %get3A_6] : memref<1x3x8192xf32, #tpu.memory_space<vmem>>, vector<1x3x8192xf32>
    %get3A_8 = vector.shape_cast %get3A_7 : vector<1x3x8192xf32> to vector<3x8192xf32>
    %mul3A = arith.mulf %get3A_3, %get3A_3 : vector<3x256xf32>
    %reduce_sum3A = arith.constant dense<0.000000e+00> : vector<256xf32>
    %reduce_sum3A_9 = vector.multi_reduction <add>, %mul3A, %reduce_sum3A [0] : vector<3x256xf32> to vector<256xf32>
    %broadcast_in_dim3A = vector.shape_cast %reduce_sum3A_9 : vector<256xf32> to vector<256x1xf32>
    %mul3A_10 = arith.mulf %get3A_8, %get3A_8 : vector<3x8192xf32>
    %reduce_sum3A_11 = arith.constant dense<0.000000e+00> : vector<8192xf32>
    %reduce_sum3A_12 = vector.multi_reduction <add>, %mul3A_10, %reduce_sum3A_11 [0] : vector<3x8192xf32> to vector<8192xf32>
    %broadcast_in_dim3A_13 = vector.shape_cast %reduce_sum3A_12 : vector<8192xf32> to vector<1x8192xf32>
    %dot_general3A = arith.constant dense<0.000000e+00> : vector<256x8192xf32>
    %dot_general3A_14 = tpu.matmul %get3A_3, %get3A_8, %dot_general3A {dimension_numbers = #tpu.dot_dimension_numbers<[0], [0], [1], [1], [0, 1, 1, 1], [], []>, transpose_lhs_hint = false} : vector<3x256xf32>, vector<3x8192xf32>, vector<256x8192xf32> -> vector<256x8192xf32>
    %mul3A_15 = arith.constant 2.000000e+00 : f32
    %mul3A_16 = vector.broadcast %mul3A_15 : f32 to vector<256x8192xf32>
    %mul3A_17 = arith.mulf %mul3A_16, %dot_general3A_14 : vector<256x8192xf32>
    %sub3A = vector.broadcast %broadcast_in_dim3A : vector<256x1xf32> to vector<256x8192xf32>
    %sub3A_18 = arith.subf %sub3A, %mul3A_17 : vector<256x8192xf32>
    %add3A = vector.broadcast %broadcast_in_dim3A_13 : vector<1x8192xf32> to vector<256x8192xf32>
    %add3A_19 = arith.addf %sub3A_18, %add3A : vector<256x8192xf32>
    %max3A = arith.constant 0.000000e+00 : f32
    %max3A_20 = vector.broadcast %max3A : f32 to vector<256x8192xf32>
    %max3A_21 = arith.maximumf %add3A_19, %max3A_20 : vector<256x8192xf32>
    %bitcast_convert_type3A = tpu.bitcast %max3A_21 : vector<256x8192xf32> -> vector<256x8192xi32>
    %slice3A = vector.extract_strided_slice %bitcast_convert_type3A {offsets = [0, 0], sizes = [256, 1024], strides = [1, 1]} : vector<256x8192xi32> to vector<256x1024xi32>
    %and3A = arith.constant -8 : i32
    %and3A_22 = vector.broadcast %and3A : i32 to vector<256x1024xi32>
    %and3A_23 = arith.andi %slice3A, %and3A_22 : vector<256x1024xi32>
    %or3A = arith.constant 0 : i32
    %or3A_24 = vector.broadcast %or3A : i32 to vector<256x1024xi32>
    %or3A_25 = arith.ori %and3A_23, %or3A_24 : vector<256x1024xi32>
    %broadcast_in_dim3A_26 = arith.constant 2147483647 : i32
    %broadcast_in_dim3A_27 = vector.broadcast %broadcast_in_dim3A_26 : i32 to vector<256x1024xi32>
    %slice3A_28 = vector.extract_strided_slice %bitcast_convert_type3A {offsets = [0, 1024], sizes = [256, 1024], strides = [1, 1]} : vector<256x8192xi32> to vector<256x1024xi32>
    %and3A_29 = arith.constant -8 : i32
    %and3A_30 = vector.broadcast %and3A_29 : i32 to vector<256x1024xi32>
    %and3A_31 = arith.andi %slice3A_28, %and3A_30 : vector<256x1024xi32>
    %or3A_32 = arith.constant 1 : i32
    %or3A_33 = vector.broadcast %or3A_32 : i32 to vector<256x1024xi32>
    %or3A_34 = arith.ori %and3A_31, %or3A_33 : vector<256x1024xi32>
    %min3A = arith.minsi %or3A_25, %or3A_34 : vector<256x1024xi32>
    %max3A_35 = arith.maxsi %or3A_25, %or3A_34 : vector<256x1024xi32>
    %min3A_36 = arith.minsi %broadcast_in_dim3A_27, %max3A_35 : vector<256x1024xi32>
    %slice3A_37 = vector.extract_strided_slice %bitcast_convert_type3A {offsets = [0, 2048], sizes = [256, 1024], strides = [1, 1]} : vector<256x8192xi32> to vector<256x1024xi32>
    %and3A_38 = arith.constant -8 : i32
    %and3A_39 = vector.broadcast %and3A_38 : i32 to vector<256x1024xi32>
    %and3A_40 = arith.andi %slice3A_37, %and3A_39 : vector<256x1024xi32>
    %or3A_41 = arith.constant 2 : i32
    %or3A_42 = vector.broadcast %or3A_41 : i32 to vector<256x1024xi32>
    %or3A_43 = arith.ori %and3A_40, %or3A_42 : vector<256x1024xi32>
    %min3A_44 = arith.minsi %min3A, %or3A_43 : vector<256x1024xi32>
    %max3A_45 = arith.maxsi %min3A, %or3A_43 : vector<256x1024xi32>
    %min3A_46 = arith.minsi %min3A_36, %max3A_45 : vector<256x1024xi32>
    %slice3A_47 = vector.extract_strided_slice %bitcast_convert_type3A {offsets = [0, 3072], sizes = [256, 1024], strides = [1, 1]} : vector<256x8192xi32> to vector<256x1024xi32>
    %and3A_48 = arith.constant -8 : i32
    %and3A_49 = vector.broadcast %and3A_48 : i32 to vector<256x1024xi32>
    %and3A_50 = arith.andi %slice3A_47, %and3A_49 : vector<256x1024xi32>
    %or3A_51 = arith.constant 3 : i32
    %or3A_52 = vector.broadcast %or3A_51 : i32 to vector<256x1024xi32>
    %or3A_53 = arith.ori %and3A_50, %or3A_52 : vector<256x1024xi32>
    %min3A_54 = arith.minsi %min3A_44, %or3A_53 : vector<256x1024xi32>
    %max3A_55 = arith.maxsi %min3A_44, %or3A_53 : vector<256x1024xi32>
    %min3A_56 = arith.minsi %min3A_46, %max3A_55 : vector<256x1024xi32>
    %slice3A_57 = vector.extract_strided_slice %bitcast_convert_type3A {offsets = [0, 4096], sizes = [256, 1024], strides = [1, 1]} : vector<256x8192xi32> to vector<256x1024xi32>
    %and3A_58 = arith.constant -8 : i32
    %and3A_59 = vector.broadcast %and3A_58 : i32 to vector<256x1024xi32>
    %and3A_60 = arith.andi %slice3A_57, %and3A_59 : vector<256x1024xi32>
    %or3A_61 = arith.constant 4 : i32
    %or3A_62 = vector.broadcast %or3A_61 : i32 to vector<256x1024xi32>
    %or3A_63 = arith.ori %and3A_60, %or3A_62 : vector<256x1024xi32>
    %min3A_64 = arith.minsi %min3A_54, %or3A_63 : vector<256x1024xi32>
    %max3A_65 = arith.maxsi %min3A_54, %or3A_63 : vector<256x1024xi32>
    %min3A_66 = arith.minsi %min3A_56, %max3A_65 : vector<256x1024xi32>
    %slice3A_67 = vector.extract_strided_slice %bitcast_convert_type3A {offsets = [0, 5120], sizes = [256, 1024], strides = [1, 1]} : vector<256x8192xi32> to vector<256x1024xi32>
    %and3A_68 = arith.constant -8 : i32
    %and3A_69 = vector.broadcast %and3A_68 : i32 to vector<256x1024xi32>
    %and3A_70 = arith.andi %slice3A_67, %and3A_69 : vector<256x1024xi32>
    %or3A_71 = arith.constant 5 : i32
    %or3A_72 = vector.broadcast %or3A_71 : i32 to vector<256x1024xi32>
    %or3A_73 = arith.ori %and3A_70, %or3A_72 : vector<256x1024xi32>
    %min3A_74 = arith.minsi %min3A_64, %or3A_73 : vector<256x1024xi32>
    %max3A_75 = arith.maxsi %min3A_64, %or3A_73 : vector<256x1024xi32>
    %min3A_76 = arith.minsi %min3A_66, %max3A_75 : vector<256x1024xi32>
    %slice3A_77 = vector.extract_strided_slice %bitcast_convert_type3A {offsets = [0, 6144], sizes = [256, 1024], strides = [1, 1]} : vector<256x8192xi32> to vector<256x1024xi32>
    %and3A_78 = arith.constant -8 : i32
    %and3A_79 = vector.broadcast %and3A_78 : i32 to vector<256x1024xi32>
    %and3A_80 = arith.andi %slice3A_77, %and3A_79 : vector<256x1024xi32>
    %or3A_81 = arith.constant 6 : i32
    %or3A_82 = vector.broadcast %or3A_81 : i32 to vector<256x1024xi32>
    %or3A_83 = arith.ori %and3A_80, %or3A_82 : vector<256x1024xi32>
    %min3A_84 = arith.minsi %min3A_74, %or3A_83 : vector<256x1024xi32>
    %max3A_85 = arith.maxsi %min3A_74, %or3A_83 : vector<256x1024xi32>
    %min3A_86 = arith.minsi %min3A_76, %max3A_85 : vector<256x1024xi32>
    %slice3A_87 = vector.extract_strided_slice %bitcast_convert_type3A {offsets = [0, 7168], sizes = [256, 1024], strides = [1, 1]} : vector<256x8192xi32> to vector<256x1024xi32>
    %and3A_88 = arith.constant -8 : i32
    %and3A_89 = vector.broadcast %and3A_88 : i32 to vector<256x1024xi32>
    %and3A_90 = arith.andi %slice3A_87, %and3A_89 : vector<256x1024xi32>
    %or3A_91 = arith.constant 7 : i32
    %or3A_92 = vector.broadcast %or3A_91 : i32 to vector<256x1024xi32>
    %or3A_93 = arith.ori %and3A_90, %or3A_92 : vector<256x1024xi32>
    %min3A_94 = arith.minsi %min3A_84, %or3A_93 : vector<256x1024xi32>
    %max3A_95 = arith.maxsi %min3A_84, %or3A_93 : vector<256x1024xi32>
    %min3A_96 = arith.minsi %min3A_86, %max3A_95 : vector<256x1024xi32>
    %iota3A = tpu.iota {dimensions = array<i32: 1>} : vector<256x1024xi32>
    %reduce_min3A = arith.constant dense<2147483647> : vector<256xi32>
    %reduce_min3A_97 = vector.multi_reduction <minsi>, %min3A_94, %reduce_min3A [1] : vector<256x1024xi32> to vector<256xi32>
    %broadcast_in_dim3A_98 = vector.shape_cast %reduce_min3A_97 : vector<256xi32> to vector<256x1xi32>
    %eq3A = vector.broadcast %broadcast_in_dim3A_98 : vector<256x1xi32> to vector<256x1024xi32>
    %eq3A_99 = arith.cmpi eq, %min3A_94, %eq3A : vector<256x1024xi32>
    %jit3A = arith.constant 1024 : i32
    %broadcast_in_dim3A_100 = vector.broadcast %jit3A : i32 to vector<256x1024xi32>
    %select_n3A = arith.select %eq3A_99, %iota3A, %broadcast_in_dim3A_100 : vector<256x1024xi1>, vector<256x1024xi32>
    %reduce_min3A_101 = arith.constant dense<2147483647> : vector<256xi32>
    %reduce_min3A_102 = vector.multi_reduction <minsi>, %select_n3A, %reduce_min3A_101 [1] : vector<256x1024xi32> to vector<256xi32>
    %broadcast_in_dim3A_103 = vector.shape_cast %reduce_min3A_102 : vector<256xi32> to vector<256x1xi32>
    %and3A_104 = arith.constant 7 : i32
    %and3A_105 = vector.broadcast %and3A_104 : i32 to vector<256x1xi32>
    %and3A_106 = arith.andi %broadcast_in_dim3A_98, %and3A_105 : vector<256x1xi32>
    %mul3A_107 = arith.constant 1024 : i32
    %mul3A_108 = vector.broadcast %mul3A_107 : i32 to vector<256x1xi32>
    %mul3A_109 = arith.muli %and3A_106, %mul3A_108 : vector<256x1xi32>
    %add3A_110 = arith.addi %mul3A_109, %broadcast_in_dim3A_103 : vector<256x1xi32>
    %eq3A_111 = vector.broadcast %broadcast_in_dim3A_103 : vector<256x1xi32> to vector<256x1024xi32>
    %eq3A_112 = arith.cmpi eq, %iota3A, %eq3A_111 : vector<256x1024xi32>
    %and3A_113 = arith.andi %eq3A_99, %eq3A_112 : vector<256x1024xi1>
    %select_n3A_114 = arith.select %and3A_113, %min3A_96, %min3A_94 : vector<256x1024xi1>, vector<256x1024xi32>
    %jit3A_115 = arith.constant 2147483647 : i32
    %broadcast_in_dim3A_116 = vector.broadcast %jit3A_115 : i32 to vector<256x1024xi32>
    %select_n3A_117 = arith.select %and3A_113, %broadcast_in_dim3A_116, %min3A_96 : vector<256x1024xi1>, vector<256x1024xi32>
    %reduce_min3A_118 = arith.constant dense<2147483647> : vector<256xi32>
    %reduce_min3A_119 = vector.multi_reduction <minsi>, %select_n3A_114, %reduce_min3A_118 [1] : vector<256x1024xi32> to vector<256xi32>
    %broadcast_in_dim3A_120 = vector.shape_cast %reduce_min3A_119 : vector<256xi32> to vector<256x1xi32>
    %eq3A_121 = vector.broadcast %broadcast_in_dim3A_120 : vector<256x1xi32> to vector<256x1024xi32>
    %eq3A_122 = arith.cmpi eq, %select_n3A_114, %eq3A_121 : vector<256x1024xi32>
    %jit3A_123 = arith.constant 1024 : i32
    %broadcast_in_dim3A_124 = vector.broadcast %jit3A_123 : i32 to vector<256x1024xi32>
    %select_n3A_125 = arith.select %eq3A_122, %iota3A, %broadcast_in_dim3A_124 : vector<256x1024xi1>, vector<256x1024xi32>
    %reduce_min3A_126 = arith.constant dense<2147483647> : vector<256xi32>
    %reduce_min3A_127 = vector.multi_reduction <minsi>, %select_n3A_125, %reduce_min3A_126 [1] : vector<256x1024xi32> to vector<256xi32>
    %broadcast_in_dim3A_128 = vector.shape_cast %reduce_min3A_127 : vector<256xi32> to vector<256x1xi32>
    %and3A_129 = arith.constant 7 : i32
    %and3A_130 = vector.broadcast %and3A_129 : i32 to vector<256x1xi32>
    %and3A_131 = arith.andi %broadcast_in_dim3A_120, %and3A_130 : vector<256x1xi32>
    %mul3A_132 = arith.constant 1024 : i32
    %mul3A_133 = vector.broadcast %mul3A_132 : i32 to vector<256x1xi32>
    %mul3A_134 = arith.muli %and3A_131, %mul3A_133 : vector<256x1xi32>
    %add3A_135 = arith.addi %mul3A_134, %broadcast_in_dim3A_128 : vector<256x1xi32>
    %eq3A_136 = vector.broadcast %broadcast_in_dim3A_128 : vector<256x1xi32> to vector<256x1024xi32>
    %eq3A_137 = arith.cmpi eq, %iota3A, %eq3A_136 : vector<256x1024xi32>
    %and3A_138 = arith.andi %eq3A_122, %eq3A_137 : vector<256x1024xi1>
    %select_n3A_139 = arith.select %and3A_138, %select_n3A_117, %select_n3A_114 : vector<256x1024xi1>, vector<256x1024xi32>
    %jit3A_140 = arith.constant 2147483647 : i32
    %broadcast_in_dim3A_141 = vector.broadcast %jit3A_140 : i32 to vector<256x1024xi32>
    %select_n3A_142 = arith.select %and3A_138, %broadcast_in_dim3A_141, %select_n3A_117 : vector<256x1024xi1>, vector<256x1024xi32>
    %reduce_min3A_143 = arith.constant dense<2147483647> : vector<256xi32>
    %reduce_min3A_144 = vector.multi_reduction <minsi>, %select_n3A_139, %reduce_min3A_143 [1] : vector<256x1024xi32> to vector<256xi32>
    %broadcast_in_dim3A_145 = vector.shape_cast %reduce_min3A_144 : vector<256xi32> to vector<256x1xi32>
    %eq3A_146 = vector.broadcast %broadcast_in_dim3A_145 : vector<256x1xi32> to vector<256x1024xi32>
    %eq3A_147 = arith.cmpi eq, %select_n3A_139, %eq3A_146 : vector<256x1024xi32>
    %jit3A_148 = arith.constant 1024 : i32
    %broadcast_in_dim3A_149 = vector.broadcast %jit3A_148 : i32 to vector<256x1024xi32>
    %select_n3A_150 = arith.select %eq3A_147, %iota3A, %broadcast_in_dim3A_149 : vector<256x1024xi1>, vector<256x1024xi32>
    %reduce_min3A_151 = arith.constant dense<2147483647> : vector<256xi32>
    %reduce_min3A_152 = vector.multi_reduction <minsi>, %select_n3A_150, %reduce_min3A_151 [1] : vector<256x1024xi32> to vector<256xi32>
    %broadcast_in_dim3A_153 = vector.shape_cast %reduce_min3A_152 : vector<256xi32> to vector<256x1xi32>
    %and3A_154 = arith.constant 7 : i32
    %and3A_155 = vector.broadcast %and3A_154 : i32 to vector<256x1xi32>
    %and3A_156 = arith.andi %broadcast_in_dim3A_145, %and3A_155 : vector<256x1xi32>
    %mul3A_157 = arith.constant 1024 : i32
    %mul3A_158 = vector.broadcast %mul3A_157 : i32 to vector<256x1xi32>
    %mul3A_159 = arith.muli %and3A_156, %mul3A_158 : vector<256x1xi32>
    %add3A_160 = arith.addi %mul3A_159, %broadcast_in_dim3A_153 : vector<256x1xi32>
    %eq3A_161 = vector.broadcast %broadcast_in_dim3A_153 : vector<256x1xi32> to vector<256x1024xi32>
    %eq3A_162 = arith.cmpi eq, %iota3A, %eq3A_161 : vector<256x1024xi32>
    %and3A_163 = arith.andi %eq3A_147, %eq3A_162 : vector<256x1024xi1>
    %select_n3A_164 = arith.select %and3A_163, %select_n3A_142, %select_n3A_139 : vector<256x1024xi1>, vector<256x1024xi32>
    %jit3A_165 = arith.constant 2147483647 : i32
    %broadcast_in_dim3A_166 = vector.broadcast %jit3A_165 : i32 to vector<256x1024xi32>
    %select_n3A_167 = arith.select %and3A_163, %broadcast_in_dim3A_166, %select_n3A_142 : vector<256x1024xi1>, vector<256x1024xi32>
    %reduce_min3A_168 = arith.constant dense<2147483647> : vector<256xi32>
    %reduce_min3A_169 = vector.multi_reduction <minsi>, %select_n3A_164, %reduce_min3A_168 [1] : vector<256x1024xi32> to vector<256xi32>
    %broadcast_in_dim3A_170 = vector.shape_cast %reduce_min3A_169 : vector<256xi32> to vector<256x1xi32>
    %eq3A_171 = vector.broadcast %broadcast_in_dim3A_170 : vector<256x1xi32> to vector<256x1024xi32>
    %eq3A_172 = arith.cmpi eq, %select_n3A_164, %eq3A_171 : vector<256x1024xi32>
    %jit3A_173 = arith.constant 1024 : i32
    %broadcast_in_dim3A_174 = vector.broadcast %jit3A_173 : i32 to vector<256x1024xi32>
    %select_n3A_175 = arith.select %eq3A_172, %iota3A, %broadcast_in_dim3A_174 : vector<256x1024xi1>, vector<256x1024xi32>
    %reduce_min3A_176 = arith.constant dense<2147483647> : vector<256xi32>
    %reduce_min3A_177 = vector.multi_reduction <minsi>, %select_n3A_175, %reduce_min3A_176 [1] : vector<256x1024xi32> to vector<256xi32>
    %broadcast_in_dim3A_178 = vector.shape_cast %reduce_min3A_177 : vector<256xi32> to vector<256x1xi32>
    %and3A_179 = arith.constant 7 : i32
    %and3A_180 = vector.broadcast %and3A_179 : i32 to vector<256x1xi32>
    %and3A_181 = arith.andi %broadcast_in_dim3A_170, %and3A_180 : vector<256x1xi32>
    %mul3A_182 = arith.constant 1024 : i32
    %mul3A_183 = vector.broadcast %mul3A_182 : i32 to vector<256x1xi32>
    %mul3A_184 = arith.muli %and3A_181, %mul3A_183 : vector<256x1xi32>
    %add3A_185 = arith.addi %mul3A_184, %broadcast_in_dim3A_178 : vector<256x1xi32>
    %eq3A_186 = vector.broadcast %broadcast_in_dim3A_178 : vector<256x1xi32> to vector<256x1024xi32>
    %eq3A_187 = arith.cmpi eq, %iota3A, %eq3A_186 : vector<256x1024xi32>
    %and3A_188 = arith.andi %eq3A_172, %eq3A_187 : vector<256x1024xi1>
    %select_n3A_189 = arith.select %and3A_188, %select_n3A_167, %select_n3A_164 : vector<256x1024xi1>, vector<256x1024xi32>
    %jit3A_190 = arith.constant 2147483647 : i32
    %broadcast_in_dim3A_191 = vector.broadcast %jit3A_190 : i32 to vector<256x1024xi32>
    %select_n3A_192 = arith.select %and3A_188, %broadcast_in_dim3A_191, %select_n3A_167 : vector<256x1024xi1>, vector<256x1024xi32>
    %reduce_min3A_193 = arith.constant dense<2147483647> : vector<256xi32>
    %reduce_min3A_194 = vector.multi_reduction <minsi>, %select_n3A_189, %reduce_min3A_193 [1] : vector<256x1024xi32> to vector<256xi32>
    %broadcast_in_dim3A_195 = vector.shape_cast %reduce_min3A_194 : vector<256xi32> to vector<256x1xi32>
    %eq3A_196 = vector.broadcast %broadcast_in_dim3A_195 : vector<256x1xi32> to vector<256x1024xi32>
    %eq3A_197 = arith.cmpi eq, %select_n3A_189, %eq3A_196 : vector<256x1024xi32>
    %jit3A_198 = arith.constant 1024 : i32
    %broadcast_in_dim3A_199 = vector.broadcast %jit3A_198 : i32 to vector<256x1024xi32>
    %select_n3A_200 = arith.select %eq3A_197, %iota3A, %broadcast_in_dim3A_199 : vector<256x1024xi1>, vector<256x1024xi32>
    %reduce_min3A_201 = arith.constant dense<2147483647> : vector<256xi32>
    %reduce_min3A_202 = vector.multi_reduction <minsi>, %select_n3A_200, %reduce_min3A_201 [1] : vector<256x1024xi32> to vector<256xi32>
    %broadcast_in_dim3A_203 = vector.shape_cast %reduce_min3A_202 : vector<256xi32> to vector<256x1xi32>
    %and3A_204 = arith.constant 7 : i32
    %and3A_205 = vector.broadcast %and3A_204 : i32 to vector<256x1xi32>
    %and3A_206 = arith.andi %broadcast_in_dim3A_195, %and3A_205 : vector<256x1xi32>
    %mul3A_207 = arith.constant 1024 : i32
    %mul3A_208 = vector.broadcast %mul3A_207 : i32 to vector<256x1xi32>
    %mul3A_209 = arith.muli %and3A_206, %mul3A_208 : vector<256x1xi32>
    %add3A_210 = arith.addi %mul3A_209, %broadcast_in_dim3A_203 : vector<256x1xi32>
    %eq3A_211 = vector.broadcast %broadcast_in_dim3A_203 : vector<256x1xi32> to vector<256x1024xi32>
    %eq3A_212 = arith.cmpi eq, %iota3A, %eq3A_211 : vector<256x1024xi32>
    %and3A_213 = arith.andi %eq3A_197, %eq3A_212 : vector<256x1024xi1>
    %select_n3A_214 = arith.select %and3A_213, %select_n3A_192, %select_n3A_189 : vector<256x1024xi1>, vector<256x1024xi32>
    %jit3A_215 = arith.constant 2147483647 : i32
    %broadcast_in_dim3A_216 = vector.broadcast %jit3A_215 : i32 to vector<256x1024xi32>
    %select_n3A_217 = arith.select %and3A_213, %broadcast_in_dim3A_216, %select_n3A_192 : vector<256x1024xi1>, vector<256x1024xi32>
    %reduce_min3A_218 = arith.constant dense<2147483647> : vector<256xi32>
    %reduce_min3A_219 = vector.multi_reduction <minsi>, %select_n3A_214, %reduce_min3A_218 [1] : vector<256x1024xi32> to vector<256xi32>
    %broadcast_in_dim3A_220 = vector.shape_cast %reduce_min3A_219 : vector<256xi32> to vector<256x1xi32>
    %eq3A_221 = vector.broadcast %broadcast_in_dim3A_220 : vector<256x1xi32> to vector<256x1024xi32>
    %eq3A_222 = arith.cmpi eq, %select_n3A_214, %eq3A_221 : vector<256x1024xi32>
    %jit3A_223 = arith.constant 1024 : i32
    %broadcast_in_dim3A_224 = vector.broadcast %jit3A_223 : i32 to vector<256x1024xi32>
    %select_n3A_225 = arith.select %eq3A_222, %iota3A, %broadcast_in_dim3A_224 : vector<256x1024xi1>, vector<256x1024xi32>
    %reduce_min3A_226 = arith.constant dense<2147483647> : vector<256xi32>
    %reduce_min3A_227 = vector.multi_reduction <minsi>, %select_n3A_225, %reduce_min3A_226 [1] : vector<256x1024xi32> to vector<256xi32>
    %broadcast_in_dim3A_228 = vector.shape_cast %reduce_min3A_227 : vector<256xi32> to vector<256x1xi32>
    %and3A_229 = arith.constant 7 : i32
    %and3A_230 = vector.broadcast %and3A_229 : i32 to vector<256x1xi32>
    %and3A_231 = arith.andi %broadcast_in_dim3A_220, %and3A_230 : vector<256x1xi32>
    %mul3A_232 = arith.constant 1024 : i32
    %mul3A_233 = vector.broadcast %mul3A_232 : i32 to vector<256x1xi32>
    %mul3A_234 = arith.muli %and3A_231, %mul3A_233 : vector<256x1xi32>
    %add3A_235 = arith.addi %mul3A_234, %broadcast_in_dim3A_228 : vector<256x1xi32>
    %eq3A_236 = vector.broadcast %broadcast_in_dim3A_228 : vector<256x1xi32> to vector<256x1024xi32>
    %eq3A_237 = arith.cmpi eq, %iota3A, %eq3A_236 : vector<256x1024xi32>
    %and3A_238 = arith.andi %eq3A_222, %eq3A_237 : vector<256x1024xi1>
    %select_n3A_239 = arith.select %and3A_238, %select_n3A_217, %select_n3A_214 : vector<256x1024xi1>, vector<256x1024xi32>
    %jit3A_240 = arith.constant 2147483647 : i32
    %broadcast_in_dim3A_241 = vector.broadcast %jit3A_240 : i32 to vector<256x1024xi32>
    %select_n3A_242 = arith.select %and3A_238, %broadcast_in_dim3A_241, %select_n3A_217 : vector<256x1024xi1>, vector<256x1024xi32>
    %reduce_min3A_243 = arith.constant dense<2147483647> : vector<256xi32>
    %reduce_min3A_244 = vector.multi_reduction <minsi>, %select_n3A_239, %reduce_min3A_243 [1] : vector<256x1024xi32> to vector<256xi32>
    %broadcast_in_dim3A_245 = vector.shape_cast %reduce_min3A_244 : vector<256xi32> to vector<256x1xi32>
    %eq3A_246 = vector.broadcast %broadcast_in_dim3A_245 : vector<256x1xi32> to vector<256x1024xi32>
    %eq3A_247 = arith.cmpi eq, %select_n3A_239, %eq3A_246 : vector<256x1024xi32>
    %jit3A_248 = arith.constant 1024 : i32
    %broadcast_in_dim3A_249 = vector.broadcast %jit3A_248 : i32 to vector<256x1024xi32>
    %select_n3A_250 = arith.select %eq3A_247, %iota3A, %broadcast_in_dim3A_249 : vector<256x1024xi1>, vector<256x1024xi32>
    %reduce_min3A_251 = arith.constant dense<2147483647> : vector<256xi32>
    %reduce_min3A_252 = vector.multi_reduction <minsi>, %select_n3A_250, %reduce_min3A_251 [1] : vector<256x1024xi32> to vector<256xi32>
    %broadcast_in_dim3A_253 = vector.shape_cast %reduce_min3A_252 : vector<256xi32> to vector<256x1xi32>
    %and3A_254 = arith.constant 7 : i32
    %and3A_255 = vector.broadcast %and3A_254 : i32 to vector<256x1xi32>
    %and3A_256 = arith.andi %broadcast_in_dim3A_245, %and3A_255 : vector<256x1xi32>
    %mul3A_257 = arith.constant 1024 : i32
    %mul3A_258 = vector.broadcast %mul3A_257 : i32 to vector<256x1xi32>
    %mul3A_259 = arith.muli %and3A_256, %mul3A_258 : vector<256x1xi32>
    %add3A_260 = arith.addi %mul3A_259, %broadcast_in_dim3A_253 : vector<256x1xi32>
    %eq3A_261 = vector.broadcast %broadcast_in_dim3A_253 : vector<256x1xi32> to vector<256x1024xi32>
    %eq3A_262 = arith.cmpi eq, %iota3A, %eq3A_261 : vector<256x1024xi32>
    %and3A_263 = arith.andi %eq3A_247, %eq3A_262 : vector<256x1024xi1>
    %select_n3A_264 = arith.select %and3A_263, %select_n3A_242, %select_n3A_239 : vector<256x1024xi1>, vector<256x1024xi32>
    %reduce_min3A_265 = arith.constant dense<2147483647> : vector<256xi32>
    %reduce_min3A_266 = vector.multi_reduction <minsi>, %select_n3A_264, %reduce_min3A_265 [1] : vector<256x1024xi32> to vector<256xi32>
    %broadcast_in_dim3A_267 = vector.shape_cast %reduce_min3A_266 : vector<256xi32> to vector<256x1xi32>
    %eq3A_268 = vector.broadcast %broadcast_in_dim3A_267 : vector<256x1xi32> to vector<256x1024xi32>
    %eq3A_269 = arith.cmpi eq, %select_n3A_264, %eq3A_268 : vector<256x1024xi32>
    %jit3A_270 = arith.constant 1024 : i32
    %broadcast_in_dim3A_271 = vector.broadcast %jit3A_270 : i32 to vector<256x1024xi32>
    %select_n3A_272 = arith.select %eq3A_269, %iota3A, %broadcast_in_dim3A_271 : vector<256x1024xi1>, vector<256x1024xi32>
    %reduce_min3A_273 = arith.constant dense<2147483647> : vector<256xi32>
    %reduce_min3A_274 = vector.multi_reduction <minsi>, %select_n3A_272, %reduce_min3A_273 [1] : vector<256x1024xi32> to vector<256xi32>
    %broadcast_in_dim3A_275 = vector.shape_cast %reduce_min3A_274 : vector<256xi32> to vector<256x1xi32>
    %and3A_276 = arith.constant 7 : i32
    %and3A_277 = vector.broadcast %and3A_276 : i32 to vector<256x1xi32>
    %and3A_278 = arith.andi %broadcast_in_dim3A_267, %and3A_277 : vector<256x1xi32>
    %mul3A_279 = arith.constant 1024 : i32
    %mul3A_280 = vector.broadcast %mul3A_279 : i32 to vector<256x1xi32>
    %mul3A_281 = arith.muli %and3A_278, %mul3A_280 : vector<256x1xi32>
    %add3A_282 = arith.addi %mul3A_281, %broadcast_in_dim3A_275 : vector<256x1xi32>
    %concatenate3A = tpu.concatenate %add3A_110, %add3A_135, %add3A_160, %add3A_185, %add3A_210, %add3A_235, %add3A_260, %add3A_282 in 1 : vector<256x1xi32>, vector<256x1xi32>, vector<256x1xi32>, vector<256x1xi32>, vector<256x1xi32>, vector<256x1xi32>, vector<256x1xi32>, vector<256x1xi32> -> vector<256x8xi32>
    %mul3A_283 = arith.constant 8192 : i32
    %mul3A_284 = arith.muli %arg0, %mul3A_283 : i32
    %add3A_285 = vector.broadcast %mul3A_284 : i32 to vector<256x8xi32>
    %add3A_286 = arith.addi %concatenate3A, %add3A_285 : vector<256x8xi32>
    %swap3A = arith.constant 0 : index
    %swap3A_287 = arith.constant 0 : index
    %swap3A_288 = arith.constant 0 : index
    %swap3A_289 = vector.load %arg4[%swap3A, %swap3A_287, %swap3A_288] : memref<1x256x8xi32, #tpu.memory_space<vmem>>, vector<1x256x8xi32>
    %swap3A_290 = vector.shape_cast %swap3A_289 : vector<1x256x8xi32> to vector<256x8xi32>
    %swap3A_291 = vector.shape_cast %add3A_286 : vector<256x8xi32> to vector<1x256x8xi32>
    tpu.vector_store %arg4[%swap3A, %swap3A_287, %swap3A_288], %swap3A_291 {strides = array<i32>} : memref<1x256x8xi32, #tpu.memory_space<vmem>>, vector<1x256x8xi32>,
    return
  }
  func.func @transform_0(%arg0: i32, %arg1: i32) -> (i32, i32, i32) {
    %c0_i32 = arith.constant 0 : i32
    %c0_i32_0 = arith.constant 0 : i32
    return %arg0, %c0_i32, %arg1 : i32, i32, i32
  }
  func.func @transform_1(%arg0: i32, %arg1: i32) -> (i32, i32, i32) {
    %c0_i32 = arith.constant 0 : i32
    %c0_i32_0 = arith.constant 0 : i32
    %c0_i32_1 = arith.constant 0 : i32
    return %arg0, %c0_i32, %c0_i32_0 : i32, i32, i32
  }
  func.func @transform_2(%arg0: i32, %arg1: i32) -> (i32, i32, i32) {
    %c0_i32 = arith.constant 0 : i32
    %c0_i32_0 = arith.constant 0 : i32
    return %arg0, %arg1, %c0_i32 : i32, i32, i32
  }
}

module attributes {stable_mosaic.version = 14 : i64} {
  func.func @_proj_bias_body(%arg0: i32, %arg1: i32, %arg2: memref<1x256x1024xf32, #tpu.memory_space<vmem>>, %arg3: memref<256x256xf32, #tpu.memory_space<vmem>>, %arg4: memref<1x256xf32, #tpu.memory_space<vmem>>, %arg5: memref<1x1024x256xf32, #tpu.memory_space<vmem>>) attributes {dimension_semantics = [#tpu.dimension_semantics<arbitrary>, #tpu.dimension_semantics<arbitrary>], iteration_bounds = array<i64: 8, 2>, scalar_prefetch = 0 : i64, scratch_operands = 0 : i64, tpu.core_type = #tpu.core_type<tc>, window_params = [{transform_indices = @transform_0, window_bounds = array<i64: 1, 256, 1024>}, {pipeline_mode = #tpu.pipeline_mode<synchronous>, transform_indices = @transform_1, window_bounds = array<i64: 256, 256>}, {pipeline_mode = #tpu.pipeline_mode<synchronous>, transform_indices = @transform_2, window_bounds = array<i64: 1, 256>}, {transform_indices = @transform_3, window_bounds = array<i64: 1, 1024, 256>}]} {
    %get3A = arith.constant 0 : index
    %get3A_0 = arith.constant 0 : index
    %get3A_1 = arith.constant 0 : index
    %get3A_2 = vector.load %arg2[%get3A, %get3A_0, %get3A_1] : memref<1x256x1024xf32, #tpu.memory_space<vmem>>, vector<1x256x1024xf32>
    %get3A_3 = vector.shape_cast %get3A_2 : vector<1x256x1024xf32> to vector<256x1024xf32>
    %get3A_4 = arith.constant 0 : index
    %get3A_5 = arith.constant 0 : index
    %get3A_6 = vector.load %arg3[%get3A_4, %get3A_5] : memref<256x256xf32, #tpu.memory_space<vmem>>, vector<256x256xf32>
    %dot_general3A = arith.constant dense<0.000000e+00> : vector<1024x256xf32>
    %dot_general3A_7 = tpu.matmul %get3A_3, %get3A_6, %dot_general3A {dimension_numbers = #tpu.dot_dimension_numbers<[0], [0], [1], [1], [0, 1, 1, 1], [], []>, transpose_lhs_hint = false} : vector<256x1024xf32>, vector<256x256xf32>, vector<1024x256xf32> -> vector<1024x256xf32>
    %get3A_8 = arith.constant 0 : index
    %get3A_9 = arith.constant 0 : index
    %get3A_10 = vector.load %arg4[%get3A_8, %get3A_9] : memref<1x256xf32, #tpu.memory_space<vmem>>, vector<1x256xf32>
    %add3A = vector.broadcast %get3A_10 : vector<1x256xf32> to vector<1024x256xf32>
    %add3A_11 = arith.addf %dot_general3A_7, %add3A : vector<1024x256xf32>
    %swap3A = arith.constant 0 : index
    %swap3A_12 = arith.constant 0 : index
    %swap3A_13 = arith.constant 0 : index
    %swap3A_14 = vector.load %arg5[%swap3A, %swap3A_12, %swap3A_13] : memref<1x1024x256xf32, #tpu.memory_space<vmem>>, vector<1x1024x256xf32>
    %swap3A_15 = vector.shape_cast %swap3A_14 : vector<1x1024x256xf32> to vector<1024x256xf32>
    %swap3A_16 = vector.shape_cast %add3A_11 : vector<1024x256xf32> to vector<1x1024x256xf32>
    tpu.vector_store %arg5[%swap3A, %swap3A_12, %swap3A_13], %swap3A_16 {strides = array<i32>} : memref<1x1024x256xf32, #tpu.memory_space<vmem>>, vector<1x1024x256xf32>,
    return
  }
  func.func @transform_0(%arg0: i32, %arg1: i32) -> (i32, i32, i32) {
    %c0_i32 = arith.constant 0 : i32
    %c0_i32_0 = arith.constant 0 : i32
    return %arg0, %c0_i32, %arg1 : i32, i32, i32
  }
  func.func @transform_1(%arg0: i32, %arg1: i32) -> (i32, i32) {
    %c0_i32 = arith.constant 0 : i32
    %c0_i32_0 = arith.constant 0 : i32
    %c0_i32_1 = arith.constant 0 : i32
    return %c0_i32, %c0_i32_0 : i32, i32
  }
  func.func @transform_2(%arg0: i32, %arg1: i32) -> (i32, i32) {
    %c0_i32 = arith.constant 0 : i32
    %c0_i32_0 = arith.constant 0 : i32
    %c0_i32_1 = arith.constant 0 : i32
    return %c0_i32, %c0_i32_0 : i32, i32
  }
  func.func @transform_3(%arg0: i32, %arg1: i32) -> (i32, i32, i32) {
    %c0_i32 = arith.constant 0 : i32
    %c0_i32_0 = arith.constant 0 : i32
    return %arg0, %arg1, %c0_i32 : i32, i32, i32
  }
}

</mosaic_0001>

<sc_bundles>
// kernel: kernel.6.cloned.1.call-start
scs
__scs_entry_jumppad:
0x0: {  	(pc) =	sbr.rel $0x88, $3  }
0x1: {  	(tag) =	ssettag $0x0;
	lr =	simm.s32 $0x1  }
0x2: {  	[smem:$0x3F9B] =	sst lr;
	_ =	strace $0xD0000000  }
0x3: {  	_ = 	snop  }
0x4: {  	_ = 	snop  }
0x5: {  	_ = 	snop  }
0x6: {  	_ = 	snop  }
0x7: {  	_ = 	snop  }
__scs_overlays_trampoline_lowered:
0x8: {  	[smem:$0x3FAA] =	sst s0  }
0x9: {  	[smem:$0x3FAB] =	sst s1  }
0xa: {  	[smem:$0x3FAC] =	sst s2  }
0xb: {  	[smem:$0x3FAD] =	sst s3  }
0xc: {  	[smem:$0x3FAE] =	sst s4  }
0xd: {  	[smem:$0x3FAF] =	sst s5  }
0xe: {  	[smem:$0x3FB0] =	sst s6  }
0xf: {  	[smem:$0x3FB1] =	sst s7  }
0x10: {  	[smem:$0x3FB2] =	sst s8  }
0x11: {  	[smem:$0x3FB3] =	sst s9;
	s0 =	simm.s32 @!p0 $0x0  }
0x12: {  	s1 =	sld [smem:$0x3F99];
	s0 =	simm.s32 @p0 $0x1  }
0x13: {  	[smem:$0x3FB4] =	sst s0;
	s0 =	simm.s32 @!p1 $0x0  }
0x14: {  	s2 =	sld [smem:$0x3F98];
	s0 =	simm.s32 @p1 $0x1  }
0x15: {  	[smem:$0x3FB5] =	sst s0;
	s0 =	simm.s32 @!p2 $0x0  }
0x16: {  	s3 =	sld [smem:$0x3FDB];
	s0 =	simm.s32 @p2 $0x1  }
0x17: {  	s4 =	simm.s32 $0x1BF5;
	[smem:$0x3FB7] =	sst s0  }
0x18: {  	s0 =	sld [smem:$0x3F9A];
	_ =	swait.ge [sflag:s4], $0x0  }
0x19: {  	s7 =	sld [smem:$0x3F9B]  }
0x1a: {  	s8 =	sadd.s32 $0xFFFFE003, lr  }
0x1b: {  	s9 =	sadd.s32 $0xFFFFFEF7, lr;
	s5 =	simm.s32 $0xFFFFFFFF;
	p2 =	slt.u32 s8, $0xFFFFF086  }
0x1c: {  	p1 =	slt.u32 s9, $0xF7A;
	s5 =	simm.s32 @!p2 $0x0  }
0x1d: {  	s5 =	simm.s32 @p1 $0x1;
	p0 =	seq.s32 s7, s2  }
0x1e: {  	s7 =	smul.u32 @!p0 $0xF7A, s2;
	p2 =	seq.s32 @!p0 s5, $0x0  }
0x1f: {  	s9 =	smul.u32 $0xF7A, s1;
	s8 =	simm.s32 @!p0 $0x1BF5;
	p2 =	por !p2, p0  }
0x20: {  	[sflag:s8] =	ssyncset.s32 @!p0 $0xFFFFF086;
	s6 =	sadd.s32 @!p0 s3, s7;
	s7 =	simm.s32 @!p0 $0x108  }
0x21: {  	s3 =	sadd.s32 s3, s9;
	s6 =	sadd.s32 @!p0 $0x88, s6;
	s7 =	simm.s32 @p2 $0x1082  }
0x22: {  	[simem:s7], [sflag:s8] =	dma.local @!p0 [hbm:s6], $0xF7A  }
0x23: {  	s9 =	sor.u32 $0xD0000000, s2;
	s6 =	simm.s32 $0x108;
	_ =	swait.ge @!p0 [sflag:s8], $0x0  }
0x24: {  	s3 =	sadd.s32 $0x88, s3;
	s6 =	simm.s32 @!p1 $0x1082;
	[sflag:s4] =	ssyncset.s32 $0xFFFFF086  }
0x25: {  	[simem:s6], [sflag:s4] =	dma.local [hbm:s3], $0xF7A  }
0x26: {  	[smem:$0x3F9B] =	sst s1;
	(tag) =	ssettag s2;
	_ =	strace s9  }
0x27: {  	s1 =	sld [smem:$0x3FAB]  }
0x28: {  	s2 =	sld [smem:$0x3FAC]  }
0x29: {  	s4 =	sld [smem:$0x3FAE]  }
0x2a: {  	p0 =	seq.s32 s5, $0x0;
	s5 =	sld [smem:$0x3FAF]  }
0x2b: {  	s6 =	sld [smem:$0x3FB0]  }
0x2c: {  	s7 =	sld [smem:$0x3FB1]  }
0x2d: {  	s3 =	simm.s32 $0x108;
	s8 =	sld [smem:$0x3FB2]  }
0x2e: {  	s3 =	simm.s32 @!p0 $0x1082;
	s9 =	sld [smem:$0x3FB3]  }
0x2f: {  	lr =	sadd.s32 s0, s3;
	s0 =	sld [smem:$0x3FAA]  }
0x30: {  	s3 =	sld [smem:$0x3FAD]  }
0x31: {  	[smem:$0x3FB6] =	sst s10  }
0x32: {  	s10 =	sld [smem:$0x3FB4];
	_ =	sdelay $0x3  }
0x33: {  	p0 =	seq.s32 s10, $0x1;
	s10 =	sld [smem:$0x3FB6];
	_ =	sdelay $0x3  }
0x34: {  	[smem:$0x3FB6] =	sst s10  }
0x35: {  	s10 =	sld [smem:$0x3FB5];
	_ =	sdelay $0x3  }
0x36: {  	p1 =	seq.s32 s10, $0x1;
	s10 =	sld [smem:$0x3FB6];
	_ =	sdelay $0x3  }
0x37: {  	[smem:$0x3FB6] =	sst s10  }
0x38: {  	s10 =	sld [smem:$0x3FB7]  }
0x39: {  	_ = 	snop;
	(pc) =	sbr.ind lr, $3  }
0x3a: {  	_ = 	snop  }
0x3b: {  	_ = 	snop  }
0x3c: {  	p2 =	seq.s32 s10, $0x1;
	s10 =	sld [smem:$0x3FB6]  }
0x3d: {  	_ =	shalt  }
0x3e: {  	_ =	shalt  }
0x3f: {  	_ =	shalt  }
0x40: {  	_ =	shalt  }
0x41: {  	_ =	shalt  }
0x42: {  	_ =	shalt  }
0x43: {  	_ =	shalt  }
0x44: {  	_ =	shalt  }
0x45: {  	_ =	shalt  }
0x46: {  	_ =	shalt  }
0x47: {  	_ =	shalt  }
0x48: {  	_ =	shalt  }
0x49: {  	_ =	shalt  }
0x4a: {  	_ =	shalt  }
0x4b: {  	_ =	shalt  }
0x4c: {  	_ =	shalt  }
0x4d: {  	_ =	shalt  }
0x4e: {  	_ =	shalt  }
0x4f: {  	_ =	shalt  }
0x50: {  	_ =	shalt  }
0x51: {  	_ =	shalt  }
0x52: {  	_ =	shalt  }
0x53: {  	_ =	shalt  }
0x54: {  	_ =	shalt  }
0x55: {  	_ =	shalt  }
0x56: {  	_ =	shalt  }
0x57: {  	_ =	shalt  }
0x58: {  	_ =	shalt  }
0x59: {  	_ =	shalt  }
0x5a: {  	_ =	shalt  }
0x5b: {  	_ =	shalt  }
0x5c: {  	_ =	shalt  }
0x5d: {  	_ =	shalt  }
0x5e: {  	_ =	shalt  }
0x5f: {  	_ =	shalt  }
0x60: {  	_ =	shalt  }
0x61: {  	_ =	shalt  }
0x62: {  	_ =	shalt  }
0x63: {  	_ =	shalt  }
0x64: {  	_ =	shalt  }
0x65: {  	_ =	shalt  }
0x66: {  	_ =	shalt  }
0x67: {  	_ =	shalt  }
0x68: {  	_ =	shalt  }
0x69: {  	_ =	shalt  }
0x6a: {  	_ =	shalt  }
0x6b: {  	_ =	shalt  }
0x6c: {  	_ =	shalt  }
0x6d: {  	_ =	shalt  }
0x6e: {  	_ =	shalt  }
0x6f: {  	_ =	shalt  }
0x70: {  	_ =	shalt  }
0x71: {  	_ =	shalt  }
0x72: {  	_ =	shalt  }
0x73: {  	_ =	shalt  }
0x74: {  	_ =	shalt  }
0x75: {  	_ =	shalt  }
0x76: {  	_ =	shalt  }
0x77: {  	_ =	shalt  }
0x78: {  	_ =	shalt  }
0x79: {  	_ =	shalt  }
0x7a: {  	_ =	shalt  }
0x7b: {  	_ =	shalt  }
0x7c: {  	_ =	shalt  }
0x7d: {  	_ =	shalt  }
0x7e: {  	_ =	shalt  }
0x7f: {  	_ =	shalt  }
0x80: {  	_ =	shalt  }
0x81: {  	_ =	shalt  }
0x82: {  	_ =	shalt  }
0x83: {  	_ =	shalt  }
0x84: {  	_ =	shalt  }
0x85: {  	_ =	shalt  }
0x86: {  	_ =	shalt  }
0x87: {  	_ =	shalt  }
.Lfunc_end0:
.L_simem_size_0:
called_computation_lowered:
.L_overlay_start_0:
0x88: {  	s2 =	sld [smem:$0x3FD9]  }
0x89: {  	s3 =	sld [smem:$0x3FFE];
	_ =	sdelay $0x1  }
0x8a: {  	s1 =	srdreg.scid  }
0x8b: {  	s0 =	sand.u32 $0x1, s1  }
0x8c: {  	s17 =	sshll.u32 s0, $0xA;
	s2 =	sadd.s32 s3, s2  }
0x8d: {  	s2 =	sadd.s32 s2, s17  }
0x8e: {  	[smem:$0x3FC2] =	sst s2  }
0x8f: {  	_ = 	snop  }
0x90: {  	s2 =	sld [smem:$0x3FD0];
	(tm) =	ssettm $0x1  }
0x91: {  	s18 =	sld [smem:$0x3FFB];
	_ =	sdelay $0x3  }
0x92: {  	_ =	strace s18  }
0x93: {  	s3 =	sld [smem:$0x3FFC];
	_ =	sdelay $0x3  }
0x94: {  	_ =	strace s3  }
0x95: {  	s3 =	sld [smem:$0x3FFD];
	_ =	sdelay $0x3  }
0x96: {  	_ =	strace s3  }
0x97: {  	_ =	strace $0x8FFFFFFF  }
0x98: {  	s19 =	sld [smem:$0x3FDB];
	_ =	sdelay $0x1  }
0x99: {  	s4 =	simm.s32 $_scs_section_size  }
0x9a: {  	s5 =	simm.s32 $_size__tile_overlayer_lowered;
	s6 =	simm.s32 $_tile_overlayer_lowered  }
0x9b: {  	s22 =	simm.s32 $0x1BFF;
	s21 =	sshll.u32 s6, $0x1;
	s3 =	sadd.s32 s4, s19  }
0x9c: {  	s7 =	simm.s32 $0x0;
	s20 =	sshll.u32 s5, $0x1;
	s5 =	sadd.s32 s21, s3  }
0x9d: {  	[timem:s7], [sflag:s22] =	dma.local [hbm:s5], s20  }
0x9e: {  	_ =	swait.ge [sflag:s22], s20  }
0x9f: {  	s4 =	ssub.s32 $0x0, s20;
	[sflag:s22] =	ssyncset.done $0x0  }
0xa0: {  	[sflag:s22] =	ssyncadd.s32 s4;
	_ =	sdelay $0x1  }
0xa1: {  	s23 =	simm.s32 $0x1B8B  }
0xa2: {  	_ =	swait.ge [sflag:s23], $0x1  }
0xa3: {  	[sflag:s23] =	ssyncset.done $0x0  }
0xa4: {  	s25 =	simm.s32 $0x1B8E;
	s24 =	sld [smem:$0x3FFE];
	[sflag:s23] =	ssyncadd.s32 $0xFFFFFFFF  }
0xa5: {  	s26 =	simm.s32 $execute0_lowered;
	[smem:$0x3FD2] =	sst s25  }
0xa6: {  	s5 =	sshll.u32 s26, $0x1;
	_ =	strace $0x80000046;
	[dreg:$0x1] =	wrdreg $0xFFFFFFFF  }
0xa7: {  	s28 =	simm.s32 $_size_execute0_lowered;
	s3 =	sadd.s32 s3, s5;
	[dreg:$0x0] =	wrdreg $0x0  }
0xa8: {  	s5 =	sshll.u32 s28, $0x1;
	[dreg:$0x2] =	wrdreg s3  }
0xa9: {  	[dreg:$0x3] =	wrdreg s5  }
0xaa: {  	[dreg:$0x4] =	wrdreg $0xC0  }
0xab: {  	_ =	task [dreg:s7], $0x5FFFF  }
0xac: {  	[dreg:$0x1] =	wrdreg $0xFFFFFFFF  }
0xad: {  	[dreg:$0x0] =	wrdreg $0x60  }
0xae: {  	[dreg:$0x2] =	wrdreg s24  }
0xaf: {  	[dreg:$0x3] =	wrdreg s2  }
0xb0: {  	[dreg:$0x4] =	wrdreg $0x9  }
0xb1: {  	_ =	task.clear_ibuf [dreg:s7], $0x5FFFF;
	_ =	strace $0x90000046  }
0xb2: {  	s29 =	simm.s32 $0x9;
	_ =	strace $0x80000048  }
0xb3: {  	_ =	swait.ge [sflag:s29], $0x1  }
0xb4: {  	[sflag:s29] =	ssyncadd.s32 $0xFFFFFFFF  }
0xb5: {  	_ =	strace $0x90000048  }
0xb6: {  	_ =	sfence  }
0xb7: {  	s30 =	sld [smem:$0x0];
	_ =	sdelay $0x2  }
0xb8: {  	s31 =	sshll.u32 s1, $0xD;
	s1 =	sshrl.u32 s1, $0x2  }
0xb9: {  	s3 =	sand.u32 $0x4000, s31;
	s1 =	sadd.s32 s1, s30  }
0xba: {  	s0 =	sor.u32 s3, s0;
	s1 =	sshll.u32 s1, $0x11  }
0xbb: {  	s0 =	sor.u32 s1, s0  }
0xbc: {  	s0 =	sadd.s32 $0x8F2B, s0  }
0xbd: {  	[sflag:s0] =	ssyncadd.remote.s32 $0x1  }
0xbe: {  	_ =	sfence.sel $0xFFFF  }
0xbf: {  	[dreg:$0x0] =	wrdreg $0xFFFFFFFF;
	(pc) =	sbr.abs _section_cstart, $3  }
0xc0: {  	[dreg:$0x1] =	wrdreg $0xFFFFFFFF  }
0xc1: {  	_ =	task.clear_ibuf [dreg:s7], $0x2FFFF;
	_ =	strace $0x9FFFFFFF  }
0xc2: {  	(tm) =	ssettm $0x7FFFFFFF  }
0xc3: {  	_ =	shalt  }
tec
execute0_lowered:
.L_overlay_start_1:
0x0: {  	(tag) =	ssettag $0x1  }
0x1: {  	s0 =	rddreg [dreg:$0x0]  }
0x2: {  	s8 =	rddreg [dreg:$0x1];
	s2 =	simm.s32 $0x0  }
0x3: {  	s1 =	srdreg.scid;
	s3 =	stileid.u32;
	s13 =	simm.s32 $0x3  }
0x4: {  	s16 =	simm.s32 $0xB100;
	s17 =	simm.s32 $0xB900;
	s18 =	simm.s32 $0xC100  }
0x5: {  	s19 =	simm.s32 $0xC900;
	s20 =	simm.s32 $0xD100;
	s21 =	simm.s32 $0xD900  }
0x6: {  	s28 =	simm.s32 $0x1;
	s29 =	simm.s32 $0x12100;
	s30 =	simm.s32 $0x2  }
0x7: {  	s31 =	simm.s32 $0x13100;
	[smem:$0x7FF] =	sst s2;
	s4 =	sadd.s32 $0x4A00, s0  }
0x8: {  	s5 =	sadd.s32 $0xA00, s0;
	s1 =	sand.u32 $0x1, s1;
	s3 =	sshll.u32 s3, $0x1  }
0x9: {  	s6 =	sadd.s32 $0x204A00, s0;
	s22 =	ssub.s32 $0x2, s1;
	s1 =	sor.u32 s1, s3  }
0xa: {  	_ =	strace $0x80000047;
	s23 =	sshrl.u32 s22, $0x1;
	s7 =	sshll.u32 s1, $0x9  }
0xb: {  	s1 =	sshll.u32 s1, $0xE;
	s0 =	ssub.s32 s22, s23;
	s24 =	sadd.s32 s5, s7  }
0xc: {  	s25 =	sadd.s32 s6, s1;
	s9 =	sadd.s32 s8, s1;
	s26 =	sor.u32 $0x20, s7  }
0xd: {  	s12 =	sor.u32 $0x10, s7;
	s22 =	simm.s32 $0xE100;
	[dreg:$0x3] =	wrdreg s24  }
0xe: {  	v2 =	vlaneseq.u32;
	s23 =	simm.s32 $0xE900;
	s1 =	simm.s32 $0x0;
	[dreg:$0x4] =	wrdreg s25  }
0xf: {  	vm0 =	vmmov $0xffff;
	v1 =	vshrl.u32 v2, $0x3;
	[dreg:$0x5] =	wrdreg s26;
	s0 =	smax.u32 s0, $0x1;
	s24 =	simm.s32 $0xF100  }
0x10: {  	v0 =	vand.u32 $0x7, v2;
	v2 =	vor.u32 $0x8, v2;
	v1 =	vmul.u32 $0x8, v1;
	s25 =	simm.s32 $0xF900;
	s26 =	simm.s32 $0x11100;
	[dreg:$0x6] =	wrdreg s0  }
.LBB2_1:
0x11: {  	[dreg:$0x7] =	wrdreg s1  }
0x12: {  	s0 =	rddreg [dreg:$0x3]  }
0x13: {  	[tilespmem:s2], [sflag:$0x3] =	stream.linear.gather [hbm4b:s0+s2], $0x80, $0x38;
	[tilespmem:$0x14100] =	vst v63  }
0x14: {  	_ =	swait.ge [sflag:s13], $0x80  }
0x15: {  	[sflag:s13] =	ssyncset.done $0x0  }
0x16: {  	[sflag:s13] =	ssyncadd.s32 $0xFFFFFF80  }
0x17: {  	v3 =	vld [tilespmem:$0x0];
	_ =	sdelay $0x4  }
0x18: {  	v4 =	vshll.u32 v3, $0x1  }
0x19: {  	v3 =	vand.u32 $0x7, v3;
	v4 =	vand.u32 $0xFFFFFFF0, v4  }
0x1a: {  	v3 =	vor.u32 v3, v4  }
0x1b: {  	v4 =	vperm.xlane v3, v0;
	_ =	sdelay $0x1  }
0x1c: {  	v3 =	vperm.xlane v3, v2;
	v4 =	vadd.s32 v1, v4;
	_ =	sdelay $0x1  }
0x1d: {  	v3 =	vadd.s32 v1, v3;
	_ =	sdelay $0x1  }
0x1e: {  	s14 =	simm.s32 $0x100  }
0x1f: {  	[tilespmem:s14], [sflag:$0x1] =	stream.indirect_vreg.gather [hbm4b:s4+s2], $0x80, v4, vm0, $0xb8;
	[tilespmem:$0x14100] =	vst v63  }
0x20: {  	s15 =	simm.s32 $0x900  }
0x21: {  	[tilespmem:s15], [sflag:$0x1] =	stream.indirect_vreg.gather [hbm4b:s4+s2], $0x80, v3, vm0, $0xb8;
	[tilespmem:$0x14100] =	vst v63  }
0x22: {  	v3 =	vld [tilespmem:$0x10];
	_ =	sdelay $0x4  }
0x23: {  	v57 =	vshll.u32 v3, $0x1  }
0x24: {  	v3 =	vand.u32 $0x7, v3;
	v4 =	vand.u32 $0xFFFFFFF0, v57  }
0x25: {  	v3 =	vor.u32 v3, v4  }
0x26: {  	v4 =	vperm.xlane v3, v0;
	_ =	sdelay $0x1  }
0x27: {  	v3 =	vperm.xlane v3, v2;
	v4 =	vadd.s32 v1, v4;
	_ =	sdelay $0x1  }
0x28: {  	v3 =	vadd.s32 v1, v3;
	_ =	sdelay $0x1  }
0x29: {  	s1 =	simm.s32 $0x1100  }
0x2a: {  	[tilespmem:s1], [sflag:$0x1] =	stream.indirect_vreg.gather [hbm4b:s4+s2], $0x80, v4, vm0, $0xb8;
	[tilespmem:$0x14100] =	vst v63  }
0x2b: {  	s3 =	simm.s32 $0x1900  }
0x2c: {  	[tilespmem:s3], [sflag:$0x1] =	stream.indirect_vreg.gather [hbm4b:s4+s2], $0x80, v3, vm0, $0xb8;
	[tilespmem:$0x14100] =	vst v63  }
0x2d: {  	v3 =	vld [tilespmem:$0x20];
	_ =	sdelay $0x4  }
0x2e: {  	v58 =	vshll.u32 v3, $0x1  }
0x2f: {  	v3 =	vand.u32 $0x7, v3;
	v4 =	vand.u32 $0xFFFFFFF0, v58  }
0x30: {  	v3 =	vor.u32 v3, v4  }
0x31: {  	v4 =	vperm.xlane v3, v0;
	_ =	sdelay $0x1  }
0x32: {  	v3 =	vperm.xlane v3, v2;
	v4 =	vadd.s32 v1, v4;
	_ =	sdelay $0x1  }
0x33: {  	v3 =	vadd.s32 v1, v3;
	_ =	sdelay $0x1  }
0x34: {  	s7 =	simm.s32 $0x2100  }
0x35: {  	[tilespmem:s7], [sflag:$0x1] =	stream.indirect_vreg.gather [hbm4b:s4+s2], $0x80, v4, vm0, $0xb8;
	[tilespmem:$0x14100] =	vst v63  }
0x36: {  	s8 =	simm.s32 $0x2900  }
0x37: {  	[tilespmem:s8], [sflag:$0x1] =	stream.indirect_vreg.gather [hbm4b:s4+s2], $0x80, v3, vm0, $0xb8;
	[tilespmem:$0x14100] =	vst v63  }
0x38: {  	v3 =	vld [tilespmem:$0x30];
	_ =	sdelay $0x4  }
0x39: {  	v59 =	vshll.u32 v3, $0x1  }
0x3a: {  	v3 =	vand.u32 $0x7, v3;
	v4 =	vand.u32 $0xFFFFFFF0, v59  }
0x3b: {  	v3 =	vor.u32 v3, v4  }
0x3c: {  	v4 =	vperm.xlane v3, v0;
	_ =	sdelay $0x1  }
0x3d: {  	v3 =	vperm.xlane v3, v2;
	v4 =	vadd.s32 v1, v4;
	_ =	sdelay $0x1  }
0x3e: {  	v3 =	vadd.s32 v1, v3;
	_ =	sdelay $0x1  }
0x3f: {  	s10 =	simm.s32 $0x3100  }
0x40: {  	[tilespmem:s10], [sflag:$0x1] =	stream.indirect_vreg.gather [hbm4b:s4+s2], $0x80, v4, vm0, $0xb8;
	[tilespmem:$0x14100] =	vst v63  }
0x41: {  	s11 =	simm.s32 $0x3900  }
0x42: {  	[tilespmem:s11], [sflag:$0x1] =	stream.indirect_vreg.gather [hbm4b:s4+s2], $0x80, v3, vm0, $0xb8;
	[tilespmem:$0x14100] =	vst v63  }
0x43: {  	v3 =	vld [tilespmem:$0x40];
	_ =	sdelay $0x4  }
0x44: {  	v60 =	vshll.u32 v3, $0x1  }
0x45: {  	v3 =	vand.u32 $0x7, v3;
	v4 =	vand.u32 $0xFFFFFFF0, v60  }
0x46: {  	v3 =	vor.u32 v3, v4  }
0x47: {  	v4 =	vperm.xlane v3, v0;
	_ =	sdelay $0x1  }
0x48: {  	v3 =	vperm.xlane v3, v2;
	v4 =	vadd.s32 v1, v4;
	_ =	sdelay $0x1  }
0x49: {  	v3 =	vadd.s32 v1, v3;
	_ =	sdelay $0x1  }
0x4a: {  	s14 =	simm.s32 $0x4100  }
0x4b: {  	[tilespmem:s14], [sflag:$0x1] =	stream.indirect_vreg.gather [hbm4b:s4+s2], $0x80, v4, vm0, $0xb8;
	[tilespmem:$0x14100] =	vst v63  }
0x4c: {  	s15 =	simm.s32 $0x4900  }
0x4d: {  	[tilespmem:s15], [sflag:$0x1] =	stream.indirect_vreg.gather [hbm4b:s4+s2], $0x80, v3, vm0, $0xb8;
	[tilespmem:$0x14100] =	vst v63  }
0x4e: {  	v3 =	vld [tilespmem:$0x50];
	_ =	sdelay $0x4  }
0x4f: {  	v61 =	vshll.u32 v3, $0x1  }
0x50: {  	v3 =	vand.u32 $0x7, v3;
	v4 =	vand.u32 $0xFFFFFFF0, v61  }
0x51: {  	v3 =	vor.u32 v3, v4  }
0x52: {  	v4 =	vperm.xlane v3, v0;
	_ =	sdelay $0x1  }
0x53: {  	v3 =	vperm.xlane v3, v2;
	v4 =	vadd.s32 v1, v4;
	_ =	sdelay $0x1  }
0x54: {  	v3 =	vadd.s32 v1, v3;
	_ =	sdelay $0x1  }
0x55: {  	s1 =	simm.s32 $0x5100  }
0x56: {  	[tilespmem:s1], [sflag:$0x1] =	stream.indirect_vreg.gather [hbm4b:s4+s2], $0x80, v4, vm0, $0xb8;
	[tilespmem:$0x14100] =	vst v63  }
0x57: {  	s3 =	simm.s32 $0x5900  }
0x58: {  	[tilespmem:s3], [sflag:$0x1] =	stream.indirect_vreg.gather [hbm4b:s4+s2], $0x80, v3, vm0, $0xb8;
	[tilespmem:$0x14100] =	vst v63  }
0x59: {  	v3 =	vld [tilespmem:$0x60];
	_ =	sdelay $0x4  }
0x5a: {  	v62 =	vshll.u32 v3, $0x1  }
0x5b: {  	v3 =	vand.u32 $0x7, v3;
	v4 =	vand.u32 $0xFFFFFFF0, v62  }
0x5c: {  	v3 =	vor.u32 v3, v4  }
0x5d: {  	v4 =	vperm.xlane v3, v0;
	_ =	sdelay $0x1  }
0x5e: {  	v3 =	vperm.xlane v3, v2;
	v4 =	vadd.s32 v1, v4;
	_ =	sdelay $0x1  }
0x5f: {  	v3 =	vadd.s32 v1, v3;
	_ =	sdelay $0x1  }
0x60: {  	s7 =	simm.s32 $0x6100  }
0x61: {  	[tilespmem:s7], [sflag:$0x1] =	stream.indirect_vreg.gather [hbm4b:s4+s2], $0x80, v4, vm0, $0xb8;
	[tilespmem:$0x14100] =	vst v63  }
0x62: {  	s8 =	simm.s32 $0x6900  }
0x63: {  	[tilespmem:s8], [sflag:$0x1] =	stream.indirect_vreg.gather [hbm4b:s4+s2], $0x80, v3, vm0, $0xb8;
	[tilespmem:$0x14100] =	vst v63  }
0x64: {  	v3 =	vld [tilespmem:$0x70];
	_ =	sdelay $0x4  }
0x65: {  	v63 =	vshll.u32 v3, $0x1  }
0x66: {  	v3 =	vand.u32 $0x7, v3;
	v4 =	vand.u32 $0xFFFFFFF0, v63  }
0x67: {  	v3 =	vor.u32 v3, v4  }
0x68: {  	v4 =	vperm.xlane v3, v0;
	_ =	sdelay $0x1  }
0x69: {  	v3 =	vperm.xlane v3, v2;
	v4 =	vadd.s32 v1, v4;
	_ =	sdelay $0x1  }
0x6a: {  	v3 =	vadd.s32 v1, v3;
	_ =	sdelay $0x1  }
0x6b: {  	s10 =	simm.s32 $0x7100  }
0x6c: {  	[tilespmem:s10], [sflag:$0x1] =	stream.indirect_vreg.gather [hbm4b:s4+s2], $0x80, v4, vm0, $0xb8;
	[tilespmem:$0x14100] =	vst v63  }
0x6d: {  	s11 =	simm.s32 $0x7900  }
0x6e: {  	[tilespmem:s11], [sflag:$0x1] =	stream.indirect_vreg.gather [hbm4b:s4+s2], $0x80, v3, vm0, $0xb8;
	[tilespmem:$0x14100] =	vst v63  }
0x6f: {  	s14 =	rddreg [dreg:$0x4];
	s15 =	simm.s32 $0x10100  }
0x70: {  	[tilespmem:s15], [sflag:$0x3] =	stream.linear.gather [hbm4b:s14+s2], $0x1000, $0x38;
	[tilespmem:$0x14100] =	vst v63  }
0x71: {  	_ =	swait.ge [sflag:s13], $0x1000  }
0x72: {  	[sflag:s13] =	ssyncset.done $0x0  }
0x73: {  	s1 =	simm.s32 $0x0;
	[sflag:s13] =	ssyncadd.s32 $0xFFFFF000  }
.LBB2_2:
0x74: {  	s0 =	sshll.u32 s1, $0x5  }
0x75: {  	s7 =	sor.u32 s12, s0  }
0x76: {  	s3 =	simm.s32 $0x0;
	s10 =	simm.s32 $0x80;
	s8 =	sadd.s32 s5, s7  }
0x77: {  	[tilespmem:s10], [sflag:$0x3] =	stream.linear.gather [hbm4b:s8+s3], $0x80, $0x38;
	[tilespmem:$0x14100] =	vst v63  }
0x78: {  	_ =	swait.ge [sflag:s13], $0x80  }
0x79: {  	[sflag:s13] =	ssyncset.done $0x0  }
0x7a: {  	[sflag:s13] =	ssyncadd.s32 $0xFFFFFF80  }
0x7b: {  	v3 =	vld [tilespmem:$0x80];
	_ =	sdelay $0x4  }
0x7c: {  	v4 =	vshll.u32 v3, $0x1  }
0x7d: {  	v3 =	vand.u32 $0x7, v3;
	v4 =	vand.u32 $0xFFFFFFF0, v4  }
0x7e: {  	v3 =	vor.u32 v3, v4  }
0x7f: {  	v4 =	vperm.xlane v3, v0;
	_ =	sdelay $0x1  }
0x80: {  	v3 =	vperm.xlane v3, v2;
	v4 =	vadd.s32 v1, v4;
	_ =	sdelay $0x1  }
0x81: {  	v3 =	vadd.s32 v1, v3;
	_ =	sdelay $0x1  }
0x82: {  	s11 =	simm.s32 $0x8100  }
0x83: {  	[tilespmem:s11], [sflag:$0x2] =	stream.indirect_vreg.gather [hbm4b:s4+s3], $0x80, v4, vm0, $0xb8;
	[tilespmem:$0x14100] =	vst v63  }
0x84: {  	s14 =	simm.s32 $0x8900  }
0x85: {  	[tilespmem:s14], [sflag:$0x2] =	stream.indirect_vreg.gather [hbm4b:s4+s3], $0x80, v3, vm0, $0xb8;
	[tilespmem:$0x14100] =	vst v63  }
0x86: {  	v3 =	vld [tilespmem:$0x90];
	_ =	sdelay $0x4  }
0x87: {  	v4 =	vshll.u32 v3, $0x1  }
0x88: {  	v3 =	vand.u32 $0x7, v3;
	v4 =	vand.u32 $0xFFFFFFF0, v4  }
0x89: {  	v3 =	vor.u32 v3, v4  }
0x8a: {  	v4 =	vperm.xlane v3, v0;
	_ =	sdelay $0x1  }
0x8b: {  	v3 =	vperm.xlane v3, v2;
	v4 =	vadd.s32 v1, v4;
	_ =	sdelay $0x1  }
0x8c: {  	v3 =	vadd.s32 v1, v3;
	_ =	sdelay $0x1  }
0x8d: {  	s15 =	simm.s32 $0x9100  }
0x8e: {  	[tilespmem:s15], [sflag:$0x2] =	stream.indirect_vreg.gather [hbm4b:s4+s3], $0x80, v4, vm0, $0xb8;
	[tilespmem:$0x14100] =	vst v63  }
0x8f: {  	s10 =	simm.s32 $0x9900  }
0x90: {  	[tilespmem:s10], [sflag:$0x2] =	stream.indirect_vreg.gather [hbm4b:s4+s3], $0x80, v3, vm0, $0xb8;
	[tilespmem:$0x14100] =	vst v63  }
0x91: {  	v3 =	vld [tilespmem:$0xA0];
	_ =	sdelay $0x4  }
0x92: {  	v4 =	vshll.u32 v3, $0x1  }
0x93: {  	v3 =	vand.u32 $0x7, v3;
	v4 =	vand.u32 $0xFFFFFFF0, v4  }
0x94: {  	v3 =	vor.u32 v3, v4  }
0x95: {  	v4 =	vperm.xlane v3, v0;
	_ =	sdelay $0x1  }
0x96: {  	v3 =	vperm.xlane v3, v2;
	v4 =	vadd.s32 v1, v4;
	_ =	sdelay $0x1  }
0x97: {  	v3 =	vadd.s32 v1, v3;
	_ =	sdelay $0x1  }
0x98: {  	s11 =	simm.s32 $0xA100  }
0x99: {  	[tilespmem:s11], [sflag:$0x2] =	stream.indirect_vreg.gather [hbm4b:s4+s3], $0x80, v4, vm0, $0xb8;
	[tilespmem:$0x14100] =	vst v63  }
0x9a: {  	s14 =	simm.s32 $0xA900  }
0x9b: {  	[tilespmem:s14], [sflag:$0x2] =	stream.indirect_vreg.gather [hbm4b:s4+s3], $0x80, v3, vm0, $0xb8;
	[tilespmem:$0x14100] =	vst v63  }
0x9c: {  	v3 =	vld [tilespmem:$0xB0];
	_ =	sdelay $0x4  }
0x9d: {  	v4 =	vshll.u32 v3, $0x1  }
0x9e: {  	v3 =	vand.u32 $0x7, v3;
	v4 =	vand.u32 $0xFFFFFFF0, v4  }
0x9f: {  	v3 =	vor.u32 v3, v4  }
0xa0: {  	v4 =	vperm.xlane v3, v0;
	_ =	sdelay $0x1  }
0xa1: {  	v3 =	vperm.xlane v3, v2;
	v4 =	vadd.s32 v1, v4;
	_ =	sdelay $0x1  }
0xa2: {  	v3 =	vadd.s32 v1, v3;
	_ =	sdelay $0x2  }
0xa3: {  	[tilespmem:s16], [sflag:$0x2] =	stream.indirect_vreg.gather [hbm4b:s4+s3], $0x80, v4, vm0, $0xb8;
	[tilespmem:$0x14100] =	vst v63  }
0xa4: {  	_ = 	snop  }
0xa5: {  	[tilespmem:s17], [sflag:$0x2] =	stream.indirect_vreg.gather [hbm4b:s4+s3], $0x80, v3, vm0, $0xb8;
	[tilespmem:$0x14100] =	vst v63  }
0xa6: {  	v3 =	vld [tilespmem:$0xC0];
	_ =	sdelay $0x4  }
0xa7: {  	v4 =	vshll.u32 v3, $0x1  }
0xa8: {  	v3 =	vand.u32 $0x7, v3;
	v4 =	vand.u32 $0xFFFFFFF0, v4  }
0xa9: {  	v3 =	vor.u32 v3, v4  }
0xaa: {  	v4 =	vperm.xlane v3, v0;
	_ =	sdelay $0x1  }
0xab: {  	v3 =	vperm.xlane v3, v2;
	v4 =	vadd.s32 v1, v4;
	_ =	sdelay $0x1  }
0xac: {  	v3 =	vadd.s32 v1, v3;
	_ =	sdelay $0x2  }
0xad: {  	[tilespmem:s18], [sflag:$0x2] =	stream.indirect_vreg.gather [hbm4b:s4+s3], $0x80, v4, vm0, $0xb8;
	[tilespmem:$0x14100] =	vst v63  }
0xae: {  	_ = 	snop  }
0xaf: {  	[tilespmem:s19], [sflag:$0x2] =	stream.indirect_vreg.gather [hbm4b:s4+s3], $0x80, v3, vm0, $0xb8;
	[tilespmem:$0x14100] =	vst v63  }
0xb0: {  	v3 =	vld [tilespmem:$0xD0];
	_ =	sdelay $0x4  }
0xb1: {  	v4 =	vshll.u32 v3, $0x1  }
0xb2: {  	v3 =	vand.u32 $0x7, v3;
	v4 =	vand.u32 $0xFFFFFFF0, v4  }
0xb3: {  	v3 =	vor.u32 v3, v4  }
0xb4: {  	v4 =	vperm.xlane v3, v0;
	_ =	sdelay $0x1  }
0xb5: {  	v3 =	vperm.xlane v3, v2;
	v4 =	vadd.s32 v1, v4;
	_ =	sdelay $0x1  }
0xb6: {  	v3 =	vadd.s32 v1, v3;
	_ =	sdelay $0x2  }
0xb7: {  	[tilespmem:s20], [sflag:$0x2] =	stream.indirect_vreg.gather [hbm4b:s4+s3], $0x80, v4, vm0, $0xb8;
	[tilespmem:$0x14100] =	vst v63  }
0xb8: {  	_ = 	snop  }
0xb9: {  	[tilespmem:s21], [sflag:$0x2] =	stream.indirect_vreg.gather [hbm4b:s4+s3], $0x80, v3, vm0, $0xb8;
	[tilespmem:$0x14100] =	vst v63  }
0xba: {  	v3 =	vld [tilespmem:$0xE0];
	_ =	sdelay $0x4  }
0xbb: {  	v4 =	vshll.u32 v3, $0x1  }
0xbc: {  	v3 =	vand.u32 $0x7, v3;
	v4 =	vand.u32 $0xFFFFFFF0, v4  }
0xbd: {  	v3 =	vor.u32 v3, v4  }
0xbe: {  	v4 =	vperm.xlane v3, v0;
	_ =	sdelay $0x1  }
0xbf: {  	v3 =	vperm.xlane v3, v2;
	v4 =	vadd.s32 v1, v4;
	_ =	sdelay $0x1  }
0xc0: {  	v3 =	vadd.s32 v1, v3;
	_ =	sdelay $0x2  }
0xc1: {  	[tilespmem:s22], [sflag:$0x2] =	stream.indirect_vreg.gather [hbm4b:s4+s3], $0x80, v4, vm0, $0xb8;
	[tilespmem:$0x14100] =	vst v63  }
0xc2: {  	_ = 	snop  }
0xc3: {  	[tilespmem:s23], [sflag:$0x2] =	stream.indirect_vreg.gather [hbm4b:s4+s3], $0x80, v3, vm0, $0xb8;
	[tilespmem:$0x14100] =	vst v63  }
0xc4: {  	v3 =	vld [tilespmem:$0xF0];
	_ =	sdelay $0x4  }
0xc5: {  	v4 =	vshll.u32 v3, $0x1  }
0xc6: {  	v3 =	vand.u32 $0x7, v3;
	v4 =	vand.u32 $0xFFFFFFF0, v4  }
0xc7: {  	v3 =	vor.u32 v3, v4  }
0xc8: {  	v4 =	vperm.xlane v3, v0;
	_ =	sdelay $0x1  }
0xc9: {  	v3 =	vperm.xlane v3, v2;
	v4 =	vadd.s32 v1, v4;
	_ =	sdelay $0x1  }
0xca: {  	v3 =	vadd.s32 v1, v3;
	_ =	sdelay $0x2  }
0xcb: {  	[tilespmem:s24], [sflag:$0x2] =	stream.indirect_vreg.gather [hbm4b:s4+s3], $0x80, v4, vm0, $0xb8;
	[tilespmem:$0x14100] =	vst v63  }
0xcc: {  	s10 =	sshll.u32 s7, $0x5  }
0xcd: {  	[tilespmem:s25], [sflag:$0x2] =	stream.indirect_vreg.gather [hbm4b:s4+s3], $0x80, v3, vm0, $0xb8;
	[tilespmem:$0x14100] =	vst v63  }
0xce: {  	s7 =	sadd.s32 s6, s10  }
0xcf: {  	[tilespmem:s26], [sflag:$0x3] =	stream.linear.gather [hbm4b:s7+s3], $0x1000, $0x38;
	[tilespmem:$0x14100] =	vst v63  }
0xd0: {  	_ =	swait.ge [sflag:s13], $0x1000  }
0xd1: {  	[sflag:s13] =	ssyncset.done $0x0  }
0xd2: {  	[sflag:s13] =	ssyncadd.s32 $0xFFFFF000  }
0xd3: {  	_ =	swait.ge [sflag:s28], $0x8000  }
0xd4: {  	[sflag:s28] =	ssyncset.done $0x0  }
0xd5: {  	s7 =	simm.s32 $0x500;
	[sflag:s28] =	ssyncadd.s32 $0xFFFF8000  }
0xd6: {  	v3 =	vld [tilespmem:s7+$0xFFFFFC00]  }
0xd7: {  	v4 =	vld [tilespmem:s7+$0xFFFFFC80]  }
0xd8: {  	v5 =	vld [tilespmem:s7+$0xFFFFFD00]  }
0xd9: {  	v6 =	vld [tilespmem:s7+$0xFFFFFD80]  }
0xda: {  	v7 =	vld [tilespmem:s7+$0xFFFFFE00]  }
0xdb: {  	v8 =	vld [tilespmem:s7+$0xFFFFFE80]  }
0xdc: {  	s15 =	sand.u32 $0x800, s3;
	s11 =	sand.u32 $0x380, s3;
	v3 =	vmax.f32 v3, v4;
	v4 =	vld [tilespmem:s7+$0xFFFFFF00]  }
0xdd: {  	s8 =	sor.u32 s11, s15;
	v3 =	vmax.f32 v3, v5;
	v5 =	vld [tilespmem:s7+$0xFFFFFF80]  }
0xde: {  	v60 =	vld [tilespmem:s8+$0x10100];
	v3 =	vmax.f32 v3, v6  }
0xdf: {  	v3 =	vmax.f32 v3, v7  }
0xe0: {  	v3 =	vmax.f32 v3, v8  }
0xe1: {  	v3 =	vmax.f32 v3, v4  }
0xe2: {  	v3 =	vmax.f32 v3, v5  }
0xe3: {  	v3 =	vadd.f32 v60, v3;
	_ =	sdelay $0x1  }
0xe4: {  	v4 =	vmul.f32 $2.000000030e-01, v3  }
0xe5: {  	vm1 =	vge.f32 v3, $0.0e+00  }
0xe6: {  	v3 =	vsel vm1, v3, v4  }
0xe7: {  	[tilespmem:s8+$0x12100] =	vst v3  }
0xe8: {  	v3 =	vld [tilespmem:s7+$0xFFFFFC10]  }
0xe9: {  	v4 =	vld [tilespmem:s7+$0xFFFFFC90]  }
0xea: {  	v5 =	vld [tilespmem:s7+$0xFFFFFD10]  }
0xeb: {  	v61 =	vld [tilespmem:s7+$0xFFFFFD90]  }
0xec: {  	v62 =	vld [tilespmem:s7+$0xFFFFFE10]  }
0xed: {  	v63 =	vld [tilespmem:s7+$0xFFFFFE90]  }
0xee: {  	v3 =	vmax.f32 v3, v4;
	v4 =	vld [tilespmem:s7+$0xFFFFFF10]  }
0xef: {  	v3 =	vmax.f32 v3, v5;
	v5 =	vld [tilespmem:s7+$0xFFFFFF90]  }
0xf0: {  	v11 =	vld [tilespmem:s8+$0x10110];
	v3 =	vmax.f32 v3, v61  }
0xf1: {  	v3 =	vmax.f32 v3, v62  }
0xf2: {  	v3 =	vmax.f32 v3, v63  }
0xf3: {  	v3 =	vmax.f32 v3, v4  }
0xf4: {  	v3 =	vmax.f32 v3, v5  }
0xf5: {  	v3 =	vadd.f32 v11, v3;
	_ =	sdelay $0x1  }
0xf6: {  	v4 =	vmul.f32 $2.000000030e-01, v3  }
0xf7: {  	vm1 =	vge.f32 v3, $0.0e+00  }
0xf8: {  	v3 =	vsel vm1, v3, v4  }
0xf9: {  	[tilespmem:s8+$0x12110] =	vst v3  }
0xfa: {  	v3 =	vld [tilespmem:s7+$0xFFFFFC20]  }
0xfb: {  	v4 =	vld [tilespmem:s7+$0xFFFFFCA0]  }
0xfc: {  	v5 =	vld [tilespmem:s7+$0xFFFFFD20]  }
0xfd: {  	v12 =	vld [tilespmem:s7+$0xFFFFFDA0]  }
0xfe: {  	v13 =	vld [tilespmem:s7+$0xFFFFFE20]  }
0xff: {  	v14 =	vld [tilespmem:s7+$0xFFFFFEA0]  }
0x100: {  	v3 =	vmax.f32 v3, v4;
	v4 =	vld [tilespmem:s7+$0xFFFFFF20]  }
0x101: {  	v3 =	vmax.f32 v3, v5;
	v5 =	vld [tilespmem:s7+$0xFFFFFFA0]  }
0x102: {  	v15 =	vld [tilespmem:s8+$0x10120];
	v3 =	vmax.f32 v3, v12  }
0x103: {  	v3 =	vmax.f32 v3, v13  }
0x104: {  	v3 =	vmax.f32 v3, v14  }
0x105: {  	v3 =	vmax.f32 v3, v4  }
0x106: {  	v3 =	vmax.f32 v3, v5  }
0x107: {  	v3 =	vadd.f32 v15, v3;
	_ =	sdelay $0x1  }
0x108: {  	v4 =	vmul.f32 $2.000000030e-01, v3  }
0x109: {  	vm1 =	vge.f32 v3, $0.0e+00  }
0x10a: {  	v3 =	vsel vm1, v3, v4  }
0x10b: {  	[tilespmem:s8+$0x12120] =	vst v3  }
0x10c: {  	v3 =	vld [tilespmem:s7+$0xFFFFFC30]  }
0x10d: {  	v4 =	vld [tilespmem:s7+$0xFFFFFCB0]  }
0x10e: {  	v5 =	vld [tilespmem:s7+$0xFFFFFD30]  }
0x10f: {  	v16 =	vld [tilespmem:s7+$0xFFFFFDB0]  }
0x110: {  	v17 =	vld [tilespmem:s7+$0xFFFFFE30]  }
0x111: {  	v18 =	vld [tilespmem:s7+$0xFFFFFEB0]  }
0x112: {  	v3 =	vmax.f32 v3, v4;
	v4 =	vld [tilespmem:s7+$0xFFFFFF30]  }
0x113: {  	v3 =	vmax.f32 v3, v5;
	v5 =	vld [tilespmem:s7+$0xFFFFFFB0]  }
0x114: {  	v19 =	vld [tilespmem:s8+$0x10130];
	v3 =	vmax.f32 v3, v16  }
0x115: {  	v3 =	vmax.f32 v3, v17  }
0x116: {  	v3 =	vmax.f32 v3, v18  }
0x117: {  	v3 =	vmax.f32 v3, v4  }
0x118: {  	v3 =	vmax.f32 v3, v5  }
0x119: {  	v3 =	vadd.f32 v19, v3;
	_ =	sdelay $0x1  }
0x11a: {  	v4 =	vmul.f32 $2.000000030e-01, v3  }
0x11b: {  	vm1 =	vge.f32 v3, $0.0e+00  }
0x11c: {  	v3 =	vsel vm1, v3, v4  }
0x11d: {  	[tilespmem:s8+$0x12130] =	vst v3  }
0x11e: {  	v3 =	vld [tilespmem:s7+$0xFFFFFC40]  }
0x11f: {  	v4 =	vld [tilespmem:s7+$0xFFFFFCC0]  }
0x120: {  	v5 =	vld [tilespmem:s7+$0xFFFFFD40]  }
0x121: {  	v20 =	vld [tilespmem:s7+$0xFFFFFDC0]  }
0x122: {  	v21 =	vld [tilespmem:s7+$0xFFFFFE40]  }
0x123: {  	v22 =	vld [tilespmem:s7+$0xFFFFFEC0]  }
0x124: {  	v3 =	vmax.f32 v3, v4;
	v4 =	vld [tilespmem:s7+$0xFFFFFF40]  }
0x125: {  	v3 =	vmax.f32 v3, v5;
	v5 =	vld [tilespmem:s7+$0xFFFFFFC0]  }
0x126: {  	v23 =	vld [tilespmem:s8+$0x10140];
	v3 =	vmax.f32 v3, v20  }
0x127: {  	v3 =	vmax.f32 v3, v21  }
0x128: {  	v3 =	vmax.f32 v3, v22  }
0x129: {  	v3 =	vmax.f32 v3, v4  }
0x12a: {  	v3 =	vmax.f32 v3, v5  }
0x12b: {  	v3 =	vadd.f32 v23, v3;
	_ =	sdelay $0x1  }
0x12c: {  	v4 =	vmul.f32 $2.000000030e-01, v3  }
0x12d: {  	vm1 =	vge.f32 v3, $0.0e+00  }
0x12e: {  	v3 =	vsel vm1, v3, v4  }
0x12f: {  	[tilespmem:s8+$0x12140] =	vst v3  }
0x130: {  	v3 =	vld [tilespmem:s7+$0xFFFFFC50]  }
0x131: {  	v4 =	vld [tilespmem:s7+$0xFFFFFCD0]  }
0x132: {  	v5 =	vld [tilespmem:s7+$0xFFFFFD50]  }
0x133: {  	v24 =	vld [tilespmem:s7+$0xFFFFFDD0]  }
0x134: {  	v25 =	vld [tilespmem:s7+$0xFFFFFE50]  }
0x135: {  	v26 =	vld [tilespmem:s7+$0xFFFFFED0]  }
0x136: {  	v3 =	vmax.f32 v3, v4;
	v4 =	vld [tilespmem:s7+$0xFFFFFF50]  }
0x137: {  	v3 =	vmax.f32 v3, v5;
	v5 =	vld [tilespmem:s7+$0xFFFFFFD0]  }
0x138: {  	v27 =	vld [tilespmem:s8+$0x10150];
	v3 =	vmax.f32 v3, v24  }
0x139: {  	v3 =	vmax.f32 v3, v25  }
0x13a: {  	v3 =	vmax.f32 v3, v26  }
0x13b: {  	v3 =	vmax.f32 v3, v4  }
0x13c: {  	v3 =	vmax.f32 v3, v5  }
0x13d: {  	v3 =	vadd.f32 v27, v3;
	_ =	sdelay $0x1  }
0x13e: {  	v4 =	vmul.f32 $2.000000030e-01, v3  }
0x13f: {  	vm1 =	vge.f32 v3, $0.0e+00  }
0x140: {  	v3 =	vsel vm1, v3, v4  }
0x141: {  	[tilespmem:s8+$0x12150] =	vst v3  }
0x142: {  	v3 =	vld [tilespmem:s7+$0xFFFFFC60]  }
0x143: {  	v4 =	vld [tilespmem:s7+$0xFFFFFCE0]  }
0x144: {  	v5 =	vld [tilespmem:s7+$0xFFFFFD60]  }
0x145: {  	v28 =	vld [tilespmem:s7+$0xFFFFFDE0]  }
0x146: {  	v29 =	vld [tilespmem:s7+$0xFFFFFE60]  }
0x147: {  	v30 =	vld [tilespmem:s7+$0xFFFFFEE0]  }
0x148: {  	v3 =	vmax.f32 v3, v4;
	v4 =	vld [tilespmem:s7+$0xFFFFFF60]  }
0x149: {  	v3 =	vmax.f32 v3, v5;
	v5 =	vld [tilespmem:s7+$0xFFFFFFE0]  }
0x14a: {  	v31 =	vld [tilespmem:s8+$0x10160];
	v3 =	vmax.f32 v3, v28  }
0x14b: {  	v3 =	vmax.f32 v3, v29  }
0x14c: {  	v3 =	vmax.f32 v3, v30  }
0x14d: {  	v3 =	vmax.f32 v3, v4  }
0x14e: {  	v3 =	vmax.f32 v3, v5  }
0x14f: {  	v3 =	vadd.f32 v31, v3;
	_ =	sdelay $0x1  }
0x150: {  	v4 =	vmul.f32 $2.000000030e-01, v3  }
0x151: {  	vm1 =	vge.f32 v3, $0.0e+00  }
0x152: {  	v3 =	vsel vm1, v3, v4  }
0x153: {  	[tilespmem:s8+$0x12160] =	vst v3  }
0x154: {  	v3 =	vld [tilespmem:s7+$0xFFFFFC70]  }
0x155: {  	v4 =	vld [tilespmem:s7+$0xFFFFFCF0]  }
0x156: {  	v5 =	vld [tilespmem:s7+$0xFFFFFD70]  }
0x157: {  	v32 =	vld [tilespmem:s7+$0xFFFFFDF0]  }
0x158: {  	v33 =	vld [tilespmem:s7+$0xFFFFFE70]  }
0x159: {  	v34 =	vld [tilespmem:s7+$0xFFFFFEF0]  }
0x15a: {  	v3 =	vmax.f32 v3, v4;
	v4 =	vld [tilespmem:s7+$0xFFFFFF70]  }
0x15b: {  	v3 =	vmax.f32 v3, v5;
	v5 =	vld [tilespmem:s7+$0xFFFFFFF0]  }
0x15c: {  	v35 =	vld [tilespmem:s8+$0x10170];
	v3 =	vmax.f32 v3, v32  }
0x15d: {  	v3 =	vmax.f32 v3, v33  }
0x15e: {  	v3 =	vmax.f32 v3, v34  }
0x15f: {  	v3 =	vmax.f32 v3, v4  }
0x160: {  	v3 =	vmax.f32 v3, v5  }
0x161: {  	v3 =	vadd.f32 v35, v3;
	_ =	sdelay $0x1  }
0x162: {  	v4 =	vmul.f32 $2.000000030e-01, v3  }
0x163: {  	vm1 =	vge.f32 v3, $0.0e+00  }
0x164: {  	v3 =	vsel vm1, v3, v4  }
0x165: {  	[tilespmem:s8+$0x12170] =	vst v3  }
0x166: {  	v3 =	vld [tilespmem:s7+$0x0]  }
0x167: {  	v4 =	vld [tilespmem:s7+$0x80]  }
0x168: {  	v5 =	vld [tilespmem:s7+$0x100]  }
0x169: {  	v36 =	vld [tilespmem:s7+$0x180]  }
0x16a: {  	v37 =	vld [tilespmem:s7+$0x200]  }
0x16b: {  	v38 =	vld [tilespmem:s7+$0x280]  }
0x16c: {  	v3 =	vmax.f32 v3, v4;
	v4 =	vld [tilespmem:s7+$0x300]  }
0x16d: {  	v3 =	vmax.f32 v3, v5;
	v5 =	vld [tilespmem:s7+$0x380]  }
0x16e: {  	v39 =	vld [tilespmem:s8+$0x10500];
	v3 =	vmax.f32 v3, v36  }
0x16f: {  	v3 =	vmax.f32 v3, v37  }
0x170: {  	v3 =	vmax.f32 v3, v38  }
0x171: {  	v3 =	vmax.f32 v3, v4  }
0x172: {  	v3 =	vmax.f32 v3, v5  }
0x173: {  	v3 =	vadd.f32 v39, v3;
	_ =	sdelay $0x1  }
0x174: {  	v4 =	vmul.f32 $2.000000030e-01, v3  }
0x175: {  	vm1 =	vge.f32 v3, $0.0e+00  }
0x176: {  	v3 =	vsel vm1, v3, v4  }
0x177: {  	[tilespmem:s8+$0x12500] =	vst v3  }
0x178: {  	v3 =	vld [tilespmem:s7+$0x10]  }
0x179: {  	v4 =	vld [tilespmem:s7+$0x90]  }
0x17a: {  	v5 =	vld [tilespmem:s7+$0x110]  }
0x17b: {  	v40 =	vld [tilespmem:s7+$0x190]  }
0x17c: {  	v41 =	vld [tilespmem:s7+$0x210]  }
0x17d: {  	v42 =	vld [tilespmem:s7+$0x290]  }
0x17e: {  	v3 =	vmax.f32 v3, v4;
	v4 =	vld [tilespmem:s7+$0x310]  }
0x17f: {  	v3 =	vmax.f32 v3, v5;
	v5 =	vld [tilespmem:s7+$0x390]  }
0x180: {  	v43 =	vld [tilespmem:s8+$0x10510];
	v3 =	vmax.f32 v3, v40  }
0x181: {  	v3 =	vmax.f32 v3, v41  }
0x182: {  	v3 =	vmax.f32 v3, v42  }
0x183: {  	v3 =	vmax.f32 v3, v4  }
0x184: {  	v3 =	vmax.f32 v3, v5  }
0x185: {  	v3 =	vadd.f32 v43, v3;
	_ =	sdelay $0x1  }
0x186: {  	v4 =	vmul.f32 $2.000000030e-01, v3  }
0x187: {  	vm1 =	vge.f32 v3, $0.0e+00  }
0x188: {  	v3 =	vsel vm1, v3, v4  }
0x189: {  	[tilespmem:s8+$0x12510] =	vst v3  }
0x18a: {  	v3 =	vld [tilespmem:s7+$0x20]  }
0x18b: {  	v4 =	vld [tilespmem:s7+$0xA0]  }
0x18c: {  	v5 =	vld [tilespmem:s7+$0x120]  }
0x18d: {  	v44 =	vld [tilespmem:s7+$0x1A0]  }
0x18e: {  	v45 =	vld [tilespmem:s7+$0x220]  }
0x18f: {  	v46 =	vld [tilespmem:s7+$0x2A0]  }
0x190: {  	v3 =	vmax.f32 v3, v4;
	v4 =	vld [tilespmem:s7+$0x320]  }
0x191: {  	v3 =	vmax.f32 v3, v5;
	v5 =	vld [tilespmem:s7+$0x3A0]  }
0x192: {  	v47 =	vld [tilespmem:s8+$0x10520];
	v3 =	vmax.f32 v3, v44  }
0x193: {  	v3 =	vmax.f32 v3, v45  }
0x194: {  	v3 =	vmax.f32 v3, v46  }
0x195: {  	v3 =	vmax.f32 v3, v4  }
0x196: {  	v3 =	vmax.f32 v3, v5  }
0x197: {  	v3 =	vadd.f32 v47, v3;
	_ =	sdelay $0x1  }
0x198: {  	v4 =	vmul.f32 $2.000000030e-01, v3  }
0x199: {  	vm1 =	vge.f32 v3, $0.0e+00  }
0x19a: {  	v3 =	vsel vm1, v3, v4  }
0x19b: {  	[tilespmem:s8+$0x12520] =	vst v3  }
0x19c: {  	v3 =	vld [tilespmem:s7+$0x30]  }
0x19d: {  	v4 =	vld [tilespmem:s7+$0xB0]  }
0x19e: {  	v5 =	vld [tilespmem:s7+$0x130]  }
0x19f: {  	v48 =	vld [tilespmem:s7+$0x1B0]  }
0x1a0: {  	v49 =	vld [tilespmem:s7+$0x230]  }
0x1a1: {  	v50 =	vld [tilespmem:s7+$0x2B0]  }
0x1a2: {  	v3 =	vmax.f32 v3, v4;
	v4 =	vld [tilespmem:s7+$0x330]  }
0x1a3: {  	v3 =	vmax.f32 v3, v5;
	v5 =	vld [tilespmem:s7+$0x3B0]  }
0x1a4: {  	v51 =	vld [tilespmem:s8+$0x10530];
	v3 =	vmax.f32 v3, v48  }
0x1a5: {  	v3 =	vmax.f32 v3, v49  }
0x1a6: {  	v3 =	vmax.f32 v3, v50  }
0x1a7: {  	v3 =	vmax.f32 v3, v4  }
0x1a8: {  	v3 =	vmax.f32 v3, v5  }
0x1a9: {  	v3 =	vadd.f32 v51, v3;
	_ =	sdelay $0x1  }
0x1aa: {  	v4 =	vmul.f32 $2.000000030e-01, v3  }
0x1ab: {  	vm1 =	vge.f32 v3, $0.0e+00  }
0x1ac: {  	v3 =	vsel vm1, v3, v4  }
0x1ad: {  	[tilespmem:s8+$0x12530] =	vst v3  }
0x1ae: {  	v3 =	vld [tilespmem:s7+$0x40]  }
0x1af: {  	v4 =	vld [tilespmem:s7+$0xC0]  }
0x1b0: {  	v5 =	vld [tilespmem:s7+$0x140]  }
0x1b1: {  	v52 =	vld [tilespmem:s7+$0x1C0]  }
0x1b2: {  	v53 =	vld [tilespmem:s7+$0x240]  }
0x1b3: {  	v54 =	vld [tilespmem:s7+$0x2C0]  }
0x1b4: {  	v3 =	vmax.f32 v3, v4;
	v4 =	vld [tilespmem:s7+$0x340]  }
0x1b5: {  	v3 =	vmax.f32 v3, v5;
	v5 =	vld [tilespmem:s7+$0x3C0]  }
0x1b6: {  	v55 =	vld [tilespmem:s8+$0x10540];
	v3 =	vmax.f32 v3, v52  }
0x1b7: {  	v3 =	vmax.f32 v3, v53  }
0x1b8: {  	v3 =	vmax.f32 v3, v54  }
0x1b9: {  	v3 =	vmax.f32 v3, v4  }
0x1ba: {  	v3 =	vmax.f32 v3, v5  }
0x1bb: {  	v3 =	vadd.f32 v55, v3;
	_ =	sdelay $0x1  }
0x1bc: {  	v4 =	vmul.f32 $2.000000030e-01, v3  }
0x1bd: {  	vm1 =	vge.f32 v3, $0.0e+00  }
0x1be: {  	v3 =	vsel vm1, v3, v4  }
0x1bf: {  	[tilespmem:s8+$0x12540] =	vst v3  }
0x1c0: {  	v3 =	vld [tilespmem:s7+$0x50]  }
0x1c1: {  	v4 =	vld [tilespmem:s7+$0xD0]  }
0x1c2: {  	v5 =	vld [tilespmem:s7+$0x150]  }
0x1c3: {  	v56 =	vld [tilespmem:s7+$0x1D0]  }
0x1c4: {  	v57 =	vld [tilespmem:s7+$0x250]  }
0x1c5: {  	v58 =	vld [tilespmem:s7+$0x2D0]  }
0x1c6: {  	v3 =	vmax.f32 v3, v4;
	v4 =	vld [tilespmem:s7+$0x350]  }
0x1c7: {  	v3 =	vmax.f32 v3, v5;
	v5 =	vld [tilespmem:s7+$0x3D0]  }
0x1c8: {  	v59 =	vld [tilespmem:s8+$0x10550];
	v3 =	vmax.f32 v3, v56  }
0x1c9: {  	v3 =	vmax.f32 v3, v57  }
0x1ca: {  	v3 =	vmax.f32 v3, v58  }
0x1cb: {  	v3 =	vmax.f32 v3, v4  }
0x1cc: {  	v3 =	vmax.f32 v3, v5  }
0x1cd: {  	v3 =	vadd.f32 v59, v3;
	_ =	sdelay $0x1  }
0x1ce: {  	v4 =	vmul.f32 $2.000000030e-01, v3  }
0x1cf: {  	vm1 =	vge.f32 v3, $0.0e+00  }
0x1d0: {  	v3 =	vsel vm1, v3, v4  }
0x1d1: {  	[tilespmem:s8+$0x12550] =	vst v3  }
0x1d2: {  	v3 =	vld [tilespmem:s7+$0x60]  }
0x1d3: {  	v4 =	vld [tilespmem:s7+$0xE0]  }
0x1d4: {  	v5 =	vld [tilespmem:s7+$0x160]  }
0x1d5: {  	v60 =	vld [tilespmem:s7+$0x1E0]  }
0x1d6: {  	v61 =	vld [tilespmem:s7+$0x260]  }
0x1d7: {  	v62 =	vld [tilespmem:s7+$0x2E0]  }
0x1d8: {  	v3 =	vmax.f32 v3, v4;
	v4 =	vld [tilespmem:s7+$0x360]  }
0x1d9: {  	v3 =	vmax.f32 v3, v5;
	v5 =	vld [tilespmem:s7+$0x3E0]  }
0x1da: {  	v63 =	vld [tilespmem:s8+$0x10560];
	v3 =	vmax.f32 v3, v60  }
0x1db: {  	v3 =	vmax.f32 v3, v61  }
0x1dc: {  	v3 =	vmax.f32 v3, v62  }
0x1dd: {  	v3 =	vmax.f32 v3, v4  }
0x1de: {  	v3 =	vmax.f32 v3, v5  }
0x1df: {  	v3 =	vadd.f32 v63, v3;
	_ =	sdelay $0x1  }
0x1e0: {  	v4 =	vmul.f32 $2.000000030e-01, v3  }
0x1e1: {  	vm1 =	vge.f32 v3, $0.0e+00  }
0x1e2: {  	v3 =	vsel vm1, v3, v4  }
0x1e3: {  	[tilespmem:s8+$0x12560] =	vst v3  }
0x1e4: {  	s11 =	simm.s32 $0x100;
	s14 =	simm.s32 $0x500;
	v3 =	vld [tilespmem:s7+$0x70]  }
.LBB2_3:
0x1e5: {  	p0 =	sne.s32 s11, $0xF00;
	v4 =	vld [tilespmem:s7+$0x170];
	s3 =	sadd.s32 $0x80, s3;
	s14 =	sadd.s32 $0x800, s14  }
0x1e6: {  	s15 =	smov.u32 s11;
	s11 =	sadd.s32 $0x100, s11;
	v5 =	vld [tilespmem:s7+$0xF0]  }
0x1e7: {  	v6 =	vld [tilespmem:s7+$0x1F0]  }
0x1e8: {  	v7 =	vld [tilespmem:s7+$0x270]  }
0x1e9: {  	v8 =	vld [tilespmem:s7+$0x2F0]  }
0x1ea: {  	v9 =	vld [tilespmem:s7+$0x370]  }
0x1eb: {  	v3 =	vmax.f32 v3, v5;
	v5 =	vld [tilespmem:s7+$0x3F0];
	s7 =	smov.u32 s14  }
0x1ec: {  	v3 =	vmax.f32 v3, v4;
	v4 =	vld [tilespmem:s8+$0x10570]  }
0x1ed: {  	v3 =	vmax.f32 v3, v6  }
0x1ee: {  	v3 =	vmax.f32 v3, v7  }
0x1ef: {  	v3 =	vmax.f32 v3, v8  }
0x1f0: {  	v3 =	vmax.f32 v3, v9  }
0x1f1: {  	v3 =	vmax.f32 v3, v5  }
0x1f2: {  	v3 =	vadd.f32 v4, v3;
	_ =	sdelay $0x1  }
0x1f3: {  	vm1 =	vge.f32 v3, $0.0e+00;
	v4 =	vmul.f32 $2.000000030e-01, v3;
	_ =	sdelay $0x1  }
0x1f4: {  	v3 =	vsel vm1, v3, v4  }
0x1f5: {  	[tilespmem:s8+$0x12570] =	vst v3  }
0x1f6: {  	v3 =	vld [tilespmem:s14+$0xFFFFFC00]  }
0x1f7: {  	v4 =	vld [tilespmem:s14+$0xFFFFFC80]  }
0x1f8: {  	v5 =	vld [tilespmem:s14+$0xFFFFFD00]  }
0x1f9: {  	v6 =	vld [tilespmem:s14+$0xFFFFFD80]  }
0x1fa: {  	v7 =	vld [tilespmem:s14+$0xFFFFFE00]  }
0x1fb: {  	v8 =	vld [tilespmem:s14+$0xFFFFFE80]  }
0x1fc: {  	s8 =	sand.u32 $0x800, s15;
	s15 =	sand.u32 $0x380, s3;
	v3 =	vmax.f32 v3, v4;
	v4 =	vld [tilespmem:s14+$0xFFFFFF00]  }
0x1fd: {  	s8 =	sor.u32 s15, s8;
	v3 =	vmax.f32 v3, v5;
	v5 =	vld [tilespmem:s14+$0xFFFFFF80]  }
0x1fe: {  	v3 =	vmax.f32 v3, v6;
	v6 =	vld [tilespmem:s8+$0x10100]  }
0x1ff: {  	v3 =	vmax.f32 v3, v7  }
0x200: {  	v3 =	vmax.f32 v3, v8  }
0x201: {  	v3 =	vmax.f32 v3, v4  }
0x202: {  	v3 =	vmax.f32 v3, v5  }
0x203: {  	v3 =	vadd.f32 v6, v3;
	_ =	sdelay $0x1  }
0x204: {  	v4 =	vmul.f32 $2.000000030e-01, v3  }
0x205: {  	vm1 =	vge.f32 v3, $0.0e+00  }
0x206: {  	v3 =	vsel vm1, v3, v4  }
0x207: {  	[tilespmem:s8+$0x12100] =	vst v3  }
0x208: {  	v3 =	vld [tilespmem:s14+$0xFFFFFD10]  }
0x209: {  	v4 =	vld [tilespmem:s14+$0xFFFFFC10]  }
0x20a: {  	v5 =	vld [tilespmem:s14+$0xFFFFFC90];
	_ =	sdelay $0x1  }
0x20b: {  	v6 =	vld [tilespmem:s14+$0xFFFFFD90]  }
0x20c: {  	v7 =	vld [tilespmem:s14+$0xFFFFFE10]  }
0x20d: {  	v8 =	vld [tilespmem:s14+$0xFFFFFE90]  }
0x20e: {  	v4 =	vmax.f32 v4, v5;
	v5 =	vld [tilespmem:s14+$0xFFFFFF10]  }
0x20f: {  	v3 =	vmax.f32 v4, v3;
	v4 =	vld [tilespmem:s14+$0xFFFFFF90]  }
0x210: {  	v3 =	vmax.f32 v3, v6;
	v6 =	vld [tilespmem:s8+$0x10110]  }
0x211: {  	v3 =	vmax.f32 v3, v7  }
0x212: {  	v3 =	vmax.f32 v3, v8  }
0x213: {  	v3 =	vmax.f32 v3, v5  }
0x214: {  	v3 =	vmax.f32 v3, v4  }
0x215: {  	v3 =	vadd.f32 v6, v3;
	_ =	sdelay $0x1  }
0x216: {  	v4 =	vmul.f32 $2.000000030e-01, v3  }
0x217: {  	vm1 =	vge.f32 v3, $0.0e+00  }
0x218: {  	v3 =	vsel vm1, v3, v4  }
0x219: {  	[tilespmem:s8+$0x12110] =	vst v3  }
0x21a: {  	v3 =	vld [tilespmem:s14+$0xFFFFFC20]  }
0x21b: {  	v4 =	vld [tilespmem:s14+$0xFFFFFCA0]  }
0x21c: {  	v5 =	vld [tilespmem:s14+$0xFFFFFD20]  }
0x21d: {  	v6 =	vld [tilespmem:s14+$0xFFFFFDA0]  }
0x21e: {  	v7 =	vld [tilespmem:s14+$0xFFFFFE20]  }
0x21f: {  	v8 =	vld [tilespmem:s14+$0xFFFFFEA0]  }
0x220: {  	v3 =	vmax.f32 v3, v4;
	v4 =	vld [tilespmem:s14+$0xFFFFFF20]  }
0x221: {  	v3 =	vmax.f32 v3, v5;
	v5 =	vld [tilespmem:s14+$0xFFFFFFA0]  }
0x222: {  	v3 =	vmax.f32 v3, v6;
	v6 =	vld [tilespmem:s8+$0x10120]  }
0x223: {  	v3 =	vmax.f32 v3, v7  }
0x224: {  	v3 =	vmax.f32 v3, v8  }
0x225: {  	v3 =	vmax.f32 v3, v4  }
0x226: {  	v3 =	vmax.f32 v3, v5  }
0x227: {  	v3 =	vadd.f32 v6, v3;
	_ =	sdelay $0x1  }
0x228: {  	v4 =	vmul.f32 $2.000000030e-01, v3  }
0x229: {  	vm1 =	vge.f32 v3, $0.0e+00  }
0x22a: {  	v3 =	vsel vm1, v3, v4  }
0x22b: {  	[tilespmem:s8+$0x12120] =	vst v3  }
0x22c: {  	v3 =	vld [tilespmem:s14+$0xFFFFFC30]  }
0x22d: {  	v4 =	vld [tilespmem:s14+$0xFFFFFCB0]  }
0x22e: {  	v5 =	vld [tilespmem:s14+$0xFFFFFD30]  }
0x22f: {  	v6 =	vld [tilespmem:s14+$0xFFFFFDB0]  }
0x230: {  	v7 =	vld [tilespmem:s14+$0xFFFFFE30]  }
0x231: {  	v8 =	vld [tilespmem:s14+$0xFFFFFEB0]  }
0x232: {  	v3 =	vmax.f32 v3, v4;
	v4 =	vld [tilespmem:s14+$0xFFFFFF30]  }
0x233: {  	v3 =	vmax.f32 v3, v5;
	v5 =	vld [tilespmem:s14+$0xFFFFFFB0]  }
0x234: {  	v3 =	vmax.f32 v3, v6;
	v6 =	vld [tilespmem:s8+$0x10130]  }
0x235: {  	v3 =	vmax.f32 v3, v7  }
0x236: {  	v3 =	vmax.f32 v3, v8  }
0x237: {  	v3 =	vmax.f32 v3, v4  }
0x238: {  	v3 =	vmax.f32 v3, v5  }
0x239: {  	v3 =	vadd.f32 v6, v3;
	_ =	sdelay $0x1  }
0x23a: {  	v4 =	vmul.f32 $2.000000030e-01, v3  }
0x23b: {  	vm1 =	vge.f32 v3, $0.0e+00  }
0x23c: {  	v3 =	vsel vm1, v3, v4  }
0x23d: {  	[tilespmem:s8+$0x12130] =	vst v3  }
0x23e: {  	v3 =	vld [tilespmem:s14+$0xFFFFFC40]  }
0x23f: {  	v4 =	vld [tilespmem:s14+$0xFFFFFCC0]  }
0x240: {  	v5 =	vld [tilespmem:s14+$0xFFFFFD40]  }
0x241: {  	v6 =	vld [tilespmem:s14+$0xFFFFFDC0]  }
0x242: {  	v7 =	vld [tilespmem:s14+$0xFFFFFE40]  }
0x243: {  	v8 =	vld [tilespmem:s14+$0xFFFFFEC0]  }
0x244: {  	v3 =	vmax.f32 v3, v4;
	v4 =	vld [tilespmem:s14+$0xFFFFFF40]  }
0x245: {  	v3 =	vmax.f32 v3, v5;
	v5 =	vld [tilespmem:s14+$0xFFFFFFC0]  }
0x246: {  	v3 =	vmax.f32 v3, v6;
	v6 =	vld [tilespmem:s8+$0x10140]  }
0x247: {  	v3 =	vmax.f32 v3, v7  }
0x248: {  	v3 =	vmax.f32 v3, v8  }
0x249: {  	v3 =	vmax.f32 v3, v4  }
0x24a: {  	v3 =	vmax.f32 v3, v5  }
0x24b: {  	v3 =	vadd.f32 v6, v3;
	_ =	sdelay $0x1  }
0x24c: {  	v4 =	vmul.f32 $2.000000030e-01, v3  }
0x24d: {  	vm1 =	vge.f32 v3, $0.0e+00  }
0x24e: {  	v3 =	vsel vm1, v3, v4  }
0x24f: {  	[tilespmem:s8+$0x12140] =	vst v3  }
0x250: {  	v3 =	vld [tilespmem:s14+$0xFFFFFC50]  }
0x251: {  	v4 =	vld [tilespmem:s14+$0xFFFFFCD0]  }
0x252: {  	v5 =	vld [tilespmem:s14+$0xFFFFFD50]  }
0x253: {  	v6 =	vld [tilespmem:s14+$0xFFFFFDD0]  }
0x254: {  	v7 =	vld [tilespmem:s14+$0xFFFFFE50]  }
0x255: {  	v8 =	vld [tilespmem:s14+$0xFFFFFED0]  }
0x256: {  	v3 =	vmax.f32 v3, v4;
	v4 =	vld [tilespmem:s14+$0xFFFFFF50]  }
0x257: {  	v3 =	vmax.f32 v3, v5;
	v5 =	vld [tilespmem:s14+$0xFFFFFFD0]  }
0x258: {  	v3 =	vmax.f32 v3, v6;
	v6 =	vld [tilespmem:s8+$0x10150]  }
0x259: {  	v3 =	vmax.f32 v3, v7  }
0x25a: {  	v3 =	vmax.f32 v3, v8  }
0x25b: {  	v3 =	vmax.f32 v3, v4  }
0x25c: {  	v3 =	vmax.f32 v3, v5  }
0x25d: {  	v3 =	vadd.f32 v6, v3;
	_ =	sdelay $0x1  }
0x25e: {  	v4 =	vmul.f32 $2.000000030e-01, v3  }
0x25f: {  	vm1 =	vge.f32 v3, $0.0e+00  }
0x260: {  	v3 =	vsel vm1, v3, v4  }
0x261: {  	[tilespmem:s8+$0x12150] =	vst v3  }
0x262: {  	v3 =	vld [tilespmem:s14+$0xFFFFFC60]  }
0x263: {  	v4 =	vld [tilespmem:s14+$0xFFFFFCE0]  }
0x264: {  	v5 =	vld [tilespmem:s14+$0xFFFFFD60]  }
0x265: {  	v6 =	vld [tilespmem:s14+$0xFFFFFDE0]  }
0x266: {  	v7 =	vld [tilespmem:s14+$0xFFFFFE60]  }
0x267: {  	v8 =	vld [tilespmem:s14+$0xFFFFFEE0]  }
0x268: {  	v3 =	vmax.f32 v3, v4;
	v4 =	vld [tilespmem:s14+$0xFFFFFF60]  }
0x269: {  	v3 =	vmax.f32 v3, v5;
	v5 =	vld [tilespmem:s14+$0xFFFFFFE0]  }
0x26a: {  	v3 =	vmax.f32 v3, v6;
	v6 =	vld [tilespmem:s8+$0x10160]  }
0x26b: {  	v3 =	vmax.f32 v3, v7  }
0x26c: {  	v3 =	vmax.f32 v3, v8  }
0x26d: {  	v3 =	vmax.f32 v3, v4  }
0x26e: {  	v3 =	vmax.f32 v3, v5  }
0x26f: {  	v3 =	vadd.f32 v6, v3;
	_ =	sdelay $0x1  }
0x270: {  	v4 =	vmul.f32 $2.000000030e-01, v3  }
0x271: {  	vm1 =	vge.f32 v3, $0.0e+00  }
0x272: {  	v3 =	vsel vm1, v3, v4  }
0x273: {  	[tilespmem:s8+$0x12160] =	vst v3  }
0x274: {  	v3 =	vld [tilespmem:s14+$0xFFFFFC70]  }
0x275: {  	v4 =	vld [tilespmem:s14+$0xFFFFFCF0]  }
0x276: {  	v5 =	vld [tilespmem:s14+$0xFFFFFD70]  }
0x277: {  	v6 =	vld [tilespmem:s14+$0xFFFFFDF0]  }
0x278: {  	v7 =	vld [tilespmem:s14+$0xFFFFFE70]  }
0x279: {  	v8 =	vld [tilespmem:s14+$0xFFFFFEF0]  }
0x27a: {  	v3 =	vmax.f32 v3, v4;
	v4 =	vld [tilespmem:s14+$0xFFFFFF70]  }
0x27b: {  	v3 =	vmax.f32 v3, v5;
	v5 =	vld [tilespmem:s14+$0xFFFFFFF0]  }
0x27c: {  	v3 =	vmax.f32 v3, v6;
	v6 =	vld [tilespmem:s8+$0x10170]  }
0x27d: {  	v3 =	vmax.f32 v3, v7  }
0x27e: {  	v3 =	vmax.f32 v3, v8  }
0x27f: {  	v3 =	vmax.f32 v3, v4  }
0x280: {  	v3 =	vmax.f32 v3, v5  }
0x281: {  	v3 =	vadd.f32 v6, v3;
	_ =	sdelay $0x1  }
0x282: {  	v4 =	vmul.f32 $2.000000030e-01, v3  }
0x283: {  	vm1 =	vge.f32 v3, $0.0e+00  }
0x284: {  	v3 =	vsel vm1, v3, v4  }
0x285: {  	[tilespmem:s8+$0x12170] =	vst v3  }
0x286: {  	v3 =	vld [tilespmem:s14+$0x180]  }
0x287: {  	v4 =	vld [tilespmem:s14+$0x0]  }
0x288: {  	v5 =	vld [tilespmem:s14+$0x80]  }
0x289: {  	v6 =	vld [tilespmem:s14+$0x100];
	_ =	sdelay $0x1  }
0x28a: {  	v7 =	vld [tilespmem:s14+$0x200]  }
0x28b: {  	v8 =	vld [tilespmem:s14+$0x280]  }
0x28c: {  	v4 =	vmax.f32 v4, v5;
	v5 =	vld [tilespmem:s14+$0x300]  }
0x28d: {  	v4 =	vmax.f32 v4, v6;
	v6 =	vld [tilespmem:s14+$0x380]  }
0x28e: {  	v3 =	vmax.f32 v4, v3;
	v4 =	vld [tilespmem:s8+$0x10500]  }
0x28f: {  	v3 =	vmax.f32 v3, v7  }
0x290: {  	v3 =	vmax.f32 v3, v8  }
0x291: {  	v3 =	vmax.f32 v3, v5  }
0x292: {  	v3 =	vmax.f32 v3, v6  }
0x293: {  	v3 =	vadd.f32 v4, v3;
	_ =	sdelay $0x1  }
0x294: {  	v4 =	vmul.f32 $2.000000030e-01, v3  }
0x295: {  	vm1 =	vge.f32 v3, $0.0e+00  }
0x296: {  	v3 =	vsel vm1, v3, v4  }
0x297: {  	[tilespmem:s8+$0x12500] =	vst v3  }
0x298: {  	v3 =	vld [tilespmem:s14+$0x10]  }
0x299: {  	v4 =	vld [tilespmem:s14+$0x90]  }
0x29a: {  	v5 =	vld [tilespmem:s14+$0x110]  }
0x29b: {  	v6 =	vld [tilespmem:s14+$0x190]  }
0x29c: {  	v7 =	vld [tilespmem:s14+$0x210]  }
0x29d: {  	v8 =	vld [tilespmem:s14+$0x290]  }
0x29e: {  	v3 =	vmax.f32 v3, v4;
	v4 =	vld [tilespmem:s14+$0x310]  }
0x29f: {  	v3 =	vmax.f32 v3, v5;
	v5 =	vld [tilespmem:s14+$0x390]  }
0x2a0: {  	v3 =	vmax.f32 v3, v6;
	v6 =	vld [tilespmem:s8+$0x10510]  }
0x2a1: {  	v3 =	vmax.f32 v3, v7  }
0x2a2: {  	v3 =	vmax.f32 v3, v8  }
0x2a3: {  	v3 =	vmax.f32 v3, v4  }
0x2a4: {  	v3 =	vmax.f32 v3, v5  }
0x2a5: {  	v3 =	vadd.f32 v6, v3;
	_ =	sdelay $0x1  }
0x2a6: {  	v4 =	vmul.f32 $2.000000030e-01, v3  }
0x2a7: {  	vm1 =	vge.f32 v3, $0.0e+00  }
0x2a8: {  	v3 =	vsel vm1, v3, v4  }
0x2a9: {  	[tilespmem:s8+$0x12510] =	vst v3  }
0x2aa: {  	v3 =	vld [tilespmem:s14+$0x20]  }
0x2ab: {  	v4 =	vld [tilespmem:s14+$0xA0]  }
0x2ac: {  	v5 =	vld [tilespmem:s14+$0x120]  }
0x2ad: {  	v6 =	vld [tilespmem:s14+$0x1A0]  }
0x2ae: {  	v7 =	vld [tilespmem:s14+$0x220]  }
0x2af: {  	v8 =	vld [tilespmem:s14+$0x2A0]  }
0x2b0: {  	v3 =	vmax.f32 v3, v4;
	v4 =	vld [tilespmem:s14+$0x320]  }
0x2b1: {  	v3 =	vmax.f32 v3, v5;
	v5 =	vld [tilespmem:s14+$0x3A0]  }
0x2b2: {  	v3 =	vmax.f32 v3, v6;
	v6 =	vld [tilespmem:s8+$0x10520]  }
0x2b3: {  	v3 =	vmax.f32 v3, v7  }
0x2b4: {  	v3 =	vmax.f32 v3, v8  }
0x2b5: {  	v3 =	vmax.f32 v3, v4  }
0x2b6: {  	v3 =	vmax.f32 v3, v5  }
0x2b7: {  	v3 =	vadd.f32 v6, v3;
	_ =	sdelay $0x1  }
0x2b8: {  	v4 =	vmul.f32 $2.000000030e-01, v3  }
0x2b9: {  	vm1 =	vge.f32 v3, $0.0e+00  }
0x2ba: {  	v3 =	vsel vm1, v3, v4  }
0x2bb: {  	[tilespmem:s8+$0x12520] =	vst v3  }
0x2bc: {  	v3 =	vld [tilespmem:s14+$0x30]  }
0x2bd: {  	v4 =	vld [tilespmem:s14+$0xB0]  }
0x2be: {  	v5 =	vld [tilespmem:s14+$0x130]  }
0x2bf: {  	v6 =	vld [tilespmem:s14+$0x1B0]  }
0x2c0: {  	v7 =	vld [tilespmem:s14+$0x230]  }
0x2c1: {  	v8 =	vld [tilespmem:s14+$0x2B0]  }
0x2c2: {  	v3 =	vmax.f32 v3, v4;
	v4 =	vld [tilespmem:s14+$0x330]  }
0x2c3: {  	v3 =	vmax.f32 v3, v5;
	v5 =	vld [tilespmem:s14+$0x3B0]  }
0x2c4: {  	v3 =	vmax.f32 v3, v6;
	v6 =	vld [tilespmem:s8+$0x10530]  }
0x2c5: {  	v3 =	vmax.f32 v3, v7  }
0x2c6: {  	v3 =	vmax.f32 v3, v8  }
0x2c7: {  	v3 =	vmax.f32 v3, v4  }
0x2c8: {  	v3 =	vmax.f32 v3, v5  }
0x2c9: {  	v3 =	vadd.f32 v6, v3;
	_ =	sdelay $0x1  }
0x2ca: {  	v4 =	vmul.f32 $2.000000030e-01, v3  }
0x2cb: {  	vm1 =	vge.f32 v3, $0.0e+00  }
0x2cc: {  	v3 =	vsel vm1, v3, v4  }
0x2cd: {  	[tilespmem:s8+$0x12530] =	vst v3  }
0x2ce: {  	v3 =	vld [tilespmem:s14+$0x40]  }
0x2cf: {  	v4 =	vld [tilespmem:s14+$0xC0]  }
0x2d0: {  	v5 =	vld [tilespmem:s14+$0x140]  }
0x2d1: {  	v6 =	vld [tilespmem:s14+$0x1C0]  }
0x2d2: {  	v7 =	vld [tilespmem:s14+$0x240]  }
0x2d3: {  	v8 =	vld [tilespmem:s14+$0x2C0]  }
0x2d4: {  	v3 =	vmax.f32 v3, v4;
	v4 =	vld [tilespmem:s14+$0x340]  }
0x2d5: {  	v3 =	vmax.f32 v3, v5;
	v5 =	vld [tilespmem:s14+$0x3C0]  }
0x2d6: {  	v3 =	vmax.f32 v3, v6;
	v6 =	vld [tilespmem:s8+$0x10540]  }
0x2d7: {  	v3 =	vmax.f32 v3, v7  }
0x2d8: {  	v3 =	vmax.f32 v3, v8  }
0x2d9: {  	v3 =	vmax.f32 v3, v4  }
0x2da: {  	v3 =	vmax.f32 v3, v5  }
0x2db: {  	v3 =	vadd.f32 v6, v3;
	_ =	sdelay $0x1  }
0x2dc: {  	v4 =	vmul.f32 $2.000000030e-01, v3  }
0x2dd: {  	vm1 =	vge.f32 v3, $0.0e+00  }
0x2de: {  	v3 =	vsel vm1, v3, v4  }
0x2df: {  	[tilespmem:s8+$0x12540] =	vst v3  }
0x2e0: {  	v3 =	vld [tilespmem:s14+$0x50]  }
0x2e1: {  	v4 =	vld [tilespmem:s14+$0xD0]  }
0x2e2: {  	v5 =	vld [tilespmem:s14+$0x150]  }
0x2e3: {  	v6 =	vld [tilespmem:s14+$0x1D0]  }
0x2e4: {  	v7 =	vld [tilespmem:s14+$0x250]  }
0x2e5: {  	v8 =	vld [tilespmem:s14+$0x2D0]  }
0x2e6: {  	v3 =	vmax.f32 v3, v4;
	v4 =	vld [tilespmem:s14+$0x350]  }
0x2e7: {  	v3 =	vmax.f32 v3, v5;
	v5 =	vld [tilespmem:s14+$0x3D0]  }
0x2e8: {  	v3 =	vmax.f32 v3, v6;
	v6 =	vld [tilespmem:s8+$0x10550]  }
0x2e9: {  	v3 =	vmax.f32 v3, v7  }
0x2ea: {  	v3 =	vmax.f32 v3, v8  }
0x2eb: {  	v3 =	vmax.f32 v3, v4  }
0x2ec: {  	v3 =	vmax.f32 v3, v5  }
0x2ed: {  	v3 =	vadd.f32 v6, v3;
	_ =	sdelay $0x1  }
0x2ee: {  	v4 =	vmul.f32 $2.000000030e-01, v3  }
0x2ef: {  	vm1 =	vge.f32 v3, $0.0e+00  }
0x2f0: {  	v3 =	vsel vm1, v3, v4  }
0x2f1: {  	[tilespmem:s8+$0x12550] =	vst v3  }
0x2f2: {  	v3 =	vld [tilespmem:s14+$0x60]  }
0x2f3: {  	v4 =	vld [tilespmem:s14+$0xE0]  }
0x2f4: {  	v5 =	vld [tilespmem:s14+$0x160]  }
0x2f5: {  	v6 =	vld [tilespmem:s14+$0x1E0]  }
0x2f6: {  	v7 =	vld [tilespmem:s14+$0x260]  }
0x2f7: {  	v8 =	vld [tilespmem:s14+$0x2E0]  }
0x2f8: {  	v3 =	vmax.f32 v3, v4;
	v4 =	vld [tilespmem:s14+$0x360]  }
0x2f9: {  	v3 =	vmax.f32 v3, v5;
	v5 =	vld [tilespmem:s14+$0x3E0]  }
0x2fa: {  	v3 =	vmax.f32 v3, v6;
	v6 =	vld [tilespmem:s8+$0x10560]  }
0x2fb: {  	v3 =	vmax.f32 v3, v7  }
0x2fc: {  	v3 =	vmax.f32 v3, v8  }
0x2fd: {  	v3 =	vmax.f32 v3, v4  }
0x2fe: {  	v3 =	vmax.f32 v3, v5  }
0x2ff: {  	v3 =	vadd.f32 v6, v3;
	_ =	sdelay $0x1  }
.Ltmp0:
0x300: {  	v4 =	vmul.f32 $2.000000030e-01, v3;
	(pc) =	sbr.rel @p0 .LBB2_3-.Ltmp0, $4  }
0x301: {  	vm1 =	vge.f32 v3, $0.0e+00  }
0x302: {  	v3 =	vsel vm1, v3, v4  }
0x303: {  	[tilespmem:s8+$0x12560] =	vst v3  }
0x304: {  	v3 =	vld [tilespmem:s14+$0x70]  }
0x305: {  	v4 =	vld [tilespmem:s7+$0xF0]  }
0x306: {  	v5 =	vld [tilespmem:s7+$0x170]  }
0x307: {  	v6 =	vld [tilespmem:s7+$0x1F0]  }
0x308: {  	v7 =	vld [tilespmem:s7+$0x270]  }
0x309: {  	v8 =	vld [tilespmem:s7+$0x2F0]  }
0x30a: {  	v9 =	vld [tilespmem:s7+$0x370];
	v3 =	vmax.f32 v3, v4  }
0x30b: {  	v61 =	vld [tilespmem:s7+$0x3F0];
	v3 =	vmax.f32 v3, v5  }
0x30c: {  	v62 =	vld [tilespmem:s8+$0x10570];
	v3 =	vmax.f32 v3, v6  }
0x30d: {  	v3 =	vmax.f32 v3, v7  }
0x30e: {  	v3 =	vmax.f32 v3, v8  }
0x30f: {  	v3 =	vmax.f32 v3, v9  }
0x310: {  	v3 =	vmax.f32 v3, v61  }
0x311: {  	v3 =	vadd.f32 v62, v3;
	_ =	sdelay $0x1  }
0x312: {  	v63 =	vmul.f32 $2.000000030e-01, v3  }
0x313: {  	vm1 =	vge.f32 v3, $0.0e+00  }
0x314: {  	s3 =	sshll.u32 s1, $0xA;
	p0 =	seq.s32 s1, $0xF;
	v3 =	vsel vm1, v3, v63  }
.Ltmp1:
0x315: {  	s3 =	sadd.s32 s3, s9;
	[tilespmem:s8+$0x12570] =	vst v3;
	(pc) =	sbr.rel @p0 .LBB2_6-.Ltmp1, $4  }
0x316: {  	[hbm4b:s3+s2] =	stream.linear.scatter [tilespmem:s29], [sflag:$0x3], $0x1000, $0x38;
	[tilespmem:$0x14100] =	vst v63  }
0x317: {  	_ =	swait.ge [sflag:s13], $0x1000  }
0x318: {  	[sflag:s13] =	ssyncset.done $0x0  }
0x319: {  	[sflag:s13] =	ssyncadd.s32 $0xFFFFF000  }
0x31a: {  	s3 =	rddreg [dreg:$0x5]  }
0x31b: {  	s0 =	sadd.s32 s0, s3  }
0x31c: {  	s3 =	sadd.s32 s5, s0  }
0x31d: {  	[tilespmem:s2], [sflag:$0x3] =	stream.linear.gather [hbm4b:s3+s2], $0x80, $0x38;
	[tilespmem:$0x14100] =	vst v63  }
0x31e: {  	_ =	swait.ge [sflag:s13], $0x80  }
0x31f: {  	[sflag:s13] =	ssyncset.done $0x0  }
0x320: {  	[sflag:s13] =	ssyncadd.s32 $0xFFFFFF80  }
0x321: {  	v3 =	vld [tilespmem:$0x0];
	_ =	sdelay $0x4  }
0x322: {  	v4 =	vshll.u32 v3, $0x1  }
0x323: {  	v3 =	vand.u32 $0x7, v3;
	v4 =	vand.u32 $0xFFFFFFF0, v4  }
0x324: {  	v3 =	vor.u32 v3, v4  }
0x325: {  	v4 =	vperm.xlane v3, v0;
	_ =	sdelay $0x1  }
0x326: {  	v3 =	vperm.xlane v3, v2;
	v4 =	vadd.s32 v1, v4;
	_ =	sdelay $0x1  }
0x327: {  	v3 =	vadd.s32 v1, v3;
	_ =	sdelay $0x1  }
0x328: {  	s14 =	simm.s32 $0x100  }
0x329: {  	[tilespmem:s14], [sflag:$0x1] =	stream.indirect_vreg.gather [hbm4b:s4+s2], $0x80, v4, vm0, $0xb8;
	[tilespmem:$0x14100] =	vst v63  }
0x32a: {  	s15 =	simm.s32 $0x900  }
0x32b: {  	[tilespmem:s15], [sflag:$0x1] =	stream.indirect_vreg.gather [hbm4b:s4+s2], $0x80, v3, vm0, $0xb8;
	[tilespmem:$0x14100] =	vst v63  }
0x32c: {  	v3 =	vld [tilespmem:$0x10];
	_ =	sdelay $0x4  }
0x32d: {  	v57 =	vshll.u32 v3, $0x1  }
0x32e: {  	v3 =	vand.u32 $0x7, v3;
	v4 =	vand.u32 $0xFFFFFFF0, v57  }
0x32f: {  	v3 =	vor.u32 v3, v4  }
0x330: {  	v4 =	vperm.xlane v3, v0;
	_ =	sdelay $0x1  }
0x331: {  	v3 =	vperm.xlane v3, v2;
	v4 =	vadd.s32 v1, v4;
	_ =	sdelay $0x1  }
0x332: {  	v3 =	vadd.s32 v1, v3;
	_ =	sdelay $0x1  }
0x333: {  	s7 =	simm.s32 $0x1100  }
0x334: {  	[tilespmem:s7], [sflag:$0x1] =	stream.indirect_vreg.gather [hbm4b:s4+s2], $0x80, v4, vm0, $0xb8;
	[tilespmem:$0x14100] =	vst v63  }
0x335: {  	s8 =	simm.s32 $0x1900  }
0x336: {  	[tilespmem:s8], [sflag:$0x1] =	stream.indirect_vreg.gather [hbm4b:s4+s2], $0x80, v3, vm0, $0xb8;
	[tilespmem:$0x14100] =	vst v63  }
0x337: {  	v3 =	vld [tilespmem:$0x20];
	_ =	sdelay $0x4  }
0x338: {  	v58 =	vshll.u32 v3, $0x1  }
0x339: {  	v3 =	vand.u32 $0x7, v3;
	v4 =	vand.u32 $0xFFFFFFF0, v58  }
0x33a: {  	v3 =	vor.u32 v3, v4  }
0x33b: {  	v4 =	vperm.xlane v3, v0;
	_ =	sdelay $0x1  }
0x33c: {  	v3 =	vperm.xlane v3, v2;
	v4 =	vadd.s32 v1, v4;
	_ =	sdelay $0x1  }
0x33d: {  	v3 =	vadd.s32 v1, v3;
	_ =	sdelay $0x1  }
0x33e: {  	s11 =	simm.s32 $0x2100  }
0x33f: {  	[tilespmem:s11], [sflag:$0x1] =	stream.indirect_vreg.gather [hbm4b:s4+s2], $0x80, v4, vm0, $0xb8;
	[tilespmem:$0x14100] =	vst v63  }
0x340: {  	s14 =	simm.s32 $0x2900  }
0x341: {  	[tilespmem:s14], [sflag:$0x1] =	stream.indirect_vreg.gather [hbm4b:s4+s2], $0x80, v3, vm0, $0xb8;
	[tilespmem:$0x14100] =	vst v63  }
0x342: {  	v3 =	vld [tilespmem:$0x30];
	_ =	sdelay $0x4  }
0x343: {  	v59 =	vshll.u32 v3, $0x1  }
0x344: {  	v3 =	vand.u32 $0x7, v3;
	v4 =	vand.u32 $0xFFFFFFF0, v59  }
0x345: {  	v3 =	vor.u32 v3, v4  }
0x346: {  	v4 =	vperm.xlane v3, v0;
	_ =	sdelay $0x1  }
0x347: {  	v3 =	vperm.xlane v3, v2;
	v4 =	vadd.s32 v1, v4;
	_ =	sdelay $0x1  }
0x348: {  	v3 =	vadd.s32 v1, v3;
	_ =	sdelay $0x1  }
0x349: {  	s15 =	simm.s32 $0x3100  }
0x34a: {  	[tilespmem:s15], [sflag:$0x1] =	stream.indirect_vreg.gather [hbm4b:s4+s2], $0x80, v4, vm0, $0xb8;
	[tilespmem:$0x14100] =	vst v63  }
0x34b: {  	s7 =	simm.s32 $0x3900  }
0x34c: {  	[tilespmem:s7], [sflag:$0x1] =	stream.indirect_vreg.gather [hbm4b:s4+s2], $0x80, v3, vm0, $0xb8;
	[tilespmem:$0x14100] =	vst v63  }
0x34d: {  	v3 =	vld [tilespmem:$0x40];
	_ =	sdelay $0x4  }
0x34e: {  	v60 =	vshll.u32 v3, $0x1  }
0x34f: {  	v3 =	vand.u32 $0x7, v3;
	v4 =	vand.u32 $0xFFFFFFF0, v60  }
0x350: {  	v3 =	vor.u32 v3, v4  }
0x351: {  	v4 =	vperm.xlane v3, v0;
	_ =	sdelay $0x1  }
0x352: {  	v3 =	vperm.xlane v3, v2;
	v4 =	vadd.s32 v1, v4;
	_ =	sdelay $0x1  }
0x353: {  	v3 =	vadd.s32 v1, v3;
	_ =	sdelay $0x1  }
0x354: {  	s8 =	simm.s32 $0x4100  }
0x355: {  	[tilespmem:s8], [sflag:$0x1] =	stream.indirect_vreg.gather [hbm4b:s4+s2], $0x80, v4, vm0, $0xb8;
	[tilespmem:$0x14100] =	vst v63  }
0x356: {  	s11 =	simm.s32 $0x4900  }
0x357: {  	[tilespmem:s11], [sflag:$0x1] =	stream.indirect_vreg.gather [hbm4b:s4+s2], $0x80, v3, vm0, $0xb8;
	[tilespmem:$0x14100] =	vst v63  }
0x358: {  	v3 =	vld [tilespmem:$0x50];
	_ =	sdelay $0x4  }
0x359: {  	v61 =	vshll.u32 v3, $0x1  }
0x35a: {  	v3 =	vand.u32 $0x7, v3;
	v4 =	vand.u32 $0xFFFFFFF0, v61  }
0x35b: {  	v3 =	vor.u32 v3, v4  }
0x35c: {  	v4 =	vperm.xlane v3, v0;
	_ =	sdelay $0x1  }
0x35d: {  	v3 =	vperm.xlane v3, v2;
	v4 =	vadd.s32 v1, v4;
	_ =	sdelay $0x1  }
0x35e: {  	v3 =	vadd.s32 v1, v3;
	_ =	sdelay $0x1  }
0x35f: {  	s14 =	simm.s32 $0x5100  }
0x360: {  	[tilespmem:s14], [sflag:$0x1] =	stream.indirect_vreg.gather [hbm4b:s4+s2], $0x80, v4, vm0, $0xb8;
	[tilespmem:$0x14100] =	vst v63  }
0x361: {  	s15 =	simm.s32 $0x5900  }
0x362: {  	[tilespmem:s15], [sflag:$0x1] =	stream.indirect_vreg.gather [hbm4b:s4+s2], $0x80, v3, vm0, $0xb8;
	[tilespmem:$0x14100] =	vst v63  }
0x363: {  	v3 =	vld [tilespmem:$0x60];
	_ =	sdelay $0x4  }
0x364: {  	v62 =	vshll.u32 v3, $0x1  }
0x365: {  	v3 =	vand.u32 $0x7, v3;
	v4 =	vand.u32 $0xFFFFFFF0, v62  }
0x366: {  	v3 =	vor.u32 v3, v4  }
0x367: {  	v4 =	vperm.xlane v3, v0;
	_ =	sdelay $0x1  }
0x368: {  	v3 =	vperm.xlane v3, v2;
	v4 =	vadd.s32 v1, v4;
	_ =	sdelay $0x1  }
0x369: {  	v3 =	vadd.s32 v1, v3;
	_ =	sdelay $0x1  }
0x36a: {  	s7 =	simm.s32 $0x6100  }
0x36b: {  	[tilespmem:s7], [sflag:$0x1] =	stream.indirect_vreg.gather [hbm4b:s4+s2], $0x80, v4, vm0, $0xb8;
	[tilespmem:$0x14100] =	vst v63  }
0x36c: {  	s8 =	simm.s32 $0x6900  }
0x36d: {  	[tilespmem:s8], [sflag:$0x1] =	stream.indirect_vreg.gather [hbm4b:s4+s2], $0x80, v3, vm0, $0xb8;
	[tilespmem:$0x14100] =	vst v63  }
0x36e: {  	v3 =	vld [tilespmem:$0x70];
	_ =	sdelay $0x4  }
0x36f: {  	v63 =	vshll.u32 v3, $0x1  }
0x370: {  	v3 =	vand.u32 $0x7, v3;
	v4 =	vand.u32 $0xFFFFFFF0, v63  }
0x371: {  	v3 =	vor.u32 v3, v4  }
0x372: {  	v4 =	vperm.xlane v3, v0;
	_ =	sdelay $0x1  }
0x373: {  	v3 =	vperm.xlane v3, v2;
	v4 =	vadd.s32 v1, v4;
	_ =	sdelay $0x1  }
0x374: {  	v3 =	vadd.s32 v1, v3;
	_ =	sdelay $0x1  }
0x375: {  	s11 =	simm.s32 $0x7100  }
0x376: {  	[tilespmem:s11], [sflag:$0x1] =	stream.indirect_vreg.gather [hbm4b:s4+s2], $0x80, v4, vm0, $0xb8;
	[tilespmem:$0x14100] =	vst v63  }
0x377: {  	s0 =	sshll.u32 s0, $0x5;
	s14 =	simm.s32 $0x7900  }
0x378: {  	[tilespmem:s14], [sflag:$0x1] =	stream.indirect_vreg.gather [hbm4b:s4+s2], $0x80, v3, vm0, $0xb8;
	[tilespmem:$0x14100] =	vst v63  }
0x379: {  	s0 =	sadd.s32 s6, s0;
	s15 =	simm.s32 $0x10100  }
0x37a: {  	[tilespmem:s15], [sflag:$0x3] =	stream.linear.gather [hbm4b:s0+s2], $0x1000, $0x38;
	[tilespmem:$0x14100] =	vst v63  }
0x37b: {  	_ =	swait.ge [sflag:s13], $0x1000  }
0x37c: {  	[sflag:s13] =	ssyncset.done $0x0  }
0x37d: {  	[sflag:s13] =	ssyncadd.s32 $0xFFFFF000  }
.LBB2_6:
0x37e: {  	_ =	swait.ge [sflag:s30], $0x8000  }
0x37f: {  	[sflag:s30] =	ssyncset.done $0x0  }
0x380: {  	s3 =	simm.s32 $0x0;
	[sflag:s30] =	ssyncadd.s32 $0xFFFF8000  }
0x381: {  	v3 =	vld [tilespmem:s3+$0x8100]  }
0x382: {  	v4 =	vld [tilespmem:s3+$0x8180]  }
0x383: {  	v5 =	vld [tilespmem:s3+$0x8200]  }
0x384: {  	v6 =	vld [tilespmem:s3+$0x8280]  }
0x385: {  	v7 =	vld [tilespmem:s3+$0x8300]  }
0x386: {  	s0 =	simm.s32 $0x0;
	v8 =	vld [tilespmem:s3+$0x8380]  }
0x387: {  	s7 =	sand.u32 $0x800, s0;
	s8 =	sand.u32 $0x380, s0;
	v38 =	vld [tilespmem:s3+$0x8400];
	v3 =	vmax.f32 v3, v4  }
0x388: {  	s7 =	sor.u32 s8, s7;
	v39 =	vld [tilespmem:s3+$0x8480];
	v3 =	vmax.f32 v3, v5  }
0x389: {  	v40 =	vld [tilespmem:s7+$0x11100];
	v3 =	vmax.f32 v3, v6  }
0x38a: {  	v3 =	vmax.f32 v3, v7  }
0x38b: {  	v3 =	vmax.f32 v3, v8  }
0x38c: {  	v3 =	vmax.f32 v3, v38  }
0x38d: {  	v3 =	vmax.f32 v3, v39  }
0x38e: {  	v3 =	vadd.f32 v40, v3;
	_ =	sdelay $0x1  }
0x38f: {  	v41 =	vmul.f32 $2.000000030e-01, v3  }
0x390: {  	vm1 =	vge.f32 v3, $0.0e+00  }
0x391: {  	v3 =	vsel vm1, v3, v41  }
0x392: {  	[tilespmem:s7+$0x13100] =	vst v3  }
0x393: {  	v3 =	vld [tilespmem:s3+$0x8110]  }
0x394: {  	v42 =	vld [tilespmem:s3+$0x8190]  }
0x395: {  	v43 =	vld [tilespmem:s3+$0x8210]  }
0x396: {  	v44 =	vld [tilespmem:s3+$0x8290]  }
0x397: {  	v45 =	vld [tilespmem:s3+$0x8310]  }
0x398: {  	v46 =	vld [tilespmem:s3+$0x8390]  }
0x399: {  	v47 =	vld [tilespmem:s3+$0x8410];
	v3 =	vmax.f32 v3, v42  }
0x39a: {  	v48 =	vld [tilespmem:s3+$0x8490];
	v3 =	vmax.f32 v3, v43  }
0x39b: {  	v49 =	vld [tilespmem:s7+$0x11110];
	v3 =	vmax.f32 v3, v44  }
0x39c: {  	v3 =	vmax.f32 v3, v45  }
0x39d: {  	v3 =	vmax.f32 v3, v46  }
0x39e: {  	v3 =	vmax.f32 v3, v47  }
0x39f: {  	v3 =	vmax.f32 v3, v48  }
0x3a0: {  	v3 =	vadd.f32 v49, v3;
	_ =	sdelay $0x1  }
0x3a1: {  	v50 =	vmul.f32 $2.000000030e-01, v3  }
0x3a2: {  	vm1 =	vge.f32 v3, $0.0e+00  }
0x3a3: {  	v3 =	vsel vm1, v3, v50  }
0x3a4: {  	[tilespmem:s7+$0x13110] =	vst v3  }
0x3a5: {  	v3 =	vld [tilespmem:s3+$0x8120]  }
0x3a6: {  	v51 =	vld [tilespmem:s3+$0x81A0]  }
0x3a7: {  	v52 =	vld [tilespmem:s3+$0x8220]  }
0x3a8: {  	v53 =	vld [tilespmem:s3+$0x82A0]  }
0x3a9: {  	v54 =	vld [tilespmem:s3+$0x8320]  }
0x3aa: {  	v55 =	vld [tilespmem:s3+$0x83A0]  }
0x3ab: {  	v56 =	vld [tilespmem:s3+$0x8420];
	v3 =	vmax.f32 v3, v51  }
0x3ac: {  	v57 =	vld [tilespmem:s3+$0x84A0];
	v3 =	vmax.f32 v3, v52  }
0x3ad: {  	v58 =	vld [tilespmem:s7+$0x11120];
	v3 =	vmax.f32 v3, v53  }
0x3ae: {  	v3 =	vmax.f32 v3, v54  }
0x3af: {  	v3 =	vmax.f32 v3, v55  }
0x3b0: {  	v3 =	vmax.f32 v3, v56  }
0x3b1: {  	v3 =	vmax.f32 v3, v57  }
0x3b2: {  	v3 =	vadd.f32 v58, v3;
	_ =	sdelay $0x1  }
0x3b3: {  	v59 =	vmul.f32 $2.000000030e-01, v3  }
0x3b4: {  	vm1 =	vge.f32 v3, $0.0e+00  }
0x3b5: {  	v3 =	vsel vm1, v3, v59  }
0x3b6: {  	[tilespmem:s7+$0x13120] =	vst v3  }
0x3b7: {  	v3 =	vld [tilespmem:s3+$0x81B0]  }
0x3b8: {  	v60 =	vld [tilespmem:s3+$0x8130]  }
0x3b9: {  	v61 =	vld [tilespmem:s3+$0x8230]  }
0x3ba: {  	v62 =	vld [tilespmem:s3+$0x82B0]  }
0x3bb: {  	v63 =	vld [tilespmem:s3+$0x8330]  }
0x3bc: {  	v12 =	vld [tilespmem:s3+$0x83B0]  }
0x3bd: {  	v13 =	vld [tilespmem:s3+$0x8430];
	v3 =	vmax.f32 v60, v3  }
0x3be: {  	v14 =	vld [tilespmem:s3+$0x84B0];
	v3 =	vmax.f32 v3, v61  }
0x3bf: {  	v15 =	vld [tilespmem:s7+$0x11130];
	v3 =	vmax.f32 v3, v62  }
0x3c0: {  	v3 =	vmax.f32 v3, v63  }
0x3c1: {  	v3 =	vmax.f32 v3, v12  }
0x3c2: {  	v3 =	vmax.f32 v3, v13  }
0x3c3: {  	v3 =	vmax.f32 v3, v14  }
0x3c4: {  	v3 =	vadd.f32 v15, v3;
	_ =	sdelay $0x1  }
0x3c5: {  	v16 =	vmul.f32 $2.000000030e-01, v3  }
0x3c6: {  	vm1 =	vge.f32 v3, $0.0e+00  }
0x3c7: {  	v3 =	vsel vm1, v3, v16  }
0x3c8: {  	[tilespmem:s7+$0x13130] =	vst v3  }
0x3c9: {  	v3 =	vld [tilespmem:s3+$0x8140]  }
0x3ca: {  	v17 =	vld [tilespmem:s3+$0x81C0]  }
0x3cb: {  	v18 =	vld [tilespmem:s3+$0x8240]  }
0x3cc: {  	v19 =	vld [tilespmem:s3+$0x82C0]  }
0x3cd: {  	v20 =	vld [tilespmem:s3+$0x8340]  }
0x3ce: {  	v21 =	vld [tilespmem:s3+$0x83C0]  }
0x3cf: {  	v22 =	vld [tilespmem:s3+$0x8440];
	v3 =	vmax.f32 v3, v17  }
0x3d0: {  	v23 =	vld [tilespmem:s3+$0x84C0];
	v3 =	vmax.f32 v3, v18  }
0x3d1: {  	v24 =	vld [tilespmem:s7+$0x11140];
	v3 =	vmax.f32 v3, v19  }
0x3d2: {  	v3 =	vmax.f32 v3, v20  }
0x3d3: {  	v3 =	vmax.f32 v3, v21  }
0x3d4: {  	v3 =	vmax.f32 v3, v22  }
0x3d5: {  	v3 =	vmax.f32 v3, v23  }
0x3d6: {  	v3 =	vadd.f32 v24, v3;
	_ =	sdelay $0x1  }
0x3d7: {  	v25 =	vmul.f32 $2.000000030e-01, v3  }
0x3d8: {  	vm1 =	vge.f32 v3, $0.0e+00  }
0x3d9: {  	v3 =	vsel vm1, v3, v25  }
0x3da: {  	[tilespmem:s7+$0x13140] =	vst v3  }
0x3db: {  	v3 =	vld [tilespmem:s3+$0x81D0]  }
0x3dc: {  	v26 =	vld [tilespmem:s3+$0x8150]  }
0x3dd: {  	v27 =	vld [tilespmem:s3+$0x8250]  }
0x3de: {  	v28 =	vld [tilespmem:s3+$0x82D0]  }
0x3df: {  	v29 =	vld [tilespmem:s3+$0x8350]  }
0x3e0: {  	v30 =	vld [tilespmem:s3+$0x83D0]  }
0x3e1: {  	v31 =	vld [tilespmem:s3+$0x8450];
	v3 =	vmax.f32 v26, v3  }
0x3e2: {  	v32 =	vld [tilespmem:s3+$0x84D0];
	v3 =	vmax.f32 v3, v27  }
0x3e3: {  	v33 =	vld [tilespmem:s7+$0x11150];
	v3 =	vmax.f32 v3, v28  }
0x3e4: {  	v3 =	vmax.f32 v3, v29  }
0x3e5: {  	v3 =	vmax.f32 v3, v30  }
0x3e6: {  	v3 =	vmax.f32 v3, v31  }
0x3e7: {  	v3 =	vmax.f32 v3, v32  }
0x3e8: {  	v3 =	vadd.f32 v33, v3;
	_ =	sdelay $0x1  }
0x3e9: {  	v34 =	vmul.f32 $2.000000030e-01, v3  }
0x3ea: {  	vm1 =	vge.f32 v3, $0.0e+00  }
0x3eb: {  	v3 =	vsel vm1, v3, v34  }
0x3ec: {  	[tilespmem:s7+$0x13150] =	vst v3  }
0x3ed: {  	v3 =	vld [tilespmem:s3+$0x8160]  }
0x3ee: {  	v35 =	vld [tilespmem:s3+$0x81E0]  }
0x3ef: {  	v36 =	vld [tilespmem:s3+$0x8260]  }
0x3f0: {  	v37 =	vld [tilespmem:s3+$0x82E0]  }
0x3f1: {  	v38 =	vld [tilespmem:s3+$0x8360]  }
0x3f2: {  	v39 =	vld [tilespmem:s3+$0x83E0]  }
0x3f3: {  	v40 =	vld [tilespmem:s3+$0x8460];
	v3 =	vmax.f32 v3, v35  }
0x3f4: {  	v41 =	vld [tilespmem:s3+$0x84E0];
	v3 =	vmax.f32 v3, v36  }
0x3f5: {  	v42 =	vld [tilespmem:s7+$0x11160];
	v3 =	vmax.f32 v3, v37  }
0x3f6: {  	v3 =	vmax.f32 v3, v38  }
0x3f7: {  	v3 =	vmax.f32 v3, v39  }
0x3f8: {  	v3 =	vmax.f32 v3, v40  }
0x3f9: {  	v3 =	vmax.f32 v3, v41  }
0x3fa: {  	v3 =	vadd.f32 v42, v3;
	_ =	sdelay $0x1  }
0x3fb: {  	v43 =	vmul.f32 $2.000000030e-01, v3  }
0x3fc: {  	vm1 =	vge.f32 v3, $0.0e+00  }
0x3fd: {  	v3 =	vsel vm1, v3, v43  }
0x3fe: {  	[tilespmem:s7+$0x13160] =	vst v3  }
0x3ff: {  	v3 =	vld [tilespmem:s3+$0x81F0]  }
0x400: {  	v44 =	vld [tilespmem:s3+$0x8170]  }
0x401: {  	v45 =	vld [tilespmem:s3+$0x8270]  }
0x402: {  	v46 =	vld [tilespmem:s3+$0x82F0]  }
0x403: {  	v47 =	vld [tilespmem:s3+$0x8370]  }
0x404: {  	v48 =	vld [tilespmem:s3+$0x83F0]  }
0x405: {  	v49 =	vld [tilespmem:s3+$0x8470];
	v3 =	vmax.f32 v44, v3  }
0x406: {  	v50 =	vld [tilespmem:s3+$0x84F0];
	v3 =	vmax.f32 v3, v45  }
0x407: {  	v51 =	vld [tilespmem:s7+$0x11170];
	v3 =	vmax.f32 v3, v46  }
0x408: {  	v3 =	vmax.f32 v3, v47  }
0x409: {  	v3 =	vmax.f32 v3, v48  }
0x40a: {  	v3 =	vmax.f32 v3, v49  }
0x40b: {  	v3 =	vmax.f32 v3, v50  }
0x40c: {  	v3 =	vadd.f32 v51, v3;
	_ =	sdelay $0x1  }
0x40d: {  	v52 =	vmul.f32 $2.000000030e-01, v3  }
0x40e: {  	vm1 =	vge.f32 v3, $0.0e+00  }
0x40f: {  	v3 =	vsel vm1, v3, v52  }
0x410: {  	[tilespmem:s7+$0x13170] =	vst v3  }
0x411: {  	v3 =	vld [tilespmem:s3+$0x8500]  }
0x412: {  	v53 =	vld [tilespmem:s3+$0x8580]  }
0x413: {  	v54 =	vld [tilespmem:s3+$0x8600]  }
0x414: {  	v55 =	vld [tilespmem:s3+$0x8680]  }
0x415: {  	v56 =	vld [tilespmem:s3+$0x8700]  }
0x416: {  	s15 =	sand.u32 $0xFFFFF800, s0;
	v57 =	vld [tilespmem:s3+$0x8780]  }
0x417: {  	s11 =	sadd.s32 $0x0, s15;
	v58 =	vld [tilespmem:s3+$0x8800];
	v3 =	vmax.f32 v3, v53  }
0x418: {  	s7 =	sor.u32 $0x1400, s11;
	v59 =	vld [tilespmem:s3+$0x8880];
	v3 =	vmax.f32 v3, v54  }
0x419: {  	v60 =	vld [tilespmem:s7+$0x10100];
	v3 =	vmax.f32 v3, v55  }
0x41a: {  	v3 =	vmax.f32 v3, v56  }
0x41b: {  	v3 =	vmax.f32 v3, v57  }
0x41c: {  	v3 =	vmax.f32 v3, v58  }
0x41d: {  	v3 =	vmax.f32 v3, v59  }
0x41e: {  	v3 =	vadd.f32 v60, v3;
	_ =	sdelay $0x1  }
0x41f: {  	v61 =	vmul.f32 $2.000000030e-01, v3  }
0x420: {  	vm1 =	vge.f32 v3, $0.0e+00  }
0x421: {  	v3 =	vsel vm1, v3, v61  }
0x422: {  	[tilespmem:s7+$0x12100] =	vst v3  }
0x423: {  	v3 =	vld [tilespmem:s3+$0x8510]  }
0x424: {  	v62 =	vld [tilespmem:s3+$0x8590]  }
0x425: {  	v63 =	vld [tilespmem:s3+$0x8610]  }
0x426: {  	v12 =	vld [tilespmem:s3+$0x8690]  }
0x427: {  	v13 =	vld [tilespmem:s3+$0x8710]  }
0x428: {  	v14 =	vld [tilespmem:s3+$0x8790]  }
0x429: {  	v15 =	vld [tilespmem:s3+$0x8810];
	v3 =	vmax.f32 v3, v62  }
0x42a: {  	s8 =	sor.u32 $0x1410, s11;
	v16 =	vld [tilespmem:s3+$0x8890];
	v3 =	vmax.f32 v3, v63  }
0x42b: {  	v17 =	vld [tilespmem:s8+$0x10100];
	v3 =	vmax.f32 v3, v12  }
0x42c: {  	v3 =	vmax.f32 v3, v13  }
0x42d: {  	v3 =	vmax.f32 v3, v14  }
0x42e: {  	v3 =	vmax.f32 v3, v15  }
0x42f: {  	v3 =	vmax.f32 v3, v16  }
0x430: {  	v3 =	vadd.f32 v17, v3;
	_ =	sdelay $0x1  }
0x431: {  	v18 =	vmul.f32 $2.000000030e-01, v3  }
0x432: {  	vm1 =	vge.f32 v3, $0.0e+00  }
0x433: {  	v3 =	vsel vm1, v3, v18  }
0x434: {  	[tilespmem:s8+$0x12100] =	vst v3  }
0x435: {  	v3 =	vld [tilespmem:s3+$0x8520]  }
0x436: {  	v19 =	vld [tilespmem:s3+$0x85A0]  }
0x437: {  	v20 =	vld [tilespmem:s3+$0x8620]  }
0x438: {  	v21 =	vld [tilespmem:s3+$0x86A0]  }
0x439: {  	v22 =	vld [tilespmem:s3+$0x8720]  }
0x43a: {  	v23 =	vld [tilespmem:s3+$0x87A0]  }
0x43b: {  	v24 =	vld [tilespmem:s3+$0x8820];
	v3 =	vmax.f32 v3, v19  }
0x43c: {  	s14 =	sor.u32 $0x1420, s11;
	v25 =	vld [tilespmem:s3+$0x88A0];
	v3 =	vmax.f32 v3, v20  }
0x43d: {  	v26 =	vld [tilespmem:s14+$0x10100];
	v3 =	vmax.f32 v3, v21  }
0x43e: {  	v3 =	vmax.f32 v3, v22  }
0x43f: {  	v3 =	vmax.f32 v3, v23  }
0x440: {  	v3 =	vmax.f32 v3, v24  }
0x441: {  	v3 =	vmax.f32 v3, v25  }
0x442: {  	v3 =	vadd.f32 v26, v3;
	_ =	sdelay $0x1  }
0x443: {  	v27 =	vmul.f32 $2.000000030e-01, v3  }
0x444: {  	vm1 =	vge.f32 v3, $0.0e+00  }
0x445: {  	v3 =	vsel vm1, v3, v27  }
0x446: {  	[tilespmem:s14+$0x12100] =	vst v3  }
0x447: {  	v3 =	vld [tilespmem:s3+$0x8530]  }
0x448: {  	v28 =	vld [tilespmem:s3+$0x85B0]  }
0x449: {  	v29 =	vld [tilespmem:s3+$0x8630]  }
0x44a: {  	v30 =	vld [tilespmem:s3+$0x86B0]  }
0x44b: {  	v31 =	vld [tilespmem:s3+$0x8730]  }
0x44c: {  	v32 =	vld [tilespmem:s3+$0x87B0]  }
0x44d: {  	v33 =	vld [tilespmem:s3+$0x8830];
	v3 =	vmax.f32 v3, v28  }
0x44e: {  	s15 =	sor.u32 $0x1430, s11;
	v34 =	vld [tilespmem:s3+$0x88B0];
	v3 =	vmax.f32 v3, v29  }
0x44f: {  	v35 =	vld [tilespmem:s15+$0x10100];
	v3 =	vmax.f32 v3, v30  }
0x450: {  	v3 =	vmax.f32 v3, v31  }
0x451: {  	v3 =	vmax.f32 v3, v32  }
0x452: {  	v3 =	vmax.f32 v3, v33  }
0x453: {  	v3 =	vmax.f32 v3, v34  }
0x454: {  	v3 =	vadd.f32 v35, v3;
	_ =	sdelay $0x1  }
0x455: {  	v36 =	vmul.f32 $2.000000030e-01, v3  }
0x456: {  	vm1 =	vge.f32 v3, $0.0e+00  }
0x457: {  	v3 =	vsel vm1, v3, v36  }
0x458: {  	[tilespmem:s15+$0x12100] =	vst v3  }
0x459: {  	v3 =	vld [tilespmem:s3+$0x85C0]  }
0x45a: {  	v37 =	vld [tilespmem:s3+$0x8540]  }
0x45b: {  	v38 =	vld [tilespmem:s3+$0x8640]  }
0x45c: {  	v39 =	vld [tilespmem:s3+$0x86C0]  }
0x45d: {  	v40 =	vld [tilespmem:s3+$0x8740]  }
0x45e: {  	v41 =	vld [tilespmem:s3+$0x87C0]  }
0x45f: {  	v42 =	vld [tilespmem:s3+$0x8840];
	v3 =	vmax.f32 v37, v3  }
0x460: {  	s8 =	sor.u32 $0x1440, s11;
	v43 =	vld [tilespmem:s3+$0x88C0];
	v3 =	vmax.f32 v3, v38  }
0x461: {  	v44 =	vld [tilespmem:s8+$0x10100];
	v3 =	vmax.f32 v3, v39  }
0x462: {  	v3 =	vmax.f32 v3, v40  }
0x463: {  	v3 =	vmax.f32 v3, v41  }
0x464: {  	v3 =	vmax.f32 v3, v42  }
0x465: {  	v3 =	vmax.f32 v3, v43  }
0x466: {  	v3 =	vadd.f32 v44, v3;
	_ =	sdelay $0x1  }
0x467: {  	v45 =	vmul.f32 $2.000000030e-01, v3  }
0x468: {  	vm1 =	vge.f32 v3, $0.0e+00  }
0x469: {  	v3 =	vsel vm1, v3, v45  }
0x46a: {  	[tilespmem:s8+$0x12100] =	vst v3  }
0x46b: {  	v3 =	vld [tilespmem:s3+$0x8550]  }
0x46c: {  	v46 =	vld [tilespmem:s3+$0x85D0]  }
0x46d: {  	v47 =	vld [tilespmem:s3+$0x8650]  }
0x46e: {  	v48 =	vld [tilespmem:s3+$0x86D0]  }
0x46f: {  	v49 =	vld [tilespmem:s3+$0x8750]  }
0x470: {  	v50 =	vld [tilespmem:s3+$0x87D0]  }
0x471: {  	v51 =	vld [tilespmem:s3+$0x8850];
	v3 =	vmax.f32 v3, v46  }
0x472: {  	s14 =	sor.u32 $0x1450, s11;
	v52 =	vld [tilespmem:s3+$0x88D0];
	v3 =	vmax.f32 v3, v47  }
0x473: {  	v53 =	vld [tilespmem:s14+$0x10100];
	v3 =	vmax.f32 v3, v48  }
0x474: {  	v3 =	vmax.f32 v3, v49  }
0x475: {  	v3 =	vmax.f32 v3, v50  }
0x476: {  	v3 =	vmax.f32 v3, v51  }
0x477: {  	v3 =	vmax.f32 v3, v52  }
0x478: {  	v3 =	vadd.f32 v53, v3;
	_ =	sdelay $0x1  }
0x479: {  	v54 =	vmul.f32 $2.000000030e-01, v3  }
0x47a: {  	vm1 =	vge.f32 v3, $0.0e+00  }
0x47b: {  	v3 =	vsel vm1, v3, v54  }
0x47c: {  	[tilespmem:s14+$0x12100] =	vst v3  }
0x47d: {  	v3 =	vld [tilespmem:s3+$0x8560]  }
0x47e: {  	v55 =	vld [tilespmem:s3+$0x85E0]  }
0x47f: {  	v56 =	vld [tilespmem:s3+$0x8660]  }
0x480: {  	v57 =	vld [tilespmem:s3+$0x86E0]  }
0x481: {  	v58 =	vld [tilespmem:s3+$0x8760]  }
0x482: {  	v59 =	vld [tilespmem:s3+$0x87E0]  }
0x483: {  	v60 =	vld [tilespmem:s3+$0x8860];
	v3 =	vmax.f32 v3, v55  }
0x484: {  	s15 =	sor.u32 $0x1460, s11;
	v61 =	vld [tilespmem:s3+$0x88E0];
	v3 =	vmax.f32 v3, v56  }
0x485: {  	v62 =	vld [tilespmem:s15+$0x10100];
	v3 =	vmax.f32 v3, v57  }
0x486: {  	v3 =	vmax.f32 v3, v58  }
0x487: {  	v3 =	vmax.f32 v3, v59  }
0x488: {  	v3 =	vmax.f32 v3, v60  }
0x489: {  	v3 =	vmax.f32 v3, v61  }
0x48a: {  	v3 =	vadd.f32 v62, v3;
	_ =	sdelay $0x1  }
0x48b: {  	v63 =	vmul.f32 $2.000000030e-01, v3  }
0x48c: {  	vm1 =	vge.f32 v3, $0.0e+00  }
0x48d: {  	v3 =	vsel vm1, v3, v63  }
0x48e: {  	s7 =	simm.s32 $0x2000;
	s8 =	simm.s32 $0x0;
	[tilespmem:s15+$0x12100] =	vst v3  }
.LBB2_7:
0x48f: {  	p0 =	sne.s32 s7, $0x1E000;
	v3 =	vld [tilespmem:s3+$0x86F0];
	s0 =	sadd.s32 $0x80, s0;
	s8 =	sadd.s32 $0x100, s8  }
0x490: {  	s14 =	smov.u32 s7;
	s7 =	sadd.s32 $0x2000, s7;
	v4 =	vld [tilespmem:s3+$0x8670]  }
0x491: {  	v5 =	vld [tilespmem:s3+$0x8570]  }
0x492: {  	v6 =	vld [tilespmem:s3+$0x85F0];
	_ =	sdelay $0x1  }
0x493: {  	v7 =	vld [tilespmem:s3+$0x8770]  }
0x494: {  	v8 =	vld [tilespmem:s3+$0x87F0]  }
0x495: {  	v9 =	vld [tilespmem:s3+$0x8870]  }
0x496: {  	s11 =	sor.u32 $0x1470, s11;
	v5 =	vmax.f32 v5, v6;
	v6 =	vld [tilespmem:s3+$0x88F0]  }
0x497: {  	v4 =	vmax.f32 v5, v4;
	v5 =	vld [tilespmem:s11+$0x10100]  }
0x498: {  	v3 =	vmax.f32 v4, v3  }
0x499: {  	v3 =	vmax.f32 v3, v7  }
0x49a: {  	v3 =	vmax.f32 v3, v8  }
0x49b: {  	v3 =	vmax.f32 v3, v9  }
0x49c: {  	v3 =	vmax.f32 v3, v6  }
0x49d: {  	v3 =	vadd.f32 v5, v3;
	_ =	sdelay $0x1  }
0x49e: {  	vm1 =	vge.f32 v3, $0.0e+00;
	v4 =	vmul.f32 $2.000000030e-01, v3;
	_ =	sdelay $0x1  }
0x49f: {  	s3 =	sshra.s32 s14, $0x2;
	v3 =	vsel vm1, v3, v4  }
0x4a0: {  	[tilespmem:s11+$0x12100] =	vst v3  }
0x4a1: {  	v3 =	vld [tilespmem:s3+$0x8100]  }
0x4a2: {  	v4 =	vld [tilespmem:s3+$0x8180]  }
0x4a3: {  	v5 =	vld [tilespmem:s3+$0x8200]  }
0x4a4: {  	v6 =	vld [tilespmem:s3+$0x8280]  }
0x4a5: {  	v7 =	vld [tilespmem:s3+$0x8300]  }
0x4a6: {  	v8 =	vld [tilespmem:s3+$0x8380]  }
0x4a7: {  	s14 =	sand.u32 $0x380, s0;
	s11 =	sand.u32 $0x800, s8;
	v3 =	vmax.f32 v3, v4;
	v4 =	vld [tilespmem:s3+$0x8400]  }
0x4a8: {  	s11 =	sor.u32 s14, s11;
	v3 =	vmax.f32 v3, v5;
	v5 =	vld [tilespmem:s3+$0x8480]  }
0x4a9: {  	v3 =	vmax.f32 v3, v6;
	v6 =	vld [tilespmem:s11+$0x11100]  }
0x4aa: {  	v3 =	vmax.f32 v3, v7  }
0x4ab: {  	v3 =	vmax.f32 v3, v8  }
0x4ac: {  	v3 =	vmax.f32 v3, v4  }
0x4ad: {  	v3 =	vmax.f32 v3, v5  }
0x4ae: {  	v3 =	vadd.f32 v6, v3;
	_ =	sdelay $0x1  }
0x4af: {  	v4 =	vmul.f32 $2.000000030e-01, v3  }
0x4b0: {  	vm1 =	vge.f32 v3, $0.0e+00  }
0x4b1: {  	v3 =	vsel vm1, v3, v4  }
0x4b2: {  	[tilespmem:s11+$0x13100] =	vst v3  }
0x4b3: {  	v3 =	vld [tilespmem:s3+$0x8110]  }
0x4b4: {  	v4 =	vld [tilespmem:s3+$0x8190]  }
0x4b5: {  	v5 =	vld [tilespmem:s3+$0x8210]  }
0x4b6: {  	v6 =	vld [tilespmem:s3+$0x8290]  }
0x4b7: {  	v7 =	vld [tilespmem:s3+$0x8310]  }
0x4b8: {  	v8 =	vld [tilespmem:s3+$0x8390]  }
0x4b9: {  	v3 =	vmax.f32 v3, v4;
	v4 =	vld [tilespmem:s3+$0x8410]  }
0x4ba: {  	v3 =	vmax.f32 v3, v5;
	v5 =	vld [tilespmem:s3+$0x8490]  }
0x4bb: {  	v3 =	vmax.f32 v3, v6;
	v6 =	vld [tilespmem:s11+$0x11110]  }
0x4bc: {  	v3 =	vmax.f32 v3, v7  }
0x4bd: {  	v3 =	vmax.f32 v3, v8  }
0x4be: {  	v3 =	vmax.f32 v3, v4  }
0x4bf: {  	v3 =	vmax.f32 v3, v5  }
0x4c0: {  	v3 =	vadd.f32 v6, v3;
	_ =	sdelay $0x1  }
0x4c1: {  	v4 =	vmul.f32 $2.000000030e-01, v3  }
0x4c2: {  	vm1 =	vge.f32 v3, $0.0e+00  }
0x4c3: {  	v3 =	vsel vm1, v3, v4  }
0x4c4: {  	[tilespmem:s11+$0x13110] =	vst v3  }
0x4c5: {  	v3 =	vld [tilespmem:s3+$0x8120]  }
0x4c6: {  	v4 =	vld [tilespmem:s3+$0x81A0]  }
0x4c7: {  	v5 =	vld [tilespmem:s3+$0x8220]  }
0x4c8: {  	v6 =	vld [tilespmem:s3+$0x82A0]  }
0x4c9: {  	v7 =	vld [tilespmem:s3+$0x8320]  }
0x4ca: {  	v8 =	vld [tilespmem:s3+$0x83A0]  }
0x4cb: {  	v3 =	vmax.f32 v3, v4;
	v4 =	vld [tilespmem:s3+$0x8420]  }
0x4cc: {  	v3 =	vmax.f32 v3, v5;
	v5 =	vld [tilespmem:s3+$0x84A0]  }
0x4cd: {  	v3 =	vmax.f32 v3, v6;
	v6 =	vld [tilespmem:s11+$0x11120]  }
0x4ce: {  	v3 =	vmax.f32 v3, v7  }
0x4cf: {  	v3 =	vmax.f32 v3, v8  }
0x4d0: {  	v3 =	vmax.f32 v3, v4  }
0x4d1: {  	v3 =	vmax.f32 v3, v5  }
0x4d2: {  	v3 =	vadd.f32 v6, v3;
	_ =	sdelay $0x1  }
0x4d3: {  	v4 =	vmul.f32 $2.000000030e-01, v3  }
0x4d4: {  	vm1 =	vge.f32 v3, $0.0e+00  }
0x4d5: {  	v3 =	vsel vm1, v3, v4  }
0x4d6: {  	[tilespmem:s11+$0x13120] =	vst v3  }
0x4d7: {  	v3 =	vld [tilespmem:s3+$0x8230]  }
0x4d8: {  	v4 =	vld [tilespmem:s3+$0x81B0]  }
0x4d9: {  	v5 =	vld [tilespmem:s3+$0x8130]  }
0x4da: {  	v6 =	vld [tilespmem:s3+$0x8330]  }
0x4db: {  	v7 =	vld [tilespmem:s3+$0x82B0];
	_ =	sdelay $0x1  }
0x4dc: {  	v8 =	vld [tilespmem:s3+$0x83B0]  }
0x4dd: {  	v4 =	vmax.f32 v5, v4;
	v5 =	vld [tilespmem:s3+$0x8430]  }
0x4de: {  	v3 =	vmax.f32 v4, v3;
	v4 =	vld [tilespmem:s3+$0x84B0]  }
0x4df: {  	v3 =	vmax.f32 v3, v7;
	v7 =	vld [tilespmem:s11+$0x11130]  }
0x4e0: {  	v3 =	vmax.f32 v3, v6  }
0x4e1: {  	v3 =	vmax.f32 v3, v8  }
0x4e2: {  	v3 =	vmax.f32 v3, v5  }
0x4e3: {  	v3 =	vmax.f32 v3, v4  }
0x4e4: {  	v3 =	vadd.f32 v7, v3;
	_ =	sdelay $0x1  }
0x4e5: {  	v4 =	vmul.f32 $2.000000030e-01, v3  }
0x4e6: {  	vm1 =	vge.f32 v3, $0.0e+00  }
0x4e7: {  	v3 =	vsel vm1, v3, v4  }
0x4e8: {  	[tilespmem:s11+$0x13130] =	vst v3  }
0x4e9: {  	v3 =	vld [tilespmem:s3+$0x8140]  }
0x4ea: {  	v4 =	vld [tilespmem:s3+$0x81C0]  }
0x4eb: {  	v5 =	vld [tilespmem:s3+$0x8240]  }
0x4ec: {  	v6 =	vld [tilespmem:s3+$0x82C0]  }
0x4ed: {  	v7 =	vld [tilespmem:s3+$0x8340]  }
0x4ee: {  	v8 =	vld [tilespmem:s3+$0x83C0]  }
0x4ef: {  	v3 =	vmax.f32 v3, v4;
	v4 =	vld [tilespmem:s3+$0x8440]  }
0x4f0: {  	v3 =	vmax.f32 v3, v5;
	v5 =	vld [tilespmem:s3+$0x84C0]  }
0x4f1: {  	v3 =	vmax.f32 v3, v6;
	v6 =	vld [tilespmem:s11+$0x11140]  }
0x4f2: {  	v3 =	vmax.f32 v3, v7  }
0x4f3: {  	v3 =	vmax.f32 v3, v8  }
0x4f4: {  	v3 =	vmax.f32 v3, v4  }
0x4f5: {  	v3 =	vmax.f32 v3, v5  }
0x4f6: {  	v3 =	vadd.f32 v6, v3;
	_ =	sdelay $0x1  }
0x4f7: {  	v4 =	vmul.f32 $2.000000030e-01, v3  }
0x4f8: {  	vm1 =	vge.f32 v3, $0.0e+00  }
0x4f9: {  	v3 =	vsel vm1, v3, v4  }
0x4fa: {  	[tilespmem:s11+$0x13140] =	vst v3  }
0x4fb: {  	v3 =	vld [tilespmem:s3+$0x81D0]  }
0x4fc: {  	v4 =	vld [tilespmem:s3+$0x8150]  }
0x4fd: {  	v5 =	vld [tilespmem:s3+$0x8250]  }
0x4fe: {  	v6 =	vld [tilespmem:s3+$0x82D0]  }
0x4ff: {  	v7 =	vld [tilespmem:s3+$0x8350]  }
0x500: {  	v8 =	vld [tilespmem:s3+$0x83D0]  }
0x501: {  	v3 =	vmax.f32 v4, v3;
	v4 =	vld [tilespmem:s3+$0x8450]  }
0x502: {  	v3 =	vmax.f32 v3, v5;
	v5 =	vld [tilespmem:s3+$0x84D0]  }
0x503: {  	v3 =	vmax.f32 v3, v6;
	v6 =	vld [tilespmem:s11+$0x11150]  }
0x504: {  	v3 =	vmax.f32 v3, v7  }
0x505: {  	v3 =	vmax.f32 v3, v8  }
0x506: {  	v3 =	vmax.f32 v3, v4  }
0x507: {  	v3 =	vmax.f32 v3, v5  }
0x508: {  	v3 =	vadd.f32 v6, v3;
	_ =	sdelay $0x1  }
0x509: {  	v4 =	vmul.f32 $2.000000030e-01, v3  }
0x50a: {  	vm1 =	vge.f32 v3, $0.0e+00  }
0x50b: {  	v3 =	vsel vm1, v3, v4  }
0x50c: {  	[tilespmem:s11+$0x13150] =	vst v3  }
0x50d: {  	v3 =	vld [tilespmem:s3+$0x8160]  }
0x50e: {  	v4 =	vld [tilespmem:s3+$0x81E0]  }
0x50f: {  	v5 =	vld [tilespmem:s3+$0x8260]  }
0x510: {  	v6 =	vld [tilespmem:s3+$0x82E0]  }
0x511: {  	v7 =	vld [tilespmem:s3+$0x8360]  }
0x512: {  	v8 =	vld [tilespmem:s3+$0x83E0]  }
0x513: {  	v3 =	vmax.f32 v3, v4;
	v4 =	vld [tilespmem:s3+$0x8460]  }
0x514: {  	v3 =	vmax.f32 v3, v5;
	v5 =	vld [tilespmem:s3+$0x84E0]  }
0x515: {  	v3 =	vmax.f32 v3, v6;
	v6 =	vld [tilespmem:s11+$0x11160]  }
0x516: {  	v3 =	vmax.f32 v3, v7  }
0x517: {  	v3 =	vmax.f32 v3, v8  }
0x518: {  	v3 =	vmax.f32 v3, v4  }
0x519: {  	v3 =	vmax.f32 v3, v5  }
0x51a: {  	v3 =	vadd.f32 v6, v3;
	_ =	sdelay $0x1  }
0x51b: {  	v4 =	vmul.f32 $2.000000030e-01, v3  }
0x51c: {  	vm1 =	vge.f32 v3, $0.0e+00  }
0x51d: {  	v3 =	vsel vm1, v3, v4  }
0x51e: {  	[tilespmem:s11+$0x13160] =	vst v3  }
0x51f: {  	v3 =	vld [tilespmem:s3+$0x81F0]  }
0x520: {  	v4 =	vld [tilespmem:s3+$0x8170]  }
0x521: {  	v5 =	vld [tilespmem:s3+$0x8270]  }
0x522: {  	v6 =	vld [tilespmem:s3+$0x82F0]  }
0x523: {  	v7 =	vld [tilespmem:s3+$0x8370]  }
0x524: {  	v8 =	vld [tilespmem:s3+$0x83F0]  }
0x525: {  	v3 =	vmax.f32 v4, v3;
	v4 =	vld [tilespmem:s3+$0x8470]  }
0x526: {  	v3 =	vmax.f32 v3, v5;
	v5 =	vld [tilespmem:s3+$0x84F0]  }
0x527: {  	v3 =	vmax.f32 v3, v6;
	v6 =	vld [tilespmem:s11+$0x11170]  }
0x528: {  	v3 =	vmax.f32 v3, v7  }
0x529: {  	v3 =	vmax.f32 v3, v8  }
0x52a: {  	v3 =	vmax.f32 v3, v4  }
0x52b: {  	v3 =	vmax.f32 v3, v5  }
0x52c: {  	v3 =	vadd.f32 v6, v3;
	_ =	sdelay $0x1  }
0x52d: {  	v4 =	vmul.f32 $2.000000030e-01, v3  }
0x52e: {  	vm1 =	vge.f32 v3, $0.0e+00  }
0x52f: {  	v3 =	vsel vm1, v3, v4  }
0x530: {  	[tilespmem:s11+$0x13170] =	vst v3  }
0x531: {  	v3 =	vld [tilespmem:s3+$0x8500]  }
0x532: {  	v4 =	vld [tilespmem:s3+$0x8580]  }
0x533: {  	v5 =	vld [tilespmem:s3+$0x8600]  }
0x534: {  	v6 =	vld [tilespmem:s3+$0x8680]  }
0x535: {  	v7 =	vld [tilespmem:s3+$0x8700]  }
0x536: {  	s11 =	sand.u32 $0xFFFFF800, s8;
	v8 =	vld [tilespmem:s3+$0x8780]  }
0x537: {  	s11 =	sadd.s32 s11, s0;
	v3 =	vmax.f32 v3, v4;
	v4 =	vld [tilespmem:s3+$0x8800]  }
0x538: {  	s14 =	sor.u32 $0x1400, s11;
	v3 =	vmax.f32 v3, v5;
	v5 =	vld [tilespmem:s3+$0x8880]  }
0x539: {  	v3 =	vmax.f32 v3, v6;
	v6 =	vld [tilespmem:s14+$0x10100]  }
0x53a: {  	v3 =	vmax.f32 v3, v7  }
0x53b: {  	v3 =	vmax.f32 v3, v8  }
0x53c: {  	v3 =	vmax.f32 v3, v4  }
0x53d: {  	v3 =	vmax.f32 v3, v5  }
0x53e: {  	v3 =	vadd.f32 v6, v3;
	_ =	sdelay $0x1  }
0x53f: {  	v4 =	vmul.f32 $2.000000030e-01, v3  }
0x540: {  	vm1 =	vge.f32 v3, $0.0e+00  }
0x541: {  	v3 =	vsel vm1, v3, v4  }
0x542: {  	[tilespmem:s14+$0x12100] =	vst v3  }
0x543: {  	v3 =	vld [tilespmem:s3+$0x8510]  }
0x544: {  	v4 =	vld [tilespmem:s3+$0x8590]  }
0x545: {  	v5 =	vld [tilespmem:s3+$0x8610]  }
0x546: {  	v6 =	vld [tilespmem:s3+$0x8690]  }
0x547: {  	v7 =	vld [tilespmem:s3+$0x8710]  }
0x548: {  	v8 =	vld [tilespmem:s3+$0x8790]  }
0x549: {  	v3 =	vmax.f32 v3, v4;
	v4 =	vld [tilespmem:s3+$0x8810]  }
0x54a: {  	s14 =	sor.u32 $0x1410, s11;
	v3 =	vmax.f32 v3, v5;
	v5 =	vld [tilespmem:s3+$0x8890]  }
0x54b: {  	v3 =	vmax.f32 v3, v6;
	v6 =	vld [tilespmem:s14+$0x10100]  }
0x54c: {  	v3 =	vmax.f32 v3, v7  }
0x54d: {  	v3 =	vmax.f32 v3, v8  }
0x54e: {  	v3 =	vmax.f32 v3, v4  }
0x54f: {  	v3 =	vmax.f32 v3, v5  }
0x550: {  	v3 =	vadd.f32 v6, v3;
	_ =	sdelay $0x1  }
0x551: {  	v4 =	vmul.f32 $2.000000030e-01, v3  }
0x552: {  	vm1 =	vge.f32 v3, $0.0e+00  }
0x553: {  	v3 =	vsel vm1, v3, v4  }
0x554: {  	[tilespmem:s14+$0x12100] =	vst v3  }
0x555: {  	v3 =	vld [tilespmem:s3+$0x8520]  }
0x556: {  	v4 =	vld [tilespmem:s3+$0x85A0]  }
0x557: {  	v5 =	vld [tilespmem:s3+$0x8620]  }
0x558: {  	v6 =	vld [tilespmem:s3+$0x86A0]  }
0x559: {  	v7 =	vld [tilespmem:s3+$0x8720]  }
0x55a: {  	v8 =	vld [tilespmem:s3+$0x87A0]  }
0x55b: {  	v3 =	vmax.f32 v3, v4;
	v4 =	vld [tilespmem:s3+$0x8820]  }
0x55c: {  	s14 =	sor.u32 $0x1420, s11;
	v3 =	vmax.f32 v3, v5;
	v5 =	vld [tilespmem:s3+$0x88A0]  }
0x55d: {  	v3 =	vmax.f32 v3, v6;
	v6 =	vld [tilespmem:s14+$0x10100]  }
0x55e: {  	v3 =	vmax.f32 v3, v7  }
0x55f: {  	v3 =	vmax.f32 v3, v8  }
0x560: {  	v3 =	vmax.f32 v3, v4  }
0x561: {  	v3 =	vmax.f32 v3, v5  }
0x562: {  	v3 =	vadd.f32 v6, v3;
	_ =	sdelay $0x1  }
0x563: {  	v4 =	vmul.f32 $2.000000030e-01, v3  }
0x564: {  	vm1 =	vge.f32 v3, $0.0e+00  }
0x565: {  	v3 =	vsel vm1, v3, v4  }
0x566: {  	[tilespmem:s14+$0x12100] =	vst v3  }
0x567: {  	v3 =	vld [tilespmem:s3+$0x8530]  }
0x568: {  	v4 =	vld [tilespmem:s3+$0x85B0]  }
0x569: {  	v5 =	vld [tilespmem:s3+$0x8630]  }
0x56a: {  	v6 =	vld [tilespmem:s3+$0x86B0]  }
0x56b: {  	v7 =	vld [tilespmem:s3+$0x8730]  }
0x56c: {  	v8 =	vld [tilespmem:s3+$0x87B0]  }
0x56d: {  	v3 =	vmax.f32 v3, v4;
	v4 =	vld [tilespmem:s3+$0x8830]  }
0x56e: {  	s14 =	sor.u32 $0x1430, s11;
	v3 =	vmax.f32 v3, v5;
	v5 =	vld [tilespmem:s3+$0x88B0]  }
0x56f: {  	v3 =	vmax.f32 v3, v6;
	v6 =	vld [tilespmem:s14+$0x10100]  }
0x570: {  	v3 =	vmax.f32 v3, v7  }
0x571: {  	v3 =	vmax.f32 v3, v8  }
0x572: {  	v3 =	vmax.f32 v3, v4  }
0x573: {  	v3 =	vmax.f32 v3, v5  }
0x574: {  	v3 =	vadd.f32 v6, v3;
	_ =	sdelay $0x1  }
0x575: {  	v4 =	vmul.f32 $2.000000030e-01, v3  }
0x576: {  	vm1 =	vge.f32 v3, $0.0e+00  }
0x577: {  	v3 =	vsel vm1, v3, v4  }
0x578: {  	[tilespmem:s14+$0x12100] =	vst v3  }
0x579: {  	v3 =	vld [tilespmem:s3+$0x85C0]  }
0x57a: {  	v4 =	vld [tilespmem:s3+$0x8540]  }
0x57b: {  	v5 =	vld [tilespmem:s3+$0x8640]  }
0x57c: {  	v6 =	vld [tilespmem:s3+$0x86C0]  }
0x57d: {  	v7 =	vld [tilespmem:s3+$0x8740]  }
0x57e: {  	v8 =	vld [tilespmem:s3+$0x87C0]  }
0x57f: {  	v3 =	vmax.f32 v4, v3;
	v4 =	vld [tilespmem:s3+$0x8840]  }
0x580: {  	s14 =	sor.u32 $0x1440, s11;
	v3 =	vmax.f32 v3, v5;
	v5 =	vld [tilespmem:s3+$0x88C0]  }
0x581: {  	v3 =	vmax.f32 v3, v6;
	v6 =	vld [tilespmem:s14+$0x10100]  }
0x582: {  	v3 =	vmax.f32 v3, v7  }
0x583: {  	v3 =	vmax.f32 v3, v8  }
0x584: {  	v3 =	vmax.f32 v3, v4  }
0x585: {  	v3 =	vmax.f32 v3, v5  }
0x586: {  	v3 =	vadd.f32 v6, v3;
	_ =	sdelay $0x1  }
0x587: {  	v4 =	vmul.f32 $2.000000030e-01, v3  }
0x588: {  	vm1 =	vge.f32 v3, $0.0e+00  }
0x589: {  	v3 =	vsel vm1, v3, v4  }
0x58a: {  	[tilespmem:s14+$0x12100] =	vst v3  }
0x58b: {  	v3 =	vld [tilespmem:s3+$0x8550]  }
0x58c: {  	v4 =	vld [tilespmem:s3+$0x85D0]  }
0x58d: {  	v5 =	vld [tilespmem:s3+$0x8650]  }
0x58e: {  	v6 =	vld [tilespmem:s3+$0x86D0]  }
0x58f: {  	v7 =	vld [tilespmem:s3+$0x8750]  }
0x590: {  	v8 =	vld [tilespmem:s3+$0x87D0]  }
0x591: {  	v3 =	vmax.f32 v3, v4;
	v4 =	vld [tilespmem:s3+$0x8850]  }
0x592: {  	s14 =	sor.u32 $0x1450, s11;
	v3 =	vmax.f32 v3, v5;
	v5 =	vld [tilespmem:s3+$0x88D0]  }
0x593: {  	v3 =	vmax.f32 v3, v6;
	v6 =	vld [tilespmem:s14+$0x10100]  }
0x594: {  	v3 =	vmax.f32 v3, v7  }
0x595: {  	v3 =	vmax.f32 v3, v8  }
0x596: {  	v3 =	vmax.f32 v3, v4  }
0x597: {  	v3 =	vmax.f32 v3, v5  }
0x598: {  	v3 =	vadd.f32 v6, v3;
	_ =	sdelay $0x1  }
0x599: {  	v4 =	vmul.f32 $2.000000030e-01, v3  }
0x59a: {  	vm1 =	vge.f32 v3, $0.0e+00  }
0x59b: {  	v3 =	vsel vm1, v3, v4  }
0x59c: {  	[tilespmem:s14+$0x12100] =	vst v3  }
0x59d: {  	v3 =	vld [tilespmem:s3+$0x8560]  }
0x59e: {  	v4 =	vld [tilespmem:s3+$0x85E0]  }
0x59f: {  	v5 =	vld [tilespmem:s3+$0x8660]  }
0x5a0: {  	v6 =	vld [tilespmem:s3+$0x86E0]  }
0x5a1: {  	v7 =	vld [tilespmem:s3+$0x8760]  }
0x5a2: {  	v8 =	vld [tilespmem:s3+$0x87E0]  }
0x5a3: {  	v3 =	vmax.f32 v3, v4;
	v4 =	vld [tilespmem:s3+$0x8860]  }
0x5a4: {  	s14 =	sor.u32 $0x1460, s11;
	v3 =	vmax.f32 v3, v5;
	v5 =	vld [tilespmem:s3+$0x88E0]  }
0x5a5: {  	v3 =	vmax.f32 v3, v6;
	v6 =	vld [tilespmem:s14+$0x10100]  }
0x5a6: {  	v3 =	vmax.f32 v3, v7  }
0x5a7: {  	v3 =	vmax.f32 v3, v8  }
0x5a8: {  	v3 =	vmax.f32 v3, v4  }
0x5a9: {  	v3 =	vmax.f32 v3, v5  }
0x5aa: {  	v3 =	vadd.f32 v6, v3  }
.Ltmp2:
0x5ab: {  	(pc) =	sbr.rel @p0 .LBB2_7-.Ltmp2, $4  }
0x5ac: {  	v4 =	vmul.f32 $2.000000030e-01, v3  }
0x5ad: {  	vm1 =	vge.f32 v3, $0.0e+00  }
0x5ae: {  	v3 =	vsel vm1, v3, v4  }
0x5af: {  	[tilespmem:s14+$0x12100] =	vst v3  }
0x5b0: {  	v3 =	vld [tilespmem:s3+$0x8570]  }
0x5b1: {  	v4 =	vld [tilespmem:s3+$0x85F0]  }
0x5b2: {  	v5 =	vld [tilespmem:s3+$0x8670]  }
0x5b3: {  	v6 =	vld [tilespmem:s3+$0x86F0]  }
0x5b4: {  	v7 =	vld [tilespmem:s3+$0x8770]  }
0x5b5: {  	v8 =	vld [tilespmem:s3+$0x87F0]  }
0x5b6: {  	v9 =	vld [tilespmem:s3+$0x8870];
	v3 =	vmax.f32 v3, v4  }
0x5b7: {  	v61 =	vld [tilespmem:s3+$0x88F0];
	s0 =	sor.u32 $0x1470, s11;
	v3 =	vmax.f32 v3, v5  }
0x5b8: {  	v62 =	vld [tilespmem:s0+$0x10100];
	v3 =	vmax.f32 v3, v6  }
0x5b9: {  	v3 =	vmax.f32 v3, v7  }
0x5ba: {  	v3 =	vmax.f32 v3, v8  }
0x5bb: {  	v3 =	vmax.f32 v3, v9  }
0x5bc: {  	v3 =	vmax.f32 v3, v61  }
0x5bd: {  	v3 =	vadd.f32 v62, v3;
	_ =	sdelay $0x1  }
0x5be: {  	v63 =	vmul.f32 $2.000000030e-01, v3  }
0x5bf: {  	s1 =	sadd.s32 $0x1, s1;
	vm1 =	vge.f32 v3, $0.0e+00  }
0x5c0: {  	s15 =	rddreg [dreg:$0x1];
	p0 =	sne.s32 s1, $0x10;
	v3 =	vsel vm1, v3, v63  }
.Ltmp3:
0x5c1: {  	[tilespmem:s0+$0x12100] =	vst v3;
	s0 =	sadd.s32 s15, s10;
	(pc) =	sbr.rel @p0 .LBB2_2-.Ltmp3, $4  }
0x5c2: {  	[hbm4b:s0+s2] =	stream.linear.scatter [tilespmem:s31], [sflag:$0x3], $0x1000, $0x38;
	[tilespmem:$0x14100] =	vst v63  }
0x5c3: {  	_ =	swait.ge [sflag:s13], $0x1000  }
0x5c4: {  	[sflag:s13] =	ssyncset.done $0x0  }
0x5c5: {  	[sflag:s13] =	ssyncadd.s32 $0xFFFFF000  }
0x5c6: {  	s1 =	rddreg [dreg:$0x7]  }
0x5c7: {  	s0 =	rddreg [dreg:$0x6];
	s1 =	sadd.s32 $0x1, s1  }
0x5c8: {  	p0 =	sne.s32 s1, s0  }
.Ltmp4:
0x5c9: {  	_ = 	snop;
	(pc) =	sbr.rel @p0 .LBB2_1-.Ltmp4, $1  }
0x5ca: {  	_ =	sdelay $0x3  }
0x5cb: {  	_ =	sfence.sel $0x180000  }
0x5cc: {  	[bflag:$0x0] =	sbarrier.arrive $0xFFFF  }
0x5cd: {  	_ =	strace $0x90000047  }
0x5ce: {  	s0 =	stileid.u32;
	[bflag:$0x2] =	sbarrier.arrive $0xFFFF  }
0x5cf: {  	p0 =	sne.s32 s0, $0x0;
	s0 =	rddreg [dreg:$0x2]  }
0x5d0: {  	s0 =	sadd.s32 @!p0 $0x100000, s0  }
0x5d1: {  	[sflag:s0] =	ssyncadd.tile.s32 @!p0 $0x1;
	_ =	shalt  }
.Lfunc_end2:
_tile_overlayer_lowered:
.L_overlay_start_2:
0x5d2: {  	(tag) =	ssettag $0x2  }
0x5d3: {  	s0 =	rddreg [dreg:$0x0];
	s2 =	stileid.u32  }
0x5d4: {  	s1 =	rddreg [dreg:$0x1];
	p0 =	sne.s32 s2, $0x0  }
0x5d5: {  	s3 =	rddreg [dreg:$0x2];
	[bflag:$0x3] =	sbarrier.arrive $0xFFFF;
	s2 =	simm.s32 @!p0 $0x1C03  }
0x5d6: {  	[timem:s3], [sflag:s2] =	dma.local @!p0 [hbm:s0], s1  }
0x5d7: {  	s0 =	simm.s32 @!p0 $0x3  }
0x5d8: {  	_ =	swait.ge @!p0 [sflag:s0], s1  }
0x5d9: {  	s1 =	ssub.s32 @!p0 $0x0, s1;
	[sflag:s0] =	ssyncset.done @!p0 $0x0  }
0x5da: {  	[sflag:s0] =	ssyncadd.s32 @!p0 s1  }
0x5db: {  	[bflag:$0x3] =	sbarrier.arrive $0xFFFF  }
0x5dc: {  	_ =	shalt  }

</sc_bundles>
